<compile_context>
chip_gen: v7x
topology: tpu7x:2x2x1
jax: 0.10.2.dev20260603
libtpu: 0.0.44.dev20260713+nightly
codegen_flags: <defaults>
</compile_context>

<pallas_src>
import functools

import jax
import jax.numpy as jnp
from jax import lax
from jax.experimental import pallas as pl
from jax.experimental.pallas import tpu as pltpu
from jax.experimental.pallas import tpu_sc as plsc

N = 10000
E = 320000
D = 128
ED = 16
H = 4
HC = D // H
NEG_SLOPE = 0.2

HPC = H // 2
DC = D // 2
WIDTH = 80
K = 128
NCHUNK = E // K
NC, NS = 2, 16
NPAD = 10240
ROWS_PER_TILE = NPAD // NS


def _node_body(x_ref, wx_ref, a_ref, xw_ref, ax_ref):
    xw = jnp.dot(x_ref[...], wx_ref[...], preferred_element_type=jnp.float32)
    xw_ref[...] = xw
    ax_ref[...] = jnp.dot(xw, a_ref[...], preferred_element_type=jnp.float32)


def _node_precompute(x, w_x, a_sel):
    blk = 1000
    return pl.pallas_call(
        _node_body,
        grid=(N // blk,),
        in_specs=[
            pl.BlockSpec((blk, D), lambda i: (i, 0)),
            pl.BlockSpec((D, D), lambda i: (0, 0)),
            pl.BlockSpec((D, H), lambda i: (0, 0)),
        ],
        out_specs=[
            pl.BlockSpec((blk, D), lambda i: (i, 0)),
            pl.BlockSpec((blk, H), lambda i: (i, 0)),
        ],
        out_shape=[
            jax.ShapeDtypeStruct((N, D), jnp.float32),
            jax.ShapeDtypeStruct((N, H), jnp.float32),
        ],
    )(x, w_x, a_sel)


def _edge_body(ef_ref, w_ref, out_ref):
    out_ref[...] = jnp.dot(ef_ref[...], w_ref[0],
                           preferred_element_type=jnp.float32)[None]


def _edge_precompute(ef, w_cat):
    blk = 8000
    return pl.pallas_call(
        _edge_body,
        grid=(NC, E // blk),
        in_specs=[
            pl.BlockSpec((blk, ED), lambda c, i: (i, 0)),
            pl.BlockSpec((1, ED, WIDTH), lambda c, i: (c, 0, 0)),
        ],
        out_specs=pl.BlockSpec((1, blk, WIDTH), lambda c, i: (c, i, 0)),
        out_shape=jax.ShapeDtypeStruct((NC, E, WIDTH), jnp.float32),
    )(ef, w_cat)


def _final_body(m_ref, st_ref, out_ref):
    num = jnp.concatenate([m_ref[0, :, :DC], m_ref[1, :, :DC]], axis=-1)
    den4 = jnp.concatenate(
        [m_ref[0, :, DC:DC + HPC], m_ref[1, :, DC:DC + HPC]], axis=-1)
    den = jnp.dot(den4, st_ref[...], preferred_element_type=jnp.float32)
    out_ref[...] = num / (den + 1e-16)


def _finalize(parts, s_t):
    blk = 1000
    return pl.pallas_call(
        _final_body,
        grid=(N // blk,),
        in_specs=[
            pl.BlockSpec((NC, blk, WIDTH), lambda i: (0, i, 0)),
            pl.BlockSpec((H, D), lambda i: (0, 0)),
        ],
        out_specs=pl.BlockSpec((blk, D), lambda i: (i, 0)),
        out_shape=jax.ShapeDtypeStruct((N, D), jnp.float32),
    )(parts, s_t)


def _sc_body(src_hbm, dst_hbm, ew_hbm, xw0_hbm, xw1_hbm, ax_hbm, zero_hbm,
             out_hbm, ax_v, ew_v, rows_v, msg_v, src_v, dst_v, acc_sh, sem):
    cid = lax.axis_index("c")
    sid = lax.axis_index("s")

    pltpu.sync_copy(zero_hbm, acc_sh.at[pl.ds(sid * ROWS_PER_TILE, ROWS_PER_TILE)])
    pltpu.sync_copy(zero_hbm.at[pl.ds(0, K)], msg_v)
    pltpu.sync_copy(ax_hbm.at[cid], ax_v)
    plsc.subcore_barrier()

    rem = NCHUNK - (NCHUNK // NS) * NS
    n_i = (NCHUNK // NS) + jnp.where(sid < rem, 1, 0)

    def chunk_body(i, carry):
        ci = sid + i * NS
        base = ci * K
        pltpu.sync_copy(src_hbm.at[pl.ds(base, K)], src_v)
        pltpu.sync_copy(dst_hbm.at[pl.ds(base, K)], dst_v)
        pltpu.sync_copy(ew_hbm.at[cid, pl.ds(base, K)], ew_v)
        @pl.when(cid == 0)
        def _gather0():
            pltpu.async_copy(xw0_hbm.at[src_v], rows_v, sem).wait()

        @pl.when(cid == 1)
        def _gather1():
            pltpu.async_copy(xw1_hbm.at[src_v], rows_v, sem).wait()

        for b in range(K // 16):
            r_lanes = lax.iota(jnp.int32, 16) + (16 * b)
            src_vec = src_v[pl.ds(16 * b, 16)]
            p_list = []
            for j in range(HPC):
                col_j = jnp.full((16,), DC + j, jnp.int32)
                ax_g = plsc.load_gather(ax_v, [src_vec * HPC + j])
                ae_g = plsc.load_gather(ew_v, [r_lanes, col_j])
                al = ax_g + ae_g
                al = jnp.where(al >= 0.0, al, NEG_SLOPE * al)
                p = jnp.exp(al)
                plsc.store_scatter(msg_v, [r_lanes, col_j], p)
                p_list.append(p)
            for j in range(HPC):
                p = p_list[j]

                def ch_body(c2, _, p=p, r_lanes=r_lanes, j=j):
                    col = jnp.full((16,), 1, jnp.int32) * (HC * j + c2)
                    g = plsc.load_gather(rows_v, [r_lanes, col])
                    w = plsc.load_gather(ew_v, [r_lanes, col])
                    plsc.store_scatter(msg_v, [r_lanes, col], (g + w) * p)
                    return _

                lax.fori_loop(0, HC, ch_body, None, unroll=4)

        pltpu.sync_copy(msg_v, acc_sh.at[dst_v], add=True)
        return carry

    lax.fori_loop(0, n_i, chunk_body, None)

    plsc.subcore_barrier()
    pltpu.sync_copy(acc_sh.at[pl.ds(sid * ROWS_PER_TILE, ROWS_PER_TILE)],
                    out_hbm.at[cid, pl.ds(sid * ROWS_PER_TILE, ROWS_PER_TILE)])


_sc_main = functools.partial(
    pl.kernel,
    out_type=jax.ShapeDtypeStruct((NC, NPAD, WIDTH), jnp.float32),
    mesh=plsc.VectorSubcoreMesh(core_axis_name="c", subcore_axis_name="s"),
    compiler_params=pltpu.CompilerParams(needs_layout_passes=False,
                                         use_tc_tiling_on_sc=False),
    scratch_types=[
        pltpu.VMEM((N * HPC,), jnp.float32),
        pltpu.VMEM((K, WIDTH), jnp.float32),
        pltpu.VMEM((K, DC), jnp.float32),
        pltpu.VMEM((K, WIDTH), jnp.float32),
        pltpu.VMEM((K,), jnp.int32),
        pltpu.VMEM((K,), jnp.int32),
        pltpu.VMEM_SHARED((NPAD, WIDTH), jnp.float32),
        pltpu.SemaphoreType.DMA,
    ],
)(_sc_body)


def kernel(node_feature, edge_index, edge_feature, W_msg, att_msg):
    src = edge_index[0].astype(jnp.int32)
    dst = edge_index[1].astype(jnp.int32)
    w_x = W_msg[:D]
    w_e = W_msg[D:]

    att_flat = att_msg.reshape(D)
    sel = (jnp.arange(D, dtype=jnp.int32)[:, None] // HC
           == jnp.arange(H, dtype=jnp.int32)[None, :]).astype(jnp.float32)
    a_sel = att_flat[:, None] * sel
    v = w_e @ a_sel
    pad = jnp.zeros((ED, WIDTH - DC - HPC), jnp.float32)
    w_cat = jnp.stack([
        jnp.concatenate([w_e[:, :DC], v[:, :HPC], pad], axis=1),
        jnp.concatenate([w_e[:, DC:], v[:, HPC:], pad], axis=1),
    ])

    xw, ax = _node_precompute(node_feature, w_x, a_sel)
    ew = _edge_precompute(edge_feature, w_cat)

    xw0 = xw[:, :DC]
    xw1 = xw[:, DC:]
    ax_r = ax.reshape(N, NC, HPC).transpose(1, 0, 2).reshape(NC, N * HPC)
    zeros_buf = jnp.zeros((ROWS_PER_TILE, WIDTH), jnp.float32)

    parts = _sc_main(src, dst, ew, xw0, xw1, ax_r, zeros_buf)

    return _finalize(parts[:, :N], sel.T)

# --- scband reference (transcript-rebuilt; emitter-appended) ---
"""Pipeline reference for scband-general-edge-att-convv1-36000415875692 (READ-ONLY COPY).

The authoritative reference and input builder live on the scoring server;
editing this copy changes nothing except your own understanding.
"""

import jax, jax.numpy as jnp
import numpy as np

N = 10000
E = 320000
D = 128
ED = 16
H = 4
HC = D // H
NEG_SLOPE = 0.2


def setup_inputs(seed: int = 0) -> dict:
    key = jax.random.key(seed)
    k1, k2, k3, k4, k5 = jax.random.split(key, 5)
    x = jax.random.normal(k1, (N, D), dtype=jnp.float32)
    edge_index = jax.random.randint(k2, (2, E), 0, N, dtype=jnp.int64)
    edge_feature = jax.random.normal(k3, (E, ED), dtype=jnp.float32)
    # linear_msg: Linear(D+ED, D, bias=False); store as (D+ED, D) for x @ W
    fan_in = D + ED
    W_msg = jax.random.uniform(k4, (fan_in, D), dtype=jnp.float32,
                               minval=-1.0, maxval=1.0) * (1.0 / np.sqrt(fan_in))
    # att_msg: glorot-initialized (1, H, HC)
    std = np.sqrt(6.0 / (H * HC + 1))
    att_msg = jax.random.uniform(k5, (1, H, HC), dtype=jnp.float32,
                                 minval=-std, maxval=std)
    return {"node_feature": x, "edge_index": edge_index,
            "edge_feature": edge_feature, "W_msg": W_msg, "att_msg": att_msg}


def reference(node_feature, edge_index, edge_feature, W_msg, att_msg):
    # cfg defaults assumed: agg='add', msg_direction='single', normalize_adj=False,
    # att_final_linear=False, att_final_linear_bn=False, bias=False, task_emb=None.
    src = edge_index[0]  # x_j source nodes
    dst = edge_index[1]  # edge_index_i / aggregation target nodes
    x_j = jnp.take(node_feature, src, axis=0)                    # gather [E, D]
    m = jnp.concatenate([x_j, edge_feature], axis=-1) @ W_msg    # [E, D]
    m = m.reshape(-1, H, HC)                                     # [E, H, HC]
    alpha = (m * att_msg).sum(-1)                                # [E, H]
    alpha = jnp.where(alpha >= 0, alpha, NEG_SLOPE * alpha)      # leaky_relu
    # segment softmax over destination nodes
    amax = jax.ops.segment_max(alpha, dst, num_segments=N)       # [N, H]
    amax = jnp.where(jnp.isfinite(amax), amax, 0.0)
    ex = jnp.exp(alpha - jnp.take(amax, dst, axis=0))
    denom = jax.ops.segment_sum(ex, dst, num_segments=N)
    alpha = ex / (jnp.take(denom, dst, axis=0) + 1e-16)          # [E, H]
    msg = m * alpha[:, :, None]                                  # [E, H, HC]
    out = jax.ops.segment_sum(msg, dst, num_segments=N)          # scatter-add [N, H, HC]
    return out.reshape(N, D)

if __name__ == "__main__":
    import jax
    _d = setup_inputs()
    print(jax.jit(kernel)(*tuple(_d.values())))

</pallas_src>

<mosaic_0001>
#map = affine_map<(d0, d1) -> (0)>
#map1 = affine_map<(d0, d1) -> (0, 0, 0)>
#map2 = affine_map<(d0, d1) -> (0, 0)>
module attributes {stable_mosaic.version = 14 : i64} {
  func.func @_sc_body(%arg0: i32, %arg1: i32, %arg2: memref<320000xi32, #tpu.memory_space<hbm>>, %arg3: memref<320000xi32, #tpu.memory_space<hbm>>, %arg4: memref<2x320000x80xf32, #tpu.memory_space<hbm>>, %arg5: memref<10000x64xf32, #tpu.memory_space<hbm>>, %arg6: memref<10000x64xf32, #tpu.memory_space<hbm>>, %arg7: memref<2x20000xf32, #tpu.memory_space<hbm>>, %arg8: memref<640x80xf32, #tpu.memory_space<hbm>>, %arg9: memref<2x10240x80xf32, #tpu.memory_space<hbm>>, %arg10: memref<20000xf32, #tpu.memory_space<vmem>>, %arg11: memref<128x80xf32, #tpu.memory_space<vmem>>, %arg12: memref<128x64xf32, #tpu.memory_space<vmem>>, %arg13: memref<128x80xf32, #tpu.memory_space<vmem>>, %arg14: memref<128xi32, #tpu.memory_space<vmem>>, %arg15: memref<128xi32, #tpu.memory_space<vmem>>, %arg16: memref<10240x80xf32, #tpu.memory_space<vmem_shared>>, %arg17: memref<!tpu.dma_semaphore, #tpu.memory_space<semaphore_mem>>) attributes {dimension_semantics = [#tpu.dimension_semantics<core_parallel>, #tpu.dimension_semantics<subcore_parallel>], iteration_bounds = array<i64: 2, 16>, scalar_prefetch = 0 : i64, scratch_operands = 8 : i64, tpu.core_type = #tpu.core_type<sc_vector_subcore>, window_params = [{transform_indices = #map}, {transform_indices = #map}, {transform_indices = #map1}, {transform_indices = #map2}, {transform_indices = #map2}, {transform_indices = #map2}, {transform_indices = #map2}, {transform_indices = #map1}]} {
    %mul3A = arith.constant 640 : i32
    %mul3A_0 = arith.muli %arg1, %mul3A : i32
    "tpu.region"() ({
      %run_scoped3A = tpu.sem_alloc : memref<!tpu.dma_semaphore, #tpu.memory_space<semaphore_mem>>
      %dma_start3A = arith.constant 0 : i32
      %dma_start3A_17 = tpu.memref_slice %arg16[%mul3A_0, %dma_start3A] : memref<10240x80xf32, #tpu.memory_space<vmem_shared>> -> memref<640x80xf32, #tpu.memory_space<vmem_shared>>
      tpu.enqueue_dma source(%arg8 : memref<640x80xf32, #tpu.memory_space<hbm>>) target(%dma_start3A_17 : memref<640x80xf32, #tpu.memory_space<vmem_shared>>) target_semaphore(%run_scoped3A : memref<!tpu.dma_semaphore, #tpu.memory_space<semaphore_mem>>)
      %dma_wait3A = arith.constant 0 : i32
      %dma_wait3A_18 = tpu.memref_slice %arg16[%mul3A_0, %dma_wait3A] : memref<10240x80xf32, #tpu.memory_space<vmem_shared>> -> memref<640x80xf32, #tpu.memory_space<vmem_shared>>
      tpu.wait_dma2 semaphore(%run_scoped3A : memref<!tpu.dma_semaphore, #tpu.memory_space<semaphore_mem>>) src(%arg8 : memref<640x80xf32, #tpu.memory_space<hbm>>) dst(%dma_wait3A_18 : memref<640x80xf32, #tpu.memory_space<vmem_shared>>)
      tpu.yield
    }) : () -> ()
    "tpu.region"() ({
      %run_scoped3A = tpu.sem_alloc : memref<!tpu.dma_semaphore, #tpu.memory_space<semaphore_mem>>
      %dma_start3A = arith.constant 0 : i32
      %dma_start3A_17 = arith.constant 0 : i32
      %dma_start3A_18 = tpu.memref_slice %arg8[%dma_start3A, %dma_start3A_17] : memref<640x80xf32, #tpu.memory_space<hbm>> -> memref<128x80xf32, #tpu.memory_space<hbm>>
      %dma_start3A_19 = arith.constant 0 : i32
      %dma_start3A_20 = arith.constant 0 : i32
      %dma_start3A_21 = tpu.memref_slice %arg8[%dma_start3A_19, %dma_start3A_20] : memref<640x80xf32, #tpu.memory_space<hbm>> -> memref<128x80xf32, #tpu.memory_space<hbm>>
      tpu.enqueue_dma source(%dma_start3A_21 : memref<128x80xf32, #tpu.memory_space<hbm>>) target(%arg13 : memref<128x80xf32, #tpu.memory_space<vmem>>) target_semaphore(%run_scoped3A : memref<!tpu.dma_semaphore, #tpu.memory_space<semaphore_mem>>)
      %dma_wait3A = arith.constant 0 : i32
      %dma_wait3A_22 = arith.constant 0 : i32
      %dma_wait3A_23 = tpu.memref_slice %arg8[%dma_wait3A, %dma_wait3A_22] : memref<640x80xf32, #tpu.memory_space<hbm>> -> memref<128x80xf32, #tpu.memory_space<hbm>>
      %dma_wait3A_24 = arith.constant 0 : i32
      %dma_wait3A_25 = arith.constant 0 : i32
      %dma_wait3A_26 = tpu.memref_slice %arg8[%dma_wait3A_24, %dma_wait3A_25] : memref<640x80xf32, #tpu.memory_space<hbm>> -> memref<128x80xf32, #tpu.memory_space<hbm>>
      tpu.wait_dma2 semaphore(%run_scoped3A : memref<!tpu.dma_semaphore, #tpu.memory_space<semaphore_mem>>) src(%dma_wait3A_26 : memref<128x80xf32, #tpu.memory_space<hbm>>) dst(%arg13 : memref<128x80xf32, #tpu.memory_space<vmem>>)
      tpu.yield
    }) : () -> ()
    "tpu.region"() ({
      %run_scoped3A = tpu.sem_alloc : memref<!tpu.dma_semaphore, #tpu.memory_space<semaphore_mem>>
      %dma_start3A = arith.constant 0 : i32
      %dma_start3A_17 = tpu.memref_slice %arg7[%arg0, %dma_start3A] : memref<2x20000xf32, #tpu.memory_space<hbm>> -> memref<1x20000xf32, #tpu.memory_space<hbm>>
      %dma_start3A_18 = tpu.memref_squeeze %dma_start3A_17 : memref<1x20000xf32, #tpu.memory_space<hbm>> -> memref<20000xf32, #tpu.memory_space<hbm>>
      %dma_start3A_19 = arith.constant 0 : i32
      %dma_start3A_20 = tpu.memref_slice %arg7[%arg0, %dma_start3A_19] : memref<2x20000xf32, #tpu.memory_space<hbm>> -> memref<1x20000xf32, #tpu.memory_space<hbm>>
      %dma_start3A_21 = tpu.memref_squeeze %dma_start3A_20 : memref<1x20000xf32, #tpu.memory_space<hbm>> -> memref<20000xf32, #tpu.memory_space<hbm>>
      tpu.enqueue_dma source(%dma_start3A_21 : memref<20000xf32, #tpu.memory_space<hbm>>) target(%arg10 : memref<20000xf32, #tpu.memory_space<vmem>>) target_semaphore(%run_scoped3A : memref<!tpu.dma_semaphore, #tpu.memory_space<semaphore_mem>>)
      %dma_wait3A = arith.constant 0 : i32
      %dma_wait3A_22 = tpu.memref_slice %arg7[%arg0, %dma_wait3A] : memref<2x20000xf32, #tpu.memory_space<hbm>> -> memref<1x20000xf32, #tpu.memory_space<hbm>>
      %dma_wait3A_23 = tpu.memref_squeeze %dma_wait3A_22 : memref<1x20000xf32, #tpu.memory_space<hbm>> -> memref<20000xf32, #tpu.memory_space<hbm>>
      %dma_wait3A_24 = arith.constant 0 : i32
      %dma_wait3A_25 = tpu.memref_slice %arg7[%arg0, %dma_wait3A_24] : memref<2x20000xf32, #tpu.memory_space<hbm>> -> memref<1x20000xf32, #tpu.memory_space<hbm>>
      %dma_wait3A_26 = tpu.memref_squeeze %dma_wait3A_25 : memref<1x20000xf32, #tpu.memory_space<hbm>> -> memref<20000xf32, #tpu.memory_space<hbm>>
      tpu.wait_dma2 semaphore(%run_scoped3A : memref<!tpu.dma_semaphore, #tpu.memory_space<semaphore_mem>>) src(%dma_wait3A_26 : memref<20000xf32, #tpu.memory_space<hbm>>) dst(%arg10 : memref<20000xf32, #tpu.memory_space<vmem>>)
      tpu.yield
    }) : () -> ()
    %barrier3A = arith.constant 0 : index
    tpu.barrier barrier_id(%barrier3A)
    %lt3A = arith.constant 4 : i32
    %lt3A_1 = arith.cmpi slt, %arg1, %lt3A : i32
    %jit3A = arith.constant 1 : i32
    %jit3A_2 = arith.constant 0 : i32
    %select_n3A = arith.select %lt3A_1, %jit3A, %jit3A_2 : i32
    %add3A = arith.constant 156 : i32
    %add3A_3 = arith.addi %add3A, %select_n3A : i32
    %while3A = arith.constant 0 : i32
    %while3A_4 = arith.subi %add3A_3, %while3A : i32
    %while3A_5 = arith.addi %while3A, %while3A_4 : i32
    %while3A_6 = arith.constant 1 : i32
    %while3A_7 = arith.divsi %while3A_4, %while3A_6 : i32
    %while3A_8 = arith.muli %while3A_7, %while3A_6 : i32
    %while3A_9 = arith.addi %while3A, %while3A_8 : i32
    %while3A_10 = arith.constant 1 : i32
    scf.for %while3A_17 = %while3A to %while3A_9 step %while3A_10  : i32 {
      %mul3A_18 = arith.constant 16 : i32
      %mul3A_19 = arith.muli %while3A_17, %mul3A_18 : i32
      %add3A_20 = arith.addi %arg1, %mul3A_19 : i32
      %mul3A_21 = arith.constant 128 : i32
      %mul3A_22 = arith.muli %add3A_20, %mul3A_21 : i32
      "tpu.region"() ({
        %run_scoped3A = tpu.sem_alloc : memref<!tpu.dma_semaphore, #tpu.memory_space<semaphore_mem>>
        %dma_start3A = tpu.memref_slice %arg2[%mul3A_22] : memref<320000xi32, #tpu.memory_space<hbm>> -> memref<128xi32, #tpu.memory_space<hbm>>
        %dma_start3A_455 = tpu.memref_slice %arg2[%mul3A_22] : memref<320000xi32, #tpu.memory_space<hbm>> -> memref<128xi32, #tpu.memory_space<hbm>>
        tpu.enqueue_dma source(%dma_start3A_455 : memref<128xi32, #tpu.memory_space<hbm>>) target(%arg14 : memref<128xi32, #tpu.memory_space<vmem>>) target_semaphore(%run_scoped3A : memref<!tpu.dma_semaphore, #tpu.memory_space<semaphore_mem>>)
        %dma_wait3A = tpu.memref_slice %arg2[%mul3A_22] : memref<320000xi32, #tpu.memory_space<hbm>> -> memref<128xi32, #tpu.memory_space<hbm>>
        %dma_wait3A_456 = tpu.memref_slice %arg2[%mul3A_22] : memref<320000xi32, #tpu.memory_space<hbm>> -> memref<128xi32, #tpu.memory_space<hbm>>
        tpu.wait_dma2 semaphore(%run_scoped3A : memref<!tpu.dma_semaphore, #tpu.memory_space<semaphore_mem>>) src(%dma_wait3A_456 : memref<128xi32, #tpu.memory_space<hbm>>) dst(%arg14 : memref<128xi32, #tpu.memory_space<vmem>>)
        tpu.yield
      }) : () -> ()
      "tpu.region"() ({
        %run_scoped3A = tpu.sem_alloc : memref<!tpu.dma_semaphore, #tpu.memory_space<semaphore_mem>>
        %dma_start3A = tpu.memref_slice %arg3[%mul3A_22] : memref<320000xi32, #tpu.memory_space<hbm>> -> memref<128xi32, #tpu.memory_space<hbm>>
        %dma_start3A_455 = tpu.memref_slice %arg3[%mul3A_22] : memref<320000xi32, #tpu.memory_space<hbm>> -> memref<128xi32, #tpu.memory_space<hbm>>
        tpu.enqueue_dma source(%dma_start3A_455 : memref<128xi32, #tpu.memory_space<hbm>>) target(%arg15 : memref<128xi32, #tpu.memory_space<vmem>>) target_semaphore(%run_scoped3A : memref<!tpu.dma_semaphore, #tpu.memory_space<semaphore_mem>>)
        %dma_wait3A = tpu.memref_slice %arg3[%mul3A_22] : memref<320000xi32, #tpu.memory_space<hbm>> -> memref<128xi32, #tpu.memory_space<hbm>>
        %dma_wait3A_456 = tpu.memref_slice %arg3[%mul3A_22] : memref<320000xi32, #tpu.memory_space<hbm>> -> memref<128xi32, #tpu.memory_space<hbm>>
        tpu.wait_dma2 semaphore(%run_scoped3A : memref<!tpu.dma_semaphore, #tpu.memory_space<semaphore_mem>>) src(%dma_wait3A_456 : memref<128xi32, #tpu.memory_space<hbm>>) dst(%arg15 : memref<128xi32, #tpu.memory_space<vmem>>)
        tpu.yield
      }) : () -> ()
      "tpu.region"() ({
        %run_scoped3A = tpu.sem_alloc : memref<!tpu.dma_semaphore, #tpu.memory_space<semaphore_mem>>
        %dma_start3A = arith.constant 0 : i32
        %dma_start3A_455 = tpu.memref_slice %arg4[%arg0, %mul3A_22, %dma_start3A] : memref<2x320000x80xf32, #tpu.memory_space<hbm>> -> memref<1x128x80xf32, #tpu.memory_space<hbm>>
        %dma_start3A_456 = tpu.memref_squeeze %dma_start3A_455 : memref<1x128x80xf32, #tpu.memory_space<hbm>> -> memref<128x80xf32, #tpu.memory_space<hbm>>
        %dma_start3A_457 = arith.constant 0 : i32
        %dma_start3A_458 = tpu.memref_slice %arg4[%arg0, %mul3A_22, %dma_start3A_457] : memref<2x320000x80xf32, #tpu.memory_space<hbm>> -> memref<1x128x80xf32, #tpu.memory_space<hbm>>
        %dma_start3A_459 = tpu.memref_squeeze %dma_start3A_458 : memref<1x128x80xf32, #tpu.memory_space<hbm>> -> memref<128x80xf32, #tpu.memory_space<hbm>>
        tpu.enqueue_dma source(%dma_start3A_459 : memref<128x80xf32, #tpu.memory_space<hbm>>) target(%arg11 : memref<128x80xf32, #tpu.memory_space<vmem>>) target_semaphore(%run_scoped3A : memref<!tpu.dma_semaphore, #tpu.memory_space<semaphore_mem>>)
        %dma_wait3A = arith.constant 0 : i32
        %dma_wait3A_460 = tpu.memref_slice %arg4[%arg0, %mul3A_22, %dma_wait3A] : memref<2x320000x80xf32, #tpu.memory_space<hbm>> -> memref<1x128x80xf32, #tpu.memory_space<hbm>>
        %dma_wait3A_461 = tpu.memref_squeeze %dma_wait3A_460 : memref<1x128x80xf32, #tpu.memory_space<hbm>> -> memref<128x80xf32, #tpu.memory_space<hbm>>
        %dma_wait3A_462 = arith.constant 0 : i32
        %dma_wait3A_463 = tpu.memref_slice %arg4[%arg0, %mul3A_22, %dma_wait3A_462] : memref<2x320000x80xf32, #tpu.memory_space<hbm>> -> memref<1x128x80xf32, #tpu.memory_space<hbm>>
        %dma_wait3A_464 = tpu.memref_squeeze %dma_wait3A_463 : memref<1x128x80xf32, #tpu.memory_space<hbm>> -> memref<128x80xf32, #tpu.memory_space<hbm>>
        tpu.wait_dma2 semaphore(%run_scoped3A : memref<!tpu.dma_semaphore, #tpu.memory_space<semaphore_mem>>) src(%dma_wait3A_464 : memref<128x80xf32, #tpu.memory_space<hbm>>) dst(%arg11 : memref<128x80xf32, #tpu.memory_space<vmem>>)
        tpu.yield
      }) : () -> ()
      %eq3A = arith.constant 0 : i32
      %eq3A_23 = arith.cmpi eq, %arg0, %eq3A : i32
      %convert_element_type3A = arith.extui %eq3A_23 : i1 to i32
      %cond3A = arith.constant 0 : i32
      %cond3A_24 = arith.cmpi ne, %convert_element_type3A, %cond3A : i32
      scf.if %cond3A_24 {
        %dma_start3A = arith.constant 0 : i32
        %dma_start3A_455 = arith.constant 0 : i32
        %dma_start3A_456 = tpu.memref_slice %arg5[%dma_start3A, %dma_start3A_455] : memref<10000x64xf32, #tpu.memory_space<hbm>> -> memref<10000x64xf32, #tpu.memory_space<hbm>>
        tpu.enqueue_indirect_dma source(%dma_start3A_456 : memref<10000x64xf32, #tpu.memory_space<hbm>>) target(%arg12 : memref<128x64xf32, #tpu.memory_space<vmem>>) offsets(%arg14 : memref<128xi32, #tpu.memory_space<vmem>>) semaphore(%arg17 : memref<!tpu.dma_semaphore, #tpu.memory_space<semaphore_mem>>)
        %dma_wait3A = arith.constant 0 : i32
        %dma_wait3A_457 = arith.constant 0 : i32
        %dma_wait3A_458 = tpu.memref_slice %arg5[%dma_wait3A, %dma_wait3A_457] : memref<10000x64xf32, #tpu.memory_space<hbm>> -> memref<10000x64xf32, #tpu.memory_space<hbm>>
        tpu.wait_indirect_dma semaphore(%arg17 : memref<!tpu.dma_semaphore, #tpu.memory_space<semaphore_mem>>) src(%dma_wait3A_458 : memref<10000x64xf32, #tpu.memory_space<hbm>>) dst(%arg12 : memref<128x64xf32, #tpu.memory_space<vmem>>)
      } else {
      }
      %eq3A_25 = arith.constant 1 : i32
      %eq3A_26 = arith.cmpi eq, %arg0, %eq3A_25 : i32
      %convert_element_type3A_27 = arith.extui %eq3A_26 : i1 to i32
      %cond3A_28 = arith.constant 0 : i32
      %cond3A_29 = arith.cmpi ne, %convert_element_type3A_27, %cond3A_28 : i32
      scf.if %cond3A_29 {
        %dma_start3A = arith.constant 0 : i32
        %dma_start3A_455 = arith.constant 0 : i32
        %dma_start3A_456 = tpu.memref_slice %arg6[%dma_start3A, %dma_start3A_455] : memref<10000x64xf32, #tpu.memory_space<hbm>> -> memref<10000x64xf32, #tpu.memory_space<hbm>>
        tpu.enqueue_indirect_dma source(%dma_start3A_456 : memref<10000x64xf32, #tpu.memory_space<hbm>>) target(%arg12 : memref<128x64xf32, #tpu.memory_space<vmem>>) offsets(%arg14 : memref<128xi32, #tpu.memory_space<vmem>>) semaphore(%arg17 : memref<!tpu.dma_semaphore, #tpu.memory_space<semaphore_mem>>)
        %dma_wait3A = arith.constant 0 : i32
        %dma_wait3A_457 = arith.constant 0 : i32
        %dma_wait3A_458 = tpu.memref_slice %arg6[%dma_wait3A, %dma_wait3A_457] : memref<10000x64xf32, #tpu.memory_space<hbm>> -> memref<10000x64xf32, #tpu.memory_space<hbm>>
        tpu.wait_indirect_dma semaphore(%arg17 : memref<!tpu.dma_semaphore, #tpu.memory_space<semaphore_mem>>) src(%dma_wait3A_458 : memref<10000x64xf32, #tpu.memory_space<hbm>>) dst(%arg12 : memref<128x64xf32, #tpu.memory_space<vmem>>)
      } else {
      }
      %iota3A = tpu.iota {dimensions = array<i32: 0>} : vector<16xi32>
      %add3A_30 = arith.constant 0 : i32
      %add3A_31 = vector.broadcast %add3A_30 : i32 to vector<16xi32>
      %add3A_32 = arith.addi %iota3A, %add3A_31 : vector<16xi32>
      %get3A = arith.constant 0 : index
      %get3A_33 = tpu.vector_load %arg14[%get3A] {strides = array<i32>} : memref<128xi32, #tpu.memory_space<vmem>>, vector<16xi32>,
      %broadcast_in_dim3A = arith.constant 64 : i32
      %broadcast_in_dim3A_34 = vector.broadcast %broadcast_in_dim3A : i32 to vector<16xi32>
      %mul3A_35 = arith.constant 2 : i32
      %mul3A_36 = vector.broadcast %mul3A_35 : i32 to vector<16xi32>
      %mul3A_37 = arith.muli %get3A_33, %mul3A_36 : vector<16xi32>
      %add3A_38 = arith.constant 0 : i32
      %add3A_39 = vector.broadcast %add3A_38 : i32 to vector<16xi32>
      %add3A_40 = arith.addi %mul3A_37, %add3A_39 : vector<16xi32>
      %gather3A = tpu.vector_load_idx %arg10[%add3A_40] : memref<20000xf32, #tpu.memory_space<vmem>>[vector<16xi32>], vector<16xf32>,
      %gather3A_41 = tpu.vector_load_idx %arg11[%add3A_32, %broadcast_in_dim3A_34] : memref<128x80xf32, #tpu.memory_space<vmem>>[vector<16xi32>, vector<16xi32>], vector<16xf32>,
      %add3A_42 = arith.addf %gather3A, %gather3A_41 : vector<16xf32>
      %ge3A = arith.constant 0.000000e+00 : f32
      %ge3A_43 = vector.broadcast %ge3A : f32 to vector<16xf32>
      %ge3A_44 = arith.cmpf oge, %add3A_42, %ge3A_43 : vector<16xf32>
      %mul3A_45 = arith.constant 2.000000e-01 : f32
      %mul3A_46 = vector.broadcast %mul3A_45 : f32 to vector<16xf32>
      %mul3A_47 = arith.mulf %mul3A_46, %add3A_42 : vector<16xf32>
      %select_n3A_48 = arith.select %ge3A_44, %add3A_42, %mul3A_47 : vector<16xi1>, vector<16xf32>
      %exp3A = math.exp %select_n3A_48 : vector<16xf32>
      tpu.vector_store_idx %arg13[%add3A_32, %broadcast_in_dim3A_34], %exp3A : memref<128x80xf32, #tpu.memory_space<vmem>>[vector<16xi32>, vector<16xi32>], vector<16xf32>,
      %broadcast_in_dim3A_49 = arith.constant 65 : i32
      %broadcast_in_dim3A_50 = vector.broadcast %broadcast_in_dim3A_49 : i32 to vector<16xi32>
      %mul3A_51 = arith.constant 2 : i32
      %mul3A_52 = vector.broadcast %mul3A_51 : i32 to vector<16xi32>
      %mul3A_53 = arith.muli %get3A_33, %mul3A_52 : vector<16xi32>
      %add3A_54 = arith.constant 1 : i32
      %add3A_55 = vector.broadcast %add3A_54 : i32 to vector<16xi32>
      %add3A_56 = arith.addi %mul3A_53, %add3A_55 : vector<16xi32>
      %gather3A_57 = tpu.vector_load_idx %arg10[%add3A_56] : memref<20000xf32, #tpu.memory_space<vmem>>[vector<16xi32>], vector<16xf32>,
      %gather3A_58 = tpu.vector_load_idx %arg11[%add3A_32, %broadcast_in_dim3A_50] : memref<128x80xf32, #tpu.memory_space<vmem>>[vector<16xi32>, vector<16xi32>], vector<16xf32>,
      %add3A_59 = arith.addf %gather3A_57, %gather3A_58 : vector<16xf32>
      %ge3A_60 = arith.constant 0.000000e+00 : f32
      %ge3A_61 = vector.broadcast %ge3A_60 : f32 to vector<16xf32>
      %ge3A_62 = arith.cmpf oge, %add3A_59, %ge3A_61 : vector<16xf32>
      %mul3A_63 = arith.constant 2.000000e-01 : f32
      %mul3A_64 = vector.broadcast %mul3A_63 : f32 to vector<16xf32>
      %mul3A_65 = arith.mulf %mul3A_64, %add3A_59 : vector<16xf32>
      %select_n3A_66 = arith.select %ge3A_62, %add3A_59, %mul3A_65 : vector<16xi1>, vector<16xf32>
      %exp3A_67 = math.exp %select_n3A_66 : vector<16xf32>
      tpu.vector_store_idx %arg13[%add3A_32, %broadcast_in_dim3A_50], %exp3A_67 : memref<128x80xf32, #tpu.memory_space<vmem>>[vector<16xi32>, vector<16xi32>], vector<16xf32>,
      %scan3A = arith.constant 0 : i32
      %scan3A_68 = arith.constant 32 : i32
      %scan3A_69 = arith.addi %scan3A, %scan3A_68 : i32
      %scan3A_70 = arith.constant 4 : i32
      scf.for %scan3A_455 = %scan3A to %scan3A_69 step %scan3A_70  : i32 {
        %broadcast_in_dim3A_456 = arith.constant 1 : i32
        %broadcast_in_dim3A_457 = vector.broadcast %broadcast_in_dim3A_456 : i32 to vector<16xi32>
        %add3A_458 = arith.constant 0 : i32
        %add3A_459 = arith.addi %add3A_458, %scan3A_455 : i32
        %mul3A_460 = vector.broadcast %add3A_459 : i32 to vector<16xi32>
        %mul3A_461 = arith.muli %broadcast_in_dim3A_457, %mul3A_460 : vector<16xi32>
        %gather3A_462 = tpu.vector_load_idx %arg12[%add3A_32, %mul3A_461] : memref<128x64xf32, #tpu.memory_space<vmem>>[vector<16xi32>, vector<16xi32>], vector<16xf32>,
        %gather3A_463 = tpu.vector_load_idx %arg11[%add3A_32, %mul3A_461] : memref<128x80xf32, #tpu.memory_space<vmem>>[vector<16xi32>, vector<16xi32>], vector<16xf32>,
        %add3A_464 = arith.addf %gather3A_462, %gather3A_463 : vector<16xf32>
        %mul3A_465 = arith.mulf %add3A_464, %exp3A : vector<16xf32>
        tpu.vector_store_idx %arg13[%add3A_32, %mul3A_461], %mul3A_465 : memref<128x80xf32, #tpu.memory_space<vmem>>[vector<16xi32>, vector<16xi32>], vector<16xf32>,
        %scan3A_466 = arith.constant 1 : i32
        %scan3A_467 = arith.addi %scan3A_455, %scan3A_466 : i32
        %broadcast_in_dim3A_468 = arith.constant 1 : i32
        %broadcast_in_dim3A_469 = vector.broadcast %broadcast_in_dim3A_468 : i32 to vector<16xi32>
        %add3A_470 = arith.constant 0 : i32
        %add3A_471 = arith.addi %add3A_470, %scan3A_467 : i32
        %mul3A_472 = vector.broadcast %add3A_471 : i32 to vector<16xi32>
        %mul3A_473 = arith.muli %broadcast_in_dim3A_469, %mul3A_472 : vector<16xi32>
        %gather3A_474 = tpu.vector_load_idx %arg12[%add3A_32, %mul3A_473] : memref<128x64xf32, #tpu.memory_space<vmem>>[vector<16xi32>, vector<16xi32>], vector<16xf32>,
        %gather3A_475 = tpu.vector_load_idx %arg11[%add3A_32, %mul3A_473] : memref<128x80xf32, #tpu.memory_space<vmem>>[vector<16xi32>, vector<16xi32>], vector<16xf32>,
        %add3A_476 = arith.addf %gather3A_474, %gather3A_475 : vector<16xf32>
        %mul3A_477 = arith.mulf %add3A_476, %exp3A : vector<16xf32>
        tpu.vector_store_idx %arg13[%add3A_32, %mul3A_473], %mul3A_477 : memref<128x80xf32, #tpu.memory_space<vmem>>[vector<16xi32>, vector<16xi32>], vector<16xf32>,
        %scan3A_478 = arith.constant 2 : i32
        %scan3A_479 = arith.addi %scan3A_455, %scan3A_478 : i32
        %broadcast_in_dim3A_480 = arith.constant 1 : i32
        %broadcast_in_dim3A_481 = vector.broadcast %broadcast_in_dim3A_480 : i32 to vector<16xi32>
        %add3A_482 = arith.constant 0 : i32
        %add3A_483 = arith.addi %add3A_482, %scan3A_479 : i32
        %mul3A_484 = vector.broadcast %add3A_483 : i32 to vector<16xi32>
        %mul3A_485 = arith.muli %broadcast_in_dim3A_481, %mul3A_484 : vector<16xi32>
        %gather3A_486 = tpu.vector_load_idx %arg12[%add3A_32, %mul3A_485] : memref<128x64xf32, #tpu.memory_space<vmem>>[vector<16xi32>, vector<16xi32>], vector<16xf32>,
        %gather3A_487 = tpu.vector_load_idx %arg11[%add3A_32, %mul3A_485] : memref<128x80xf32, #tpu.memory_space<vmem>>[vector<16xi32>, vector<16xi32>], vector<16xf32>,
        %add3A_488 = arith.addf %gather3A_486, %gather3A_487 : vector<16xf32>
        %mul3A_489 = arith.mulf %add3A_488, %exp3A : vector<16xf32>
        tpu.vector_store_idx %arg13[%add3A_32, %mul3A_485], %mul3A_489 : memref<128x80xf32, #tpu.memory_space<vmem>>[vector<16xi32>, vector<16xi32>], vector<16xf32>,
        %scan3A_490 = arith.constant 3 : i32
        %scan3A_491 = arith.addi %scan3A_455, %scan3A_490 : i32
        %broadcast_in_dim3A_492 = arith.constant 1 : i32
        %broadcast_in_dim3A_493 = vector.broadcast %broadcast_in_dim3A_492 : i32 to vector<16xi32>
        %add3A_494 = arith.constant 0 : i32
        %add3A_495 = arith.addi %add3A_494, %scan3A_491 : i32
        %mul3A_496 = vector.broadcast %add3A_495 : i32 to vector<16xi32>
        %mul3A_497 = arith.muli %broadcast_in_dim3A_493, %mul3A_496 : vector<16xi32>
        %gather3A_498 = tpu.vector_load_idx %arg12[%add3A_32, %mul3A_497] : memref<128x64xf32, #tpu.memory_space<vmem>>[vector<16xi32>, vector<16xi32>], vector<16xf32>,
        %gather3A_499 = tpu.vector_load_idx %arg11[%add3A_32, %mul3A_497] : memref<128x80xf32, #tpu.memory_space<vmem>>[vector<16xi32>, vector<16xi32>], vector<16xf32>,
        %add3A_500 = arith.addf %gather3A_498, %gather3A_499 : vector<16xf32>
        %mul3A_501 = arith.mulf %add3A_500, %exp3A : vector<16xf32>
        tpu.vector_store_idx %arg13[%add3A_32, %mul3A_497], %mul3A_501 : memref<128x80xf32, #tpu.memory_space<vmem>>[vector<16xi32>, vector<16xi32>], vector<16xf32>,
      }
      %scan3A_71 = arith.constant 32 : i32
      %scan3A_72 = arith.constant 0 : i32
      %scan3A_73 = arith.constant 32 : i32
      %scan3A_74 = arith.addi %scan3A_72, %scan3A_73 : i32
      %scan3A_75 = arith.constant 4 : i32
      scf.for %scan3A_455 = %scan3A_72 to %scan3A_74 step %scan3A_75  : i32 {
        %broadcast_in_dim3A_456 = arith.constant 1 : i32
        %broadcast_in_dim3A_457 = vector.broadcast %broadcast_in_dim3A_456 : i32 to vector<16xi32>
        %add3A_458 = arith.constant 32 : i32
        %add3A_459 = arith.addi %add3A_458, %scan3A_455 : i32
        %mul3A_460 = vector.broadcast %add3A_459 : i32 to vector<16xi32>
        %mul3A_461 = arith.muli %broadcast_in_dim3A_457, %mul3A_460 : vector<16xi32>
        %gather3A_462 = tpu.vector_load_idx %arg12[%add3A_32, %mul3A_461] : memref<128x64xf32, #tpu.memory_space<vmem>>[vector<16xi32>, vector<16xi32>], vector<16xf32>,
        %gather3A_463 = tpu.vector_load_idx %arg11[%add3A_32, %mul3A_461] : memref<128x80xf32, #tpu.memory_space<vmem>>[vector<16xi32>, vector<16xi32>], vector<16xf32>,
        %add3A_464 = arith.addf %gather3A_462, %gather3A_463 : vector<16xf32>
        %mul3A_465 = arith.mulf %add3A_464, %exp3A_67 : vector<16xf32>
        tpu.vector_store_idx %arg13[%add3A_32, %mul3A_461], %mul3A_465 : memref<128x80xf32, #tpu.memory_space<vmem>>[vector<16xi32>, vector<16xi32>], vector<16xf32>,
        %scan3A_466 = arith.constant 1 : i32
        %scan3A_467 = arith.addi %scan3A_455, %scan3A_466 : i32
        %broadcast_in_dim3A_468 = arith.constant 1 : i32
        %broadcast_in_dim3A_469 = vector.broadcast %broadcast_in_dim3A_468 : i32 to vector<16xi32>
        %add3A_470 = arith.constant 32 : i32
        %add3A_471 = arith.addi %add3A_470, %scan3A_467 : i32
        %mul3A_472 = vector.broadcast %add3A_471 : i32 to vector<16xi32>
        %mul3A_473 = arith.muli %broadcast_in_dim3A_469, %mul3A_472 : vector<16xi32>
        %gather3A_474 = tpu.vector_load_idx %arg12[%add3A_32, %mul3A_473] : memref<128x64xf32, #tpu.memory_space<vmem>>[vector<16xi32>, vector<16xi32>], vector<16xf32>,
        %gather3A_475 = tpu.vector_load_idx %arg11[%add3A_32, %mul3A_473] : memref<128x80xf32, #tpu.memory_space<vmem>>[vector<16xi32>, vector<16xi32>], vector<16xf32>,
        %add3A_476 = arith.addf %gather3A_474, %gather3A_475 : vector<16xf32>
        %mul3A_477 = arith.mulf %add3A_476, %exp3A_67 : vector<16xf32>
        tpu.vector_store_idx %arg13[%add3A_32, %mul3A_473], %mul3A_477 : memref<128x80xf32, #tpu.memory_space<vmem>>[vector<16xi32>, vector<16xi32>], vector<16xf32>,
        %scan3A_478 = arith.constant 2 : i32
        %scan3A_479 = arith.addi %scan3A_455, %scan3A_478 : i32
        %broadcast_in_dim3A_480 = arith.constant 1 : i32
        %broadcast_in_dim3A_481 = vector.broadcast %broadcast_in_dim3A_480 : i32 to vector<16xi32>
        %add3A_482 = arith.constant 32 : i32
        %add3A_483 = arith.addi %add3A_482, %scan3A_479 : i32
        %mul3A_484 = vector.broadcast %add3A_483 : i32 to vector<16xi32>
        %mul3A_485 = arith.muli %broadcast_in_dim3A_481, %mul3A_484 : vector<16xi32>
        %gather3A_486 = tpu.vector_load_idx %arg12[%add3A_32, %mul3A_485] : memref<128x64xf32, #tpu.memory_space<vmem>>[vector<16xi32>, vector<16xi32>], vector<16xf32>,
        %gather3A_487 = tpu.vector_load_idx %arg11[%add3A_32, %mul3A_485] : memref<128x80xf32, #tpu.memory_space<vmem>>[vector<16xi32>, vector<16xi32>], vector<16xf32>,
        %add3A_488 = arith.addf %gather3A_486, %gather3A_487 : vector<16xf32>
        %mul3A_489 = arith.mulf %add3A_488, %exp3A_67 : vector<16xf32>
        tpu.vector_store_idx %arg13[%add3A_32, %mul3A_485], %mul3A_489 : memref<128x80xf32, #tpu.memory_space<vmem>>[vector<16xi32>, vector<16xi32>], vector<16xf32>,
        %scan3A_490 = arith.constant 3 : i32
        %scan3A_491 = arith.addi %scan3A_455, %scan3A_490 : i32
        %broadcast_in_dim3A_492 = arith.constant 1 : i32
        %broadcast_in_dim3A_493 = vector.broadcast %broadcast_in_dim3A_492 : i32 to vector<16xi32>
        %add3A_494 = arith.constant 32 : i32
        %add3A_495 = arith.addi %add3A_494, %scan3A_491 : i32
        %mul3A_496 = vector.broadcast %add3A_495 : i32 to vector<16xi32>
        %mul3A_497 = arith.muli %broadcast_in_dim3A_493, %mul3A_496 : vector<16xi32>
        %gather3A_498 = tpu.vector_load_idx %arg12[%add3A_32, %mul3A_497] : memref<128x64xf32, #tpu.memory_space<vmem>>[vector<16xi32>, vector<16xi32>], vector<16xf32>,
        %gather3A_499 = tpu.vector_load_idx %arg11[%add3A_32, %mul3A_497] : memref<128x80xf32, #tpu.memory_space<vmem>>[vector<16xi32>, vector<16xi32>], vector<16xf32>,
        %add3A_500 = arith.addf %gather3A_498, %gather3A_499 : vector<16xf32>
        %mul3A_501 = arith.mulf %add3A_500, %exp3A_67 : vector<16xf32>
        tpu.vector_store_idx %arg13[%add3A_32, %mul3A_497], %mul3A_501 : memref<128x80xf32, #tpu.memory_space<vmem>>[vector<16xi32>, vector<16xi32>], vector<16xf32>,
      }
      %scan3A_76 = arith.constant 32 : i32
      %iota3A_77 = tpu.iota {dimensions = array<i32: 0>} : vector<16xi32>
      %add3A_78 = arith.constant 16 : i32
      %add3A_79 = vector.broadcast %add3A_78 : i32 to vector<16xi32>
      %add3A_80 = arith.addi %iota3A_77, %add3A_79 : vector<16xi32>
      %get3A_81 = arith.constant 16 : index
      %get3A_82 = tpu.vector_load %arg14[%get3A_81] {strides = array<i32>} : memref<128xi32, #tpu.memory_space<vmem>>, vector<16xi32>,
      %broadcast_in_dim3A_83 = arith.constant 64 : i32
      %broadcast_in_dim3A_84 = vector.broadcast %broadcast_in_dim3A_83 : i32 to vector<16xi32>
      %mul3A_85 = arith.constant 2 : i32
      %mul3A_86 = vector.broadcast %mul3A_85 : i32 to vector<16xi32>
      %mul3A_87 = arith.muli %get3A_82, %mul3A_86 : vector<16xi32>
      %add3A_88 = arith.constant 0 : i32
      %add3A_89 = vector.broadcast %add3A_88 : i32 to vector<16xi32>
      %add3A_90 = arith.addi %mul3A_87, %add3A_89 : vector<16xi32>
      %gather3A_91 = tpu.vector_load_idx %arg10[%add3A_90] : memref<20000xf32, #tpu.memory_space<vmem>>[vector<16xi32>], vector<16xf32>,
      %gather3A_92 = tpu.vector_load_idx %arg11[%add3A_80, %broadcast_in_dim3A_84] : memref<128x80xf32, #tpu.memory_space<vmem>>[vector<16xi32>, vector<16xi32>], vector<16xf32>,
      %add3A_93 = arith.addf %gather3A_91, %gather3A_92 : vector<16xf32>
      %ge3A_94 = arith.constant 0.000000e+00 : f32
      %ge3A_95 = vector.broadcast %ge3A_94 : f32 to vector<16xf32>
      %ge3A_96 = arith.cmpf oge, %add3A_93, %ge3A_95 : vector<16xf32>
      %mul3A_97 = arith.constant 2.000000e-01 : f32
      %mul3A_98 = vector.broadcast %mul3A_97 : f32 to vector<16xf32>
      %mul3A_99 = arith.mulf %mul3A_98, %add3A_93 : vector<16xf32>
      %select_n3A_100 = arith.select %ge3A_96, %add3A_93, %mul3A_99 : vector<16xi1>, vector<16xf32>
      %exp3A_101 = math.exp %select_n3A_100 : vector<16xf32>
      tpu.vector_store_idx %arg13[%add3A_80, %broadcast_in_dim3A_84], %exp3A_101 : memref<128x80xf32, #tpu.memory_space<vmem>>[vector<16xi32>, vector<16xi32>], vector<16xf32>,
      %broadcast_in_dim3A_102 = arith.constant 65 : i32
      %broadcast_in_dim3A_103 = vector.broadcast %broadcast_in_dim3A_102 : i32 to vector<16xi32>
      %mul3A_104 = arith.constant 2 : i32
      %mul3A_105 = vector.broadcast %mul3A_104 : i32 to vector<16xi32>
      %mul3A_106 = arith.muli %get3A_82, %mul3A_105 : vector<16xi32>
      %add3A_107 = arith.constant 1 : i32
      %add3A_108 = vector.broadcast %add3A_107 : i32 to vector<16xi32>
      %add3A_109 = arith.addi %mul3A_106, %add3A_108 : vector<16xi32>
      %gather3A_110 = tpu.vector_load_idx %arg10[%add3A_109] : memref<20000xf32, #tpu.memory_space<vmem>>[vector<16xi32>], vector<16xf32>,
      %gather3A_111 = tpu.vector_load_idx %arg11[%add3A_80, %broadcast_in_dim3A_103] : memref<128x80xf32, #tpu.memory_space<vmem>>[vector<16xi32>, vector<16xi32>], vector<16xf32>,
      %add3A_112 = arith.addf %gather3A_110, %gather3A_111 : vector<16xf32>
      %ge3A_113 = arith.constant 0.000000e+00 : f32
      %ge3A_114 = vector.broadcast %ge3A_113 : f32 to vector<16xf32>
      %ge3A_115 = arith.cmpf oge, %add3A_112, %ge3A_114 : vector<16xf32>
      %mul3A_116 = arith.constant 2.000000e-01 : f32
      %mul3A_117 = vector.broadcast %mul3A_116 : f32 to vector<16xf32>
      %mul3A_118 = arith.mulf %mul3A_117, %add3A_112 : vector<16xf32>
      %select_n3A_119 = arith.select %ge3A_115, %add3A_112, %mul3A_118 : vector<16xi1>, vector<16xf32>
      %exp3A_120 = math.exp %select_n3A_119 : vector<16xf32>
      tpu.vector_store_idx %arg13[%add3A_80, %broadcast_in_dim3A_103], %exp3A_120 : memref<128x80xf32, #tpu.memory_space<vmem>>[vector<16xi32>, vector<16xi32>], vector<16xf32>,
      %scan3A_121 = arith.constant 0 : i32
      %scan3A_122 = arith.constant 32 : i32
      %scan3A_123 = arith.addi %scan3A_121, %scan3A_122 : i32
      %scan3A_124 = arith.constant 4 : i32
      scf.for %scan3A_455 = %scan3A_121 to %scan3A_123 step %scan3A_124  : i32 {
        %broadcast_in_dim3A_456 = arith.constant 1 : i32
        %broadcast_in_dim3A_457 = vector.broadcast %broadcast_in_dim3A_456 : i32 to vector<16xi32>
        %add3A_458 = arith.constant 0 : i32
        %add3A_459 = arith.addi %add3A_458, %scan3A_455 : i32
        %mul3A_460 = vector.broadcast %add3A_459 : i32 to vector<16xi32>
        %mul3A_461 = arith.muli %broadcast_in_dim3A_457, %mul3A_460 : vector<16xi32>
        %gather3A_462 = tpu.vector_load_idx %arg12[%add3A_80, %mul3A_461] : memref<128x64xf32, #tpu.memory_space<vmem>>[vector<16xi32>, vector<16xi32>], vector<16xf32>,
        %gather3A_463 = tpu.vector_load_idx %arg11[%add3A_80, %mul3A_461] : memref<128x80xf32, #tpu.memory_space<vmem>>[vector<16xi32>, vector<16xi32>], vector<16xf32>,
        %add3A_464 = arith.addf %gather3A_462, %gather3A_463 : vector<16xf32>
        %mul3A_465 = arith.mulf %add3A_464, %exp3A_101 : vector<16xf32>
        tpu.vector_store_idx %arg13[%add3A_80, %mul3A_461], %mul3A_465 : memref<128x80xf32, #tpu.memory_space<vmem>>[vector<16xi32>, vector<16xi32>], vector<16xf32>,
        %scan3A_466 = arith.constant 1 : i32
        %scan3A_467 = arith.addi %scan3A_455, %scan3A_466 : i32
        %broadcast_in_dim3A_468 = arith.constant 1 : i32
        %broadcast_in_dim3A_469 = vector.broadcast %broadcast_in_dim3A_468 : i32 to vector<16xi32>
        %add3A_470 = arith.constant 0 : i32
        %add3A_471 = arith.addi %add3A_470, %scan3A_467 : i32
        %mul3A_472 = vector.broadcast %add3A_471 : i32 to vector<16xi32>
        %mul3A_473 = arith.muli %broadcast_in_dim3A_469, %mul3A_472 : vector<16xi32>
        %gather3A_474 = tpu.vector_load_idx %arg12[%add3A_80, %mul3A_473] : memref<128x64xf32, #tpu.memory_space<vmem>>[vector<16xi32>, vector<16xi32>], vector<16xf32>,
        %gather3A_475 = tpu.vector_load_idx %arg11[%add3A_80, %mul3A_473] : memref<128x80xf32, #tpu.memory_space<vmem>>[vector<16xi32>, vector<16xi32>], vector<16xf32>,
        %add3A_476 = arith.addf %gather3A_474, %gather3A_475 : vector<16xf32>
        %mul3A_477 = arith.mulf %add3A_476, %exp3A_101 : vector<16xf32>
        tpu.vector_store_idx %arg13[%add3A_80, %mul3A_473], %mul3A_477 : memref<128x80xf32, #tpu.memory_space<vmem>>[vector<16xi32>, vector<16xi32>], vector<16xf32>,
        %scan3A_478 = arith.constant 2 : i32
        %scan3A_479 = arith.addi %scan3A_455, %scan3A_478 : i32
        %broadcast_in_dim3A_480 = arith.constant 1 : i32
        %broadcast_in_dim3A_481 = vector.broadcast %broadcast_in_dim3A_480 : i32 to vector<16xi32>
        %add3A_482 = arith.constant 0 : i32
        %add3A_483 = arith.addi %add3A_482, %scan3A_479 : i32
        %mul3A_484 = vector.broadcast %add3A_483 : i32 to vector<16xi32>
        %mul3A_485 = arith.muli %broadcast_in_dim3A_481, %mul3A_484 : vector<16xi32>
        %gather3A_486 = tpu.vector_load_idx %arg12[%add3A_80, %mul3A_485] : memref<128x64xf32, #tpu.memory_space<vmem>>[vector<16xi32>, vector<16xi32>], vector<16xf32>,
        %gather3A_487 = tpu.vector_load_idx %arg11[%add3A_80, %mul3A_485] : memref<128x80xf32, #tpu.memory_space<vmem>>[vector<16xi32>, vector<16xi32>], vector<16xf32>,
        %add3A_488 = arith.addf %gather3A_486, %gather3A_487 : vector<16xf32>
        %mul3A_489 = arith.mulf %add3A_488, %exp3A_101 : vector<16xf32>
        tpu.vector_store_idx %arg13[%add3A_80, %mul3A_485], %mul3A_489 : memref<128x80xf32, #tpu.memory_space<vmem>>[vector<16xi32>, vector<16xi32>], vector<16xf32>,
        %scan3A_490 = arith.constant 3 : i32
        %scan3A_491 = arith.addi %scan3A_455, %scan3A_490 : i32
        %broadcast_in_dim3A_492 = arith.constant 1 : i32
        %broadcast_in_dim3A_493 = vector.broadcast %broadcast_in_dim3A_492 : i32 to vector<16xi32>
        %add3A_494 = arith.constant 0 : i32
        %add3A_495 = arith.addi %add3A_494, %scan3A_491 : i32
        %mul3A_496 = vector.broadcast %add3A_495 : i32 to vector<16xi32>
        %mul3A_497 = arith.muli %broadcast_in_dim3A_493, %mul3A_496 : vector<16xi32>
        %gather3A_498 = tpu.vector_load_idx %arg12[%add3A_80, %mul3A_497] : memref<128x64xf32, #tpu.memory_space<vmem>>[vector<16xi32>, vector<16xi32>], vector<16xf32>,
        %gather3A_499 = tpu.vector_load_idx %arg11[%add3A_80, %mul3A_497] : memref<128x80xf32, #tpu.memory_space<vmem>>[vector<16xi32>, vector<16xi32>], vector<16xf32>,
        %add3A_500 = arith.addf %gather3A_498, %gather3A_499 : vector<16xf32>
        %mul3A_501 = arith.mulf %add3A_500, %exp3A_101 : vector<16xf32>
        tpu.vector_store_idx %arg13[%add3A_80, %mul3A_497], %mul3A_501 : memref<128x80xf32, #tpu.memory_space<vmem>>[vector<16xi32>, vector<16xi32>], vector<16xf32>,
      }
      %scan3A_125 = arith.constant 32 : i32
      %scan3A_126 = arith.constant 0 : i32
      %scan3A_127 = arith.constant 32 : i32
      %scan3A_128 = arith.addi %scan3A_126, %scan3A_127 : i32
      %scan3A_129 = arith.constant 4 : i32
      scf.for %scan3A_455 = %scan3A_126 to %scan3A_128 step %scan3A_129  : i32 {
        %broadcast_in_dim3A_456 = arith.constant 1 : i32
        %broadcast_in_dim3A_457 = vector.broadcast %broadcast_in_dim3A_456 : i32 to vector<16xi32>
        %add3A_458 = arith.constant 32 : i32
        %add3A_459 = arith.addi %add3A_458, %scan3A_455 : i32
        %mul3A_460 = vector.broadcast %add3A_459 : i32 to vector<16xi32>
        %mul3A_461 = arith.muli %broadcast_in_dim3A_457, %mul3A_460 : vector<16xi32>
        %gather3A_462 = tpu.vector_load_idx %arg12[%add3A_80, %mul3A_461] : memref<128x64xf32, #tpu.memory_space<vmem>>[vector<16xi32>, vector<16xi32>], vector<16xf32>,
        %gather3A_463 = tpu.vector_load_idx %arg11[%add3A_80, %mul3A_461] : memref<128x80xf32, #tpu.memory_space<vmem>>[vector<16xi32>, vector<16xi32>], vector<16xf32>,
        %add3A_464 = arith.addf %gather3A_462, %gather3A_463 : vector<16xf32>
        %mul3A_465 = arith.mulf %add3A_464, %exp3A_120 : vector<16xf32>
        tpu.vector_store_idx %arg13[%add3A_80, %mul3A_461], %mul3A_465 : memref<128x80xf32, #tpu.memory_space<vmem>>[vector<16xi32>, vector<16xi32>], vector<16xf32>,
        %scan3A_466 = arith.constant 1 : i32
        %scan3A_467 = arith.addi %scan3A_455, %scan3A_466 : i32
        %broadcast_in_dim3A_468 = arith.constant 1 : i32
        %broadcast_in_dim3A_469 = vector.broadcast %broadcast_in_dim3A_468 : i32 to vector<16xi32>
        %add3A_470 = arith.constant 32 : i32
        %add3A_471 = arith.addi %add3A_470, %scan3A_467 : i32
        %mul3A_472 = vector.broadcast %add3A_471 : i32 to vector<16xi32>
        %mul3A_473 = arith.muli %broadcast_in_dim3A_469, %mul3A_472 : vector<16xi32>
        %gather3A_474 = tpu.vector_load_idx %arg12[%add3A_80, %mul3A_473] : memref<128x64xf32, #tpu.memory_space<vmem>>[vector<16xi32>, vector<16xi32>], vector<16xf32>,
        %gather3A_475 = tpu.vector_load_idx %arg11[%add3A_80, %mul3A_473] : memref<128x80xf32, #tpu.memory_space<vmem>>[vector<16xi32>, vector<16xi32>], vector<16xf32>,
        %add3A_476 = arith.addf %gather3A_474, %gather3A_475 : vector<16xf32>
        %mul3A_477 = arith.mulf %add3A_476, %exp3A_120 : vector<16xf32>
        tpu.vector_store_idx %arg13[%add3A_80, %mul3A_473], %mul3A_477 : memref<128x80xf32, #tpu.memory_space<vmem>>[vector<16xi32>, vector<16xi32>], vector<16xf32>,
        %scan3A_478 = arith.constant 2 : i32
        %scan3A_479 = arith.addi %scan3A_455, %scan3A_478 : i32
        %broadcast_in_dim3A_480 = arith.constant 1 : i32
        %broadcast_in_dim3A_481 = vector.broadcast %broadcast_in_dim3A_480 : i32 to vector<16xi32>
        %add3A_482 = arith.constant 32 : i32
        %add3A_483 = arith.addi %add3A_482, %scan3A_479 : i32
        %mul3A_484 = vector.broadcast %add3A_483 : i32 to vector<16xi32>
        %mul3A_485 = arith.muli %broadcast_in_dim3A_481, %mul3A_484 : vector<16xi32>
        %gather3A_486 = tpu.vector_load_idx %arg12[%add3A_80, %mul3A_485] : memref<128x64xf32, #tpu.memory_space<vmem>>[vector<16xi32>, vector<16xi32>], vector<16xf32>,
        %gather3A_487 = tpu.vector_load_idx %arg11[%add3A_80, %mul3A_485] : memref<128x80xf32, #tpu.memory_space<vmem>>[vector<16xi32>, vector<16xi32>], vector<16xf32>,
        %add3A_488 = arith.addf %gather3A_486, %gather3A_487 : vector<16xf32>
        %mul3A_489 = arith.mulf %add3A_488, %exp3A_120 : vector<16xf32>
        tpu.vector_store_idx %arg13[%add3A_80, %mul3A_485], %mul3A_489 : memref<128x80xf32, #tpu.memory_space<vmem>>[vector<16xi32>, vector<16xi32>], vector<16xf32>,
        %scan3A_490 = arith.constant 3 : i32
        %scan3A_491 = arith.addi %scan3A_455, %scan3A_490 : i32
        %broadcast_in_dim3A_492 = arith.constant 1 : i32
        %broadcast_in_dim3A_493 = vector.broadcast %broadcast_in_dim3A_492 : i32 to vector<16xi32>
        %add3A_494 = arith.constant 32 : i32
        %add3A_495 = arith.addi %add3A_494, %scan3A_491 : i32
        %mul3A_496 = vector.broadcast %add3A_495 : i32 to vector<16xi32>
        %mul3A_497 = arith.muli %broadcast_in_dim3A_493, %mul3A_496 : vector<16xi32>
        %gather3A_498 = tpu.vector_load_idx %arg12[%add3A_80, %mul3A_497] : memref<128x64xf32, #tpu.memory_space<vmem>>[vector<16xi32>, vector<16xi32>], vector<16xf32>,
        %gather3A_499 = tpu.vector_load_idx %arg11[%add3A_80, %mul3A_497] : memref<128x80xf32, #tpu.memory_space<vmem>>[vector<16xi32>, vector<16xi32>], vector<16xf32>,
        %add3A_500 = arith.addf %gather3A_498, %gather3A_499 : vector<16xf32>
        %mul3A_501 = arith.mulf %add3A_500, %exp3A_120 : vector<16xf32>
        tpu.vector_store_idx %arg13[%add3A_80, %mul3A_497], %mul3A_501 : memref<128x80xf32, #tpu.memory_space<vmem>>[vector<16xi32>, vector<16xi32>], vector<16xf32>,
      }
      %scan3A_130 = arith.constant 32 : i32
      %iota3A_131 = tpu.iota {dimensions = array<i32: 0>} : vector<16xi32>
      %add3A_132 = arith.constant 32 : i32
      %add3A_133 = vector.broadcast %add3A_132 : i32 to vector<16xi32>
      %add3A_134 = arith.addi %iota3A_131, %add3A_133 : vector<16xi32>
      %get3A_135 = arith.constant 32 : index
      %get3A_136 = tpu.vector_load %arg14[%get3A_135] {strides = array<i32>} : memref<128xi32, #tpu.memory_space<vmem>>, vector<16xi32>,
      %broadcast_in_dim3A_137 = arith.constant 64 : i32
      %broadcast_in_dim3A_138 = vector.broadcast %broadcast_in_dim3A_137 : i32 to vector<16xi32>
      %mul3A_139 = arith.constant 2 : i32
      %mul3A_140 = vector.broadcast %mul3A_139 : i32 to vector<16xi32>
      %mul3A_141 = arith.muli %get3A_136, %mul3A_140 : vector<16xi32>
      %add3A_142 = arith.constant 0 : i32
      %add3A_143 = vector.broadcast %add3A_142 : i32 to vector<16xi32>
      %add3A_144 = arith.addi %mul3A_141, %add3A_143 : vector<16xi32>
      %gather3A_145 = tpu.vector_load_idx %arg10[%add3A_144] : memref<20000xf32, #tpu.memory_space<vmem>>[vector<16xi32>], vector<16xf32>,
      %gather3A_146 = tpu.vector_load_idx %arg11[%add3A_134, %broadcast_in_dim3A_138] : memref<128x80xf32, #tpu.memory_space<vmem>>[vector<16xi32>, vector<16xi32>], vector<16xf32>,
      %add3A_147 = arith.addf %gather3A_145, %gather3A_146 : vector<16xf32>
      %ge3A_148 = arith.constant 0.000000e+00 : f32
      %ge3A_149 = vector.broadcast %ge3A_148 : f32 to vector<16xf32>
      %ge3A_150 = arith.cmpf oge, %add3A_147, %ge3A_149 : vector<16xf32>
      %mul3A_151 = arith.constant 2.000000e-01 : f32
      %mul3A_152 = vector.broadcast %mul3A_151 : f32 to vector<16xf32>
      %mul3A_153 = arith.mulf %mul3A_152, %add3A_147 : vector<16xf32>
      %select_n3A_154 = arith.select %ge3A_150, %add3A_147, %mul3A_153 : vector<16xi1>, vector<16xf32>
      %exp3A_155 = math.exp %select_n3A_154 : vector<16xf32>
      tpu.vector_store_idx %arg13[%add3A_134, %broadcast_in_dim3A_138], %exp3A_155 : memref<128x80xf32, #tpu.memory_space<vmem>>[vector<16xi32>, vector<16xi32>], vector<16xf32>,
      %broadcast_in_dim3A_156 = arith.constant 65 : i32
      %broadcast_in_dim3A_157 = vector.broadcast %broadcast_in_dim3A_156 : i32 to vector<16xi32>
      %mul3A_158 = arith.constant 2 : i32
      %mul3A_159 = vector.broadcast %mul3A_158 : i32 to vector<16xi32>
      %mul3A_160 = arith.muli %get3A_136, %mul3A_159 : vector<16xi32>
      %add3A_161 = arith.constant 1 : i32
      %add3A_162 = vector.broadcast %add3A_161 : i32 to vector<16xi32>
      %add3A_163 = arith.addi %mul3A_160, %add3A_162 : vector<16xi32>
      %gather3A_164 = tpu.vector_load_idx %arg10[%add3A_163] : memref<20000xf32, #tpu.memory_space<vmem>>[vector<16xi32>], vector<16xf32>,
      %gather3A_165 = tpu.vector_load_idx %arg11[%add3A_134, %broadcast_in_dim3A_157] : memref<128x80xf32, #tpu.memory_space<vmem>>[vector<16xi32>, vector<16xi32>], vector<16xf32>,
      %add3A_166 = arith.addf %gather3A_164, %gather3A_165 : vector<16xf32>
      %ge3A_167 = arith.constant 0.000000e+00 : f32
      %ge3A_168 = vector.broadcast %ge3A_167 : f32 to vector<16xf32>
      %ge3A_169 = arith.cmpf oge, %add3A_166, %ge3A_168 : vector<16xf32>
      %mul3A_170 = arith.constant 2.000000e-01 : f32
      %mul3A_171 = vector.broadcast %mul3A_170 : f32 to vector<16xf32>
      %mul3A_172 = arith.mulf %mul3A_171, %add3A_166 : vector<16xf32>
      %select_n3A_173 = arith.select %ge3A_169, %add3A_166, %mul3A_172 : vector<16xi1>, vector<16xf32>
      %exp3A_174 = math.exp %select_n3A_173 : vector<16xf32>
      tpu.vector_store_idx %arg13[%add3A_134, %broadcast_in_dim3A_157], %exp3A_174 : memref<128x80xf32, #tpu.memory_space<vmem>>[vector<16xi32>, vector<16xi32>], vector<16xf32>,
      %scan3A_175 = arith.constant 0 : i32
      %scan3A_176 = arith.constant 32 : i32
      %scan3A_177 = arith.addi %scan3A_175, %scan3A_176 : i32
      %scan3A_178 = arith.constant 4 : i32
      scf.for %scan3A_455 = %scan3A_175 to %scan3A_177 step %scan3A_178  : i32 {
        %broadcast_in_dim3A_456 = arith.constant 1 : i32
        %broadcast_in_dim3A_457 = vector.broadcast %broadcast_in_dim3A_456 : i32 to vector<16xi32>
        %add3A_458 = arith.constant 0 : i32
        %add3A_459 = arith.addi %add3A_458, %scan3A_455 : i32
        %mul3A_460 = vector.broadcast %add3A_459 : i32 to vector<16xi32>
        %mul3A_461 = arith.muli %broadcast_in_dim3A_457, %mul3A_460 : vector<16xi32>
        %gather3A_462 = tpu.vector_load_idx %arg12[%add3A_134, %mul3A_461] : memref<128x64xf32, #tpu.memory_space<vmem>>[vector<16xi32>, vector<16xi32>], vector<16xf32>,
        %gather3A_463 = tpu.vector_load_idx %arg11[%add3A_134, %mul3A_461] : memref<128x80xf32, #tpu.memory_space<vmem>>[vector<16xi32>, vector<16xi32>], vector<16xf32>,
        %add3A_464 = arith.addf %gather3A_462, %gather3A_463 : vector<16xf32>
        %mul3A_465 = arith.mulf %add3A_464, %exp3A_155 : vector<16xf32>
        tpu.vector_store_idx %arg13[%add3A_134, %mul3A_461], %mul3A_465 : memref<128x80xf32, #tpu.memory_space<vmem>>[vector<16xi32>, vector<16xi32>], vector<16xf32>,
        %scan3A_466 = arith.constant 1 : i32
        %scan3A_467 = arith.addi %scan3A_455, %scan3A_466 : i32
        %broadcast_in_dim3A_468 = arith.constant 1 : i32
        %broadcast_in_dim3A_469 = vector.broadcast %broadcast_in_dim3A_468 : i32 to vector<16xi32>
        %add3A_470 = arith.constant 0 : i32
        %add3A_471 = arith.addi %add3A_470, %scan3A_467 : i32
        %mul3A_472 = vector.broadcast %add3A_471 : i32 to vector<16xi32>
        %mul3A_473 = arith.muli %broadcast_in_dim3A_469, %mul3A_472 : vector<16xi32>
        %gather3A_474 = tpu.vector_load_idx %arg12[%add3A_134, %mul3A_473] : memref<128x64xf32, #tpu.memory_space<vmem>>[vector<16xi32>, vector<16xi32>], vector<16xf32>,
        %gather3A_475 = tpu.vector_load_idx %arg11[%add3A_134, %mul3A_473] : memref<128x80xf32, #tpu.memory_space<vmem>>[vector<16xi32>, vector<16xi32>], vector<16xf32>,
        %add3A_476 = arith.addf %gather3A_474, %gather3A_475 : vector<16xf32>
        %mul3A_477 = arith.mulf %add3A_476, %exp3A_155 : vector<16xf32>
        tpu.vector_store_idx %arg13[%add3A_134, %mul3A_473], %mul3A_477 : memref<128x80xf32, #tpu.memory_space<vmem>>[vector<16xi32>, vector<16xi32>], vector<16xf32>,
        %scan3A_478 = arith.constant 2 : i32
        %scan3A_479 = arith.addi %scan3A_455, %scan3A_478 : i32
        %broadcast_in_dim3A_480 = arith.constant 1 : i32
        %broadcast_in_dim3A_481 = vector.broadcast %broadcast_in_dim3A_480 : i32 to vector<16xi32>
        %add3A_482 = arith.constant 0 : i32
        %add3A_483 = arith.addi %add3A_482, %scan3A_479 : i32
        %mul3A_484 = vector.broadcast %add3A_483 : i32 to vector<16xi32>
        %mul3A_485 = arith.muli %broadcast_in_dim3A_481, %mul3A_484 : vector<16xi32>
        %gather3A_486 = tpu.vector_load_idx %arg12[%add3A_134, %mul3A_485] : memref<128x64xf32, #tpu.memory_space<vmem>>[vector<16xi32>, vector<16xi32>], vector<16xf32>,
        %gather3A_487 = tpu.vector_load_idx %arg11[%add3A_134, %mul3A_485] : memref<128x80xf32, #tpu.memory_space<vmem>>[vector<16xi32>, vector<16xi32>], vector<16xf32>,
        %add3A_488 = arith.addf %gather3A_486, %gather3A_487 : vector<16xf32>
        %mul3A_489 = arith.mulf %add3A_488, %exp3A_155 : vector<16xf32>
        tpu.vector_store_idx %arg13[%add3A_134, %mul3A_485], %mul3A_489 : memref<128x80xf32, #tpu.memory_space<vmem>>[vector<16xi32>, vector<16xi32>], vector<16xf32>,
        %scan3A_490 = arith.constant 3 : i32
        %scan3A_491 = arith.addi %scan3A_455, %scan3A_490 : i32
        %broadcast_in_dim3A_492 = arith.constant 1 : i32
        %broadcast_in_dim3A_493 = vector.broadcast %broadcast_in_dim3A_492 : i32 to vector<16xi32>
        %add3A_494 = arith.constant 0 : i32
        %add3A_495 = arith.addi %add3A_494, %scan3A_491 : i32
        %mul3A_496 = vector.broadcast %add3A_495 : i32 to vector<16xi32>
        %mul3A_497 = arith.muli %broadcast_in_dim3A_493, %mul3A_496 : vector<16xi32>
        %gather3A_498 = tpu.vector_load_idx %arg12[%add3A_134, %mul3A_497] : memref<128x64xf32, #tpu.memory_space<vmem>>[vector<16xi32>, vector<16xi32>], vector<16xf32>,
        %gather3A_499 = tpu.vector_load_idx %arg11[%add3A_134, %mul3A_497] : memref<128x80xf32, #tpu.memory_space<vmem>>[vector<16xi32>, vector<16xi32>], vector<16xf32>,
        %add3A_500 = arith.addf %gather3A_498, %gather3A_499 : vector<16xf32>
        %mul3A_501 = arith.mulf %add3A_500, %exp3A_155 : vector<16xf32>
        tpu.vector_store_idx %arg13[%add3A_134, %mul3A_497], %mul3A_501 : memref<128x80xf32, #tpu.memory_space<vmem>>[vector<16xi32>, vector<16xi32>], vector<16xf32>,
      }
      %scan3A_179 = arith.constant 32 : i32
      %scan3A_180 = arith.constant 0 : i32
      %scan3A_181 = arith.constant 32 : i32
      %scan3A_182 = arith.addi %scan3A_180, %scan3A_181 : i32
      %scan3A_183 = arith.constant 4 : i32
      scf.for %scan3A_455 = %scan3A_180 to %scan3A_182 step %scan3A_183  : i32 {
        %broadcast_in_dim3A_456 = arith.constant 1 : i32
        %broadcast_in_dim3A_457 = vector.broadcast %broadcast_in_dim3A_456 : i32 to vector<16xi32>
        %add3A_458 = arith.constant 32 : i32
        %add3A_459 = arith.addi %add3A_458, %scan3A_455 : i32
        %mul3A_460 = vector.broadcast %add3A_459 : i32 to vector<16xi32>
        %mul3A_461 = arith.muli %broadcast_in_dim3A_457, %mul3A_460 : vector<16xi32>
        %gather3A_462 = tpu.vector_load_idx %arg12[%add3A_134, %mul3A_461] : memref<128x64xf32, #tpu.memory_space<vmem>>[vector<16xi32>, vector<16xi32>], vector<16xf32>,
        %gather3A_463 = tpu.vector_load_idx %arg11[%add3A_134, %mul3A_461] : memref<128x80xf32, #tpu.memory_space<vmem>>[vector<16xi32>, vector<16xi32>], vector<16xf32>,
        %add3A_464 = arith.addf %gather3A_462, %gather3A_463 : vector<16xf32>
        %mul3A_465 = arith.mulf %add3A_464, %exp3A_174 : vector<16xf32>
        tpu.vector_store_idx %arg13[%add3A_134, %mul3A_461], %mul3A_465 : memref<128x80xf32, #tpu.memory_space<vmem>>[vector<16xi32>, vector<16xi32>], vector<16xf32>,
        %scan3A_466 = arith.constant 1 : i32
        %scan3A_467 = arith.addi %scan3A_455, %scan3A_466 : i32
        %broadcast_in_dim3A_468 = arith.constant 1 : i32
        %broadcast_in_dim3A_469 = vector.broadcast %broadcast_in_dim3A_468 : i32 to vector<16xi32>
        %add3A_470 = arith.constant 32 : i32
        %add3A_471 = arith.addi %add3A_470, %scan3A_467 : i32
        %mul3A_472 = vector.broadcast %add3A_471 : i32 to vector<16xi32>
        %mul3A_473 = arith.muli %broadcast_in_dim3A_469, %mul3A_472 : vector<16xi32>
        %gather3A_474 = tpu.vector_load_idx %arg12[%add3A_134, %mul3A_473] : memref<128x64xf32, #tpu.memory_space<vmem>>[vector<16xi32>, vector<16xi32>], vector<16xf32>,
        %gather3A_475 = tpu.vector_load_idx %arg11[%add3A_134, %mul3A_473] : memref<128x80xf32, #tpu.memory_space<vmem>>[vector<16xi32>, vector<16xi32>], vector<16xf32>,
        %add3A_476 = arith.addf %gather3A_474, %gather3A_475 : vector<16xf32>
        %mul3A_477 = arith.mulf %add3A_476, %exp3A_174 : vector<16xf32>
        tpu.vector_store_idx %arg13[%add3A_134, %mul3A_473], %mul3A_477 : memref<128x80xf32, #tpu.memory_space<vmem>>[vector<16xi32>, vector<16xi32>], vector<16xf32>,
        %scan3A_478 = arith.constant 2 : i32
        %scan3A_479 = arith.addi %scan3A_455, %scan3A_478 : i32
        %broadcast_in_dim3A_480 = arith.constant 1 : i32
        %broadcast_in_dim3A_481 = vector.broadcast %broadcast_in_dim3A_480 : i32 to vector<16xi32>
        %add3A_482 = arith.constant 32 : i32
        %add3A_483 = arith.addi %add3A_482, %scan3A_479 : i32
        %mul3A_484 = vector.broadcast %add3A_483 : i32 to vector<16xi32>
        %mul3A_485 = arith.muli %broadcast_in_dim3A_481, %mul3A_484 : vector<16xi32>
        %gather3A_486 = tpu.vector_load_idx %arg12[%add3A_134, %mul3A_485] : memref<128x64xf32, #tpu.memory_space<vmem>>[vector<16xi32>, vector<16xi32>], vector<16xf32>,
        %gather3A_487 = tpu.vector_load_idx %arg11[%add3A_134, %mul3A_485] : memref<128x80xf32, #tpu.memory_space<vmem>>[vector<16xi32>, vector<16xi32>], vector<16xf32>,
        %add3A_488 = arith.addf %gather3A_486, %gather3A_487 : vector<16xf32>
        %mul3A_489 = arith.mulf %add3A_488, %exp3A_174 : vector<16xf32>
        tpu.vector_store_idx %arg13[%add3A_134, %mul3A_485], %mul3A_489 : memref<128x80xf32, #tpu.memory_space<vmem>>[vector<16xi32>, vector<16xi32>], vector<16xf32>,
        %scan3A_490 = arith.constant 3 : i32
        %scan3A_491 = arith.addi %scan3A_455, %scan3A_490 : i32
        %broadcast_in_dim3A_492 = arith.constant 1 : i32
        %broadcast_in_dim3A_493 = vector.broadcast %broadcast_in_dim3A_492 : i32 to vector<16xi32>
        %add3A_494 = arith.constant 32 : i32
        %add3A_495 = arith.addi %add3A_494, %scan3A_491 : i32
        %mul3A_496 = vector.broadcast %add3A_495 : i32 to vector<16xi32>
        %mul3A_497 = arith.muli %broadcast_in_dim3A_493, %mul3A_496 : vector<16xi32>
        %gather3A_498 = tpu.vector_load_idx %arg12[%add3A_134, %mul3A_497] : memref<128x64xf32, #tpu.memory_space<vmem>>[vector<16xi32>, vector<16xi32>], vector<16xf32>,
        %gather3A_499 = tpu.vector_load_idx %arg11[%add3A_134, %mul3A_497] : memref<128x80xf32, #tpu.memory_space<vmem>>[vector<16xi32>, vector<16xi32>], vector<16xf32>,
        %add3A_500 = arith.addf %gather3A_498, %gather3A_499 : vector<16xf32>
        %mul3A_501 = arith.mulf %add3A_500, %exp3A_174 : vector<16xf32>
        tpu.vector_store_idx %arg13[%add3A_134, %mul3A_497], %mul3A_501 : memref<128x80xf32, #tpu.memory_space<vmem>>[vector<16xi32>, vector<16xi32>], vector<16xf32>,
      }
      %scan3A_184 = arith.constant 32 : i32
      %iota3A_185 = tpu.iota {dimensions = array<i32: 0>} : vector<16xi32>
      %add3A_186 = arith.constant 48 : i32
      %add3A_187 = vector.broadcast %add3A_186 : i32 to vector<16xi32>
      %add3A_188 = arith.addi %iota3A_185, %add3A_187 : vector<16xi32>
      %get3A_189 = arith.constant 48 : index
      %get3A_190 = tpu.vector_load %arg14[%get3A_189] {strides = array<i32>} : memref<128xi32, #tpu.memory_space<vmem>>, vector<16xi32>,
      %broadcast_in_dim3A_191 = arith.constant 64 : i32
      %broadcast_in_dim3A_192 = vector.broadcast %broadcast_in_dim3A_191 : i32 to vector<16xi32>
      %mul3A_193 = arith.constant 2 : i32
      %mul3A_194 = vector.broadcast %mul3A_193 : i32 to vector<16xi32>
      %mul3A_195 = arith.muli %get3A_190, %mul3A_194 : vector<16xi32>
      %add3A_196 = arith.constant 0 : i32
      %add3A_197 = vector.broadcast %add3A_196 : i32 to vector<16xi32>
      %add3A_198 = arith.addi %mul3A_195, %add3A_197 : vector<16xi32>
      %gather3A_199 = tpu.vector_load_idx %arg10[%add3A_198] : memref<20000xf32, #tpu.memory_space<vmem>>[vector<16xi32>], vector<16xf32>,
      %gather3A_200 = tpu.vector_load_idx %arg11[%add3A_188, %broadcast_in_dim3A_192] : memref<128x80xf32, #tpu.memory_space<vmem>>[vector<16xi32>, vector<16xi32>], vector<16xf32>,
      %add3A_201 = arith.addf %gather3A_199, %gather3A_200 : vector<16xf32>
      %ge3A_202 = arith.constant 0.000000e+00 : f32
      %ge3A_203 = vector.broadcast %ge3A_202 : f32 to vector<16xf32>
      %ge3A_204 = arith.cmpf oge, %add3A_201, %ge3A_203 : vector<16xf32>
      %mul3A_205 = arith.constant 2.000000e-01 : f32
      %mul3A_206 = vector.broadcast %mul3A_205 : f32 to vector<16xf32>
      %mul3A_207 = arith.mulf %mul3A_206, %add3A_201 : vector<16xf32>
      %select_n3A_208 = arith.select %ge3A_204, %add3A_201, %mul3A_207 : vector<16xi1>, vector<16xf32>
      %exp3A_209 = math.exp %select_n3A_208 : vector<16xf32>
      tpu.vector_store_idx %arg13[%add3A_188, %broadcast_in_dim3A_192], %exp3A_209 : memref<128x80xf32, #tpu.memory_space<vmem>>[vector<16xi32>, vector<16xi32>], vector<16xf32>,
      %broadcast_in_dim3A_210 = arith.constant 65 : i32
      %broadcast_in_dim3A_211 = vector.broadcast %broadcast_in_dim3A_210 : i32 to vector<16xi32>
      %mul3A_212 = arith.constant 2 : i32
      %mul3A_213 = vector.broadcast %mul3A_212 : i32 to vector<16xi32>
      %mul3A_214 = arith.muli %get3A_190, %mul3A_213 : vector<16xi32>
      %add3A_215 = arith.constant 1 : i32
      %add3A_216 = vector.broadcast %add3A_215 : i32 to vector<16xi32>
      %add3A_217 = arith.addi %mul3A_214, %add3A_216 : vector<16xi32>
      %gather3A_218 = tpu.vector_load_idx %arg10[%add3A_217] : memref<20000xf32, #tpu.memory_space<vmem>>[vector<16xi32>], vector<16xf32>,
      %gather3A_219 = tpu.vector_load_idx %arg11[%add3A_188, %broadcast_in_dim3A_211] : memref<128x80xf32, #tpu.memory_space<vmem>>[vector<16xi32>, vector<16xi32>], vector<16xf32>,
      %add3A_220 = arith.addf %gather3A_218, %gather3A_219 : vector<16xf32>
      %ge3A_221 = arith.constant 0.000000e+00 : f32
      %ge3A_222 = vector.broadcast %ge3A_221 : f32 to vector<16xf32>
      %ge3A_223 = arith.cmpf oge, %add3A_220, %ge3A_222 : vector<16xf32>
      %mul3A_224 = arith.constant 2.000000e-01 : f32
      %mul3A_225 = vector.broadcast %mul3A_224 : f32 to vector<16xf32>
      %mul3A_226 = arith.mulf %mul3A_225, %add3A_220 : vector<16xf32>
      %select_n3A_227 = arith.select %ge3A_223, %add3A_220, %mul3A_226 : vector<16xi1>, vector<16xf32>
      %exp3A_228 = math.exp %select_n3A_227 : vector<16xf32>
      tpu.vector_store_idx %arg13[%add3A_188, %broadcast_in_dim3A_211], %exp3A_228 : memref<128x80xf32, #tpu.memory_space<vmem>>[vector<16xi32>, vector<16xi32>], vector<16xf32>,
      %scan3A_229 = arith.constant 0 : i32
      %scan3A_230 = arith.constant 32 : i32
      %scan3A_231 = arith.addi %scan3A_229, %scan3A_230 : i32
      %scan3A_232 = arith.constant 4 : i32
      scf.for %scan3A_455 = %scan3A_229 to %scan3A_231 step %scan3A_232  : i32 {
        %broadcast_in_dim3A_456 = arith.constant 1 : i32
        %broadcast_in_dim3A_457 = vector.broadcast %broadcast_in_dim3A_456 : i32 to vector<16xi32>
        %add3A_458 = arith.constant 0 : i32
        %add3A_459 = arith.addi %add3A_458, %scan3A_455 : i32
        %mul3A_460 = vector.broadcast %add3A_459 : i32 to vector<16xi32>
        %mul3A_461 = arith.muli %broadcast_in_dim3A_457, %mul3A_460 : vector<16xi32>
        %gather3A_462 = tpu.vector_load_idx %arg12[%add3A_188, %mul3A_461] : memref<128x64xf32, #tpu.memory_space<vmem>>[vector<16xi32>, vector<16xi32>], vector<16xf32>,
        %gather3A_463 = tpu.vector_load_idx %arg11[%add3A_188, %mul3A_461] : memref<128x80xf32, #tpu.memory_space<vmem>>[vector<16xi32>, vector<16xi32>], vector<16xf32>,
        %add3A_464 = arith.addf %gather3A_462, %gather3A_463 : vector<16xf32>
        %mul3A_465 = arith.mulf %add3A_464, %exp3A_209 : vector<16xf32>
        tpu.vector_store_idx %arg13[%add3A_188, %mul3A_461], %mul3A_465 : memref<128x80xf32, #tpu.memory_space<vmem>>[vector<16xi32>, vector<16xi32>], vector<16xf32>,
        %scan3A_466 = arith.constant 1 : i32
        %scan3A_467 = arith.addi %scan3A_455, %scan3A_466 : i32
        %broadcast_in_dim3A_468 = arith.constant 1 : i32
        %broadcast_in_dim3A_469 = vector.broadcast %broadcast_in_dim3A_468 : i32 to vector<16xi32>
        %add3A_470 = arith.constant 0 : i32
        %add3A_471 = arith.addi %add3A_470, %scan3A_467 : i32
        %mul3A_472 = vector.broadcast %add3A_471 : i32 to vector<16xi32>
        %mul3A_473 = arith.muli %broadcast_in_dim3A_469, %mul3A_472 : vector<16xi32>
        %gather3A_474 = tpu.vector_load_idx %arg12[%add3A_188, %mul3A_473] : memref<128x64xf32, #tpu.memory_space<vmem>>[vector<16xi32>, vector<16xi32>], vector<16xf32>,
        %gather3A_475 = tpu.vector_load_idx %arg11[%add3A_188, %mul3A_473] : memref<128x80xf32, #tpu.memory_space<vmem>>[vector<16xi32>, vector<16xi32>], vector<16xf32>,
        %add3A_476 = arith.addf %gather3A_474, %gather3A_475 : vector<16xf32>
        %mul3A_477 = arith.mulf %add3A_476, %exp3A_209 : vector<16xf32>
        tpu.vector_store_idx %arg13[%add3A_188, %mul3A_473], %mul3A_477 : memref<128x80xf32, #tpu.memory_space<vmem>>[vector<16xi32>, vector<16xi32>], vector<16xf32>,
        %scan3A_478 = arith.constant 2 : i32
        %scan3A_479 = arith.addi %scan3A_455, %scan3A_478 : i32
        %broadcast_in_dim3A_480 = arith.constant 1 : i32
        %broadcast_in_dim3A_481 = vector.broadcast %broadcast_in_dim3A_480 : i32 to vector<16xi32>
        %add3A_482 = arith.constant 0 : i32
        %add3A_483 = arith.addi %add3A_482, %scan3A_479 : i32
        %mul3A_484 = vector.broadcast %add3A_483 : i32 to vector<16xi32>
        %mul3A_485 = arith.muli %broadcast_in_dim3A_481, %mul3A_484 : vector<16xi32>
        %gather3A_486 = tpu.vector_load_idx %arg12[%add3A_188, %mul3A_485] : memref<128x64xf32, #tpu.memory_space<vmem>>[vector<16xi32>, vector<16xi32>], vector<16xf32>,
        %gather3A_487 = tpu.vector_load_idx %arg11[%add3A_188, %mul3A_485] : memref<128x80xf32, #tpu.memory_space<vmem>>[vector<16xi32>, vector<16xi32>], vector<16xf32>,
        %add3A_488 = arith.addf %gather3A_486, %gather3A_487 : vector<16xf32>
        %mul3A_489 = arith.mulf %add3A_488, %exp3A_209 : vector<16xf32>
        tpu.vector_store_idx %arg13[%add3A_188, %mul3A_485], %mul3A_489 : memref<128x80xf32, #tpu.memory_space<vmem>>[vector<16xi32>, vector<16xi32>], vector<16xf32>,
        %scan3A_490 = arith.constant 3 : i32
        %scan3A_491 = arith.addi %scan3A_455, %scan3A_490 : i32
        %broadcast_in_dim3A_492 = arith.constant 1 : i32
        %broadcast_in_dim3A_493 = vector.broadcast %broadcast_in_dim3A_492 : i32 to vector<16xi32>
        %add3A_494 = arith.constant 0 : i32
        %add3A_495 = arith.addi %add3A_494, %scan3A_491 : i32
        %mul3A_496 = vector.broadcast %add3A_495 : i32 to vector<16xi32>
        %mul3A_497 = arith.muli %broadcast_in_dim3A_493, %mul3A_496 : vector<16xi32>
        %gather3A_498 = tpu.vector_load_idx %arg12[%add3A_188, %mul3A_497] : memref<128x64xf32, #tpu.memory_space<vmem>>[vector<16xi32>, vector<16xi32>], vector<16xf32>,
        %gather3A_499 = tpu.vector_load_idx %arg11[%add3A_188, %mul3A_497] : memref<128x80xf32, #tpu.memory_space<vmem>>[vector<16xi32>, vector<16xi32>], vector<16xf32>,
        %add3A_500 = arith.addf %gather3A_498, %gather3A_499 : vector<16xf32>
        %mul3A_501 = arith.mulf %add3A_500, %exp3A_209 : vector<16xf32>
        tpu.vector_store_idx %arg13[%add3A_188, %mul3A_497], %mul3A_501 : memref<128x80xf32, #tpu.memory_space<vmem>>[vector<16xi32>, vector<16xi32>], vector<16xf32>,
      }
      %scan3A_233 = arith.constant 32 : i32
      %scan3A_234 = arith.constant 0 : i32
      %scan3A_235 = arith.constant 32 : i32
      %scan3A_236 = arith.addi %scan3A_234, %scan3A_235 : i32
      %scan3A_237 = arith.constant 4 : i32
      scf.for %scan3A_455 = %scan3A_234 to %scan3A_236 step %scan3A_237  : i32 {
        %broadcast_in_dim3A_456 = arith.constant 1 : i32
        %broadcast_in_dim3A_457 = vector.broadcast %broadcast_in_dim3A_456 : i32 to vector<16xi32>
        %add3A_458 = arith.constant 32 : i32
        %add3A_459 = arith.addi %add3A_458, %scan3A_455 : i32
        %mul3A_460 = vector.broadcast %add3A_459 : i32 to vector<16xi32>
        %mul3A_461 = arith.muli %broadcast_in_dim3A_457, %mul3A_460 : vector<16xi32>
        %gather3A_462 = tpu.vector_load_idx %arg12[%add3A_188, %mul3A_461] : memref<128x64xf32, #tpu.memory_space<vmem>>[vector<16xi32>, vector<16xi32>], vector<16xf32>,
        %gather3A_463 = tpu.vector_load_idx %arg11[%add3A_188, %mul3A_461] : memref<128x80xf32, #tpu.memory_space<vmem>>[vector<16xi32>, vector<16xi32>], vector<16xf32>,
        %add3A_464 = arith.addf %gather3A_462, %gather3A_463 : vector<16xf32>
        %mul3A_465 = arith.mulf %add3A_464, %exp3A_228 : vector<16xf32>
        tpu.vector_store_idx %arg13[%add3A_188, %mul3A_461], %mul3A_465 : memref<128x80xf32, #tpu.memory_space<vmem>>[vector<16xi32>, vector<16xi32>], vector<16xf32>,
        %scan3A_466 = arith.constant 1 : i32
        %scan3A_467 = arith.addi %scan3A_455, %scan3A_466 : i32
        %broadcast_in_dim3A_468 = arith.constant 1 : i32
        %broadcast_in_dim3A_469 = vector.broadcast %broadcast_in_dim3A_468 : i32 to vector<16xi32>
        %add3A_470 = arith.constant 32 : i32
        %add3A_471 = arith.addi %add3A_470, %scan3A_467 : i32
        %mul3A_472 = vector.broadcast %add3A_471 : i32 to vector<16xi32>
        %mul3A_473 = arith.muli %broadcast_in_dim3A_469, %mul3A_472 : vector<16xi32>
        %gather3A_474 = tpu.vector_load_idx %arg12[%add3A_188, %mul3A_473] : memref<128x64xf32, #tpu.memory_space<vmem>>[vector<16xi32>, vector<16xi32>], vector<16xf32>,
        %gather3A_475 = tpu.vector_load_idx %arg11[%add3A_188, %mul3A_473] : memref<128x80xf32, #tpu.memory_space<vmem>>[vector<16xi32>, vector<16xi32>], vector<16xf32>,
        %add3A_476 = arith.addf %gather3A_474, %gather3A_475 : vector<16xf32>
        %mul3A_477 = arith.mulf %add3A_476, %exp3A_228 : vector<16xf32>
        tpu.vector_store_idx %arg13[%add3A_188, %mul3A_473], %mul3A_477 : memref<128x80xf32, #tpu.memory_space<vmem>>[vector<16xi32>, vector<16xi32>], vector<16xf32>,
        %scan3A_478 = arith.constant 2 : i32
        %scan3A_479 = arith.addi %scan3A_455, %scan3A_478 : i32
        %broadcast_in_dim3A_480 = arith.constant 1 : i32
        %broadcast_in_dim3A_481 = vector.broadcast %broadcast_in_dim3A_480 : i32 to vector<16xi32>
        %add3A_482 = arith.constant 32 : i32
        %add3A_483 = arith.addi %add3A_482, %scan3A_479 : i32
        %mul3A_484 = vector.broadcast %add3A_483 : i32 to vector<16xi32>
        %mul3A_485 = arith.muli %broadcast_in_dim3A_481, %mul3A_484 : vector<16xi32>
        %gather3A_486 = tpu.vector_load_idx %arg12[%add3A_188, %mul3A_485] : memref<128x64xf32, #tpu.memory_space<vmem>>[vector<16xi32>, vector<16xi32>], vector<16xf32>,
        %gather3A_487 = tpu.vector_load_idx %arg11[%add3A_188, %mul3A_485] : memref<128x80xf32, #tpu.memory_space<vmem>>[vector<16xi32>, vector<16xi32>], vector<16xf32>,
        %add3A_488 = arith.addf %gather3A_486, %gather3A_487 : vector<16xf32>
        %mul3A_489 = arith.mulf %add3A_488, %exp3A_228 : vector<16xf32>
        tpu.vector_store_idx %arg13[%add3A_188, %mul3A_485], %mul3A_489 : memref<128x80xf32, #tpu.memory_space<vmem>>[vector<16xi32>, vector<16xi32>], vector<16xf32>,
        %scan3A_490 = arith.constant 3 : i32
        %scan3A_491 = arith.addi %scan3A_455, %scan3A_490 : i32
        %broadcast_in_dim3A_492 = arith.constant 1 : i32
        %broadcast_in_dim3A_493 = vector.broadcast %broadcast_in_dim3A_492 : i32 to vector<16xi32>
        %add3A_494 = arith.constant 32 : i32
        %add3A_495 = arith.addi %add3A_494, %scan3A_491 : i32
        %mul3A_496 = vector.broadcast %add3A_495 : i32 to vector<16xi32>
        %mul3A_497 = arith.muli %broadcast_in_dim3A_493, %mul3A_496 : vector<16xi32>
        %gather3A_498 = tpu.vector_load_idx %arg12[%add3A_188, %mul3A_497] : memref<128x64xf32, #tpu.memory_space<vmem>>[vector<16xi32>, vector<16xi32>], vector<16xf32>,
        %gather3A_499 = tpu.vector_load_idx %arg11[%add3A_188, %mul3A_497] : memref<128x80xf32, #tpu.memory_space<vmem>>[vector<16xi32>, vector<16xi32>], vector<16xf32>,
        %add3A_500 = arith.addf %gather3A_498, %gather3A_499 : vector<16xf32>
        %mul3A_501 = arith.mulf %add3A_500, %exp3A_228 : vector<16xf32>
        tpu.vector_store_idx %arg13[%add3A_188, %mul3A_497], %mul3A_501 : memref<128x80xf32, #tpu.memory_space<vmem>>[vector<16xi32>, vector<16xi32>], vector<16xf32>,
      }
      %scan3A_238 = arith.constant 32 : i32
      %iota3A_239 = tpu.iota {dimensions = array<i32: 0>} : vector<16xi32>
      %add3A_240 = arith.constant 64 : i32
      %add3A_241 = vector.broadcast %add3A_240 : i32 to vector<16xi32>
      %add3A_242 = arith.addi %iota3A_239, %add3A_241 : vector<16xi32>
      %get3A_243 = arith.constant 64 : index
      %get3A_244 = tpu.vector_load %arg14[%get3A_243] {strides = array<i32>} : memref<128xi32, #tpu.memory_space<vmem>>, vector<16xi32>,
      %broadcast_in_dim3A_245 = arith.constant 64 : i32
      %broadcast_in_dim3A_246 = vector.broadcast %broadcast_in_dim3A_245 : i32 to vector<16xi32>
      %mul3A_247 = arith.constant 2 : i32
      %mul3A_248 = vector.broadcast %mul3A_247 : i32 to vector<16xi32>
      %mul3A_249 = arith.muli %get3A_244, %mul3A_248 : vector<16xi32>
      %add3A_250 = arith.constant 0 : i32
      %add3A_251 = vector.broadcast %add3A_250 : i32 to vector<16xi32>
      %add3A_252 = arith.addi %mul3A_249, %add3A_251 : vector<16xi32>
      %gather3A_253 = tpu.vector_load_idx %arg10[%add3A_252] : memref<20000xf32, #tpu.memory_space<vmem>>[vector<16xi32>], vector<16xf32>,
      %gather3A_254 = tpu.vector_load_idx %arg11[%add3A_242, %broadcast_in_dim3A_246] : memref<128x80xf32, #tpu.memory_space<vmem>>[vector<16xi32>, vector<16xi32>], vector<16xf32>,
      %add3A_255 = arith.addf %gather3A_253, %gather3A_254 : vector<16xf32>
      %ge3A_256 = arith.constant 0.000000e+00 : f32
      %ge3A_257 = vector.broadcast %ge3A_256 : f32 to vector<16xf32>
      %ge3A_258 = arith.cmpf oge, %add3A_255, %ge3A_257 : vector<16xf32>
      %mul3A_259 = arith.constant 2.000000e-01 : f32
      %mul3A_260 = vector.broadcast %mul3A_259 : f32 to vector<16xf32>
      %mul3A_261 = arith.mulf %mul3A_260, %add3A_255 : vector<16xf32>
      %select_n3A_262 = arith.select %ge3A_258, %add3A_255, %mul3A_261 : vector<16xi1>, vector<16xf32>
      %exp3A_263 = math.exp %select_n3A_262 : vector<16xf32>
      tpu.vector_store_idx %arg13[%add3A_242, %broadcast_in_dim3A_246], %exp3A_263 : memref<128x80xf32, #tpu.memory_space<vmem>>[vector<16xi32>, vector<16xi32>], vector<16xf32>,
      %broadcast_in_dim3A_264 = arith.constant 65 : i32
      %broadcast_in_dim3A_265 = vector.broadcast %broadcast_in_dim3A_264 : i32 to vector<16xi32>
      %mul3A_266 = arith.constant 2 : i32
      %mul3A_267 = vector.broadcast %mul3A_266 : i32 to vector<16xi32>
      %mul3A_268 = arith.muli %get3A_244, %mul3A_267 : vector<16xi32>
      %add3A_269 = arith.constant 1 : i32
      %add3A_270 = vector.broadcast %add3A_269 : i32 to vector<16xi32>
      %add3A_271 = arith.addi %mul3A_268, %add3A_270 : vector<16xi32>
      %gather3A_272 = tpu.vector_load_idx %arg10[%add3A_271] : memref<20000xf32, #tpu.memory_space<vmem>>[vector<16xi32>], vector<16xf32>,
      %gather3A_273 = tpu.vector_load_idx %arg11[%add3A_242, %broadcast_in_dim3A_265] : memref<128x80xf32, #tpu.memory_space<vmem>>[vector<16xi32>, vector<16xi32>], vector<16xf32>,
      %add3A_274 = arith.addf %gather3A_272, %gather3A_273 : vector<16xf32>
      %ge3A_275 = arith.constant 0.000000e+00 : f32
      %ge3A_276 = vector.broadcast %ge3A_275 : f32 to vector<16xf32>
      %ge3A_277 = arith.cmpf oge, %add3A_274, %ge3A_276 : vector<16xf32>
      %mul3A_278 = arith.constant 2.000000e-01 : f32
      %mul3A_279 = vector.broadcast %mul3A_278 : f32 to vector<16xf32>
      %mul3A_280 = arith.mulf %mul3A_279, %add3A_274 : vector<16xf32>
      %select_n3A_281 = arith.select %ge3A_277, %add3A_274, %mul3A_280 : vector<16xi1>, vector<16xf32>
      %exp3A_282 = math.exp %select_n3A_281 : vector<16xf32>
      tpu.vector_store_idx %arg13[%add3A_242, %broadcast_in_dim3A_265], %exp3A_282 : memref<128x80xf32, #tpu.memory_space<vmem>>[vector<16xi32>, vector<16xi32>], vector<16xf32>,
      %scan3A_283 = arith.constant 0 : i32
      %scan3A_284 = arith.constant 32 : i32
      %scan3A_285 = arith.addi %scan3A_283, %scan3A_284 : i32
      %scan3A_286 = arith.constant 4 : i32
      scf.for %scan3A_455 = %scan3A_283 to %scan3A_285 step %scan3A_286  : i32 {
        %broadcast_in_dim3A_456 = arith.constant 1 : i32
        %broadcast_in_dim3A_457 = vector.broadcast %broadcast_in_dim3A_456 : i32 to vector<16xi32>
        %add3A_458 = arith.constant 0 : i32
        %add3A_459 = arith.addi %add3A_458, %scan3A_455 : i32
        %mul3A_460 = vector.broadcast %add3A_459 : i32 to vector<16xi32>
        %mul3A_461 = arith.muli %broadcast_in_dim3A_457, %mul3A_460 : vector<16xi32>
        %gather3A_462 = tpu.vector_load_idx %arg12[%add3A_242, %mul3A_461] : memref<128x64xf32, #tpu.memory_space<vmem>>[vector<16xi32>, vector<16xi32>], vector<16xf32>,
        %gather3A_463 = tpu.vector_load_idx %arg11[%add3A_242, %mul3A_461] : memref<128x80xf32, #tpu.memory_space<vmem>>[vector<16xi32>, vector<16xi32>], vector<16xf32>,
        %add3A_464 = arith.addf %gather3A_462, %gather3A_463 : vector<16xf32>
        %mul3A_465 = arith.mulf %add3A_464, %exp3A_263 : vector<16xf32>
        tpu.vector_store_idx %arg13[%add3A_242, %mul3A_461], %mul3A_465 : memref<128x80xf32, #tpu.memory_space<vmem>>[vector<16xi32>, vector<16xi32>], vector<16xf32>,
        %scan3A_466 = arith.constant 1 : i32
        %scan3A_467 = arith.addi %scan3A_455, %scan3A_466 : i32
        %broadcast_in_dim3A_468 = arith.constant 1 : i32
        %broadcast_in_dim3A_469 = vector.broadcast %broadcast_in_dim3A_468 : i32 to vector<16xi32>
        %add3A_470 = arith.constant 0 : i32
        %add3A_471 = arith.addi %add3A_470, %scan3A_467 : i32
        %mul3A_472 = vector.broadcast %add3A_471 : i32 to vector<16xi32>
        %mul3A_473 = arith.muli %broadcast_in_dim3A_469, %mul3A_472 : vector<16xi32>
        %gather3A_474 = tpu.vector_load_idx %arg12[%add3A_242, %mul3A_473] : memref<128x64xf32, #tpu.memory_space<vmem>>[vector<16xi32>, vector<16xi32>], vector<16xf32>,
        %gather3A_475 = tpu.vector_load_idx %arg11[%add3A_242, %mul3A_473] : memref<128x80xf32, #tpu.memory_space<vmem>>[vector<16xi32>, vector<16xi32>], vector<16xf32>,
        %add3A_476 = arith.addf %gather3A_474, %gather3A_475 : vector<16xf32>
        %mul3A_477 = arith.mulf %add3A_476, %exp3A_263 : vector<16xf32>
        tpu.vector_store_idx %arg13[%add3A_242, %mul3A_473], %mul3A_477 : memref<128x80xf32, #tpu.memory_space<vmem>>[vector<16xi32>, vector<16xi32>], vector<16xf32>,
        %scan3A_478 = arith.constant 2 : i32
        %scan3A_479 = arith.addi %scan3A_455, %scan3A_478 : i32
        %broadcast_in_dim3A_480 = arith.constant 1 : i32
        %broadcast_in_dim3A_481 = vector.broadcast %broadcast_in_dim3A_480 : i32 to vector<16xi32>
        %add3A_482 = arith.constant 0 : i32
        %add3A_483 = arith.addi %add3A_482, %scan3A_479 : i32
        %mul3A_484 = vector.broadcast %add3A_483 : i32 to vector<16xi32>
        %mul3A_485 = arith.muli %broadcast_in_dim3A_481, %mul3A_484 : vector<16xi32>
        %gather3A_486 = tpu.vector_load_idx %arg12[%add3A_242, %mul3A_485] : memref<128x64xf32, #tpu.memory_space<vmem>>[vector<16xi32>, vector<16xi32>], vector<16xf32>,
        %gather3A_487 = tpu.vector_load_idx %arg11[%add3A_242, %mul3A_485] : memref<128x80xf32, #tpu.memory_space<vmem>>[vector<16xi32>, vector<16xi32>], vector<16xf32>,
        %add3A_488 = arith.addf %gather3A_486, %gather3A_487 : vector<16xf32>
        %mul3A_489 = arith.mulf %add3A_488, %exp3A_263 : vector<16xf32>
        tpu.vector_store_idx %arg13[%add3A_242, %mul3A_485], %mul3A_489 : memref<128x80xf32, #tpu.memory_space<vmem>>[vector<16xi32>, vector<16xi32>], vector<16xf32>,
        %scan3A_490 = arith.constant 3 : i32
        %scan3A_491 = arith.addi %scan3A_455, %scan3A_490 : i32
        %broadcast_in_dim3A_492 = arith.constant 1 : i32
        %broadcast_in_dim3A_493 = vector.broadcast %broadcast_in_dim3A_492 : i32 to vector<16xi32>
        %add3A_494 = arith.constant 0 : i32
        %add3A_495 = arith.addi %add3A_494, %scan3A_491 : i32
        %mul3A_496 = vector.broadcast %add3A_495 : i32 to vector<16xi32>
        %mul3A_497 = arith.muli %broadcast_in_dim3A_493, %mul3A_496 : vector<16xi32>
        %gather3A_498 = tpu.vector_load_idx %arg12[%add3A_242, %mul3A_497] : memref<128x64xf32, #tpu.memory_space<vmem>>[vector<16xi32>, vector<16xi32>], vector<16xf32>,
        %gather3A_499 = tpu.vector_load_idx %arg11[%add3A_242, %mul3A_497] : memref<128x80xf32, #tpu.memory_space<vmem>>[vector<16xi32>, vector<16xi32>], vector<16xf32>,
        %add3A_500 = arith.addf %gather3A_498, %gather3A_499 : vector<16xf32>
        %mul3A_501 = arith.mulf %add3A_500, %exp3A_263 : vector<16xf32>
        tpu.vector_store_idx %arg13[%add3A_242, %mul3A_497], %mul3A_501 : memref<128x80xf32, #tpu.memory_space<vmem>>[vector<16xi32>, vector<16xi32>], vector<16xf32>,
      }
      %scan3A_287 = arith.constant 32 : i32
      %scan3A_288 = arith.constant 0 : i32
      %scan3A_289 = arith.constant 32 : i32
      %scan3A_290 = arith.addi %scan3A_288, %scan3A_289 : i32
      %scan3A_291 = arith.constant 4 : i32
      scf.for %scan3A_455 = %scan3A_288 to %scan3A_290 step %scan3A_291  : i32 {
        %broadcast_in_dim3A_456 = arith.constant 1 : i32
        %broadcast_in_dim3A_457 = vector.broadcast %broadcast_in_dim3A_456 : i32 to vector<16xi32>
        %add3A_458 = arith.constant 32 : i32
        %add3A_459 = arith.addi %add3A_458, %scan3A_455 : i32
        %mul3A_460 = vector.broadcast %add3A_459 : i32 to vector<16xi32>
        %mul3A_461 = arith.muli %broadcast_in_dim3A_457, %mul3A_460 : vector<16xi32>
        %gather3A_462 = tpu.vector_load_idx %arg12[%add3A_242, %mul3A_461] : memref<128x64xf32, #tpu.memory_space<vmem>>[vector<16xi32>, vector<16xi32>], vector<16xf32>,
        %gather3A_463 = tpu.vector_load_idx %arg11[%add3A_242, %mul3A_461] : memref<128x80xf32, #tpu.memory_space<vmem>>[vector<16xi32>, vector<16xi32>], vector<16xf32>,
        %add3A_464 = arith.addf %gather3A_462, %gather3A_463 : vector<16xf32>
        %mul3A_465 = arith.mulf %add3A_464, %exp3A_282 : vector<16xf32>
        tpu.vector_store_idx %arg13[%add3A_242, %mul3A_461], %mul3A_465 : memref<128x80xf32, #tpu.memory_space<vmem>>[vector<16xi32>, vector<16xi32>], vector<16xf32>,
        %scan3A_466 = arith.constant 1 : i32
        %scan3A_467 = arith.addi %scan3A_455, %scan3A_466 : i32
        %broadcast_in_dim3A_468 = arith.constant 1 : i32
        %broadcast_in_dim3A_469 = vector.broadcast %broadcast_in_dim3A_468 : i32 to vector<16xi32>
        %add3A_470 = arith.constant 32 : i32
        %add3A_471 = arith.addi %add3A_470, %scan3A_467 : i32
        %mul3A_472 = vector.broadcast %add3A_471 : i32 to vector<16xi32>
        %mul3A_473 = arith.muli %broadcast_in_dim3A_469, %mul3A_472 : vector<16xi32>
        %gather3A_474 = tpu.vector_load_idx %arg12[%add3A_242, %mul3A_473] : memref<128x64xf32, #tpu.memory_space<vmem>>[vector<16xi32>, vector<16xi32>], vector<16xf32>,
        %gather3A_475 = tpu.vector_load_idx %arg11[%add3A_242, %mul3A_473] : memref<128x80xf32, #tpu.memory_space<vmem>>[vector<16xi32>, vector<16xi32>], vector<16xf32>,
        %add3A_476 = arith.addf %gather3A_474, %gather3A_475 : vector<16xf32>
        %mul3A_477 = arith.mulf %add3A_476, %exp3A_282 : vector<16xf32>
        tpu.vector_store_idx %arg13[%add3A_242, %mul3A_473], %mul3A_477 : memref<128x80xf32, #tpu.memory_space<vmem>>[vector<16xi32>, vector<16xi32>], vector<16xf32>,
        %scan3A_478 = arith.constant 2 : i32
        %scan3A_479 = arith.addi %scan3A_455, %scan3A_478 : i32
        %broadcast_in_dim3A_480 = arith.constant 1 : i32
        %broadcast_in_dim3A_481 = vector.broadcast %broadcast_in_dim3A_480 : i32 to vector<16xi32>
        %add3A_482 = arith.constant 32 : i32
        %add3A_483 = arith.addi %add3A_482, %scan3A_479 : i32
        %mul3A_484 = vector.broadcast %add3A_483 : i32 to vector<16xi32>
        %mul3A_485 = arith.muli %broadcast_in_dim3A_481, %mul3A_484 : vector<16xi32>
        %gather3A_486 = tpu.vector_load_idx %arg12[%add3A_242, %mul3A_485] : memref<128x64xf32, #tpu.memory_space<vmem>>[vector<16xi32>, vector<16xi32>], vector<16xf32>,
        %gather3A_487 = tpu.vector_load_idx %arg11[%add3A_242, %mul3A_485] : memref<128x80xf32, #tpu.memory_space<vmem>>[vector<16xi32>, vector<16xi32>], vector<16xf32>,
        %add3A_488 = arith.addf %gather3A_486, %gather3A_487 : vector<16xf32>
        %mul3A_489 = arith.mulf %add3A_488, %exp3A_282 : vector<16xf32>
        tpu.vector_store_idx %arg13[%add3A_242, %mul3A_485], %mul3A_489 : memref<128x80xf32, #tpu.memory_space<vmem>>[vector<16xi32>, vector<16xi32>], vector<16xf32>,
        %scan3A_490 = arith.constant 3 : i32
        %scan3A_491 = arith.addi %scan3A_455, %scan3A_490 : i32
        %broadcast_in_dim3A_492 = arith.constant 1 : i32
        %broadcast_in_dim3A_493 = vector.broadcast %broadcast_in_dim3A_492 : i32 to vector<16xi32>
        %add3A_494 = arith.constant 32 : i32
        %add3A_495 = arith.addi %add3A_494, %scan3A_491 : i32
        %mul3A_496 = vector.broadcast %add3A_495 : i32 to vector<16xi32>
        %mul3A_497 = arith.muli %broadcast_in_dim3A_493, %mul3A_496 : vector<16xi32>
        %gather3A_498 = tpu.vector_load_idx %arg12[%add3A_242, %mul3A_497] : memref<128x64xf32, #tpu.memory_space<vmem>>[vector<16xi32>, vector<16xi32>], vector<16xf32>,
        %gather3A_499 = tpu.vector_load_idx %arg11[%add3A_242, %mul3A_497] : memref<128x80xf32, #tpu.memory_space<vmem>>[vector<16xi32>, vector<16xi32>], vector<16xf32>,
        %add3A_500 = arith.addf %gather3A_498, %gather3A_499 : vector<16xf32>
        %mul3A_501 = arith.mulf %add3A_500, %exp3A_282 : vector<16xf32>
        tpu.vector_store_idx %arg13[%add3A_242, %mul3A_497], %mul3A_501 : memref<128x80xf32, #tpu.memory_space<vmem>>[vector<16xi32>, vector<16xi32>], vector<16xf32>,
      }
      %scan3A_292 = arith.constant 32 : i32
      %iota3A_293 = tpu.iota {dimensions = array<i32: 0>} : vector<16xi32>
      %add3A_294 = arith.constant 80 : i32
      %add3A_295 = vector.broadcast %add3A_294 : i32 to vector<16xi32>
      %add3A_296 = arith.addi %iota3A_293, %add3A_295 : vector<16xi32>
      %get3A_297 = arith.constant 80 : index
      %get3A_298 = tpu.vector_load %arg14[%get3A_297] {strides = array<i32>} : memref<128xi32, #tpu.memory_space<vmem>>, vector<16xi32>,
      %broadcast_in_dim3A_299 = arith.constant 64 : i32
      %broadcast_in_dim3A_300 = vector.broadcast %broadcast_in_dim3A_299 : i32 to vector<16xi32>
      %mul3A_301 = arith.constant 2 : i32
      %mul3A_302 = vector.broadcast %mul3A_301 : i32 to vector<16xi32>
      %mul3A_303 = arith.muli %get3A_298, %mul3A_302 : vector<16xi32>
      %add3A_304 = arith.constant 0 : i32
      %add3A_305 = vector.broadcast %add3A_304 : i32 to vector<16xi32>
      %add3A_306 = arith.addi %mul3A_303, %add3A_305 : vector<16xi32>
      %gather3A_307 = tpu.vector_load_idx %arg10[%add3A_306] : memref<20000xf32, #tpu.memory_space<vmem>>[vector<16xi32>], vector<16xf32>,
      %gather3A_308 = tpu.vector_load_idx %arg11[%add3A_296, %broadcast_in_dim3A_300] : memref<128x80xf32, #tpu.memory_space<vmem>>[vector<16xi32>, vector<16xi32>], vector<16xf32>,
      %add3A_309 = arith.addf %gather3A_307, %gather3A_308 : vector<16xf32>
      %ge3A_310 = arith.constant 0.000000e+00 : f32
      %ge3A_311 = vector.broadcast %ge3A_310 : f32 to vector<16xf32>
      %ge3A_312 = arith.cmpf oge, %add3A_309, %ge3A_311 : vector<16xf32>
      %mul3A_313 = arith.constant 2.000000e-01 : f32
      %mul3A_314 = vector.broadcast %mul3A_313 : f32 to vector<16xf32>
      %mul3A_315 = arith.mulf %mul3A_314, %add3A_309 : vector<16xf32>
      %select_n3A_316 = arith.select %ge3A_312, %add3A_309, %mul3A_315 : vector<16xi1>, vector<16xf32>
      %exp3A_317 = math.exp %select_n3A_316 : vector<16xf32>
      tpu.vector_store_idx %arg13[%add3A_296, %broadcast_in_dim3A_300], %exp3A_317 : memref<128x80xf32, #tpu.memory_space<vmem>>[vector<16xi32>, vector<16xi32>], vector<16xf32>,
      %broadcast_in_dim3A_318 = arith.constant 65 : i32
      %broadcast_in_dim3A_319 = vector.broadcast %broadcast_in_dim3A_318 : i32 to vector<16xi32>
      %mul3A_320 = arith.constant 2 : i32
      %mul3A_321 = vector.broadcast %mul3A_320 : i32 to vector<16xi32>
      %mul3A_322 = arith.muli %get3A_298, %mul3A_321 : vector<16xi32>
      %add3A_323 = arith.constant 1 : i32
      %add3A_324 = vector.broadcast %add3A_323 : i32 to vector<16xi32>
      %add3A_325 = arith.addi %mul3A_322, %add3A_324 : vector<16xi32>
      %gather3A_326 = tpu.vector_load_idx %arg10[%add3A_325] : memref<20000xf32, #tpu.memory_space<vmem>>[vector<16xi32>], vector<16xf32>,
      %gather3A_327 = tpu.vector_load_idx %arg11[%add3A_296, %broadcast_in_dim3A_319] : memref<128x80xf32, #tpu.memory_space<vmem>>[vector<16xi32>, vector<16xi32>], vector<16xf32>,
      %add3A_328 = arith.addf %gather3A_326, %gather3A_327 : vector<16xf32>
      %ge3A_329 = arith.constant 0.000000e+00 : f32
      %ge3A_330 = vector.broadcast %ge3A_329 : f32 to vector<16xf32>
      %ge3A_331 = arith.cmpf oge, %add3A_328, %ge3A_330 : vector<16xf32>
      %mul3A_332 = arith.constant 2.000000e-01 : f32
      %mul3A_333 = vector.broadcast %mul3A_332 : f32 to vector<16xf32>
      %mul3A_334 = arith.mulf %mul3A_333, %add3A_328 : vector<16xf32>
      %select_n3A_335 = arith.select %ge3A_331, %add3A_328, %mul3A_334 : vector<16xi1>, vector<16xf32>
      %exp3A_336 = math.exp %select_n3A_335 : vector<16xf32>
      tpu.vector_store_idx %arg13[%add3A_296, %broadcast_in_dim3A_319], %exp3A_336 : memref<128x80xf32, #tpu.memory_space<vmem>>[vector<16xi32>, vector<16xi32>], vector<16xf32>,
      %scan3A_337 = arith.constant 0 : i32
      %scan3A_338 = arith.constant 32 : i32
      %scan3A_339 = arith.addi %scan3A_337, %scan3A_338 : i32
      %scan3A_340 = arith.constant 4 : i32
      scf.for %scan3A_455 = %scan3A_337 to %scan3A_339 step %scan3A_340  : i32 {
        %broadcast_in_dim3A_456 = arith.constant 1 : i32
        %broadcast_in_dim3A_457 = vector.broadcast %broadcast_in_dim3A_456 : i32 to vector<16xi32>
        %add3A_458 = arith.constant 0 : i32
        %add3A_459 = arith.addi %add3A_458, %scan3A_455 : i32
        %mul3A_460 = vector.broadcast %add3A_459 : i32 to vector<16xi32>
        %mul3A_461 = arith.muli %broadcast_in_dim3A_457, %mul3A_460 : vector<16xi32>
        %gather3A_462 = tpu.vector_load_idx %arg12[%add3A_296, %mul3A_461] : memref<128x64xf32, #tpu.memory_space<vmem>>[vector<16xi32>, vector<16xi32>], vector<16xf32>,
        %gather3A_463 = tpu.vector_load_idx %arg11[%add3A_296, %mul3A_461] : memref<128x80xf32, #tpu.memory_space<vmem>>[vector<16xi32>, vector<16xi32>], vector<16xf32>,
        %add3A_464 = arith.addf %gather3A_462, %gather3A_463 : vector<16xf32>
        %mul3A_465 = arith.mulf %add3A_464, %exp3A_317 : vector<16xf32>
        tpu.vector_store_idx %arg13[%add3A_296, %mul3A_461], %mul3A_465 : memref<128x80xf32, #tpu.memory_space<vmem>>[vector<16xi32>, vector<16xi32>], vector<16xf32>,
        %scan3A_466 = arith.constant 1 : i32
        %scan3A_467 = arith.addi %scan3A_455, %scan3A_466 : i32
        %broadcast_in_dim3A_468 = arith.constant 1 : i32
        %broadcast_in_dim3A_469 = vector.broadcast %broadcast_in_dim3A_468 : i32 to vector<16xi32>
        %add3A_470 = arith.constant 0 : i32
        %add3A_471 = arith.addi %add3A_470, %scan3A_467 : i32
        %mul3A_472 = vector.broadcast %add3A_471 : i32 to vector<16xi32>
        %mul3A_473 = arith.muli %broadcast_in_dim3A_469, %mul3A_472 : vector<16xi32>
        %gather3A_474 = tpu.vector_load_idx %arg12[%add3A_296, %mul3A_473] : memref<128x64xf32, #tpu.memory_space<vmem>>[vector<16xi32>, vector<16xi32>], vector<16xf32>,
        %gather3A_475 = tpu.vector_load_idx %arg11[%add3A_296, %mul3A_473] : memref<128x80xf32, #tpu.memory_space<vmem>>[vector<16xi32>, vector<16xi32>], vector<16xf32>,
        %add3A_476 = arith.addf %gather3A_474, %gather3A_475 : vector<16xf32>
        %mul3A_477 = arith.mulf %add3A_476, %exp3A_317 : vector<16xf32>
        tpu.vector_store_idx %arg13[%add3A_296, %mul3A_473], %mul3A_477 : memref<128x80xf32, #tpu.memory_space<vmem>>[vector<16xi32>, vector<16xi32>], vector<16xf32>,
        %scan3A_478 = arith.constant 2 : i32
        %scan3A_479 = arith.addi %scan3A_455, %scan3A_478 : i32
        %broadcast_in_dim3A_480 = arith.constant 1 : i32
        %broadcast_in_dim3A_481 = vector.broadcast %broadcast_in_dim3A_480 : i32 to vector<16xi32>
        %add3A_482 = arith.constant 0 : i32
        %add3A_483 = arith.addi %add3A_482, %scan3A_479 : i32
        %mul3A_484 = vector.broadcast %add3A_483 : i32 to vector<16xi32>
        %mul3A_485 = arith.muli %broadcast_in_dim3A_481, %mul3A_484 : vector<16xi32>
        %gather3A_486 = tpu.vector_load_idx %arg12[%add3A_296, %mul3A_485] : memref<128x64xf32, #tpu.memory_space<vmem>>[vector<16xi32>, vector<16xi32>], vector<16xf32>,
        %gather3A_487 = tpu.vector_load_idx %arg11[%add3A_296, %mul3A_485] : memref<128x80xf32, #tpu.memory_space<vmem>>[vector<16xi32>, vector<16xi32>], vector<16xf32>,
        %add3A_488 = arith.addf %gather3A_486, %gather3A_487 : vector<16xf32>
        %mul3A_489 = arith.mulf %add3A_488, %exp3A_317 : vector<16xf32>
        tpu.vector_store_idx %arg13[%add3A_296, %mul3A_485], %mul3A_489 : memref<128x80xf32, #tpu.memory_space<vmem>>[vector<16xi32>, vector<16xi32>], vector<16xf32>,
        %scan3A_490 = arith.constant 3 : i32
        %scan3A_491 = arith.addi %scan3A_455, %scan3A_490 : i32
        %broadcast_in_dim3A_492 = arith.constant 1 : i32
        %broadcast_in_dim3A_493 = vector.broadcast %broadcast_in_dim3A_492 : i32 to vector<16xi32>
        %add3A_494 = arith.constant 0 : i32
        %add3A_495 = arith.addi %add3A_494, %scan3A_491 : i32
        %mul3A_496 = vector.broadcast %add3A_495 : i32 to vector<16xi32>
        %mul3A_497 = arith.muli %broadcast_in_dim3A_493, %mul3A_496 : vector<16xi32>
        %gather3A_498 = tpu.vector_load_idx %arg12[%add3A_296, %mul3A_497] : memref<128x64xf32, #tpu.memory_space<vmem>>[vector<16xi32>, vector<16xi32>], vector<16xf32>,
        %gather3A_499 = tpu.vector_load_idx %arg11[%add3A_296, %mul3A_497] : memref<128x80xf32, #tpu.memory_space<vmem>>[vector<16xi32>, vector<16xi32>], vector<16xf32>,
        %add3A_500 = arith.addf %gather3A_498, %gather3A_499 : vector<16xf32>
        %mul3A_501 = arith.mulf %add3A_500, %exp3A_317 : vector<16xf32>
        tpu.vector_store_idx %arg13[%add3A_296, %mul3A_497], %mul3A_501 : memref<128x80xf32, #tpu.memory_space<vmem>>[vector<16xi32>, vector<16xi32>], vector<16xf32>,
      }
      %scan3A_341 = arith.constant 32 : i32
      %scan3A_342 = arith.constant 0 : i32
      %scan3A_343 = arith.constant 32 : i32
      %scan3A_344 = arith.addi %scan3A_342, %scan3A_343 : i32
      %scan3A_345 = arith.constant 4 : i32
      scf.for %scan3A_455 = %scan3A_342 to %scan3A_344 step %scan3A_345  : i32 {
        %broadcast_in_dim3A_456 = arith.constant 1 : i32
        %broadcast_in_dim3A_457 = vector.broadcast %broadcast_in_dim3A_456 : i32 to vector<16xi32>
        %add3A_458 = arith.constant 32 : i32
        %add3A_459 = arith.addi %add3A_458, %scan3A_455 : i32
        %mul3A_460 = vector.broadcast %add3A_459 : i32 to vector<16xi32>
        %mul3A_461 = arith.muli %broadcast_in_dim3A_457, %mul3A_460 : vector<16xi32>
        %gather3A_462 = tpu.vector_load_idx %arg12[%add3A_296, %mul3A_461] : memref<128x64xf32, #tpu.memory_space<vmem>>[vector<16xi32>, vector<16xi32>], vector<16xf32>,
        %gather3A_463 = tpu.vector_load_idx %arg11[%add3A_296, %mul3A_461] : memref<128x80xf32, #tpu.memory_space<vmem>>[vector<16xi32>, vector<16xi32>], vector<16xf32>,
        %add3A_464 = arith.addf %gather3A_462, %gather3A_463 : vector<16xf32>
        %mul3A_465 = arith.mulf %add3A_464, %exp3A_336 : vector<16xf32>
        tpu.vector_store_idx %arg13[%add3A_296, %mul3A_461], %mul3A_465 : memref<128x80xf32, #tpu.memory_space<vmem>>[vector<16xi32>, vector<16xi32>], vector<16xf32>,
        %scan3A_466 = arith.constant 1 : i32
        %scan3A_467 = arith.addi %scan3A_455, %scan3A_466 : i32
        %broadcast_in_dim3A_468 = arith.constant 1 : i32
        %broadcast_in_dim3A_469 = vector.broadcast %broadcast_in_dim3A_468 : i32 to vector<16xi32>
        %add3A_470 = arith.constant 32 : i32
        %add3A_471 = arith.addi %add3A_470, %scan3A_467 : i32
        %mul3A_472 = vector.broadcast %add3A_471 : i32 to vector<16xi32>
        %mul3A_473 = arith.muli %broadcast_in_dim3A_469, %mul3A_472 : vector<16xi32>
        %gather3A_474 = tpu.vector_load_idx %arg12[%add3A_296, %mul3A_473] : memref<128x64xf32, #tpu.memory_space<vmem>>[vector<16xi32>, vector<16xi32>], vector<16xf32>,
        %gather3A_475 = tpu.vector_load_idx %arg11[%add3A_296, %mul3A_473] : memref<128x80xf32, #tpu.memory_space<vmem>>[vector<16xi32>, vector<16xi32>], vector<16xf32>,
        %add3A_476 = arith.addf %gather3A_474, %gather3A_475 : vector<16xf32>
        %mul3A_477 = arith.mulf %add3A_476, %exp3A_336 : vector<16xf32>
        tpu.vector_store_idx %arg13[%add3A_296, %mul3A_473], %mul3A_477 : memref<128x80xf32, #tpu.memory_space<vmem>>[vector<16xi32>, vector<16xi32>], vector<16xf32>,
        %scan3A_478 = arith.constant 2 : i32
        %scan3A_479 = arith.addi %scan3A_455, %scan3A_478 : i32
        %broadcast_in_dim3A_480 = arith.constant 1 : i32
        %broadcast_in_dim3A_481 = vector.broadcast %broadcast_in_dim3A_480 : i32 to vector<16xi32>
        %add3A_482 = arith.constant 32 : i32
        %add3A_483 = arith.addi %add3A_482, %scan3A_479 : i32
        %mul3A_484 = vector.broadcast %add3A_483 : i32 to vector<16xi32>
        %mul3A_485 = arith.muli %broadcast_in_dim3A_481, %mul3A_484 : vector<16xi32>
        %gather3A_486 = tpu.vector_load_idx %arg12[%add3A_296, %mul3A_485] : memref<128x64xf32, #tpu.memory_space<vmem>>[vector<16xi32>, vector<16xi32>], vector<16xf32>,
        %gather3A_487 = tpu.vector_load_idx %arg11[%add3A_296, %mul3A_485] : memref<128x80xf32, #tpu.memory_space<vmem>>[vector<16xi32>, vector<16xi32>], vector<16xf32>,
        %add3A_488 = arith.addf %gather3A_486, %gather3A_487 : vector<16xf32>
        %mul3A_489 = arith.mulf %add3A_488, %exp3A_336 : vector<16xf32>
        tpu.vector_store_idx %arg13[%add3A_296, %mul3A_485], %mul3A_489 : memref<128x80xf32, #tpu.memory_space<vmem>>[vector<16xi32>, vector<16xi32>], vector<16xf32>,
        %scan3A_490 = arith.constant 3 : i32
        %scan3A_491 = arith.addi %scan3A_455, %scan3A_490 : i32
        %broadcast_in_dim3A_492 = arith.constant 1 : i32
        %broadcast_in_dim3A_493 = vector.broadcast %broadcast_in_dim3A_492 : i32 to vector<16xi32>
        %add3A_494 = arith.constant 32 : i32
        %add3A_495 = arith.addi %add3A_494, %scan3A_491 : i32
        %mul3A_496 = vector.broadcast %add3A_495 : i32 to vector<16xi32>
        %mul3A_497 = arith.muli %broadcast_in_dim3A_493, %mul3A_496 : vector<16xi32>
        %gather3A_498 = tpu.vector_load_idx %arg12[%add3A_296, %mul3A_497] : memref<128x64xf32, #tpu.memory_space<vmem>>[vector<16xi32>, vector<16xi32>], vector<16xf32>,
        %gather3A_499 = tpu.vector_load_idx %arg11[%add3A_296, %mul3A_497] : memref<128x80xf32, #tpu.memory_space<vmem>>[vector<16xi32>, vector<16xi32>], vector<16xf32>,
        %add3A_500 = arith.addf %gather3A_498, %gather3A_499 : vector<16xf32>
        %mul3A_501 = arith.mulf %add3A_500, %exp3A_336 : vector<16xf32>
        tpu.vector_store_idx %arg13[%add3A_296, %mul3A_497], %mul3A_501 : memref<128x80xf32, #tpu.memory_space<vmem>>[vector<16xi32>, vector<16xi32>], vector<16xf32>,
      }
      %scan3A_346 = arith.constant 32 : i32
      %iota3A_347 = tpu.iota {dimensions = array<i32: 0>} : vector<16xi32>
      %add3A_348 = arith.constant 96 : i32
      %add3A_349 = vector.broadcast %add3A_348 : i32 to vector<16xi32>
      %add3A_350 = arith.addi %iota3A_347, %add3A_349 : vector<16xi32>
      %get3A_351 = arith.constant 96 : index
      %get3A_352 = tpu.vector_load %arg14[%get3A_351] {strides = array<i32>} : memref<128xi32, #tpu.memory_space<vmem>>, vector<16xi32>,
      %broadcast_in_dim3A_353 = arith.constant 64 : i32
      %broadcast_in_dim3A_354 = vector.broadcast %broadcast_in_dim3A_353 : i32 to vector<16xi32>
      %mul3A_355 = arith.constant 2 : i32
      %mul3A_356 = vector.broadcast %mul3A_355 : i32 to vector<16xi32>
      %mul3A_357 = arith.muli %get3A_352, %mul3A_356 : vector<16xi32>
      %add3A_358 = arith.constant 0 : i32
      %add3A_359 = vector.broadcast %add3A_358 : i32 to vector<16xi32>
      %add3A_360 = arith.addi %mul3A_357, %add3A_359 : vector<16xi32>
      %gather3A_361 = tpu.vector_load_idx %arg10[%add3A_360] : memref<20000xf32, #tpu.memory_space<vmem>>[vector<16xi32>], vector<16xf32>,
      %gather3A_362 = tpu.vector_load_idx %arg11[%add3A_350, %broadcast_in_dim3A_354] : memref<128x80xf32, #tpu.memory_space<vmem>>[vector<16xi32>, vector<16xi32>], vector<16xf32>,
      %add3A_363 = arith.addf %gather3A_361, %gather3A_362 : vector<16xf32>
      %ge3A_364 = arith.constant 0.000000e+00 : f32
      %ge3A_365 = vector.broadcast %ge3A_364 : f32 to vector<16xf32>
      %ge3A_366 = arith.cmpf oge, %add3A_363, %ge3A_365 : vector<16xf32>
      %mul3A_367 = arith.constant 2.000000e-01 : f32
      %mul3A_368 = vector.broadcast %mul3A_367 : f32 to vector<16xf32>
      %mul3A_369 = arith.mulf %mul3A_368, %add3A_363 : vector<16xf32>
      %select_n3A_370 = arith.select %ge3A_366, %add3A_363, %mul3A_369 : vector<16xi1>, vector<16xf32>
      %exp3A_371 = math.exp %select_n3A_370 : vector<16xf32>
      tpu.vector_store_idx %arg13[%add3A_350, %broadcast_in_dim3A_354], %exp3A_371 : memref<128x80xf32, #tpu.memory_space<vmem>>[vector<16xi32>, vector<16xi32>], vector<16xf32>,
      %broadcast_in_dim3A_372 = arith.constant 65 : i32
      %broadcast_in_dim3A_373 = vector.broadcast %broadcast_in_dim3A_372 : i32 to vector<16xi32>
      %mul3A_374 = arith.constant 2 : i32
      %mul3A_375 = vector.broadcast %mul3A_374 : i32 to vector<16xi32>
      %mul3A_376 = arith.muli %get3A_352, %mul3A_375 : vector<16xi32>
      %add3A_377 = arith.constant 1 : i32
      %add3A_378 = vector.broadcast %add3A_377 : i32 to vector<16xi32>
      %add3A_379 = arith.addi %mul3A_376, %add3A_378 : vector<16xi32>
      %gather3A_380 = tpu.vector_load_idx %arg10[%add3A_379] : memref<20000xf32, #tpu.memory_space<vmem>>[vector<16xi32>], vector<16xf32>,
      %gather3A_381 = tpu.vector_load_idx %arg11[%add3A_350, %broadcast_in_dim3A_373] : memref<128x80xf32, #tpu.memory_space<vmem>>[vector<16xi32>, vector<16xi32>], vector<16xf32>,
      %add3A_382 = arith.addf %gather3A_380, %gather3A_381 : vector<16xf32>
      %ge3A_383 = arith.constant 0.000000e+00 : f32
      %ge3A_384 = vector.broadcast %ge3A_383 : f32 to vector<16xf32>
      %ge3A_385 = arith.cmpf oge, %add3A_382, %ge3A_384 : vector<16xf32>
      %mul3A_386 = arith.constant 2.000000e-01 : f32
      %mul3A_387 = vector.broadcast %mul3A_386 : f32 to vector<16xf32>
      %mul3A_388 = arith.mulf %mul3A_387, %add3A_382 : vector<16xf32>
      %select_n3A_389 = arith.select %ge3A_385, %add3A_382, %mul3A_388 : vector<16xi1>, vector<16xf32>
      %exp3A_390 = math.exp %select_n3A_389 : vector<16xf32>
      tpu.vector_store_idx %arg13[%add3A_350, %broadcast_in_dim3A_373], %exp3A_390 : memref<128x80xf32, #tpu.memory_space<vmem>>[vector<16xi32>, vector<16xi32>], vector<16xf32>,
      %scan3A_391 = arith.constant 0 : i32
      %scan3A_392 = arith.constant 32 : i32
      %scan3A_393 = arith.addi %scan3A_391, %scan3A_392 : i32
      %scan3A_394 = arith.constant 4 : i32
      scf.for %scan3A_455 = %scan3A_391 to %scan3A_393 step %scan3A_394  : i32 {
        %broadcast_in_dim3A_456 = arith.constant 1 : i32
        %broadcast_in_dim3A_457 = vector.broadcast %broadcast_in_dim3A_456 : i32 to vector<16xi32>
        %add3A_458 = arith.constant 0 : i32
        %add3A_459 = arith.addi %add3A_458, %scan3A_455 : i32
        %mul3A_460 = vector.broadcast %add3A_459 : i32 to vector<16xi32>
        %mul3A_461 = arith.muli %broadcast_in_dim3A_457, %mul3A_460 : vector<16xi32>
        %gather3A_462 = tpu.vector_load_idx %arg12[%add3A_350, %mul3A_461] : memref<128x64xf32, #tpu.memory_space<vmem>>[vector<16xi32>, vector<16xi32>], vector<16xf32>,
        %gather3A_463 = tpu.vector_load_idx %arg11[%add3A_350, %mul3A_461] : memref<128x80xf32, #tpu.memory_space<vmem>>[vector<16xi32>, vector<16xi32>], vector<16xf32>,
        %add3A_464 = arith.addf %gather3A_462, %gather3A_463 : vector<16xf32>
        %mul3A_465 = arith.mulf %add3A_464, %exp3A_371 : vector<16xf32>
        tpu.vector_store_idx %arg13[%add3A_350, %mul3A_461], %mul3A_465 : memref<128x80xf32, #tpu.memory_space<vmem>>[vector<16xi32>, vector<16xi32>], vector<16xf32>,
        %scan3A_466 = arith.constant 1 : i32
        %scan3A_467 = arith.addi %scan3A_455, %scan3A_466 : i32
        %broadcast_in_dim3A_468 = arith.constant 1 : i32
        %broadcast_in_dim3A_469 = vector.broadcast %broadcast_in_dim3A_468 : i32 to vector<16xi32>
        %add3A_470 = arith.constant 0 : i32
        %add3A_471 = arith.addi %add3A_470, %scan3A_467 : i32
        %mul3A_472 = vector.broadcast %add3A_471 : i32 to vector<16xi32>
        %mul3A_473 = arith.muli %broadcast_in_dim3A_469, %mul3A_472 : vector<16xi32>
        %gather3A_474 = tpu.vector_load_idx %arg12[%add3A_350, %mul3A_473] : memref<128x64xf32, #tpu.memory_space<vmem>>[vector<16xi32>, vector<16xi32>], vector<16xf32>,
        %gather3A_475 = tpu.vector_load_idx %arg11[%add3A_350, %mul3A_473] : memref<128x80xf32, #tpu.memory_space<vmem>>[vector<16xi32>, vector<16xi32>], vector<16xf32>,
        %add3A_476 = arith.addf %gather3A_474, %gather3A_475 : vector<16xf32>
        %mul3A_477 = arith.mulf %add3A_476, %exp3A_371 : vector<16xf32>
        tpu.vector_store_idx %arg13[%add3A_350, %mul3A_473], %mul3A_477 : memref<128x80xf32, #tpu.memory_space<vmem>>[vector<16xi32>, vector<16xi32>], vector<16xf32>,
        %scan3A_478 = arith.constant 2 : i32
        %scan3A_479 = arith.addi %scan3A_455, %scan3A_478 : i32
        %broadcast_in_dim3A_480 = arith.constant 1 : i32
        %broadcast_in_dim3A_481 = vector.broadcast %broadcast_in_dim3A_480 : i32 to vector<16xi32>
        %add3A_482 = arith.constant 0 : i32
        %add3A_483 = arith.addi %add3A_482, %scan3A_479 : i32
        %mul3A_484 = vector.broadcast %add3A_483 : i32 to vector<16xi32>
        %mul3A_485 = arith.muli %broadcast_in_dim3A_481, %mul3A_484 : vector<16xi32>
        %gather3A_486 = tpu.vector_load_idx %arg12[%add3A_350, %mul3A_485] : memref<128x64xf32, #tpu.memory_space<vmem>>[vector<16xi32>, vector<16xi32>], vector<16xf32>,
        %gather3A_487 = tpu.vector_load_idx %arg11[%add3A_350, %mul3A_485] : memref<128x80xf32, #tpu.memory_space<vmem>>[vector<16xi32>, vector<16xi32>], vector<16xf32>,
        %add3A_488 = arith.addf %gather3A_486, %gather3A_487 : vector<16xf32>
        %mul3A_489 = arith.mulf %add3A_488, %exp3A_371 : vector<16xf32>
        tpu.vector_store_idx %arg13[%add3A_350, %mul3A_485], %mul3A_489 : memref<128x80xf32, #tpu.memory_space<vmem>>[vector<16xi32>, vector<16xi32>], vector<16xf32>,
        %scan3A_490 = arith.constant 3 : i32
        %scan3A_491 = arith.addi %scan3A_455, %scan3A_490 : i32
        %broadcast_in_dim3A_492 = arith.constant 1 : i32
        %broadcast_in_dim3A_493 = vector.broadcast %broadcast_in_dim3A_492 : i32 to vector<16xi32>
        %add3A_494 = arith.constant 0 : i32
        %add3A_495 = arith.addi %add3A_494, %scan3A_491 : i32
        %mul3A_496 = vector.broadcast %add3A_495 : i32 to vector<16xi32>
        %mul3A_497 = arith.muli %broadcast_in_dim3A_493, %mul3A_496 : vector<16xi32>
        %gather3A_498 = tpu.vector_load_idx %arg12[%add3A_350, %mul3A_497] : memref<128x64xf32, #tpu.memory_space<vmem>>[vector<16xi32>, vector<16xi32>], vector<16xf32>,
        %gather3A_499 = tpu.vector_load_idx %arg11[%add3A_350, %mul3A_497] : memref<128x80xf32, #tpu.memory_space<vmem>>[vector<16xi32>, vector<16xi32>], vector<16xf32>,
        %add3A_500 = arith.addf %gather3A_498, %gather3A_499 : vector<16xf32>
        %mul3A_501 = arith.mulf %add3A_500, %exp3A_371 : vector<16xf32>
        tpu.vector_store_idx %arg13[%add3A_350, %mul3A_497], %mul3A_501 : memref<128x80xf32, #tpu.memory_space<vmem>>[vector<16xi32>, vector<16xi32>], vector<16xf32>,
      }
      %scan3A_395 = arith.constant 32 : i32
      %scan3A_396 = arith.constant 0 : i32
      %scan3A_397 = arith.constant 32 : i32
      %scan3A_398 = arith.addi %scan3A_396, %scan3A_397 : i32
      %scan3A_399 = arith.constant 4 : i32
      scf.for %scan3A_455 = %scan3A_396 to %scan3A_398 step %scan3A_399  : i32 {
        %broadcast_in_dim3A_456 = arith.constant 1 : i32
        %broadcast_in_dim3A_457 = vector.broadcast %broadcast_in_dim3A_456 : i32 to vector<16xi32>
        %add3A_458 = arith.constant 32 : i32
        %add3A_459 = arith.addi %add3A_458, %scan3A_455 : i32
        %mul3A_460 = vector.broadcast %add3A_459 : i32 to vector<16xi32>
        %mul3A_461 = arith.muli %broadcast_in_dim3A_457, %mul3A_460 : vector<16xi32>
        %gather3A_462 = tpu.vector_load_idx %arg12[%add3A_350, %mul3A_461] : memref<128x64xf32, #tpu.memory_space<vmem>>[vector<16xi32>, vector<16xi32>], vector<16xf32>,
        %gather3A_463 = tpu.vector_load_idx %arg11[%add3A_350, %mul3A_461] : memref<128x80xf32, #tpu.memory_space<vmem>>[vector<16xi32>, vector<16xi32>], vector<16xf32>,
        %add3A_464 = arith.addf %gather3A_462, %gather3A_463 : vector<16xf32>
        %mul3A_465 = arith.mulf %add3A_464, %exp3A_390 : vector<16xf32>
        tpu.vector_store_idx %arg13[%add3A_350, %mul3A_461], %mul3A_465 : memref<128x80xf32, #tpu.memory_space<vmem>>[vector<16xi32>, vector<16xi32>], vector<16xf32>,
        %scan3A_466 = arith.constant 1 : i32
        %scan3A_467 = arith.addi %scan3A_455, %scan3A_466 : i32
        %broadcast_in_dim3A_468 = arith.constant 1 : i32
        %broadcast_in_dim3A_469 = vector.broadcast %broadcast_in_dim3A_468 : i32 to vector<16xi32>
        %add3A_470 = arith.constant 32 : i32
        %add3A_471 = arith.addi %add3A_470, %scan3A_467 : i32
        %mul3A_472 = vector.broadcast %add3A_471 : i32 to vector<16xi32>
        %mul3A_473 = arith.muli %broadcast_in_dim3A_469, %mul3A_472 : vector<16xi32>
        %gather3A_474 = tpu.vector_load_idx %arg12[%add3A_350, %mul3A_473] : memref<128x64xf32, #tpu.memory_space<vmem>>[vector<16xi32>, vector<16xi32>], vector<16xf32>,
        %gather3A_475 = tpu.vector_load_idx %arg11[%add3A_350, %mul3A_473] : memref<128x80xf32, #tpu.memory_space<vmem>>[vector<16xi32>, vector<16xi32>], vector<16xf32>,
        %add3A_476 = arith.addf %gather3A_474, %gather3A_475 : vector<16xf32>
        %mul3A_477 = arith.mulf %add3A_476, %exp3A_390 : vector<16xf32>
        tpu.vector_store_idx %arg13[%add3A_350, %mul3A_473], %mul3A_477 : memref<128x80xf32, #tpu.memory_space<vmem>>[vector<16xi32>, vector<16xi32>], vector<16xf32>,
        %scan3A_478 = arith.constant 2 : i32
        %scan3A_479 = arith.addi %scan3A_455, %scan3A_478 : i32
        %broadcast_in_dim3A_480 = arith.constant 1 : i32
        %broadcast_in_dim3A_481 = vector.broadcast %broadcast_in_dim3A_480 : i32 to vector<16xi32>
        %add3A_482 = arith.constant 32 : i32
        %add3A_483 = arith.addi %add3A_482, %scan3A_479 : i32
        %mul3A_484 = vector.broadcast %add3A_483 : i32 to vector<16xi32>
        %mul3A_485 = arith.muli %broadcast_in_dim3A_481, %mul3A_484 : vector<16xi32>
        %gather3A_486 = tpu.vector_load_idx %arg12[%add3A_350, %mul3A_485] : memref<128x64xf32, #tpu.memory_space<vmem>>[vector<16xi32>, vector<16xi32>], vector<16xf32>,
        %gather3A_487 = tpu.vector_load_idx %arg11[%add3A_350, %mul3A_485] : memref<128x80xf32, #tpu.memory_space<vmem>>[vector<16xi32>, vector<16xi32>], vector<16xf32>,
        %add3A_488 = arith.addf %gather3A_486, %gather3A_487 : vector<16xf32>
        %mul3A_489 = arith.mulf %add3A_488, %exp3A_390 : vector<16xf32>
        tpu.vector_store_idx %arg13[%add3A_350, %mul3A_485], %mul3A_489 : memref<128x80xf32, #tpu.memory_space<vmem>>[vector<16xi32>, vector<16xi32>], vector<16xf32>,
        %scan3A_490 = arith.constant 3 : i32
        %scan3A_491 = arith.addi %scan3A_455, %scan3A_490 : i32
        %broadcast_in_dim3A_492 = arith.constant 1 : i32
        %broadcast_in_dim3A_493 = vector.broadcast %broadcast_in_dim3A_492 : i32 to vector<16xi32>
        %add3A_494 = arith.constant 32 : i32
        %add3A_495 = arith.addi %add3A_494, %scan3A_491 : i32
        %mul3A_496 = vector.broadcast %add3A_495 : i32 to vector<16xi32>
        %mul3A_497 = arith.muli %broadcast_in_dim3A_493, %mul3A_496 : vector<16xi32>
        %gather3A_498 = tpu.vector_load_idx %arg12[%add3A_350, %mul3A_497] : memref<128x64xf32, #tpu.memory_space<vmem>>[vector<16xi32>, vector<16xi32>], vector<16xf32>,
        %gather3A_499 = tpu.vector_load_idx %arg11[%add3A_350, %mul3A_497] : memref<128x80xf32, #tpu.memory_space<vmem>>[vector<16xi32>, vector<16xi32>], vector<16xf32>,
        %add3A_500 = arith.addf %gather3A_498, %gather3A_499 : vector<16xf32>
        %mul3A_501 = arith.mulf %add3A_500, %exp3A_390 : vector<16xf32>
        tpu.vector_store_idx %arg13[%add3A_350, %mul3A_497], %mul3A_501 : memref<128x80xf32, #tpu.memory_space<vmem>>[vector<16xi32>, vector<16xi32>], vector<16xf32>,
      }
      %scan3A_400 = arith.constant 32 : i32
      %iota3A_401 = tpu.iota {dimensions = array<i32: 0>} : vector<16xi32>
      %add3A_402 = arith.constant 112 : i32
      %add3A_403 = vector.broadcast %add3A_402 : i32 to vector<16xi32>
      %add3A_404 = arith.addi %iota3A_401, %add3A_403 : vector<16xi32>
      %get3A_405 = arith.constant 112 : index
      %get3A_406 = tpu.vector_load %arg14[%get3A_405] {strides = array<i32>} : memref<128xi32, #tpu.memory_space<vmem>>, vector<16xi32>,
      %broadcast_in_dim3A_407 = arith.constant 64 : i32
      %broadcast_in_dim3A_408 = vector.broadcast %broadcast_in_dim3A_407 : i32 to vector<16xi32>
      %mul3A_409 = arith.constant 2 : i32
      %mul3A_410 = vector.broadcast %mul3A_409 : i32 to vector<16xi32>
      %mul3A_411 = arith.muli %get3A_406, %mul3A_410 : vector<16xi32>
      %add3A_412 = arith.constant 0 : i32
      %add3A_413 = vector.broadcast %add3A_412 : i32 to vector<16xi32>
      %add3A_414 = arith.addi %mul3A_411, %add3A_413 : vector<16xi32>
      %gather3A_415 = tpu.vector_load_idx %arg10[%add3A_414] : memref<20000xf32, #tpu.memory_space<vmem>>[vector<16xi32>], vector<16xf32>,
      %gather3A_416 = tpu.vector_load_idx %arg11[%add3A_404, %broadcast_in_dim3A_408] : memref<128x80xf32, #tpu.memory_space<vmem>>[vector<16xi32>, vector<16xi32>], vector<16xf32>,
      %add3A_417 = arith.addf %gather3A_415, %gather3A_416 : vector<16xf32>
      %ge3A_418 = arith.constant 0.000000e+00 : f32
      %ge3A_419 = vector.broadcast %ge3A_418 : f32 to vector<16xf32>
      %ge3A_420 = arith.cmpf oge, %add3A_417, %ge3A_419 : vector<16xf32>
      %mul3A_421 = arith.constant 2.000000e-01 : f32
      %mul3A_422 = vector.broadcast %mul3A_421 : f32 to vector<16xf32>
      %mul3A_423 = arith.mulf %mul3A_422, %add3A_417 : vector<16xf32>
      %select_n3A_424 = arith.select %ge3A_420, %add3A_417, %mul3A_423 : vector<16xi1>, vector<16xf32>
      %exp3A_425 = math.exp %select_n3A_424 : vector<16xf32>
      tpu.vector_store_idx %arg13[%add3A_404, %broadcast_in_dim3A_408], %exp3A_425 : memref<128x80xf32, #tpu.memory_space<vmem>>[vector<16xi32>, vector<16xi32>], vector<16xf32>,
      %broadcast_in_dim3A_426 = arith.constant 65 : i32
      %broadcast_in_dim3A_427 = vector.broadcast %broadcast_in_dim3A_426 : i32 to vector<16xi32>
      %mul3A_428 = arith.constant 2 : i32
      %mul3A_429 = vector.broadcast %mul3A_428 : i32 to vector<16xi32>
      %mul3A_430 = arith.muli %get3A_406, %mul3A_429 : vector<16xi32>
      %add3A_431 = arith.constant 1 : i32
      %add3A_432 = vector.broadcast %add3A_431 : i32 to vector<16xi32>
      %add3A_433 = arith.addi %mul3A_430, %add3A_432 : vector<16xi32>
      %gather3A_434 = tpu.vector_load_idx %arg10[%add3A_433] : memref<20000xf32, #tpu.memory_space<vmem>>[vector<16xi32>], vector<16xf32>,
      %gather3A_435 = tpu.vector_load_idx %arg11[%add3A_404, %broadcast_in_dim3A_427] : memref<128x80xf32, #tpu.memory_space<vmem>>[vector<16xi32>, vector<16xi32>], vector<16xf32>,
      %add3A_436 = arith.addf %gather3A_434, %gather3A_435 : vector<16xf32>
      %ge3A_437 = arith.constant 0.000000e+00 : f32
      %ge3A_438 = vector.broadcast %ge3A_437 : f32 to vector<16xf32>
      %ge3A_439 = arith.cmpf oge, %add3A_436, %ge3A_438 : vector<16xf32>
      %mul3A_440 = arith.constant 2.000000e-01 : f32
      %mul3A_441 = vector.broadcast %mul3A_440 : f32 to vector<16xf32>
      %mul3A_442 = arith.mulf %mul3A_441, %add3A_436 : vector<16xf32>
      %select_n3A_443 = arith.select %ge3A_439, %add3A_436, %mul3A_442 : vector<16xi1>, vector<16xf32>
      %exp3A_444 = math.exp %select_n3A_443 : vector<16xf32>
      tpu.vector_store_idx %arg13[%add3A_404, %broadcast_in_dim3A_427], %exp3A_444 : memref<128x80xf32, #tpu.memory_space<vmem>>[vector<16xi32>, vector<16xi32>], vector<16xf32>,
      %scan3A_445 = arith.constant 0 : i32
      %scan3A_446 = arith.constant 32 : i32
      %scan3A_447 = arith.addi %scan3A_445, %scan3A_446 : i32
      %scan3A_448 = arith.constant 4 : i32
      scf.for %scan3A_455 = %scan3A_445 to %scan3A_447 step %scan3A_448  : i32 {
        %broadcast_in_dim3A_456 = arith.constant 1 : i32
        %broadcast_in_dim3A_457 = vector.broadcast %broadcast_in_dim3A_456 : i32 to vector<16xi32>
        %add3A_458 = arith.constant 0 : i32
        %add3A_459 = arith.addi %add3A_458, %scan3A_455 : i32
        %mul3A_460 = vector.broadcast %add3A_459 : i32 to vector<16xi32>
        %mul3A_461 = arith.muli %broadcast_in_dim3A_457, %mul3A_460 : vector<16xi32>
        %gather3A_462 = tpu.vector_load_idx %arg12[%add3A_404, %mul3A_461] : memref<128x64xf32, #tpu.memory_space<vmem>>[vector<16xi32>, vector<16xi32>], vector<16xf32>,
        %gather3A_463 = tpu.vector_load_idx %arg11[%add3A_404, %mul3A_461] : memref<128x80xf32, #tpu.memory_space<vmem>>[vector<16xi32>, vector<16xi32>], vector<16xf32>,
        %add3A_464 = arith.addf %gather3A_462, %gather3A_463 : vector<16xf32>
        %mul3A_465 = arith.mulf %add3A_464, %exp3A_425 : vector<16xf32>
        tpu.vector_store_idx %arg13[%add3A_404, %mul3A_461], %mul3A_465 : memref<128x80xf32, #tpu.memory_space<vmem>>[vector<16xi32>, vector<16xi32>], vector<16xf32>,
        %scan3A_466 = arith.constant 1 : i32
        %scan3A_467 = arith.addi %scan3A_455, %scan3A_466 : i32
        %broadcast_in_dim3A_468 = arith.constant 1 : i32
        %broadcast_in_dim3A_469 = vector.broadcast %broadcast_in_dim3A_468 : i32 to vector<16xi32>
        %add3A_470 = arith.constant 0 : i32
        %add3A_471 = arith.addi %add3A_470, %scan3A_467 : i32
        %mul3A_472 = vector.broadcast %add3A_471 : i32 to vector<16xi32>
        %mul3A_473 = arith.muli %broadcast_in_dim3A_469, %mul3A_472 : vector<16xi32>
        %gather3A_474 = tpu.vector_load_idx %arg12[%add3A_404, %mul3A_473] : memref<128x64xf32, #tpu.memory_space<vmem>>[vector<16xi32>, vector<16xi32>], vector<16xf32>,
        %gather3A_475 = tpu.vector_load_idx %arg11[%add3A_404, %mul3A_473] : memref<128x80xf32, #tpu.memory_space<vmem>>[vector<16xi32>, vector<16xi32>], vector<16xf32>,
        %add3A_476 = arith.addf %gather3A_474, %gather3A_475 : vector<16xf32>
        %mul3A_477 = arith.mulf %add3A_476, %exp3A_425 : vector<16xf32>
        tpu.vector_store_idx %arg13[%add3A_404, %mul3A_473], %mul3A_477 : memref<128x80xf32, #tpu.memory_space<vmem>>[vector<16xi32>, vector<16xi32>], vector<16xf32>,
        %scan3A_478 = arith.constant 2 : i32
        %scan3A_479 = arith.addi %scan3A_455, %scan3A_478 : i32
        %broadcast_in_dim3A_480 = arith.constant 1 : i32
        %broadcast_in_dim3A_481 = vector.broadcast %broadcast_in_dim3A_480 : i32 to vector<16xi32>
        %add3A_482 = arith.constant 0 : i32
        %add3A_483 = arith.addi %add3A_482, %scan3A_479 : i32
        %mul3A_484 = vector.broadcast %add3A_483 : i32 to vector<16xi32>
        %mul3A_485 = arith.muli %broadcast_in_dim3A_481, %mul3A_484 : vector<16xi32>
        %gather3A_486 = tpu.vector_load_idx %arg12[%add3A_404, %mul3A_485] : memref<128x64xf32, #tpu.memory_space<vmem>>[vector<16xi32>, vector<16xi32>], vector<16xf32>,
        %gather3A_487 = tpu.vector_load_idx %arg11[%add3A_404, %mul3A_485] : memref<128x80xf32, #tpu.memory_space<vmem>>[vector<16xi32>, vector<16xi32>], vector<16xf32>,
        %add3A_488 = arith.addf %gather3A_486, %gather3A_487 : vector<16xf32>
        %mul3A_489 = arith.mulf %add3A_488, %exp3A_425 : vector<16xf32>
        tpu.vector_store_idx %arg13[%add3A_404, %mul3A_485], %mul3A_489 : memref<128x80xf32, #tpu.memory_space<vmem>>[vector<16xi32>, vector<16xi32>], vector<16xf32>,
        %scan3A_490 = arith.constant 3 : i32
        %scan3A_491 = arith.addi %scan3A_455, %scan3A_490 : i32
        %broadcast_in_dim3A_492 = arith.constant 1 : i32
        %broadcast_in_dim3A_493 = vector.broadcast %broadcast_in_dim3A_492 : i32 to vector<16xi32>
        %add3A_494 = arith.constant 0 : i32
        %add3A_495 = arith.addi %add3A_494, %scan3A_491 : i32
        %mul3A_496 = vector.broadcast %add3A_495 : i32 to vector<16xi32>
        %mul3A_497 = arith.muli %broadcast_in_dim3A_493, %mul3A_496 : vector<16xi32>
        %gather3A_498 = tpu.vector_load_idx %arg12[%add3A_404, %mul3A_497] : memref<128x64xf32, #tpu.memory_space<vmem>>[vector<16xi32>, vector<16xi32>], vector<16xf32>,
        %gather3A_499 = tpu.vector_load_idx %arg11[%add3A_404, %mul3A_497] : memref<128x80xf32, #tpu.memory_space<vmem>>[vector<16xi32>, vector<16xi32>], vector<16xf32>,
        %add3A_500 = arith.addf %gather3A_498, %gather3A_499 : vector<16xf32>
        %mul3A_501 = arith.mulf %add3A_500, %exp3A_425 : vector<16xf32>
        tpu.vector_store_idx %arg13[%add3A_404, %mul3A_497], %mul3A_501 : memref<128x80xf32, #tpu.memory_space<vmem>>[vector<16xi32>, vector<16xi32>], vector<16xf32>,
      }
      %scan3A_449 = arith.constant 32 : i32
      %scan3A_450 = arith.constant 0 : i32
      %scan3A_451 = arith.constant 32 : i32
      %scan3A_452 = arith.addi %scan3A_450, %scan3A_451 : i32
      %scan3A_453 = arith.constant 4 : i32
      scf.for %scan3A_455 = %scan3A_450 to %scan3A_452 step %scan3A_453  : i32 {
        %broadcast_in_dim3A_456 = arith.constant 1 : i32
        %broadcast_in_dim3A_457 = vector.broadcast %broadcast_in_dim3A_456 : i32 to vector<16xi32>
        %add3A_458 = arith.constant 32 : i32
        %add3A_459 = arith.addi %add3A_458, %scan3A_455 : i32
        %mul3A_460 = vector.broadcast %add3A_459 : i32 to vector<16xi32>
        %mul3A_461 = arith.muli %broadcast_in_dim3A_457, %mul3A_460 : vector<16xi32>
        %gather3A_462 = tpu.vector_load_idx %arg12[%add3A_404, %mul3A_461] : memref<128x64xf32, #tpu.memory_space<vmem>>[vector<16xi32>, vector<16xi32>], vector<16xf32>,
        %gather3A_463 = tpu.vector_load_idx %arg11[%add3A_404, %mul3A_461] : memref<128x80xf32, #tpu.memory_space<vmem>>[vector<16xi32>, vector<16xi32>], vector<16xf32>,
        %add3A_464 = arith.addf %gather3A_462, %gather3A_463 : vector<16xf32>
        %mul3A_465 = arith.mulf %add3A_464, %exp3A_444 : vector<16xf32>
        tpu.vector_store_idx %arg13[%add3A_404, %mul3A_461], %mul3A_465 : memref<128x80xf32, #tpu.memory_space<vmem>>[vector<16xi32>, vector<16xi32>], vector<16xf32>,
        %scan3A_466 = arith.constant 1 : i32
        %scan3A_467 = arith.addi %scan3A_455, %scan3A_466 : i32
        %broadcast_in_dim3A_468 = arith.constant 1 : i32
        %broadcast_in_dim3A_469 = vector.broadcast %broadcast_in_dim3A_468 : i32 to vector<16xi32>
        %add3A_470 = arith.constant 32 : i32
        %add3A_471 = arith.addi %add3A_470, %scan3A_467 : i32
        %mul3A_472 = vector.broadcast %add3A_471 : i32 to vector<16xi32>
        %mul3A_473 = arith.muli %broadcast_in_dim3A_469, %mul3A_472 : vector<16xi32>
        %gather3A_474 = tpu.vector_load_idx %arg12[%add3A_404, %mul3A_473] : memref<128x64xf32, #tpu.memory_space<vmem>>[vector<16xi32>, vector<16xi32>], vector<16xf32>,
        %gather3A_475 = tpu.vector_load_idx %arg11[%add3A_404, %mul3A_473] : memref<128x80xf32, #tpu.memory_space<vmem>>[vector<16xi32>, vector<16xi32>], vector<16xf32>,
        %add3A_476 = arith.addf %gather3A_474, %gather3A_475 : vector<16xf32>
        %mul3A_477 = arith.mulf %add3A_476, %exp3A_444 : vector<16xf32>
        tpu.vector_store_idx %arg13[%add3A_404, %mul3A_473], %mul3A_477 : memref<128x80xf32, #tpu.memory_space<vmem>>[vector<16xi32>, vector<16xi32>], vector<16xf32>,
        %scan3A_478 = arith.constant 2 : i32
        %scan3A_479 = arith.addi %scan3A_455, %scan3A_478 : i32
        %broadcast_in_dim3A_480 = arith.constant 1 : i32
        %broadcast_in_dim3A_481 = vector.broadcast %broadcast_in_dim3A_480 : i32 to vector<16xi32>
        %add3A_482 = arith.constant 32 : i32
        %add3A_483 = arith.addi %add3A_482, %scan3A_479 : i32
        %mul3A_484 = vector.broadcast %add3A_483 : i32 to vector<16xi32>
        %mul3A_485 = arith.muli %broadcast_in_dim3A_481, %mul3A_484 : vector<16xi32>
        %gather3A_486 = tpu.vector_load_idx %arg12[%add3A_404, %mul3A_485] : memref<128x64xf32, #tpu.memory_space<vmem>>[vector<16xi32>, vector<16xi32>], vector<16xf32>,
        %gather3A_487 = tpu.vector_load_idx %arg11[%add3A_404, %mul3A_485] : memref<128x80xf32, #tpu.memory_space<vmem>>[vector<16xi32>, vector<16xi32>], vector<16xf32>,
        %add3A_488 = arith.addf %gather3A_486, %gather3A_487 : vector<16xf32>
        %mul3A_489 = arith.mulf %add3A_488, %exp3A_444 : vector<16xf32>
        tpu.vector_store_idx %arg13[%add3A_404, %mul3A_485], %mul3A_489 : memref<128x80xf32, #tpu.memory_space<vmem>>[vector<16xi32>, vector<16xi32>], vector<16xf32>,
        %scan3A_490 = arith.constant 3 : i32
        %scan3A_491 = arith.addi %scan3A_455, %scan3A_490 : i32
        %broadcast_in_dim3A_492 = arith.constant 1 : i32
        %broadcast_in_dim3A_493 = vector.broadcast %broadcast_in_dim3A_492 : i32 to vector<16xi32>
        %add3A_494 = arith.constant 32 : i32
        %add3A_495 = arith.addi %add3A_494, %scan3A_491 : i32
        %mul3A_496 = vector.broadcast %add3A_495 : i32 to vector<16xi32>
        %mul3A_497 = arith.muli %broadcast_in_dim3A_493, %mul3A_496 : vector<16xi32>
        %gather3A_498 = tpu.vector_load_idx %arg12[%add3A_404, %mul3A_497] : memref<128x64xf32, #tpu.memory_space<vmem>>[vector<16xi32>, vector<16xi32>], vector<16xf32>,
        %gather3A_499 = tpu.vector_load_idx %arg11[%add3A_404, %mul3A_497] : memref<128x80xf32, #tpu.memory_space<vmem>>[vector<16xi32>, vector<16xi32>], vector<16xf32>,
        %add3A_500 = arith.addf %gather3A_498, %gather3A_499 : vector<16xf32>
        %mul3A_501 = arith.mulf %add3A_500, %exp3A_444 : vector<16xf32>
        tpu.vector_store_idx %arg13[%add3A_404, %mul3A_497], %mul3A_501 : memref<128x80xf32, #tpu.memory_space<vmem>>[vector<16xi32>, vector<16xi32>], vector<16xf32>,
      }
      %scan3A_454 = arith.constant 32 : i32
      "tpu.region"() ({
        %run_scoped3A = tpu.sem_alloc : memref<!tpu.dma_semaphore, #tpu.memory_space<semaphore_mem>>
        %dma_start3A = arith.constant 0 : i32
        %dma_start3A_455 = arith.constant 0 : i32
        %dma_start3A_456 = tpu.memref_slice %arg16[%dma_start3A, %dma_start3A_455] : memref<10240x80xf32, #tpu.memory_space<vmem_shared>> -> memref<10240x80xf32, #tpu.memory_space<vmem_shared>>
        tpu.enqueue_indirect_dma source(%arg13 : memref<128x80xf32, #tpu.memory_space<vmem>>) target(%dma_start3A_456 : memref<10240x80xf32, #tpu.memory_space<vmem_shared>>) offsets(%arg15 : memref<128xi32, #tpu.memory_space<vmem>>) semaphore(%run_scoped3A : memref<!tpu.dma_semaphore, #tpu.memory_space<semaphore_mem>>) {add = true}
        %dma_wait3A = arith.constant 0 : i32
        %dma_wait3A_457 = arith.constant 0 : i32
        %dma_wait3A_458 = tpu.memref_slice %arg16[%dma_wait3A, %dma_wait3A_457] : memref<10240x80xf32, #tpu.memory_space<vmem_shared>> -> memref<10240x80xf32, #tpu.memory_space<vmem_shared>>
        tpu.wait_indirect_dma semaphore(%run_scoped3A : memref<!tpu.dma_semaphore, #tpu.memory_space<semaphore_mem>>) src(%arg13 : memref<128x80xf32, #tpu.memory_space<vmem>>) dst(%dma_wait3A_458 : memref<10240x80xf32, #tpu.memory_space<vmem_shared>>)
        tpu.yield
      }) : () -> ()
    }
    %while3A_11 = arith.constant 1 : i32
    scf.for %while3A_17 = %while3A_9 to %while3A_5 step %while3A_11  : i32 {
      %mul3A_18 = arith.constant 16 : i32
      %mul3A_19 = arith.muli %while3A_17, %mul3A_18 : i32
      %add3A_20 = arith.addi %arg1, %mul3A_19 : i32
      %mul3A_21 = arith.constant 128 : i32
      %mul3A_22 = arith.muli %add3A_20, %mul3A_21 : i32
      "tpu.region"() ({
        %run_scoped3A = tpu.sem_alloc : memref<!tpu.dma_semaphore, #tpu.memory_space<semaphore_mem>>
        %dma_start3A = tpu.memref_slice %arg2[%mul3A_22] : memref<320000xi32, #tpu.memory_space<hbm>> -> memref<128xi32, #tpu.memory_space<hbm>>
        %dma_start3A_455 = tpu.memref_slice %arg2[%mul3A_22] : memref<320000xi32, #tpu.memory_space<hbm>> -> memref<128xi32, #tpu.memory_space<hbm>>
        tpu.enqueue_dma source(%dma_start3A_455 : memref<128xi32, #tpu.memory_space<hbm>>) target(%arg14 : memref<128xi32, #tpu.memory_space<vmem>>) target_semaphore(%run_scoped3A : memref<!tpu.dma_semaphore, #tpu.memory_space<semaphore_mem>>)
        %dma_wait3A = tpu.memref_slice %arg2[%mul3A_22] : memref<320000xi32, #tpu.memory_space<hbm>> -> memref<128xi32, #tpu.memory_space<hbm>>
        %dma_wait3A_456 = tpu.memref_slice %arg2[%mul3A_22] : memref<320000xi32, #tpu.memory_space<hbm>> -> memref<128xi32, #tpu.memory_space<hbm>>
        tpu.wait_dma2 semaphore(%run_scoped3A : memref<!tpu.dma_semaphore, #tpu.memory_space<semaphore_mem>>) src(%dma_wait3A_456 : memref<128xi32, #tpu.memory_space<hbm>>) dst(%arg14 : memref<128xi32, #tpu.memory_space<vmem>>)
        tpu.yield
      }) : () -> ()
      "tpu.region"() ({
        %run_scoped3A = tpu.sem_alloc : memref<!tpu.dma_semaphore, #tpu.memory_space<semaphore_mem>>
        %dma_start3A = tpu.memref_slice %arg3[%mul3A_22] : memref<320000xi32, #tpu.memory_space<hbm>> -> memref<128xi32, #tpu.memory_space<hbm>>
        %dma_start3A_455 = tpu.memref_slice %arg3[%mul3A_22] : memref<320000xi32, #tpu.memory_space<hbm>> -> memref<128xi32, #tpu.memory_space<hbm>>
        tpu.enqueue_dma source(%dma_start3A_455 : memref<128xi32, #tpu.memory_space<hbm>>) target(%arg15 : memref<128xi32, #tpu.memory_space<vmem>>) target_semaphore(%run_scoped3A : memref<!tpu.dma_semaphore, #tpu.memory_space<semaphore_mem>>)
        %dma_wait3A = tpu.memref_slice %arg3[%mul3A_22] : memref<320000xi32, #tpu.memory_space<hbm>> -> memref<128xi32, #tpu.memory_space<hbm>>
        %dma_wait3A_456 = tpu.memref_slice %arg3[%mul3A_22] : memref<320000xi32, #tpu.memory_space<hbm>> -> memref<128xi32, #tpu.memory_space<hbm>>
        tpu.wait_dma2 semaphore(%run_scoped3A : memref<!tpu.dma_semaphore, #tpu.memory_space<semaphore_mem>>) src(%dma_wait3A_456 : memref<128xi32, #tpu.memory_space<hbm>>) dst(%arg15 : memref<128xi32, #tpu.memory_space<vmem>>)
        tpu.yield
      }) : () -> ()
      "tpu.region"() ({
        %run_scoped3A = tpu.sem_alloc : memref<!tpu.dma_semaphore, #tpu.memory_space<semaphore_mem>>
        %dma_start3A = arith.constant 0 : i32
        %dma_start3A_455 = tpu.memref_slice %arg4[%arg0, %mul3A_22, %dma_start3A] : memref<2x320000x80xf32, #tpu.memory_space<hbm>> -> memref<1x128x80xf32, #tpu.memory_space<hbm>>
        %dma_start3A_456 = tpu.memref_squeeze %dma_start3A_455 : memref<1x128x80xf32, #tpu.memory_space<hbm>> -> memref<128x80xf32, #tpu.memory_space<hbm>>
        %dma_start3A_457 = arith.constant 0 : i32
        %dma_start3A_458 = tpu.memref_slice %arg4[%arg0, %mul3A_22, %dma_start3A_457] : memref<2x320000x80xf32, #tpu.memory_space<hbm>> -> memref<1x128x80xf32, #tpu.memory_space<hbm>>
        %dma_start3A_459 = tpu.memref_squeeze %dma_start3A_458 : memref<1x128x80xf32, #tpu.memory_space<hbm>> -> memref<128x80xf32, #tpu.memory_space<hbm>>
        tpu.enqueue_dma source(%dma_start3A_459 : memref<128x80xf32, #tpu.memory_space<hbm>>) target(%arg11 : memref<128x80xf32, #tpu.memory_space<vmem>>) target_semaphore(%run_scoped3A : memref<!tpu.dma_semaphore, #tpu.memory_space<semaphore_mem>>)
        %dma_wait3A = arith.constant 0 : i32
        %dma_wait3A_460 = tpu.memref_slice %arg4[%arg0, %mul3A_22, %dma_wait3A] : memref<2x320000x80xf32, #tpu.memory_space<hbm>> -> memref<1x128x80xf32, #tpu.memory_space<hbm>>
        %dma_wait3A_461 = tpu.memref_squeeze %dma_wait3A_460 : memref<1x128x80xf32, #tpu.memory_space<hbm>> -> memref<128x80xf32, #tpu.memory_space<hbm>>
        %dma_wait3A_462 = arith.constant 0 : i32
        %dma_wait3A_463 = tpu.memref_slice %arg4[%arg0, %mul3A_22, %dma_wait3A_462] : memref<2x320000x80xf32, #tpu.memory_space<hbm>> -> memref<1x128x80xf32, #tpu.memory_space<hbm>>
        %dma_wait3A_464 = tpu.memref_squeeze %dma_wait3A_463 : memref<1x128x80xf32, #tpu.memory_space<hbm>> -> memref<128x80xf32, #tpu.memory_space<hbm>>
        tpu.wait_dma2 semaphore(%run_scoped3A : memref<!tpu.dma_semaphore, #tpu.memory_space<semaphore_mem>>) src(%dma_wait3A_464 : memref<128x80xf32, #tpu.memory_space<hbm>>) dst(%arg11 : memref<128x80xf32, #tpu.memory_space<vmem>>)
        tpu.yield
      }) : () -> ()
      %eq3A = arith.constant 0 : i32
      %eq3A_23 = arith.cmpi eq, %arg0, %eq3A : i32
      %convert_element_type3A = arith.extui %eq3A_23 : i1 to i32
      %cond3A = arith.constant 0 : i32
      %cond3A_24 = arith.cmpi ne, %convert_element_type3A, %cond3A : i32
      scf.if %cond3A_24 {
        %dma_start3A = arith.constant 0 : i32
        %dma_start3A_455 = arith.constant 0 : i32
        %dma_start3A_456 = tpu.memref_slice %arg5[%dma_start3A, %dma_start3A_455] : memref<10000x64xf32, #tpu.memory_space<hbm>> -> memref<10000x64xf32, #tpu.memory_space<hbm>>
        tpu.enqueue_indirect_dma source(%dma_start3A_456 : memref<10000x64xf32, #tpu.memory_space<hbm>>) target(%arg12 : memref<128x64xf32, #tpu.memory_space<vmem>>) offsets(%arg14 : memref<128xi32, #tpu.memory_space<vmem>>) semaphore(%arg17 : memref<!tpu.dma_semaphore, #tpu.memory_space<semaphore_mem>>)
        %dma_wait3A = arith.constant 0 : i32
        %dma_wait3A_457 = arith.constant 0 : i32
        %dma_wait3A_458 = tpu.memref_slice %arg5[%dma_wait3A, %dma_wait3A_457] : memref<10000x64xf32, #tpu.memory_space<hbm>> -> memref<10000x64xf32, #tpu.memory_space<hbm>>
        tpu.wait_indirect_dma semaphore(%arg17 : memref<!tpu.dma_semaphore, #tpu.memory_space<semaphore_mem>>) src(%dma_wait3A_458 : memref<10000x64xf32, #tpu.memory_space<hbm>>) dst(%arg12 : memref<128x64xf32, #tpu.memory_space<vmem>>)
      } else {
      }
      %eq3A_25 = arith.constant 1 : i32
      %eq3A_26 = arith.cmpi eq, %arg0, %eq3A_25 : i32
      %convert_element_type3A_27 = arith.extui %eq3A_26 : i1 to i32
      %cond3A_28 = arith.constant 0 : i32
      %cond3A_29 = arith.cmpi ne, %convert_element_type3A_27, %cond3A_28 : i32
      scf.if %cond3A_29 {
        %dma_start3A = arith.constant 0 : i32
        %dma_start3A_455 = arith.constant 0 : i32
        %dma_start3A_456 = tpu.memref_slice %arg6[%dma_start3A, %dma_start3A_455] : memref<10000x64xf32, #tpu.memory_space<hbm>> -> memref<10000x64xf32, #tpu.memory_space<hbm>>
        tpu.enqueue_indirect_dma source(%dma_start3A_456 : memref<10000x64xf32, #tpu.memory_space<hbm>>) target(%arg12 : memref<128x64xf32, #tpu.memory_space<vmem>>) offsets(%arg14 : memref<128xi32, #tpu.memory_space<vmem>>) semaphore(%arg17 : memref<!tpu.dma_semaphore, #tpu.memory_space<semaphore_mem>>)
        %dma_wait3A = arith.constant 0 : i32
        %dma_wait3A_457 = arith.constant 0 : i32
        %dma_wait3A_458 = tpu.memref_slice %arg6[%dma_wait3A, %dma_wait3A_457] : memref<10000x64xf32, #tpu.memory_space<hbm>> -> memref<10000x64xf32, #tpu.memory_space<hbm>>
        tpu.wait_indirect_dma semaphore(%arg17 : memref<!tpu.dma_semaphore, #tpu.memory_space<semaphore_mem>>) src(%dma_wait3A_458 : memref<10000x64xf32, #tpu.memory_space<hbm>>) dst(%arg12 : memref<128x64xf32, #tpu.memory_space<vmem>>)
      } else {
      }
      %iota3A = tpu.iota {dimensions = array<i32: 0>} : vector<16xi32>
      %add3A_30 = arith.constant 0 : i32
      %add3A_31 = vector.broadcast %add3A_30 : i32 to vector<16xi32>
      %add3A_32 = arith.addi %iota3A, %add3A_31 : vector<16xi32>
      %get3A = arith.constant 0 : index
      %get3A_33 = tpu.vector_load %arg14[%get3A] {strides = array<i32>} : memref<128xi32, #tpu.memory_space<vmem>>, vector<16xi32>,
      %broadcast_in_dim3A = arith.constant 64 : i32
      %broadcast_in_dim3A_34 = vector.broadcast %broadcast_in_dim3A : i32 to vector<16xi32>
      %mul3A_35 = arith.constant 2 : i32
      %mul3A_36 = vector.broadcast %mul3A_35 : i32 to vector<16xi32>
      %mul3A_37 = arith.muli %get3A_33, %mul3A_36 : vector<16xi32>
      %add3A_38 = arith.constant 0 : i32
      %add3A_39 = vector.broadcast %add3A_38 : i32 to vector<16xi32>
      %add3A_40 = arith.addi %mul3A_37, %add3A_39 : vector<16xi32>
      %gather3A = tpu.vector_load_idx %arg10[%add3A_40] : memref<20000xf32, #tpu.memory_space<vmem>>[vector<16xi32>], vector<16xf32>,
      %gather3A_41 = tpu.vector_load_idx %arg11[%add3A_32, %broadcast_in_dim3A_34] : memref<128x80xf32, #tpu.memory_space<vmem>>[vector<16xi32>, vector<16xi32>], vector<16xf32>,
      %add3A_42 = arith.addf %gather3A, %gather3A_41 : vector<16xf32>
      %ge3A = arith.constant 0.000000e+00 : f32
      %ge3A_43 = vector.broadcast %ge3A : f32 to vector<16xf32>
      %ge3A_44 = arith.cmpf oge, %add3A_42, %ge3A_43 : vector<16xf32>
      %mul3A_45 = arith.constant 2.000000e-01 : f32
      %mul3A_46 = vector.broadcast %mul3A_45 : f32 to vector<16xf32>
      %mul3A_47 = arith.mulf %mul3A_46, %add3A_42 : vector<16xf32>
      %select_n3A_48 = arith.select %ge3A_44, %add3A_42, %mul3A_47 : vector<16xi1>, vector<16xf32>
      %exp3A = math.exp %select_n3A_48 : vector<16xf32>
      tpu.vector_store_idx %arg13[%add3A_32, %broadcast_in_dim3A_34], %exp3A : memref<128x80xf32, #tpu.memory_space<vmem>>[vector<16xi32>, vector<16xi32>], vector<16xf32>,
      %broadcast_in_dim3A_49 = arith.constant 65 : i32
      %broadcast_in_dim3A_50 = vector.broadcast %broadcast_in_dim3A_49 : i32 to vector<16xi32>
      %mul3A_51 = arith.constant 2 : i32
      %mul3A_52 = vector.broadcast %mul3A_51 : i32 to vector<16xi32>
      %mul3A_53 = arith.muli %get3A_33, %mul3A_52 : vector<16xi32>
      %add3A_54 = arith.constant 1 : i32
      %add3A_55 = vector.broadcast %add3A_54 : i32 to vector<16xi32>
      %add3A_56 = arith.addi %mul3A_53, %add3A_55 : vector<16xi32>
      %gather3A_57 = tpu.vector_load_idx %arg10[%add3A_56] : memref<20000xf32, #tpu.memory_space<vmem>>[vector<16xi32>], vector<16xf32>,
      %gather3A_58 = tpu.vector_load_idx %arg11[%add3A_32, %broadcast_in_dim3A_50] : memref<128x80xf32, #tpu.memory_space<vmem>>[vector<16xi32>, vector<16xi32>], vector<16xf32>,
      %add3A_59 = arith.addf %gather3A_57, %gather3A_58 : vector<16xf32>
      %ge3A_60 = arith.constant 0.000000e+00 : f32
      %ge3A_61 = vector.broadcast %ge3A_60 : f32 to vector<16xf32>
      %ge3A_62 = arith.cmpf oge, %add3A_59, %ge3A_61 : vector<16xf32>
      %mul3A_63 = arith.constant 2.000000e-01 : f32
      %mul3A_64 = vector.broadcast %mul3A_63 : f32 to vector<16xf32>
      %mul3A_65 = arith.mulf %mul3A_64, %add3A_59 : vector<16xf32>
      %select_n3A_66 = arith.select %ge3A_62, %add3A_59, %mul3A_65 : vector<16xi1>, vector<16xf32>
      %exp3A_67 = math.exp %select_n3A_66 : vector<16xf32>
      tpu.vector_store_idx %arg13[%add3A_32, %broadcast_in_dim3A_50], %exp3A_67 : memref<128x80xf32, #tpu.memory_space<vmem>>[vector<16xi32>, vector<16xi32>], vector<16xf32>,
      %scan3A = arith.constant 0 : i32
      %scan3A_68 = arith.constant 32 : i32
      %scan3A_69 = arith.addi %scan3A, %scan3A_68 : i32
      %scan3A_70 = arith.constant 4 : i32
      scf.for %scan3A_455 = %scan3A to %scan3A_69 step %scan3A_70  : i32 {
        %broadcast_in_dim3A_456 = arith.constant 1 : i32
        %broadcast_in_dim3A_457 = vector.broadcast %broadcast_in_dim3A_456 : i32 to vector<16xi32>
        %add3A_458 = arith.constant 0 : i32
        %add3A_459 = arith.addi %add3A_458, %scan3A_455 : i32
        %mul3A_460 = vector.broadcast %add3A_459 : i32 to vector<16xi32>
        %mul3A_461 = arith.muli %broadcast_in_dim3A_457, %mul3A_460 : vector<16xi32>
        %gather3A_462 = tpu.vector_load_idx %arg12[%add3A_32, %mul3A_461] : memref<128x64xf32, #tpu.memory_space<vmem>>[vector<16xi32>, vector<16xi32>], vector<16xf32>,
        %gather3A_463 = tpu.vector_load_idx %arg11[%add3A_32, %mul3A_461] : memref<128x80xf32, #tpu.memory_space<vmem>>[vector<16xi32>, vector<16xi32>], vector<16xf32>,
        %add3A_464 = arith.addf %gather3A_462, %gather3A_463 : vector<16xf32>
        %mul3A_465 = arith.mulf %add3A_464, %exp3A : vector<16xf32>
        tpu.vector_store_idx %arg13[%add3A_32, %mul3A_461], %mul3A_465 : memref<128x80xf32, #tpu.memory_space<vmem>>[vector<16xi32>, vector<16xi32>], vector<16xf32>,
        %scan3A_466 = arith.constant 1 : i32
        %scan3A_467 = arith.addi %scan3A_455, %scan3A_466 : i32
        %broadcast_in_dim3A_468 = arith.constant 1 : i32
        %broadcast_in_dim3A_469 = vector.broadcast %broadcast_in_dim3A_468 : i32 to vector<16xi32>
        %add3A_470 = arith.constant 0 : i32
        %add3A_471 = arith.addi %add3A_470, %scan3A_467 : i32
        %mul3A_472 = vector.broadcast %add3A_471 : i32 to vector<16xi32>
        %mul3A_473 = arith.muli %broadcast_in_dim3A_469, %mul3A_472 : vector<16xi32>
        %gather3A_474 = tpu.vector_load_idx %arg12[%add3A_32, %mul3A_473] : memref<128x64xf32, #tpu.memory_space<vmem>>[vector<16xi32>, vector<16xi32>], vector<16xf32>,
        %gather3A_475 = tpu.vector_load_idx %arg11[%add3A_32, %mul3A_473] : memref<128x80xf32, #tpu.memory_space<vmem>>[vector<16xi32>, vector<16xi32>], vector<16xf32>,
        %add3A_476 = arith.addf %gather3A_474, %gather3A_475 : vector<16xf32>
        %mul3A_477 = arith.mulf %add3A_476, %exp3A : vector<16xf32>
        tpu.vector_store_idx %arg13[%add3A_32, %mul3A_473], %mul3A_477 : memref<128x80xf32, #tpu.memory_space<vmem>>[vector<16xi32>, vector<16xi32>], vector<16xf32>,
        %scan3A_478 = arith.constant 2 : i32
        %scan3A_479 = arith.addi %scan3A_455, %scan3A_478 : i32
        %broadcast_in_dim3A_480 = arith.constant 1 : i32
        %broadcast_in_dim3A_481 = vector.broadcast %broadcast_in_dim3A_480 : i32 to vector<16xi32>
        %add3A_482 = arith.constant 0 : i32
        %add3A_483 = arith.addi %add3A_482, %scan3A_479 : i32
        %mul3A_484 = vector.broadcast %add3A_483 : i32 to vector<16xi32>
        %mul3A_485 = arith.muli %broadcast_in_dim3A_481, %mul3A_484 : vector<16xi32>
        %gather3A_486 = tpu.vector_load_idx %arg12[%add3A_32, %mul3A_485] : memref<128x64xf32, #tpu.memory_space<vmem>>[vector<16xi32>, vector<16xi32>], vector<16xf32>,
        %gather3A_487 = tpu.vector_load_idx %arg11[%add3A_32, %mul3A_485] : memref<128x80xf32, #tpu.memory_space<vmem>>[vector<16xi32>, vector<16xi32>], vector<16xf32>,
        %add3A_488 = arith.addf %gather3A_486, %gather3A_487 : vector<16xf32>
        %mul3A_489 = arith.mulf %add3A_488, %exp3A : vector<16xf32>
        tpu.vector_store_idx %arg13[%add3A_32, %mul3A_485], %mul3A_489 : memref<128x80xf32, #tpu.memory_space<vmem>>[vector<16xi32>, vector<16xi32>], vector<16xf32>,
        %scan3A_490 = arith.constant 3 : i32
        %scan3A_491 = arith.addi %scan3A_455, %scan3A_490 : i32
        %broadcast_in_dim3A_492 = arith.constant 1 : i32
        %broadcast_in_dim3A_493 = vector.broadcast %broadcast_in_dim3A_492 : i32 to vector<16xi32>
        %add3A_494 = arith.constant 0 : i32
        %add3A_495 = arith.addi %add3A_494, %scan3A_491 : i32
        %mul3A_496 = vector.broadcast %add3A_495 : i32 to vector<16xi32>
        %mul3A_497 = arith.muli %broadcast_in_dim3A_493, %mul3A_496 : vector<16xi32>
        %gather3A_498 = tpu.vector_load_idx %arg12[%add3A_32, %mul3A_497] : memref<128x64xf32, #tpu.memory_space<vmem>>[vector<16xi32>, vector<16xi32>], vector<16xf32>,
        %gather3A_499 = tpu.vector_load_idx %arg11[%add3A_32, %mul3A_497] : memref<128x80xf32, #tpu.memory_space<vmem>>[vector<16xi32>, vector<16xi32>], vector<16xf32>,
        %add3A_500 = arith.addf %gather3A_498, %gather3A_499 : vector<16xf32>
        %mul3A_501 = arith.mulf %add3A_500, %exp3A : vector<16xf32>
        tpu.vector_store_idx %arg13[%add3A_32, %mul3A_497], %mul3A_501 : memref<128x80xf32, #tpu.memory_space<vmem>>[vector<16xi32>, vector<16xi32>], vector<16xf32>,
      }
      %scan3A_71 = arith.constant 32 : i32
      %scan3A_72 = arith.constant 0 : i32
      %scan3A_73 = arith.constant 32 : i32
      %scan3A_74 = arith.addi %scan3A_72, %scan3A_73 : i32
      %scan3A_75 = arith.constant 4 : i32
      scf.for %scan3A_455 = %scan3A_72 to %scan3A_74 step %scan3A_75  : i32 {
        %broadcast_in_dim3A_456 = arith.constant 1 : i32
        %broadcast_in_dim3A_457 = vector.broadcast %broadcast_in_dim3A_456 : i32 to vector<16xi32>
        %add3A_458 = arith.constant 32 : i32
        %add3A_459 = arith.addi %add3A_458, %scan3A_455 : i32
        %mul3A_460 = vector.broadcast %add3A_459 : i32 to vector<16xi32>
        %mul3A_461 = arith.muli %broadcast_in_dim3A_457, %mul3A_460 : vector<16xi32>
        %gather3A_462 = tpu.vector_load_idx %arg12[%add3A_32, %mul3A_461] : memref<128x64xf32, #tpu.memory_space<vmem>>[vector<16xi32>, vector<16xi32>], vector<16xf32>,
        %gather3A_463 = tpu.vector_load_idx %arg11[%add3A_32, %mul3A_461] : memref<128x80xf32, #tpu.memory_space<vmem>>[vector<16xi32>, vector<16xi32>], vector<16xf32>,
        %add3A_464 = arith.addf %gather3A_462, %gather3A_463 : vector<16xf32>
        %mul3A_465 = arith.mulf %add3A_464, %exp3A_67 : vector<16xf32>
        tpu.vector_store_idx %arg13[%add3A_32, %mul3A_461], %mul3A_465 : memref<128x80xf32, #tpu.memory_space<vmem>>[vector<16xi32>, vector<16xi32>], vector<16xf32>,
        %scan3A_466 = arith.constant 1 : i32
        %scan3A_467 = arith.addi %scan3A_455, %scan3A_466 : i32
        %broadcast_in_dim3A_468 = arith.constant 1 : i32
        %broadcast_in_dim3A_469 = vector.broadcast %broadcast_in_dim3A_468 : i32 to vector<16xi32>
        %add3A_470 = arith.constant 32 : i32
        %add3A_471 = arith.addi %add3A_470, %scan3A_467 : i32
        %mul3A_472 = vector.broadcast %add3A_471 : i32 to vector<16xi32>
        %mul3A_473 = arith.muli %broadcast_in_dim3A_469, %mul3A_472 : vector<16xi32>
        %gather3A_474 = tpu.vector_load_idx %arg12[%add3A_32, %mul3A_473] : memref<128x64xf32, #tpu.memory_space<vmem>>[vector<16xi32>, vector<16xi32>], vector<16xf32>,
        %gather3A_475 = tpu.vector_load_idx %arg11[%add3A_32, %mul3A_473] : memref<128x80xf32, #tpu.memory_space<vmem>>[vector<16xi32>, vector<16xi32>], vector<16xf32>,
        %add3A_476 = arith.addf %gather3A_474, %gather3A_475 : vector<16xf32>
        %mul3A_477 = arith.mulf %add3A_476, %exp3A_67 : vector<16xf32>
        tpu.vector_store_idx %arg13[%add3A_32, %mul3A_473], %mul3A_477 : memref<128x80xf32, #tpu.memory_space<vmem>>[vector<16xi32>, vector<16xi32>], vector<16xf32>,
        %scan3A_478 = arith.constant 2 : i32
        %scan3A_479 = arith.addi %scan3A_455, %scan3A_478 : i32
        %broadcast_in_dim3A_480 = arith.constant 1 : i32
        %broadcast_in_dim3A_481 = vector.broadcast %broadcast_in_dim3A_480 : i32 to vector<16xi32>
        %add3A_482 = arith.constant 32 : i32
        %add3A_483 = arith.addi %add3A_482, %scan3A_479 : i32
        %mul3A_484 = vector.broadcast %add3A_483 : i32 to vector<16xi32>
        %mul3A_485 = arith.muli %broadcast_in_dim3A_481, %mul3A_484 : vector<16xi32>
        %gather3A_486 = tpu.vector_load_idx %arg12[%add3A_32, %mul3A_485] : memref<128x64xf32, #tpu.memory_space<vmem>>[vector<16xi32>, vector<16xi32>], vector<16xf32>,
        %gather3A_487 = tpu.vector_load_idx %arg11[%add3A_32, %mul3A_485] : memref<128x80xf32, #tpu.memory_space<vmem>>[vector<16xi32>, vector<16xi32>], vector<16xf32>,
        %add3A_488 = arith.addf %gather3A_486, %gather3A_487 : vector<16xf32>
        %mul3A_489 = arith.mulf %add3A_488, %exp3A_67 : vector<16xf32>
        tpu.vector_store_idx %arg13[%add3A_32, %mul3A_485], %mul3A_489 : memref<128x80xf32, #tpu.memory_space<vmem>>[vector<16xi32>, vector<16xi32>], vector<16xf32>,
        %scan3A_490 = arith.constant 3 : i32
        %scan3A_491 = arith.addi %scan3A_455, %scan3A_490 : i32
        %broadcast_in_dim3A_492 = arith.constant 1 : i32
        %broadcast_in_dim3A_493 = vector.broadcast %broadcast_in_dim3A_492 : i32 to vector<16xi32>
        %add3A_494 = arith.constant 32 : i32
        %add3A_495 = arith.addi %add3A_494, %scan3A_491 : i32
        %mul3A_496 = vector.broadcast %add3A_495 : i32 to vector<16xi32>
        %mul3A_497 = arith.muli %broadcast_in_dim3A_493, %mul3A_496 : vector<16xi32>
        %gather3A_498 = tpu.vector_load_idx %arg12[%add3A_32, %mul3A_497] : memref<128x64xf32, #tpu.memory_space<vmem>>[vector<16xi32>, vector<16xi32>], vector<16xf32>,
        %gather3A_499 = tpu.vector_load_idx %arg11[%add3A_32, %mul3A_497] : memref<128x80xf32, #tpu.memory_space<vmem>>[vector<16xi32>, vector<16xi32>], vector<16xf32>,
        %add3A_500 = arith.addf %gather3A_498, %gather3A_499 : vector<16xf32>
        %mul3A_501 = arith.mulf %add3A_500, %exp3A_67 : vector<16xf32>
        tpu.vector_store_idx %arg13[%add3A_32, %mul3A_497], %mul3A_501 : memref<128x80xf32, #tpu.memory_space<vmem>>[vector<16xi32>, vector<16xi32>], vector<16xf32>,
      }
      %scan3A_76 = arith.constant 32 : i32
      %iota3A_77 = tpu.iota {dimensions = array<i32: 0>} : vector<16xi32>
      %add3A_78 = arith.constant 16 : i32
      %add3A_79 = vector.broadcast %add3A_78 : i32 to vector<16xi32>
      %add3A_80 = arith.addi %iota3A_77, %add3A_79 : vector<16xi32>
      %get3A_81 = arith.constant 16 : index
      %get3A_82 = tpu.vector_load %arg14[%get3A_81] {strides = array<i32>} : memref<128xi32, #tpu.memory_space<vmem>>, vector<16xi32>,
      %broadcast_in_dim3A_83 = arith.constant 64 : i32
      %broadcast_in_dim3A_84 = vector.broadcast %broadcast_in_dim3A_83 : i32 to vector<16xi32>
      %mul3A_85 = arith.constant 2 : i32
      %mul3A_86 = vector.broadcast %mul3A_85 : i32 to vector<16xi32>
      %mul3A_87 = arith.muli %get3A_82, %mul3A_86 : vector<16xi32>
      %add3A_88 = arith.constant 0 : i32
      %add3A_89 = vector.broadcast %add3A_88 : i32 to vector<16xi32>
      %add3A_90 = arith.addi %mul3A_87, %add3A_89 : vector<16xi32>
      %gather3A_91 = tpu.vector_load_idx %arg10[%add3A_90] : memref<20000xf32, #tpu.memory_space<vmem>>[vector<16xi32>], vector<16xf32>,
      %gather3A_92 = tpu.vector_load_idx %arg11[%add3A_80, %broadcast_in_dim3A_84] : memref<128x80xf32, #tpu.memory_space<vmem>>[vector<16xi32>, vector<16xi32>], vector<16xf32>,
      %add3A_93 = arith.addf %gather3A_91, %gather3A_92 : vector<16xf32>
      %ge3A_94 = arith.constant 0.000000e+00 : f32
      %ge3A_95 = vector.broadcast %ge3A_94 : f32 to vector<16xf32>
      %ge3A_96 = arith.cmpf oge, %add3A_93, %ge3A_95 : vector<16xf32>
      %mul3A_97 = arith.constant 2.000000e-01 : f32
      %mul3A_98 = vector.broadcast %mul3A_97 : f32 to vector<16xf32>
      %mul3A_99 = arith.mulf %mul3A_98, %add3A_93 : vector<16xf32>
      %select_n3A_100 = arith.select %ge3A_96, %add3A_93, %mul3A_99 : vector<16xi1>, vector<16xf32>
      %exp3A_101 = math.exp %select_n3A_100 : vector<16xf32>
      tpu.vector_store_idx %arg13[%add3A_80, %broadcast_in_dim3A_84], %exp3A_101 : memref<128x80xf32, #tpu.memory_space<vmem>>[vector<16xi32>, vector<16xi32>], vector<16xf32>,
      %broadcast_in_dim3A_102 = arith.constant 65 : i32
      %broadcast_in_dim3A_103 = vector.broadcast %broadcast_in_dim3A_102 : i32 to vector<16xi32>
      %mul3A_104 = arith.constant 2 : i32
      %mul3A_105 = vector.broadcast %mul3A_104 : i32 to vector<16xi32>
      %mul3A_106 = arith.muli %get3A_82, %mul3A_105 : vector<16xi32>
      %add3A_107 = arith.constant 1 : i32
      %add3A_108 = vector.broadcast %add3A_107 : i32 to vector<16xi32>
      %add3A_109 = arith.addi %mul3A_106, %add3A_108 : vector<16xi32>
      %gather3A_110 = tpu.vector_load_idx %arg10[%add3A_109] : memref<20000xf32, #tpu.memory_space<vmem>>[vector<16xi32>], vector<16xf32>,
      %gather3A_111 = tpu.vector_load_idx %arg11[%add3A_80, %broadcast_in_dim3A_103] : memref<128x80xf32, #tpu.memory_space<vmem>>[vector<16xi32>, vector<16xi32>], vector<16xf32>,
      %add3A_112 = arith.addf %gather3A_110, %gather3A_111 : vector<16xf32>
      %ge3A_113 = arith.constant 0.000000e+00 : f32
      %ge3A_114 = vector.broadcast %ge3A_113 : f32 to vector<16xf32>
      %ge3A_115 = arith.cmpf oge, %add3A_112, %ge3A_114 : vector<16xf32>
      %mul3A_116 = arith.constant 2.000000e-01 : f32
      %mul3A_117 = vector.broadcast %mul3A_116 : f32 to vector<16xf32>
      %mul3A_118 = arith.mulf %mul3A_117, %add3A_112 : vector<16xf32>
      %select_n3A_119 = arith.select %ge3A_115, %add3A_112, %mul3A_118 : vector<16xi1>, vector<16xf32>
      %exp3A_120 = math.exp %select_n3A_119 : vector<16xf32>
      tpu.vector_store_idx %arg13[%add3A_80, %broadcast_in_dim3A_103], %exp3A_120 : memref<128x80xf32, #tpu.memory_space<vmem>>[vector<16xi32>, vector<16xi32>], vector<16xf32>,
      %scan3A_121 = arith.constant 0 : i32
      %scan3A_122 = arith.constant 32 : i32
      %scan3A_123 = arith.addi %scan3A_121, %scan3A_122 : i32
      %scan3A_124 = arith.constant 4 : i32
      scf.for %scan3A_455 = %scan3A_121 to %scan3A_123 step %scan3A_124  : i32 {
        %broadcast_in_dim3A_456 = arith.constant 1 : i32
        %broadcast_in_dim3A_457 = vector.broadcast %broadcast_in_dim3A_456 : i32 to vector<16xi32>
        %add3A_458 = arith.constant 0 : i32
        %add3A_459 = arith.addi %add3A_458, %scan3A_455 : i32
        %mul3A_460 = vector.broadcast %add3A_459 : i32 to vector<16xi32>
        %mul3A_461 = arith.muli %broadcast_in_dim3A_457, %mul3A_460 : vector<16xi32>
        %gather3A_462 = tpu.vector_load_idx %arg12[%add3A_80, %mul3A_461] : memref<128x64xf32, #tpu.memory_space<vmem>>[vector<16xi32>, vector<16xi32>], vector<16xf32>,
        %gather3A_463 = tpu.vector_load_idx %arg11[%add3A_80, %mul3A_461] : memref<128x80xf32, #tpu.memory_space<vmem>>[vector<16xi32>, vector<16xi32>], vector<16xf32>,
        %add3A_464 = arith.addf %gather3A_462, %gather3A_463 : vector<16xf32>
        %mul3A_465 = arith.mulf %add3A_464, %exp3A_101 : vector<16xf32>
        tpu.vector_store_idx %arg13[%add3A_80, %mul3A_461], %mul3A_465 : memref<128x80xf32, #tpu.memory_space<vmem>>[vector<16xi32>, vector<16xi32>], vector<16xf32>,
        %scan3A_466 = arith.constant 1 : i32
        %scan3A_467 = arith.addi %scan3A_455, %scan3A_466 : i32
        %broadcast_in_dim3A_468 = arith.constant 1 : i32
        %broadcast_in_dim3A_469 = vector.broadcast %broadcast_in_dim3A_468 : i32 to vector<16xi32>
        %add3A_470 = arith.constant 0 : i32
        %add3A_471 = arith.addi %add3A_470, %scan3A_467 : i32
        %mul3A_472 = vector.broadcast %add3A_471 : i32 to vector<16xi32>
        %mul3A_473 = arith.muli %broadcast_in_dim3A_469, %mul3A_472 : vector<16xi32>
        %gather3A_474 = tpu.vector_load_idx %arg12[%add3A_80, %mul3A_473] : memref<128x64xf32, #tpu.memory_space<vmem>>[vector<16xi32>, vector<16xi32>], vector<16xf32>,
        %gather3A_475 = tpu.vector_load_idx %arg11[%add3A_80, %mul3A_473] : memref<128x80xf32, #tpu.memory_space<vmem>>[vector<16xi32>, vector<16xi32>], vector<16xf32>,
        %add3A_476 = arith.addf %gather3A_474, %gather3A_475 : vector<16xf32>
        %mul3A_477 = arith.mulf %add3A_476, %exp3A_101 : vector<16xf32>
        tpu.vector_store_idx %arg13[%add3A_80, %mul3A_473], %mul3A_477 : memref<128x80xf32, #tpu.memory_space<vmem>>[vector<16xi32>, vector<16xi32>], vector<16xf32>,
        %scan3A_478 = arith.constant 2 : i32
        %scan3A_479 = arith.addi %scan3A_455, %scan3A_478 : i32
        %broadcast_in_dim3A_480 = arith.constant 1 : i32
        %broadcast_in_dim3A_481 = vector.broadcast %broadcast_in_dim3A_480 : i32 to vector<16xi32>
        %add3A_482 = arith.constant 0 : i32
        %add3A_483 = arith.addi %add3A_482, %scan3A_479 : i32
        %mul3A_484 = vector.broadcast %add3A_483 : i32 to vector<16xi32>
        %mul3A_485 = arith.muli %broadcast_in_dim3A_481, %mul3A_484 : vector<16xi32>
        %gather3A_486 = tpu.vector_load_idx %arg12[%add3A_80, %mul3A_485] : memref<128x64xf32, #tpu.memory_space<vmem>>[vector<16xi32>, vector<16xi32>], vector<16xf32>,
        %gather3A_487 = tpu.vector_load_idx %arg11[%add3A_80, %mul3A_485] : memref<128x80xf32, #tpu.memory_space<vmem>>[vector<16xi32>, vector<16xi32>], vector<16xf32>,
        %add3A_488 = arith.addf %gather3A_486, %gather3A_487 : vector<16xf32>
        %mul3A_489 = arith.mulf %add3A_488, %exp3A_101 : vector<16xf32>
        tpu.vector_store_idx %arg13[%add3A_80, %mul3A_485], %mul3A_489 : memref<128x80xf32, #tpu.memory_space<vmem>>[vector<16xi32>, vector<16xi32>], vector<16xf32>,
        %scan3A_490 = arith.constant 3 : i32
        %scan3A_491 = arith.addi %scan3A_455, %scan3A_490 : i32
        %broadcast_in_dim3A_492 = arith.constant 1 : i32
        %broadcast_in_dim3A_493 = vector.broadcast %broadcast_in_dim3A_492 : i32 to vector<16xi32>
        %add3A_494 = arith.constant 0 : i32
        %add3A_495 = arith.addi %add3A_494, %scan3A_491 : i32
        %mul3A_496 = vector.broadcast %add3A_495 : i32 to vector<16xi32>
        %mul3A_497 = arith.muli %broadcast_in_dim3A_493, %mul3A_496 : vector<16xi32>
        %gather3A_498 = tpu.vector_load_idx %arg12[%add3A_80, %mul3A_497] : memref<128x64xf32, #tpu.memory_space<vmem>>[vector<16xi32>, vector<16xi32>], vector<16xf32>,
        %gather3A_499 = tpu.vector_load_idx %arg11[%add3A_80, %mul3A_497] : memref<128x80xf32, #tpu.memory_space<vmem>>[vector<16xi32>, vector<16xi32>], vector<16xf32>,
        %add3A_500 = arith.addf %gather3A_498, %gather3A_499 : vector<16xf32>
        %mul3A_501 = arith.mulf %add3A_500, %exp3A_101 : vector<16xf32>
        tpu.vector_store_idx %arg13[%add3A_80, %mul3A_497], %mul3A_501 : memref<128x80xf32, #tpu.memory_space<vmem>>[vector<16xi32>, vector<16xi32>], vector<16xf32>,
      }
      %scan3A_125 = arith.constant 32 : i32
      %scan3A_126 = arith.constant 0 : i32
      %scan3A_127 = arith.constant 32 : i32
      %scan3A_128 = arith.addi %scan3A_126, %scan3A_127 : i32
      %scan3A_129 = arith.constant 4 : i32
      scf.for %scan3A_455 = %scan3A_126 to %scan3A_128 step %scan3A_129  : i32 {
        %broadcast_in_dim3A_456 = arith.constant 1 : i32
        %broadcast_in_dim3A_457 = vector.broadcast %broadcast_in_dim3A_456 : i32 to vector<16xi32>
        %add3A_458 = arith.constant 32 : i32
        %add3A_459 = arith.addi %add3A_458, %scan3A_455 : i32
        %mul3A_460 = vector.broadcast %add3A_459 : i32 to vector<16xi32>
        %mul3A_461 = arith.muli %broadcast_in_dim3A_457, %mul3A_460 : vector<16xi32>
        %gather3A_462 = tpu.vector_load_idx %arg12[%add3A_80, %mul3A_461] : memref<128x64xf32, #tpu.memory_space<vmem>>[vector<16xi32>, vector<16xi32>], vector<16xf32>,
        %gather3A_463 = tpu.vector_load_idx %arg11[%add3A_80, %mul3A_461] : memref<128x80xf32, #tpu.memory_space<vmem>>[vector<16xi32>, vector<16xi32>], vector<16xf32>,
        %add3A_464 = arith.addf %gather3A_462, %gather3A_463 : vector<16xf32>
        %mul3A_465 = arith.mulf %add3A_464, %exp3A_120 : vector<16xf32>
        tpu.vector_store_idx %arg13[%add3A_80, %mul3A_461], %mul3A_465 : memref<128x80xf32, #tpu.memory_space<vmem>>[vector<16xi32>, vector<16xi32>], vector<16xf32>,
        %scan3A_466 = arith.constant 1 : i32
        %scan3A_467 = arith.addi %scan3A_455, %scan3A_466 : i32
        %broadcast_in_dim3A_468 = arith.constant 1 : i32
        %broadcast_in_dim3A_469 = vector.broadcast %broadcast_in_dim3A_468 : i32 to vector<16xi32>
        %add3A_470 = arith.constant 32 : i32
        %add3A_471 = arith.addi %add3A_470, %scan3A_467 : i32
        %mul3A_472 = vector.broadcast %add3A_471 : i32 to vector<16xi32>
        %mul3A_473 = arith.muli %broadcast_in_dim3A_469, %mul3A_472 : vector<16xi32>
        %gather3A_474 = tpu.vector_load_idx %arg12[%add3A_80, %mul3A_473] : memref<128x64xf32, #tpu.memory_space<vmem>>[vector<16xi32>, vector<16xi32>], vector<16xf32>,
        %gather3A_475 = tpu.vector_load_idx %arg11[%add3A_80, %mul3A_473] : memref<128x80xf32, #tpu.memory_space<vmem>>[vector<16xi32>, vector<16xi32>], vector<16xf32>,
        %add3A_476 = arith.addf %gather3A_474, %gather3A_475 : vector<16xf32>
        %mul3A_477 = arith.mulf %add3A_476, %exp3A_120 : vector<16xf32>
        tpu.vector_store_idx %arg13[%add3A_80, %mul3A_473], %mul3A_477 : memref<128x80xf32, #tpu.memory_space<vmem>>[vector<16xi32>, vector<16xi32>], vector<16xf32>,
        %scan3A_478 = arith.constant 2 : i32
        %scan3A_479 = arith.addi %scan3A_455, %scan3A_478 : i32
        %broadcast_in_dim3A_480 = arith.constant 1 : i32
        %broadcast_in_dim3A_481 = vector.broadcast %broadcast_in_dim3A_480 : i32 to vector<16xi32>
        %add3A_482 = arith.constant 32 : i32
        %add3A_483 = arith.addi %add3A_482, %scan3A_479 : i32
        %mul3A_484 = vector.broadcast %add3A_483 : i32 to vector<16xi32>
        %mul3A_485 = arith.muli %broadcast_in_dim3A_481, %mul3A_484 : vector<16xi32>
        %gather3A_486 = tpu.vector_load_idx %arg12[%add3A_80, %mul3A_485] : memref<128x64xf32, #tpu.memory_space<vmem>>[vector<16xi32>, vector<16xi32>], vector<16xf32>,
        %gather3A_487 = tpu.vector_load_idx %arg11[%add3A_80, %mul3A_485] : memref<128x80xf32, #tpu.memory_space<vmem>>[vector<16xi32>, vector<16xi32>], vector<16xf32>,
        %add3A_488 = arith.addf %gather3A_486, %gather3A_487 : vector<16xf32>
        %mul3A_489 = arith.mulf %add3A_488, %exp3A_120 : vector<16xf32>
        tpu.vector_store_idx %arg13[%add3A_80, %mul3A_485], %mul3A_489 : memref<128x80xf32, #tpu.memory_space<vmem>>[vector<16xi32>, vector<16xi32>], vector<16xf32>,
        %scan3A_490 = arith.constant 3 : i32
        %scan3A_491 = arith.addi %scan3A_455, %scan3A_490 : i32
        %broadcast_in_dim3A_492 = arith.constant 1 : i32
        %broadcast_in_dim3A_493 = vector.broadcast %broadcast_in_dim3A_492 : i32 to vector<16xi32>
        %add3A_494 = arith.constant 32 : i32
        %add3A_495 = arith.addi %add3A_494, %scan3A_491 : i32
        %mul3A_496 = vector.broadcast %add3A_495 : i32 to vector<16xi32>
        %mul3A_497 = arith.muli %broadcast_in_dim3A_493, %mul3A_496 : vector<16xi32>
        %gather3A_498 = tpu.vector_load_idx %arg12[%add3A_80, %mul3A_497] : memref<128x64xf32, #tpu.memory_space<vmem>>[vector<16xi32>, vector<16xi32>], vector<16xf32>,
        %gather3A_499 = tpu.vector_load_idx %arg11[%add3A_80, %mul3A_497] : memref<128x80xf32, #tpu.memory_space<vmem>>[vector<16xi32>, vector<16xi32>], vector<16xf32>,
        %add3A_500 = arith.addf %gather3A_498, %gather3A_499 : vector<16xf32>
        %mul3A_501 = arith.mulf %add3A_500, %exp3A_120 : vector<16xf32>
        tpu.vector_store_idx %arg13[%add3A_80, %mul3A_497], %mul3A_501 : memref<128x80xf32, #tpu.memory_space<vmem>>[vector<16xi32>, vector<16xi32>], vector<16xf32>,
      }
      %scan3A_130 = arith.constant 32 : i32
      %iota3A_131 = tpu.iota {dimensions = array<i32: 0>} : vector<16xi32>
      %add3A_132 = arith.constant 32 : i32
      %add3A_133 = vector.broadcast %add3A_132 : i32 to vector<16xi32>
      %add3A_134 = arith.addi %iota3A_131, %add3A_133 : vector<16xi32>
      %get3A_135 = arith.constant 32 : index
      %get3A_136 = tpu.vector_load %arg14[%get3A_135] {strides = array<i32>} : memref<128xi32, #tpu.memory_space<vmem>>, vector<16xi32>,
      %broadcast_in_dim3A_137 = arith.constant 64 : i32
      %broadcast_in_dim3A_138 = vector.broadcast %broadcast_in_dim3A_137 : i32 to vector<16xi32>
      %mul3A_139 = arith.constant 2 : i32
      %mul3A_140 = vector.broadcast %mul3A_139 : i32 to vector<16xi32>
      %mul3A_141 = arith.muli %get3A_136, %mul3A_140 : vector<16xi32>
      %add3A_142 = arith.constant 0 : i32
      %add3A_143 = vector.broadcast %add3A_142 : i32 to vector<16xi32>
      %add3A_144 = arith.addi %mul3A_141, %add3A_143 : vector<16xi32>
      %gather3A_145 = tpu.vector_load_idx %arg10[%add3A_144] : memref<20000xf32, #tpu.memory_space<vmem>>[vector<16xi32>], vector<16xf32>,
      %gather3A_146 = tpu.vector_load_idx %arg11[%add3A_134, %broadcast_in_dim3A_138] : memref<128x80xf32, #tpu.memory_space<vmem>>[vector<16xi32>, vector<16xi32>], vector<16xf32>,
      %add3A_147 = arith.addf %gather3A_145, %gather3A_146 : vector<16xf32>
      %ge3A_148 = arith.constant 0.000000e+00 : f32
      %ge3A_149 = vector.broadcast %ge3A_148 : f32 to vector<16xf32>
      %ge3A_150 = arith.cmpf oge, %add3A_147, %ge3A_149 : vector<16xf32>
      %mul3A_151 = arith.constant 2.000000e-01 : f32
      %mul3A_152 = vector.broadcast %mul3A_151 : f32 to vector<16xf32>
      %mul3A_153 = arith.mulf %mul3A_152, %add3A_147 : vector<16xf32>
      %select_n3A_154 = arith.select %ge3A_150, %add3A_147, %mul3A_153 : vector<16xi1>, vector<16xf32>
      %exp3A_155 = math.exp %select_n3A_154 : vector<16xf32>
      tpu.vector_store_idx %arg13[%add3A_134, %broadcast_in_dim3A_138], %exp3A_155 : memref<128x80xf32, #tpu.memory_space<vmem>>[vector<16xi32>, vector<16xi32>], vector<16xf32>,
      %broadcast_in_dim3A_156 = arith.constant 65 : i32
      %broadcast_in_dim3A_157 = vector.broadcast %broadcast_in_dim3A_156 : i32 to vector<16xi32>
      %mul3A_158 = arith.constant 2 : i32
      %mul3A_159 = vector.broadcast %mul3A_158 : i32 to vector<16xi32>
      %mul3A_160 = arith.muli %get3A_136, %mul3A_159 : vector<16xi32>
      %add3A_161 = arith.constant 1 : i32
      %add3A_162 = vector.broadcast %add3A_161 : i32 to vector<16xi32>
      %add3A_163 = arith.addi %mul3A_160, %add3A_162 : vector<16xi32>
      %gather3A_164 = tpu.vector_load_idx %arg10[%add3A_163] : memref<20000xf32, #tpu.memory_space<vmem>>[vector<16xi32>], vector<16xf32>,
      %gather3A_165 = tpu.vector_load_idx %arg11[%add3A_134, %broadcast_in_dim3A_157] : memref<128x80xf32, #tpu.memory_space<vmem>>[vector<16xi32>, vector<16xi32>], vector<16xf32>,
      %add3A_166 = arith.addf %gather3A_164, %gather3A_165 : vector<16xf32>
      %ge3A_167 = arith.constant 0.000000e+00 : f32
      %ge3A_168 = vector.broadcast %ge3A_167 : f32 to vector<16xf32>
      %ge3A_169 = arith.cmpf oge, %add3A_166, %ge3A_168 : vector<16xf32>
      %mul3A_170 = arith.constant 2.000000e-01 : f32
      %mul3A_171 = vector.broadcast %mul3A_170 : f32 to vector<16xf32>
      %mul3A_172 = arith.mulf %mul3A_171, %add3A_166 : vector<16xf32>
      %select_n3A_173 = arith.select %ge3A_169, %add3A_166, %mul3A_172 : vector<16xi1>, vector<16xf32>
      %exp3A_174 = math.exp %select_n3A_173 : vector<16xf32>
      tpu.vector_store_idx %arg13[%add3A_134, %broadcast_in_dim3A_157], %exp3A_174 : memref<128x80xf32, #tpu.memory_space<vmem>>[vector<16xi32>, vector<16xi32>], vector<16xf32>,
      %scan3A_175 = arith.constant 0 : i32
      %scan3A_176 = arith.constant 32 : i32
      %scan3A_177 = arith.addi %scan3A_175, %scan3A_176 : i32
      %scan3A_178 = arith.constant 4 : i32
      scf.for %scan3A_455 = %scan3A_175 to %scan3A_177 step %scan3A_178  : i32 {
        %broadcast_in_dim3A_456 = arith.constant 1 : i32
        %broadcast_in_dim3A_457 = vector.broadcast %broadcast_in_dim3A_456 : i32 to vector<16xi32>
        %add3A_458 = arith.constant 0 : i32
        %add3A_459 = arith.addi %add3A_458, %scan3A_455 : i32
        %mul3A_460 = vector.broadcast %add3A_459 : i32 to vector<16xi32>
        %mul3A_461 = arith.muli %broadcast_in_dim3A_457, %mul3A_460 : vector<16xi32>
        %gather3A_462 = tpu.vector_load_idx %arg12[%add3A_134, %mul3A_461] : memref<128x64xf32, #tpu.memory_space<vmem>>[vector<16xi32>, vector<16xi32>], vector<16xf32>,
        %gather3A_463 = tpu.vector_load_idx %arg11[%add3A_134, %mul3A_461] : memref<128x80xf32, #tpu.memory_space<vmem>>[vector<16xi32>, vector<16xi32>], vector<16xf32>,
        %add3A_464 = arith.addf %gather3A_462, %gather3A_463 : vector<16xf32>
        %mul3A_465 = arith.mulf %add3A_464, %exp3A_155 : vector<16xf32>
        tpu.vector_store_idx %arg13[%add3A_134, %mul3A_461], %mul3A_465 : memref<128x80xf32, #tpu.memory_space<vmem>>[vector<16xi32>, vector<16xi32>], vector<16xf32>,
        %scan3A_466 = arith.constant 1 : i32
        %scan3A_467 = arith.addi %scan3A_455, %scan3A_466 : i32
        %broadcast_in_dim3A_468 = arith.constant 1 : i32
        %broadcast_in_dim3A_469 = vector.broadcast %broadcast_in_dim3A_468 : i32 to vector<16xi32>
        %add3A_470 = arith.constant 0 : i32
        %add3A_471 = arith.addi %add3A_470, %scan3A_467 : i32
        %mul3A_472 = vector.broadcast %add3A_471 : i32 to vector<16xi32>
        %mul3A_473 = arith.muli %broadcast_in_dim3A_469, %mul3A_472 : vector<16xi32>
        %gather3A_474 = tpu.vector_load_idx %arg12[%add3A_134, %mul3A_473] : memref<128x64xf32, #tpu.memory_space<vmem>>[vector<16xi32>, vector<16xi32>], vector<16xf32>,
        %gather3A_475 = tpu.vector_load_idx %arg11[%add3A_134, %mul3A_473] : memref<128x80xf32, #tpu.memory_space<vmem>>[vector<16xi32>, vector<16xi32>], vector<16xf32>,
        %add3A_476 = arith.addf %gather3A_474, %gather3A_475 : vector<16xf32>
        %mul3A_477 = arith.mulf %add3A_476, %exp3A_155 : vector<16xf32>
        tpu.vector_store_idx %arg13[%add3A_134, %mul3A_473], %mul3A_477 : memref<128x80xf32, #tpu.memory_space<vmem>>[vector<16xi32>, vector<16xi32>], vector<16xf32>,
        %scan3A_478 = arith.constant 2 : i32
        %scan3A_479 = arith.addi %scan3A_455, %scan3A_478 : i32
        %broadcast_in_dim3A_480 = arith.constant 1 : i32
        %broadcast_in_dim3A_481 = vector.broadcast %broadcast_in_dim3A_480 : i32 to vector<16xi32>
        %add3A_482 = arith.constant 0 : i32
        %add3A_483 = arith.addi %add3A_482, %scan3A_479 : i32
        %mul3A_484 = vector.broadcast %add3A_483 : i32 to vector<16xi32>
        %mul3A_485 = arith.muli %broadcast_in_dim3A_481, %mul3A_484 : vector<16xi32>
        %gather3A_486 = tpu.vector_load_idx %arg12[%add3A_134, %mul3A_485] : memref<128x64xf32, #tpu.memory_space<vmem>>[vector<16xi32>, vector<16xi32>], vector<16xf32>,
        %gather3A_487 = tpu.vector_load_idx %arg11[%add3A_134, %mul3A_485] : memref<128x80xf32, #tpu.memory_space<vmem>>[vector<16xi32>, vector<16xi32>], vector<16xf32>,
        %add3A_488 = arith.addf %gather3A_486, %gather3A_487 : vector<16xf32>
        %mul3A_489 = arith.mulf %add3A_488, %exp3A_155 : vector<16xf32>
        tpu.vector_store_idx %arg13[%add3A_134, %mul3A_485], %mul3A_489 : memref<128x80xf32, #tpu.memory_space<vmem>>[vector<16xi32>, vector<16xi32>], vector<16xf32>,
        %scan3A_490 = arith.constant 3 : i32
        %scan3A_491 = arith.addi %scan3A_455, %scan3A_490 : i32
        %broadcast_in_dim3A_492 = arith.constant 1 : i32
        %broadcast_in_dim3A_493 = vector.broadcast %broadcast_in_dim3A_492 : i32 to vector<16xi32>
        %add3A_494 = arith.constant 0 : i32
        %add3A_495 = arith.addi %add3A_494, %scan3A_491 : i32
        %mul3A_496 = vector.broadcast %add3A_495 : i32 to vector<16xi32>
        %mul3A_497 = arith.muli %broadcast_in_dim3A_493, %mul3A_496 : vector<16xi32>
        %gather3A_498 = tpu.vector_load_idx %arg12[%add3A_134, %mul3A_497] : memref<128x64xf32, #tpu.memory_space<vmem>>[vector<16xi32>, vector<16xi32>], vector<16xf32>,
        %gather3A_499 = tpu.vector_load_idx %arg11[%add3A_134, %mul3A_497] : memref<128x80xf32, #tpu.memory_space<vmem>>[vector<16xi32>, vector<16xi32>], vector<16xf32>,
        %add3A_500 = arith.addf %gather3A_498, %gather3A_499 : vector<16xf32>
        %mul3A_501 = arith.mulf %add3A_500, %exp3A_155 : vector<16xf32>
        tpu.vector_store_idx %arg13[%add3A_134, %mul3A_497], %mul3A_501 : memref<128x80xf32, #tpu.memory_space<vmem>>[vector<16xi32>, vector<16xi32>], vector<16xf32>,
      }
      %scan3A_179 = arith.constant 32 : i32
      %scan3A_180 = arith.constant 0 : i32
      %scan3A_181 = arith.constant 32 : i32
      %scan3A_182 = arith.addi %scan3A_180, %scan3A_181 : i32
      %scan3A_183 = arith.constant 4 : i32
      scf.for %scan3A_455 = %scan3A_180 to %scan3A_182 step %scan3A_183  : i32 {
        %broadcast_in_dim3A_456 = arith.constant 1 : i32
        %broadcast_in_dim3A_457 = vector.broadcast %broadcast_in_dim3A_456 : i32 to vector<16xi32>
        %add3A_458 = arith.constant 32 : i32
        %add3A_459 = arith.addi %add3A_458, %scan3A_455 : i32
        %mul3A_460 = vector.broadcast %add3A_459 : i32 to vector<16xi32>
        %mul3A_461 = arith.muli %broadcast_in_dim3A_457, %mul3A_460 : vector<16xi32>
        %gather3A_462 = tpu.vector_load_idx %arg12[%add3A_134, %mul3A_461] : memref<128x64xf32, #tpu.memory_space<vmem>>[vector<16xi32>, vector<16xi32>], vector<16xf32>,
        %gather3A_463 = tpu.vector_load_idx %arg11[%add3A_134, %mul3A_461] : memref<128x80xf32, #tpu.memory_space<vmem>>[vector<16xi32>, vector<16xi32>], vector<16xf32>,
        %add3A_464 = arith.addf %gather3A_462, %gather3A_463 : vector<16xf32>
        %mul3A_465 = arith.mulf %add3A_464, %exp3A_174 : vector<16xf32>
        tpu.vector_store_idx %arg13[%add3A_134, %mul3A_461], %mul3A_465 : memref<128x80xf32, #tpu.memory_space<vmem>>[vector<16xi32>, vector<16xi32>], vector<16xf32>,
        %scan3A_466 = arith.constant 1 : i32
        %scan3A_467 = arith.addi %scan3A_455, %scan3A_466 : i32
        %broadcast_in_dim3A_468 = arith.constant 1 : i32
        %broadcast_in_dim3A_469 = vector.broadcast %broadcast_in_dim3A_468 : i32 to vector<16xi32>
        %add3A_470 = arith.constant 32 : i32
        %add3A_471 = arith.addi %add3A_470, %scan3A_467 : i32
        %mul3A_472 = vector.broadcast %add3A_471 : i32 to vector<16xi32>
        %mul3A_473 = arith.muli %broadcast_in_dim3A_469, %mul3A_472 : vector<16xi32>
        %gather3A_474 = tpu.vector_load_idx %arg12[%add3A_134, %mul3A_473] : memref<128x64xf32, #tpu.memory_space<vmem>>[vector<16xi32>, vector<16xi32>], vector<16xf32>,
        %gather3A_475 = tpu.vector_load_idx %arg11[%add3A_134, %mul3A_473] : memref<128x80xf32, #tpu.memory_space<vmem>>[vector<16xi32>, vector<16xi32>], vector<16xf32>,
        %add3A_476 = arith.addf %gather3A_474, %gather3A_475 : vector<16xf32>
        %mul3A_477 = arith.mulf %add3A_476, %exp3A_174 : vector<16xf32>
        tpu.vector_store_idx %arg13[%add3A_134, %mul3A_473], %mul3A_477 : memref<128x80xf32, #tpu.memory_space<vmem>>[vector<16xi32>, vector<16xi32>], vector<16xf32>,
        %scan3A_478 = arith.constant 2 : i32
        %scan3A_479 = arith.addi %scan3A_455, %scan3A_478 : i32
        %broadcast_in_dim3A_480 = arith.constant 1 : i32
        %broadcast_in_dim3A_481 = vector.broadcast %broadcast_in_dim3A_480 : i32 to vector<16xi32>
        %add3A_482 = arith.constant 32 : i32
        %add3A_483 = arith.addi %add3A_482, %scan3A_479 : i32
        %mul3A_484 = vector.broadcast %add3A_483 : i32 to vector<16xi32>
        %mul3A_485 = arith.muli %broadcast_in_dim3A_481, %mul3A_484 : vector<16xi32>
        %gather3A_486 = tpu.vector_load_idx %arg12[%add3A_134, %mul3A_485] : memref<128x64xf32, #tpu.memory_space<vmem>>[vector<16xi32>, vector<16xi32>], vector<16xf32>,
        %gather3A_487 = tpu.vector_load_idx %arg11[%add3A_134, %mul3A_485] : memref<128x80xf32, #tpu.memory_space<vmem>>[vector<16xi32>, vector<16xi32>], vector<16xf32>,
        %add3A_488 = arith.addf %gather3A_486, %gather3A_487 : vector<16xf32>
        %mul3A_489 = arith.mulf %add3A_488, %exp3A_174 : vector<16xf32>
        tpu.vector_store_idx %arg13[%add3A_134, %mul3A_485], %mul3A_489 : memref<128x80xf32, #tpu.memory_space<vmem>>[vector<16xi32>, vector<16xi32>], vector<16xf32>,
        %scan3A_490 = arith.constant 3 : i32
        %scan3A_491 = arith.addi %scan3A_455, %scan3A_490 : i32
        %broadcast_in_dim3A_492 = arith.constant 1 : i32
        %broadcast_in_dim3A_493 = vector.broadcast %broadcast_in_dim3A_492 : i32 to vector<16xi32>
        %add3A_494 = arith.constant 32 : i32
        %add3A_495 = arith.addi %add3A_494, %scan3A_491 : i32
        %mul3A_496 = vector.broadcast %add3A_495 : i32 to vector<16xi32>
        %mul3A_497 = arith.muli %broadcast_in_dim3A_493, %mul3A_496 : vector<16xi32>
        %gather3A_498 = tpu.vector_load_idx %arg12[%add3A_134, %mul3A_497] : memref<128x64xf32, #tpu.memory_space<vmem>>[vector<16xi32>, vector<16xi32>], vector<16xf32>,
        %gather3A_499 = tpu.vector_load_idx %arg11[%add3A_134, %mul3A_497] : memref<128x80xf32, #tpu.memory_space<vmem>>[vector<16xi32>, vector<16xi32>], vector<16xf32>,
        %add3A_500 = arith.addf %gather3A_498, %gather3A_499 : vector<16xf32>
        %mul3A_501 = arith.mulf %add3A_500, %exp3A_174 : vector<16xf32>
        tpu.vector_store_idx %arg13[%add3A_134, %mul3A_497], %mul3A_501 : memref<128x80xf32, #tpu.memory_space<vmem>>[vector<16xi32>, vector<16xi32>], vector<16xf32>,
      }
      %scan3A_184 = arith.constant 32 : i32
      %iota3A_185 = tpu.iota {dimensions = array<i32: 0>} : vector<16xi32>
      %add3A_186 = arith.constant 48 : i32
      %add3A_187 = vector.broadcast %add3A_186 : i32 to vector<16xi32>
      %add3A_188 = arith.addi %iota3A_185, %add3A_187 : vector<16xi32>
      %get3A_189 = arith.constant 48 : index
      %get3A_190 = tpu.vector_load %arg14[%get3A_189] {strides = array<i32>} : memref<128xi32, #tpu.memory_space<vmem>>, vector<16xi32>,
      %broadcast_in_dim3A_191 = arith.constant 64 : i32
      %broadcast_in_dim3A_192 = vector.broadcast %broadcast_in_dim3A_191 : i32 to vector<16xi32>
      %mul3A_193 = arith.constant 2 : i32
      %mul3A_194 = vector.broadcast %mul3A_193 : i32 to vector<16xi32>
      %mul3A_195 = arith.muli %get3A_190, %mul3A_194 : vector<16xi32>
      %add3A_196 = arith.constant 0 : i32
      %add3A_197 = vector.broadcast %add3A_196 : i32 to vector<16xi32>
      %add3A_198 = arith.addi %mul3A_195, %add3A_197 : vector<16xi32>
      %gather3A_199 = tpu.vector_load_idx %arg10[%add3A_198] : memref<20000xf32, #tpu.memory_space<vmem>>[vector<16xi32>], vector<16xf32>,
      %gather3A_200 = tpu.vector_load_idx %arg11[%add3A_188, %broadcast_in_dim3A_192] : memref<128x80xf32, #tpu.memory_space<vmem>>[vector<16xi32>, vector<16xi32>], vector<16xf32>,
      %add3A_201 = arith.addf %gather3A_199, %gather3A_200 : vector<16xf32>
      %ge3A_202 = arith.constant 0.000000e+00 : f32
      %ge3A_203 = vector.broadcast %ge3A_202 : f32 to vector<16xf32>
      %ge3A_204 = arith.cmpf oge, %add3A_201, %ge3A_203 : vector<16xf32>
      %mul3A_205 = arith.constant 2.000000e-01 : f32
      %mul3A_206 = vector.broadcast %mul3A_205 : f32 to vector<16xf32>
      %mul3A_207 = arith.mulf %mul3A_206, %add3A_201 : vector<16xf32>
      %select_n3A_208 = arith.select %ge3A_204, %add3A_201, %mul3A_207 : vector<16xi1>, vector<16xf32>
      %exp3A_209 = math.exp %select_n3A_208 : vector<16xf32>
      tpu.vector_store_idx %arg13[%add3A_188, %broadcast_in_dim3A_192], %exp3A_209 : memref<128x80xf32, #tpu.memory_space<vmem>>[vector<16xi32>, vector<16xi32>], vector<16xf32>,
      %broadcast_in_dim3A_210 = arith.constant 65 : i32
      %broadcast_in_dim3A_211 = vector.broadcast %broadcast_in_dim3A_210 : i32 to vector<16xi32>
      %mul3A_212 = arith.constant 2 : i32
      %mul3A_213 = vector.broadcast %mul3A_212 : i32 to vector<16xi32>
      %mul3A_214 = arith.muli %get3A_190, %mul3A_213 : vector<16xi32>
      %add3A_215 = arith.constant 1 : i32
      %add3A_216 = vector.broadcast %add3A_215 : i32 to vector<16xi32>
      %add3A_217 = arith.addi %mul3A_214, %add3A_216 : vector<16xi32>
      %gather3A_218 = tpu.vector_load_idx %arg10[%add3A_217] : memref<20000xf32, #tpu.memory_space<vmem>>[vector<16xi32>], vector<16xf32>,
      %gather3A_219 = tpu.vector_load_idx %arg11[%add3A_188, %broadcast_in_dim3A_211] : memref<128x80xf32, #tpu.memory_space<vmem>>[vector<16xi32>, vector<16xi32>], vector<16xf32>,
      %add3A_220 = arith.addf %gather3A_218, %gather3A_219 : vector<16xf32>
      %ge3A_221 = arith.constant 0.000000e+00 : f32
      %ge3A_222 = vector.broadcast %ge3A_221 : f32 to vector<16xf32>
      %ge3A_223 = arith.cmpf oge, %add3A_220, %ge3A_222 : vector<16xf32>
      %mul3A_224 = arith.constant 2.000000e-01 : f32
      %mul3A_225 = vector.broadcast %mul3A_224 : f32 to vector<16xf32>
      %mul3A_226 = arith.mulf %mul3A_225, %add3A_220 : vector<16xf32>
      %select_n3A_227 = arith.select %ge3A_223, %add3A_220, %mul3A_226 : vector<16xi1>, vector<16xf32>
      %exp3A_228 = math.exp %select_n3A_227 : vector<16xf32>
      tpu.vector_store_idx %arg13[%add3A_188, %broadcast_in_dim3A_211], %exp3A_228 : memref<128x80xf32, #tpu.memory_space<vmem>>[vector<16xi32>, vector<16xi32>], vector<16xf32>,
      %scan3A_229 = arith.constant 0 : i32
      %scan3A_230 = arith.constant 32 : i32
      %scan3A_231 = arith.addi %scan3A_229, %scan3A_230 : i32
      %scan3A_232 = arith.constant 4 : i32
      scf.for %scan3A_455 = %scan3A_229 to %scan3A_231 step %scan3A_232  : i32 {
        %broadcast_in_dim3A_456 = arith.constant 1 : i32
        %broadcast_in_dim3A_457 = vector.broadcast %broadcast_in_dim3A_456 : i32 to vector<16xi32>
        %add3A_458 = arith.constant 0 : i32
        %add3A_459 = arith.addi %add3A_458, %scan3A_455 : i32
        %mul3A_460 = vector.broadcast %add3A_459 : i32 to vector<16xi32>
        %mul3A_461 = arith.muli %broadcast_in_dim3A_457, %mul3A_460 : vector<16xi32>
        %gather3A_462 = tpu.vector_load_idx %arg12[%add3A_188, %mul3A_461] : memref<128x64xf32, #tpu.memory_space<vmem>>[vector<16xi32>, vector<16xi32>], vector<16xf32>,
        %gather3A_463 = tpu.vector_load_idx %arg11[%add3A_188, %mul3A_461] : memref<128x80xf32, #tpu.memory_space<vmem>>[vector<16xi32>, vector<16xi32>], vector<16xf32>,
        %add3A_464 = arith.addf %gather3A_462, %gather3A_463 : vector<16xf32>
        %mul3A_465 = arith.mulf %add3A_464, %exp3A_209 : vector<16xf32>
        tpu.vector_store_idx %arg13[%add3A_188, %mul3A_461], %mul3A_465 : memref<128x80xf32, #tpu.memory_space<vmem>>[vector<16xi32>, vector<16xi32>], vector<16xf32>,
        %scan3A_466 = arith.constant 1 : i32
        %scan3A_467 = arith.addi %scan3A_455, %scan3A_466 : i32
        %broadcast_in_dim3A_468 = arith.constant 1 : i32
        %broadcast_in_dim3A_469 = vector.broadcast %broadcast_in_dim3A_468 : i32 to vector<16xi32>
        %add3A_470 = arith.constant 0 : i32
        %add3A_471 = arith.addi %add3A_470, %scan3A_467 : i32
        %mul3A_472 = vector.broadcast %add3A_471 : i32 to vector<16xi32>
        %mul3A_473 = arith.muli %broadcast_in_dim3A_469, %mul3A_472 : vector<16xi32>
        %gather3A_474 = tpu.vector_load_idx %arg12[%add3A_188, %mul3A_473] : memref<128x64xf32, #tpu.memory_space<vmem>>[vector<16xi32>, vector<16xi32>], vector<16xf32>,
        %gather3A_475 = tpu.vector_load_idx %arg11[%add3A_188, %mul3A_473] : memref<128x80xf32, #tpu.memory_space<vmem>>[vector<16xi32>, vector<16xi32>], vector<16xf32>,
        %add3A_476 = arith.addf %gather3A_474, %gather3A_475 : vector<16xf32>
        %mul3A_477 = arith.mulf %add3A_476, %exp3A_209 : vector<16xf32>
        tpu.vector_store_idx %arg13[%add3A_188, %mul3A_473], %mul3A_477 : memref<128x80xf32, #tpu.memory_space<vmem>>[vector<16xi32>, vector<16xi32>], vector<16xf32>,
        %scan3A_478 = arith.constant 2 : i32
        %scan3A_479 = arith.addi %scan3A_455, %scan3A_478 : i32
        %broadcast_in_dim3A_480 = arith.constant 1 : i32
        %broadcast_in_dim3A_481 = vector.broadcast %broadcast_in_dim3A_480 : i32 to vector<16xi32>
        %add3A_482 = arith.constant 0 : i32
        %add3A_483 = arith.addi %add3A_482, %scan3A_479 : i32
        %mul3A_484 = vector.broadcast %add3A_483 : i32 to vector<16xi32>
        %mul3A_485 = arith.muli %broadcast_in_dim3A_481, %mul3A_484 : vector<16xi32>
        %gather3A_486 = tpu.vector_load_idx %arg12[%add3A_188, %mul3A_485] : memref<128x64xf32, #tpu.memory_space<vmem>>[vector<16xi32>, vector<16xi32>], vector<16xf32>,
        %gather3A_487 = tpu.vector_load_idx %arg11[%add3A_188, %mul3A_485] : memref<128x80xf32, #tpu.memory_space<vmem>>[vector<16xi32>, vector<16xi32>], vector<16xf32>,
        %add3A_488 = arith.addf %gather3A_486, %gather3A_487 : vector<16xf32>
        %mul3A_489 = arith.mulf %add3A_488, %exp3A_209 : vector<16xf32>
        tpu.vector_store_idx %arg13[%add3A_188, %mul3A_485], %mul3A_489 : memref<128x80xf32, #tpu.memory_space<vmem>>[vector<16xi32>, vector<16xi32>], vector<16xf32>,
        %scan3A_490 = arith.constant 3 : i32
        %scan3A_491 = arith.addi %scan3A_455, %scan3A_490 : i32
        %broadcast_in_dim3A_492 = arith.constant 1 : i32
        %broadcast_in_dim3A_493 = vector.broadcast %broadcast_in_dim3A_492 : i32 to vector<16xi32>
        %add3A_494 = arith.constant 0 : i32
        %add3A_495 = arith.addi %add3A_494, %scan3A_491 : i32
        %mul3A_496 = vector.broadcast %add3A_495 : i32 to vector<16xi32>
        %mul3A_497 = arith.muli %broadcast_in_dim3A_493, %mul3A_496 : vector<16xi32>
        %gather3A_498 = tpu.vector_load_idx %arg12[%add3A_188, %mul3A_497] : memref<128x64xf32, #tpu.memory_space<vmem>>[vector<16xi32>, vector<16xi32>], vector<16xf32>,
        %gather3A_499 = tpu.vector_load_idx %arg11[%add3A_188, %mul3A_497] : memref<128x80xf32, #tpu.memory_space<vmem>>[vector<16xi32>, vector<16xi32>], vector<16xf32>,
        %add3A_500 = arith.addf %gather3A_498, %gather3A_499 : vector<16xf32>
        %mul3A_501 = arith.mulf %add3A_500, %exp3A_209 : vector<16xf32>
        tpu.vector_store_idx %arg13[%add3A_188, %mul3A_497], %mul3A_501 : memref<128x80xf32, #tpu.memory_space<vmem>>[vector<16xi32>, vector<16xi32>], vector<16xf32>,
      }
      %scan3A_233 = arith.constant 32 : i32
      %scan3A_234 = arith.constant 0 : i32
      %scan3A_235 = arith.constant 32 : i32
      %scan3A_236 = arith.addi %scan3A_234, %scan3A_235 : i32
      %scan3A_237 = arith.constant 4 : i32
      scf.for %scan3A_455 = %scan3A_234 to %scan3A_236 step %scan3A_237  : i32 {
        %broadcast_in_dim3A_456 = arith.constant 1 : i32
        %broadcast_in_dim3A_457 = vector.broadcast %broadcast_in_dim3A_456 : i32 to vector<16xi32>
        %add3A_458 = arith.constant 32 : i32
        %add3A_459 = arith.addi %add3A_458, %scan3A_455 : i32
        %mul3A_460 = vector.broadcast %add3A_459 : i32 to vector<16xi32>
        %mul3A_461 = arith.muli %broadcast_in_dim3A_457, %mul3A_460 : vector<16xi32>
        %gather3A_462 = tpu.vector_load_idx %arg12[%add3A_188, %mul3A_461] : memref<128x64xf32, #tpu.memory_space<vmem>>[vector<16xi32>, vector<16xi32>], vector<16xf32>,
        %gather3A_463 = tpu.vector_load_idx %arg11[%add3A_188, %mul3A_461] : memref<128x80xf32, #tpu.memory_space<vmem>>[vector<16xi32>, vector<16xi32>], vector<16xf32>,
        %add3A_464 = arith.addf %gather3A_462, %gather3A_463 : vector<16xf32>
        %mul3A_465 = arith.mulf %add3A_464, %exp3A_228 : vector<16xf32>
        tpu.vector_store_idx %arg13[%add3A_188, %mul3A_461], %mul3A_465 : memref<128x80xf32, #tpu.memory_space<vmem>>[vector<16xi32>, vector<16xi32>], vector<16xf32>,
        %scan3A_466 = arith.constant 1 : i32
        %scan3A_467 = arith.addi %scan3A_455, %scan3A_466 : i32
        %broadcast_in_dim3A_468 = arith.constant 1 : i32
        %broadcast_in_dim3A_469 = vector.broadcast %broadcast_in_dim3A_468 : i32 to vector<16xi32>
        %add3A_470 = arith.constant 32 : i32
        %add3A_471 = arith.addi %add3A_470, %scan3A_467 : i32
        %mul3A_472 = vector.broadcast %add3A_471 : i32 to vector<16xi32>
        %mul3A_473 = arith.muli %broadcast_in_dim3A_469, %mul3A_472 : vector<16xi32>
        %gather3A_474 = tpu.vector_load_idx %arg12[%add3A_188, %mul3A_473] : memref<128x64xf32, #tpu.memory_space<vmem>>[vector<16xi32>, vector<16xi32>], vector<16xf32>,
        %gather3A_475 = tpu.vector_load_idx %arg11[%add3A_188, %mul3A_473] : memref<128x80xf32, #tpu.memory_space<vmem>>[vector<16xi32>, vector<16xi32>], vector<16xf32>,
        %add3A_476 = arith.addf %gather3A_474, %gather3A_475 : vector<16xf32>
        %mul3A_477 = arith.mulf %add3A_476, %exp3A_228 : vector<16xf32>
        tpu.vector_store_idx %arg13[%add3A_188, %mul3A_473], %mul3A_477 : memref<128x80xf32, #tpu.memory_space<vmem>>[vector<16xi32>, vector<16xi32>], vector<16xf32>,
        %scan3A_478 = arith.constant 2 : i32
        %scan3A_479 = arith.addi %scan3A_455, %scan3A_478 : i32
        %broadcast_in_dim3A_480 = arith.constant 1 : i32
        %broadcast_in_dim3A_481 = vector.broadcast %broadcast_in_dim3A_480 : i32 to vector<16xi32>
        %add3A_482 = arith.constant 32 : i32
        %add3A_483 = arith.addi %add3A_482, %scan3A_479 : i32
        %mul3A_484 = vector.broadcast %add3A_483 : i32 to vector<16xi32>
        %mul3A_485 = arith.muli %broadcast_in_dim3A_481, %mul3A_484 : vector<16xi32>
        %gather3A_486 = tpu.vector_load_idx %arg12[%add3A_188, %mul3A_485] : memref<128x64xf32, #tpu.memory_space<vmem>>[vector<16xi32>, vector<16xi32>], vector<16xf32>,
        %gather3A_487 = tpu.vector_load_idx %arg11[%add3A_188, %mul3A_485] : memref<128x80xf32, #tpu.memory_space<vmem>>[vector<16xi32>, vector<16xi32>], vector<16xf32>,
        %add3A_488 = arith.addf %gather3A_486, %gather3A_487 : vector<16xf32>
        %mul3A_489 = arith.mulf %add3A_488, %exp3A_228 : vector<16xf32>
        tpu.vector_store_idx %arg13[%add3A_188, %mul3A_485], %mul3A_489 : memref<128x80xf32, #tpu.memory_space<vmem>>[vector<16xi32>, vector<16xi32>], vector<16xf32>,
        %scan3A_490 = arith.constant 3 : i32
        %scan3A_491 = arith.addi %scan3A_455, %scan3A_490 : i32
        %broadcast_in_dim3A_492 = arith.constant 1 : i32
        %broadcast_in_dim3A_493 = vector.broadcast %broadcast_in_dim3A_492 : i32 to vector<16xi32>
        %add3A_494 = arith.constant 32 : i32
        %add3A_495 = arith.addi %add3A_494, %scan3A_491 : i32
        %mul3A_496 = vector.broadcast %add3A_495 : i32 to vector<16xi32>
        %mul3A_497 = arith.muli %broadcast_in_dim3A_493, %mul3A_496 : vector<16xi32>
        %gather3A_498 = tpu.vector_load_idx %arg12[%add3A_188, %mul3A_497] : memref<128x64xf32, #tpu.memory_space<vmem>>[vector<16xi32>, vector<16xi32>], vector<16xf32>,
        %gather3A_499 = tpu.vector_load_idx %arg11[%add3A_188, %mul3A_497] : memref<128x80xf32, #tpu.memory_space<vmem>>[vector<16xi32>, vector<16xi32>], vector<16xf32>,
        %add3A_500 = arith.addf %gather3A_498, %gather3A_499 : vector<16xf32>
        %mul3A_501 = arith.mulf %add3A_500, %exp3A_228 : vector<16xf32>
        tpu.vector_store_idx %arg13[%add3A_188, %mul3A_497], %mul3A_501 : memref<128x80xf32, #tpu.memory_space<vmem>>[vector<16xi32>, vector<16xi32>], vector<16xf32>,
      }
      %scan3A_238 = arith.constant 32 : i32
      %iota3A_239 = tpu.iota {dimensions = array<i32: 0>} : vector<16xi32>
      %add3A_240 = arith.constant 64 : i32
      %add3A_241 = vector.broadcast %add3A_240 : i32 to vector<16xi32>
      %add3A_242 = arith.addi %iota3A_239, %add3A_241 : vector<16xi32>
      %get3A_243 = arith.constant 64 : index
      %get3A_244 = tpu.vector_load %arg14[%get3A_243] {strides = array<i32>} : memref<128xi32, #tpu.memory_space<vmem>>, vector<16xi32>,
      %broadcast_in_dim3A_245 = arith.constant 64 : i32
      %broadcast_in_dim3A_246 = vector.broadcast %broadcast_in_dim3A_245 : i32 to vector<16xi32>
      %mul3A_247 = arith.constant 2 : i32
      %mul3A_248 = vector.broadcast %mul3A_247 : i32 to vector<16xi32>
      %mul3A_249 = arith.muli %get3A_244, %mul3A_248 : vector<16xi32>
      %add3A_250 = arith.constant 0 : i32
      %add3A_251 = vector.broadcast %add3A_250 : i32 to vector<16xi32>
      %add3A_252 = arith.addi %mul3A_249, %add3A_251 : vector<16xi32>
      %gather3A_253 = tpu.vector_load_idx %arg10[%add3A_252] : memref<20000xf32, #tpu.memory_space<vmem>>[vector<16xi32>], vector<16xf32>,
      %gather3A_254 = tpu.vector_load_idx %arg11[%add3A_242, %broadcast_in_dim3A_246] : memref<128x80xf32, #tpu.memory_space<vmem>>[vector<16xi32>, vector<16xi32>], vector<16xf32>,
      %add3A_255 = arith.addf %gather3A_253, %gather3A_254 : vector<16xf32>
      %ge3A_256 = arith.constant 0.000000e+00 : f32
      %ge3A_257 = vector.broadcast %ge3A_256 : f32 to vector<16xf32>
      %ge3A_258 = arith.cmpf oge, %add3A_255, %ge3A_257 : vector<16xf32>
      %mul3A_259 = arith.constant 2.000000e-01 : f32
      %mul3A_260 = vector.broadcast %mul3A_259 : f32 to vector<16xf32>
      %mul3A_261 = arith.mulf %mul3A_260, %add3A_255 : vector<16xf32>
      %select_n3A_262 = arith.select %ge3A_258, %add3A_255, %mul3A_261 : vector<16xi1>, vector<16xf32>
      %exp3A_263 = math.exp %select_n3A_262 : vector<16xf32>
      tpu.vector_store_idx %arg13[%add3A_242, %broadcast_in_dim3A_246], %exp3A_263 : memref<128x80xf32, #tpu.memory_space<vmem>>[vector<16xi32>, vector<16xi32>], vector<16xf32>,
      %broadcast_in_dim3A_264 = arith.constant 65 : i32
      %broadcast_in_dim3A_265 = vector.broadcast %broadcast_in_dim3A_264 : i32 to vector<16xi32>
      %mul3A_266 = arith.constant 2 : i32
      %mul3A_267 = vector.broadcast %mul3A_266 : i32 to vector<16xi32>
      %mul3A_268 = arith.muli %get3A_244, %mul3A_267 : vector<16xi32>
      %add3A_269 = arith.constant 1 : i32
      %add3A_270 = vector.broadcast %add3A_269 : i32 to vector<16xi32>
      %add3A_271 = arith.addi %mul3A_268, %add3A_270 : vector<16xi32>
      %gather3A_272 = tpu.vector_load_idx %arg10[%add3A_271] : memref<20000xf32, #tpu.memory_space<vmem>>[vector<16xi32>], vector<16xf32>,
      %gather3A_273 = tpu.vector_load_idx %arg11[%add3A_242, %broadcast_in_dim3A_265] : memref<128x80xf32, #tpu.memory_space<vmem>>[vector<16xi32>, vector<16xi32>], vector<16xf32>,
      %add3A_274 = arith.addf %gather3A_272, %gather3A_273 : vector<16xf32>
      %ge3A_275 = arith.constant 0.000000e+00 : f32
      %ge3A_276 = vector.broadcast %ge3A_275 : f32 to vector<16xf32>
      %ge3A_277 = arith.cmpf oge, %add3A_274, %ge3A_276 : vector<16xf32>
      %mul3A_278 = arith.constant 2.000000e-01 : f32
      %mul3A_279 = vector.broadcast %mul3A_278 : f32 to vector<16xf32>
      %mul3A_280 = arith.mulf %mul3A_279, %add3A_274 : vector<16xf32>
      %select_n3A_281 = arith.select %ge3A_277, %add3A_274, %mul3A_280 : vector<16xi1>, vector<16xf32>
      %exp3A_282 = math.exp %select_n3A_281 : vector<16xf32>
      tpu.vector_store_idx %arg13[%add3A_242, %broadcast_in_dim3A_265], %exp3A_282 : memref<128x80xf32, #tpu.memory_space<vmem>>[vector<16xi32>, vector<16xi32>], vector<16xf32>,
      %scan3A_283 = arith.constant 0 : i32
      %scan3A_284 = arith.constant 32 : i32
      %scan3A_285 = arith.addi %scan3A_283, %scan3A_284 : i32
      %scan3A_286 = arith.constant 4 : i32
      scf.for %scan3A_455 = %scan3A_283 to %scan3A_285 step %scan3A_286  : i32 {
        %broadcast_in_dim3A_456 = arith.constant 1 : i32
        %broadcast_in_dim3A_457 = vector.broadcast %broadcast_in_dim3A_456 : i32 to vector<16xi32>
        %add3A_458 = arith.constant 0 : i32
        %add3A_459 = arith.addi %add3A_458, %scan3A_455 : i32
        %mul3A_460 = vector.broadcast %add3A_459 : i32 to vector<16xi32>
        %mul3A_461 = arith.muli %broadcast_in_dim3A_457, %mul3A_460 : vector<16xi32>
        %gather3A_462 = tpu.vector_load_idx %arg12[%add3A_242, %mul3A_461] : memref<128x64xf32, #tpu.memory_space<vmem>>[vector<16xi32>, vector<16xi32>], vector<16xf32>,
        %gather3A_463 = tpu.vector_load_idx %arg11[%add3A_242, %mul3A_461] : memref<128x80xf32, #tpu.memory_space<vmem>>[vector<16xi32>, vector<16xi32>], vector<16xf32>,
        %add3A_464 = arith.addf %gather3A_462, %gather3A_463 : vector<16xf32>
        %mul3A_465 = arith.mulf %add3A_464, %exp3A_263 : vector<16xf32>
        tpu.vector_store_idx %arg13[%add3A_242, %mul3A_461], %mul3A_465 : memref<128x80xf32, #tpu.memory_space<vmem>>[vector<16xi32>, vector<16xi32>], vector<16xf32>,
        %scan3A_466 = arith.constant 1 : i32
        %scan3A_467 = arith.addi %scan3A_455, %scan3A_466 : i32
        %broadcast_in_dim3A_468 = arith.constant 1 : i32
        %broadcast_in_dim3A_469 = vector.broadcast %broadcast_in_dim3A_468 : i32 to vector<16xi32>
        %add3A_470 = arith.constant 0 : i32
        %add3A_471 = arith.addi %add3A_470, %scan3A_467 : i32
        %mul3A_472 = vector.broadcast %add3A_471 : i32 to vector<16xi32>
        %mul3A_473 = arith.muli %broadcast_in_dim3A_469, %mul3A_472 : vector<16xi32>
        %gather3A_474 = tpu.vector_load_idx %arg12[%add3A_242, %mul3A_473] : memref<128x64xf32, #tpu.memory_space<vmem>>[vector<16xi32>, vector<16xi32>], vector<16xf32>,
        %gather3A_475 = tpu.vector_load_idx %arg11[%add3A_242, %mul3A_473] : memref<128x80xf32, #tpu.memory_space<vmem>>[vector<16xi32>, vector<16xi32>], vector<16xf32>,
        %add3A_476 = arith.addf %gather3A_474, %gather3A_475 : vector<16xf32>
        %mul3A_477 = arith.mulf %add3A_476, %exp3A_263 : vector<16xf32>
        tpu.vector_store_idx %arg13[%add3A_242, %mul3A_473], %mul3A_477 : memref<128x80xf32, #tpu.memory_space<vmem>>[vector<16xi32>, vector<16xi32>], vector<16xf32>,
        %scan3A_478 = arith.constant 2 : i32
        %scan3A_479 = arith.addi %scan3A_455, %scan3A_478 : i32
        %broadcast_in_dim3A_480 = arith.constant 1 : i32
        %broadcast_in_dim3A_481 = vector.broadcast %broadcast_in_dim3A_480 : i32 to vector<16xi32>
        %add3A_482 = arith.constant 0 : i32
        %add3A_483 = arith.addi %add3A_482, %scan3A_479 : i32
        %mul3A_484 = vector.broadcast %add3A_483 : i32 to vector<16xi32>
        %mul3A_485 = arith.muli %broadcast_in_dim3A_481, %mul3A_484 : vector<16xi32>
        %gather3A_486 = tpu.vector_load_idx %arg12[%add3A_242, %mul3A_485] : memref<128x64xf32, #tpu.memory_space<vmem>>[vector<16xi32>, vector<16xi32>], vector<16xf32>,
        %gather3A_487 = tpu.vector_load_idx %arg11[%add3A_242, %mul3A_485] : memref<128x80xf32, #tpu.memory_space<vmem>>[vector<16xi32>, vector<16xi32>], vector<16xf32>,
        %add3A_488 = arith.addf %gather3A_486, %gather3A_487 : vector<16xf32>
        %mul3A_489 = arith.mulf %add3A_488, %exp3A_263 : vector<16xf32>
        tpu.vector_store_idx %arg13[%add3A_242, %mul3A_485], %mul3A_489 : memref<128x80xf32, #tpu.memory_space<vmem>>[vector<16xi32>, vector<16xi32>], vector<16xf32>,
        %scan3A_490 = arith.constant 3 : i32
        %scan3A_491 = arith.addi %scan3A_455, %scan3A_490 : i32
        %broadcast_in_dim3A_492 = arith.constant 1 : i32
        %broadcast_in_dim3A_493 = vector.broadcast %broadcast_in_dim3A_492 : i32 to vector<16xi32>
        %add3A_494 = arith.constant 0 : i32
        %add3A_495 = arith.addi %add3A_494, %scan3A_491 : i32
        %mul3A_496 = vector.broadcast %add3A_495 : i32 to vector<16xi32>
        %mul3A_497 = arith.muli %broadcast_in_dim3A_493, %mul3A_496 : vector<16xi32>
        %gather3A_498 = tpu.vector_load_idx %arg12[%add3A_242, %mul3A_497] : memref<128x64xf32, #tpu.memory_space<vmem>>[vector<16xi32>, vector<16xi32>], vector<16xf32>,
        %gather3A_499 = tpu.vector_load_idx %arg11[%add3A_242, %mul3A_497] : memref<128x80xf32, #tpu.memory_space<vmem>>[vector<16xi32>, vector<16xi32>], vector<16xf32>,
        %add3A_500 = arith.addf %gather3A_498, %gather3A_499 : vector<16xf32>
        %mul3A_501 = arith.mulf %add3A_500, %exp3A_263 : vector<16xf32>
        tpu.vector_store_idx %arg13[%add3A_242, %mul3A_497], %mul3A_501 : memref<128x80xf32, #tpu.memory_space<vmem>>[vector<16xi32>, vector<16xi32>], vector<16xf32>,
      }
      %scan3A_287 = arith.constant 32 : i32
      %scan3A_288 = arith.constant 0 : i32
      %scan3A_289 = arith.constant 32 : i32
      %scan3A_290 = arith.addi %scan3A_288, %scan3A_289 : i32
      %scan3A_291 = arith.constant 4 : i32
      scf.for %scan3A_455 = %scan3A_288 to %scan3A_290 step %scan3A_291  : i32 {
        %broadcast_in_dim3A_456 = arith.constant 1 : i32
        %broadcast_in_dim3A_457 = vector.broadcast %broadcast_in_dim3A_456 : i32 to vector<16xi32>
        %add3A_458 = arith.constant 32 : i32
        %add3A_459 = arith.addi %add3A_458, %scan3A_455 : i32
        %mul3A_460 = vector.broadcast %add3A_459 : i32 to vector<16xi32>
        %mul3A_461 = arith.muli %broadcast_in_dim3A_457, %mul3A_460 : vector<16xi32>
        %gather3A_462 = tpu.vector_load_idx %arg12[%add3A_242, %mul3A_461] : memref<128x64xf32, #tpu.memory_space<vmem>>[vector<16xi32>, vector<16xi32>], vector<16xf32>,
        %gather3A_463 = tpu.vector_load_idx %arg11[%add3A_242, %mul3A_461] : memref<128x80xf32, #tpu.memory_space<vmem>>[vector<16xi32>, vector<16xi32>], vector<16xf32>,
        %add3A_464 = arith.addf %gather3A_462, %gather3A_463 : vector<16xf32>
        %mul3A_465 = arith.mulf %add3A_464, %exp3A_282 : vector<16xf32>
        tpu.vector_store_idx %arg13[%add3A_242, %mul3A_461], %mul3A_465 : memref<128x80xf32, #tpu.memory_space<vmem>>[vector<16xi32>, vector<16xi32>], vector<16xf32>,
        %scan3A_466 = arith.constant 1 : i32
        %scan3A_467 = arith.addi %scan3A_455, %scan3A_466 : i32
        %broadcast_in_dim3A_468 = arith.constant 1 : i32
        %broadcast_in_dim3A_469 = vector.broadcast %broadcast_in_dim3A_468 : i32 to vector<16xi32>
        %add3A_470 = arith.constant 32 : i32
        %add3A_471 = arith.addi %add3A_470, %scan3A_467 : i32
        %mul3A_472 = vector.broadcast %add3A_471 : i32 to vector<16xi32>
        %mul3A_473 = arith.muli %broadcast_in_dim3A_469, %mul3A_472 : vector<16xi32>
        %gather3A_474 = tpu.vector_load_idx %arg12[%add3A_242, %mul3A_473] : memref<128x64xf32, #tpu.memory_space<vmem>>[vector<16xi32>, vector<16xi32>], vector<16xf32>,
        %gather3A_475 = tpu.vector_load_idx %arg11[%add3A_242, %mul3A_473] : memref<128x80xf32, #tpu.memory_space<vmem>>[vector<16xi32>, vector<16xi32>], vector<16xf32>,
        %add3A_476 = arith.addf %gather3A_474, %gather3A_475 : vector<16xf32>
        %mul3A_477 = arith.mulf %add3A_476, %exp3A_282 : vector<16xf32>
        tpu.vector_store_idx %arg13[%add3A_242, %mul3A_473], %mul3A_477 : memref<128x80xf32, #tpu.memory_space<vmem>>[vector<16xi32>, vector<16xi32>], vector<16xf32>,
        %scan3A_478 = arith.constant 2 : i32
        %scan3A_479 = arith.addi %scan3A_455, %scan3A_478 : i32
        %broadcast_in_dim3A_480 = arith.constant 1 : i32
        %broadcast_in_dim3A_481 = vector.broadcast %broadcast_in_dim3A_480 : i32 to vector<16xi32>
        %add3A_482 = arith.constant 32 : i32
        %add3A_483 = arith.addi %add3A_482, %scan3A_479 : i32
        %mul3A_484 = vector.broadcast %add3A_483 : i32 to vector<16xi32>
        %mul3A_485 = arith.muli %broadcast_in_dim3A_481, %mul3A_484 : vector<16xi32>
        %gather3A_486 = tpu.vector_load_idx %arg12[%add3A_242, %mul3A_485] : memref<128x64xf32, #tpu.memory_space<vmem>>[vector<16xi32>, vector<16xi32>], vector<16xf32>,
        %gather3A_487 = tpu.vector_load_idx %arg11[%add3A_242, %mul3A_485] : memref<128x80xf32, #tpu.memory_space<vmem>>[vector<16xi32>, vector<16xi32>], vector<16xf32>,
        %add3A_488 = arith.addf %gather3A_486, %gather3A_487 : vector<16xf32>
        %mul3A_489 = arith.mulf %add3A_488, %exp3A_282 : vector<16xf32>
        tpu.vector_store_idx %arg13[%add3A_242, %mul3A_485], %mul3A_489 : memref<128x80xf32, #tpu.memory_space<vmem>>[vector<16xi32>, vector<16xi32>], vector<16xf32>,
        %scan3A_490 = arith.constant 3 : i32
        %scan3A_491 = arith.addi %scan3A_455, %scan3A_490 : i32
        %broadcast_in_dim3A_492 = arith.constant 1 : i32
        %broadcast_in_dim3A_493 = vector.broadcast %broadcast_in_dim3A_492 : i32 to vector<16xi32>
        %add3A_494 = arith.constant 32 : i32
        %add3A_495 = arith.addi %add3A_494, %scan3A_491 : i32
        %mul3A_496 = vector.broadcast %add3A_495 : i32 to vector<16xi32>
        %mul3A_497 = arith.muli %broadcast_in_dim3A_493, %mul3A_496 : vector<16xi32>
        %gather3A_498 = tpu.vector_load_idx %arg12[%add3A_242, %mul3A_497] : memref<128x64xf32, #tpu.memory_space<vmem>>[vector<16xi32>, vector<16xi32>], vector<16xf32>,
        %gather3A_499 = tpu.vector_load_idx %arg11[%add3A_242, %mul3A_497] : memref<128x80xf32, #tpu.memory_space<vmem>>[vector<16xi32>, vector<16xi32>], vector<16xf32>,
        %add3A_500 = arith.addf %gather3A_498, %gather3A_499 : vector<16xf32>
        %mul3A_501 = arith.mulf %add3A_500, %exp3A_282 : vector<16xf32>
        tpu.vector_store_idx %arg13[%add3A_242, %mul3A_497], %mul3A_501 : memref<128x80xf32, #tpu.memory_space<vmem>>[vector<16xi32>, vector<16xi32>], vector<16xf32>,
      }
      %scan3A_292 = arith.constant 32 : i32
      %iota3A_293 = tpu.iota {dimensions = array<i32: 0>} : vector<16xi32>
      %add3A_294 = arith.constant 80 : i32
      %add3A_295 = vector.broadcast %add3A_294 : i32 to vector<16xi32>
      %add3A_296 = arith.addi %iota3A_293, %add3A_295 : vector<16xi32>
      %get3A_297 = arith.constant 80 : index
      %get3A_298 = tpu.vector_load %arg14[%get3A_297] {strides = array<i32>} : memref<128xi32, #tpu.memory_space<vmem>>, vector<16xi32>,
      %broadcast_in_dim3A_299 = arith.constant 64 : i32
      %broadcast_in_dim3A_300 = vector.broadcast %broadcast_in_dim3A_299 : i32 to vector<16xi32>
      %mul3A_301 = arith.constant 2 : i32
      %mul3A_302 = vector.broadcast %mul3A_301 : i32 to vector<16xi32>
      %mul3A_303 = arith.muli %get3A_298, %mul3A_302 : vector<16xi32>
      %add3A_304 = arith.constant 0 : i32
      %add3A_305 = vector.broadcast %add3A_304 : i32 to vector<16xi32>
      %add3A_306 = arith.addi %mul3A_303, %add3A_305 : vector<16xi32>
      %gather3A_307 = tpu.vector_load_idx %arg10[%add3A_306] : memref<20000xf32, #tpu.memory_space<vmem>>[vector<16xi32>], vector<16xf32>,
      %gather3A_308 = tpu.vector_load_idx %arg11[%add3A_296, %broadcast_in_dim3A_300] : memref<128x80xf32, #tpu.memory_space<vmem>>[vector<16xi32>, vector<16xi32>], vector<16xf32>,
      %add3A_309 = arith.addf %gather3A_307, %gather3A_308 : vector<16xf32>
      %ge3A_310 = arith.constant 0.000000e+00 : f32
      %ge3A_311 = vector.broadcast %ge3A_310 : f32 to vector<16xf32>
      %ge3A_312 = arith.cmpf oge, %add3A_309, %ge3A_311 : vector<16xf32>
      %mul3A_313 = arith.constant 2.000000e-01 : f32
      %mul3A_314 = vector.broadcast %mul3A_313 : f32 to vector<16xf32>
      %mul3A_315 = arith.mulf %mul3A_314, %add3A_309 : vector<16xf32>
      %select_n3A_316 = arith.select %ge3A_312, %add3A_309, %mul3A_315 : vector<16xi1>, vector<16xf32>
      %exp3A_317 = math.exp %select_n3A_316 : vector<16xf32>
      tpu.vector_store_idx %arg13[%add3A_296, %broadcast_in_dim3A_300], %exp3A_317 : memref<128x80xf32, #tpu.memory_space<vmem>>[vector<16xi32>, vector<16xi32>], vector<16xf32>,
      %broadcast_in_dim3A_318 = arith.constant 65 : i32
      %broadcast_in_dim3A_319 = vector.broadcast %broadcast_in_dim3A_318 : i32 to vector<16xi32>
      %mul3A_320 = arith.constant 2 : i32
      %mul3A_321 = vector.broadcast %mul3A_320 : i32 to vector<16xi32>
      %mul3A_322 = arith.muli %get3A_298, %mul3A_321 : vector<16xi32>
      %add3A_323 = arith.constant 1 : i32
      %add3A_324 = vector.broadcast %add3A_323 : i32 to vector<16xi32>
      %add3A_325 = arith.addi %mul3A_322, %add3A_324 : vector<16xi32>
      %gather3A_326 = tpu.vector_load_idx %arg10[%add3A_325] : memref<20000xf32, #tpu.memory_space<vmem>>[vector<16xi32>], vector<16xf32>,
      %gather3A_327 = tpu.vector_load_idx %arg11[%add3A_296, %broadcast_in_dim3A_319] : memref<128x80xf32, #tpu.memory_space<vmem>>[vector<16xi32>, vector<16xi32>], vector<16xf32>,
      %add3A_328 = arith.addf %gather3A_326, %gather3A_327 : vector<16xf32>
      %ge3A_329 = arith.constant 0.000000e+00 : f32
      %ge3A_330 = vector.broadcast %ge3A_329 : f32 to vector<16xf32>
      %ge3A_331 = arith.cmpf oge, %add3A_328, %ge3A_330 : vector<16xf32>
      %mul3A_332 = arith.constant 2.000000e-01 : f32
      %mul3A_333 = vector.broadcast %mul3A_332 : f32 to vector<16xf32>
      %mul3A_334 = arith.mulf %mul3A_333, %add3A_328 : vector<16xf32>
      %select_n3A_335 = arith.select %ge3A_331, %add3A_328, %mul3A_334 : vector<16xi1>, vector<16xf32>
      %exp3A_336 = math.exp %select_n3A_335 : vector<16xf32>
      tpu.vector_store_idx %arg13[%add3A_296, %broadcast_in_dim3A_319], %exp3A_336 : memref<128x80xf32, #tpu.memory_space<vmem>>[vector<16xi32>, vector<16xi32>], vector<16xf32>,
      %scan3A_337 = arith.constant 0 : i32
      %scan3A_338 = arith.constant 32 : i32
      %scan3A_339 = arith.addi %scan3A_337, %scan3A_338 : i32
      %scan3A_340 = arith.constant 4 : i32
      scf.for %scan3A_455 = %scan3A_337 to %scan3A_339 step %scan3A_340  : i32 {
        %broadcast_in_dim3A_456 = arith.constant 1 : i32
        %broadcast_in_dim3A_457 = vector.broadcast %broadcast_in_dim3A_456 : i32 to vector<16xi32>
        %add3A_458 = arith.constant 0 : i32
        %add3A_459 = arith.addi %add3A_458, %scan3A_455 : i32
        %mul3A_460 = vector.broadcast %add3A_459 : i32 to vector<16xi32>
        %mul3A_461 = arith.muli %broadcast_in_dim3A_457, %mul3A_460 : vector<16xi32>
        %gather3A_462 = tpu.vector_load_idx %arg12[%add3A_296, %mul3A_461] : memref<128x64xf32, #tpu.memory_space<vmem>>[vector<16xi32>, vector<16xi32>], vector<16xf32>,
        %gather3A_463 = tpu.vector_load_idx %arg11[%add3A_296, %mul3A_461] : memref<128x80xf32, #tpu.memory_space<vmem>>[vector<16xi32>, vector<16xi32>], vector<16xf32>,
        %add3A_464 = arith.addf %gather3A_462, %gather3A_463 : vector<16xf32>
        %mul3A_465 = arith.mulf %add3A_464, %exp3A_317 : vector<16xf32>
        tpu.vector_store_idx %arg13[%add3A_296, %mul3A_461], %mul3A_465 : memref<128x80xf32, #tpu.memory_space<vmem>>[vector<16xi32>, vector<16xi32>], vector<16xf32>,
        %scan3A_466 = arith.constant 1 : i32
        %scan3A_467 = arith.addi %scan3A_455, %scan3A_466 : i32
        %broadcast_in_dim3A_468 = arith.constant 1 : i32
        %broadcast_in_dim3A_469 = vector.broadcast %broadcast_in_dim3A_468 : i32 to vector<16xi32>
        %add3A_470 = arith.constant 0 : i32
        %add3A_471 = arith.addi %add3A_470, %scan3A_467 : i32
        %mul3A_472 = vector.broadcast %add3A_471 : i32 to vector<16xi32>
        %mul3A_473 = arith.muli %broadcast_in_dim3A_469, %mul3A_472 : vector<16xi32>
        %gather3A_474 = tpu.vector_load_idx %arg12[%add3A_296, %mul3A_473] : memref<128x64xf32, #tpu.memory_space<vmem>>[vector<16xi32>, vector<16xi32>], vector<16xf32>,
        %gather3A_475 = tpu.vector_load_idx %arg11[%add3A_296, %mul3A_473] : memref<128x80xf32, #tpu.memory_space<vmem>>[vector<16xi32>, vector<16xi32>], vector<16xf32>,
        %add3A_476 = arith.addf %gather3A_474, %gather3A_475 : vector<16xf32>
        %mul3A_477 = arith.mulf %add3A_476, %exp3A_317 : vector<16xf32>
        tpu.vector_store_idx %arg13[%add3A_296, %mul3A_473], %mul3A_477 : memref<128x80xf32, #tpu.memory_space<vmem>>[vector<16xi32>, vector<16xi32>], vector<16xf32>,
        %scan3A_478 = arith.constant 2 : i32
        %scan3A_479 = arith.addi %scan3A_455, %scan3A_478 : i32
        %broadcast_in_dim3A_480 = arith.constant 1 : i32
        %broadcast_in_dim3A_481 = vector.broadcast %broadcast_in_dim3A_480 : i32 to vector<16xi32>
        %add3A_482 = arith.constant 0 : i32
        %add3A_483 = arith.addi %add3A_482, %scan3A_479 : i32
        %mul3A_484 = vector.broadcast %add3A_483 : i32 to vector<16xi32>
        %mul3A_485 = arith.muli %broadcast_in_dim3A_481, %mul3A_484 : vector<16xi32>
        %gather3A_486 = tpu.vector_load_idx %arg12[%add3A_296, %mul3A_485] : memref<128x64xf32, #tpu.memory_space<vmem>>[vector<16xi32>, vector<16xi32>], vector<16xf32>,
        %gather3A_487 = tpu.vector_load_idx %arg11[%add3A_296, %mul3A_485] : memref<128x80xf32, #tpu.memory_space<vmem>>[vector<16xi32>, vector<16xi32>], vector<16xf32>,
        %add3A_488 = arith.addf %gather3A_486, %gather3A_487 : vector<16xf32>
        %mul3A_489 = arith.mulf %add3A_488, %exp3A_317 : vector<16xf32>
        tpu.vector_store_idx %arg13[%add3A_296, %mul3A_485], %mul3A_489 : memref<128x80xf32, #tpu.memory_space<vmem>>[vector<16xi32>, vector<16xi32>], vector<16xf32>,
        %scan3A_490 = arith.constant 3 : i32
        %scan3A_491 = arith.addi %scan3A_455, %scan3A_490 : i32
        %broadcast_in_dim3A_492 = arith.constant 1 : i32
        %broadcast_in_dim3A_493 = vector.broadcast %broadcast_in_dim3A_492 : i32 to vector<16xi32>
        %add3A_494 = arith.constant 0 : i32
        %add3A_495 = arith.addi %add3A_494, %scan3A_491 : i32
        %mul3A_496 = vector.broadcast %add3A_495 : i32 to vector<16xi32>
        %mul3A_497 = arith.muli %broadcast_in_dim3A_493, %mul3A_496 : vector<16xi32>
        %gather3A_498 = tpu.vector_load_idx %arg12[%add3A_296, %mul3A_497] : memref<128x64xf32, #tpu.memory_space<vmem>>[vector<16xi32>, vector<16xi32>], vector<16xf32>,
        %gather3A_499 = tpu.vector_load_idx %arg11[%add3A_296, %mul3A_497] : memref<128x80xf32, #tpu.memory_space<vmem>>[vector<16xi32>, vector<16xi32>], vector<16xf32>,
        %add3A_500 = arith.addf %gather3A_498, %gather3A_499 : vector<16xf32>
        %mul3A_501 = arith.mulf %add3A_500, %exp3A_317 : vector<16xf32>
        tpu.vector_store_idx %arg13[%add3A_296, %mul3A_497], %mul3A_501 : memref<128x80xf32, #tpu.memory_space<vmem>>[vector<16xi32>, vector<16xi32>], vector<16xf32>,
      }
      %scan3A_341 = arith.constant 32 : i32
      %scan3A_342 = arith.constant 0 : i32
      %scan3A_343 = arith.constant 32 : i32
      %scan3A_344 = arith.addi %scan3A_342, %scan3A_343 : i32
      %scan3A_345 = arith.constant 4 : i32
      scf.for %scan3A_455 = %scan3A_342 to %scan3A_344 step %scan3A_345  : i32 {
        %broadcast_in_dim3A_456 = arith.constant 1 : i32
        %broadcast_in_dim3A_457 = vector.broadcast %broadcast_in_dim3A_456 : i32 to vector<16xi32>
        %add3A_458 = arith.constant 32 : i32
        %add3A_459 = arith.addi %add3A_458, %scan3A_455 : i32
        %mul3A_460 = vector.broadcast %add3A_459 : i32 to vector<16xi32>
        %mul3A_461 = arith.muli %broadcast_in_dim3A_457, %mul3A_460 : vector<16xi32>
        %gather3A_462 = tpu.vector_load_idx %arg12[%add3A_296, %mul3A_461] : memref<128x64xf32, #tpu.memory_space<vmem>>[vector<16xi32>, vector<16xi32>], vector<16xf32>,
        %gather3A_463 = tpu.vector_load_idx %arg11[%add3A_296, %mul3A_461] : memref<128x80xf32, #tpu.memory_space<vmem>>[vector<16xi32>, vector<16xi32>], vector<16xf32>,
        %add3A_464 = arith.addf %gather3A_462, %gather3A_463 : vector<16xf32>
        %mul3A_465 = arith.mulf %add3A_464, %exp3A_336 : vector<16xf32>
        tpu.vector_store_idx %arg13[%add3A_296, %mul3A_461], %mul3A_465 : memref<128x80xf32, #tpu.memory_space<vmem>>[vector<16xi32>, vector<16xi32>], vector<16xf32>,
        %scan3A_466 = arith.constant 1 : i32
        %scan3A_467 = arith.addi %scan3A_455, %scan3A_466 : i32
        %broadcast_in_dim3A_468 = arith.constant 1 : i32
        %broadcast_in_dim3A_469 = vector.broadcast %broadcast_in_dim3A_468 : i32 to vector<16xi32>
        %add3A_470 = arith.constant 32 : i32
        %add3A_471 = arith.addi %add3A_470, %scan3A_467 : i32
        %mul3A_472 = vector.broadcast %add3A_471 : i32 to vector<16xi32>
        %mul3A_473 = arith.muli %broadcast_in_dim3A_469, %mul3A_472 : vector<16xi32>
        %gather3A_474 = tpu.vector_load_idx %arg12[%add3A_296, %mul3A_473] : memref<128x64xf32, #tpu.memory_space<vmem>>[vector<16xi32>, vector<16xi32>], vector<16xf32>,
        %gather3A_475 = tpu.vector_load_idx %arg11[%add3A_296, %mul3A_473] : memref<128x80xf32, #tpu.memory_space<vmem>>[vector<16xi32>, vector<16xi32>], vector<16xf32>,
        %add3A_476 = arith.addf %gather3A_474, %gather3A_475 : vector<16xf32>
        %mul3A_477 = arith.mulf %add3A_476, %exp3A_336 : vector<16xf32>
        tpu.vector_store_idx %arg13[%add3A_296, %mul3A_473], %mul3A_477 : memref<128x80xf32, #tpu.memory_space<vmem>>[vector<16xi32>, vector<16xi32>], vector<16xf32>,
        %scan3A_478 = arith.constant 2 : i32
        %scan3A_479 = arith.addi %scan3A_455, %scan3A_478 : i32
        %broadcast_in_dim3A_480 = arith.constant 1 : i32
        %broadcast_in_dim3A_481 = vector.broadcast %broadcast_in_dim3A_480 : i32 to vector<16xi32>
        %add3A_482 = arith.constant 32 : i32
        %add3A_483 = arith.addi %add3A_482, %scan3A_479 : i32
        %mul3A_484 = vector.broadcast %add3A_483 : i32 to vector<16xi32>
        %mul3A_485 = arith.muli %broadcast_in_dim3A_481, %mul3A_484 : vector<16xi32>
        %gather3A_486 = tpu.vector_load_idx %arg12[%add3A_296, %mul3A_485] : memref<128x64xf32, #tpu.memory_space<vmem>>[vector<16xi32>, vector<16xi32>], vector<16xf32>,
        %gather3A_487 = tpu.vector_load_idx %arg11[%add3A_296, %mul3A_485] : memref<128x80xf32, #tpu.memory_space<vmem>>[vector<16xi32>, vector<16xi32>], vector<16xf32>,
        %add3A_488 = arith.addf %gather3A_486, %gather3A_487 : vector<16xf32>
        %mul3A_489 = arith.mulf %add3A_488, %exp3A_336 : vector<16xf32>
        tpu.vector_store_idx %arg13[%add3A_296, %mul3A_485], %mul3A_489 : memref<128x80xf32, #tpu.memory_space<vmem>>[vector<16xi32>, vector<16xi32>], vector<16xf32>,
        %scan3A_490 = arith.constant 3 : i32
        %scan3A_491 = arith.addi %scan3A_455, %scan3A_490 : i32
        %broadcast_in_dim3A_492 = arith.constant 1 : i32
        %broadcast_in_dim3A_493 = vector.broadcast %broadcast_in_dim3A_492 : i32 to vector<16xi32>
        %add3A_494 = arith.constant 32 : i32
        %add3A_495 = arith.addi %add3A_494, %scan3A_491 : i32
        %mul3A_496 = vector.broadcast %add3A_495 : i32 to vector<16xi32>
        %mul3A_497 = arith.muli %broadcast_in_dim3A_493, %mul3A_496 : vector<16xi32>
        %gather3A_498 = tpu.vector_load_idx %arg12[%add3A_296, %mul3A_497] : memref<128x64xf32, #tpu.memory_space<vmem>>[vector<16xi32>, vector<16xi32>], vector<16xf32>,
        %gather3A_499 = tpu.vector_load_idx %arg11[%add3A_296, %mul3A_497] : memref<128x80xf32, #tpu.memory_space<vmem>>[vector<16xi32>, vector<16xi32>], vector<16xf32>,
        %add3A_500 = arith.addf %gather3A_498, %gather3A_499 : vector<16xf32>
        %mul3A_501 = arith.mulf %add3A_500, %exp3A_336 : vector<16xf32>
        tpu.vector_store_idx %arg13[%add3A_296, %mul3A_497], %mul3A_501 : memref<128x80xf32, #tpu.memory_space<vmem>>[vector<16xi32>, vector<16xi32>], vector<16xf32>,
      }
      %scan3A_346 = arith.constant 32 : i32
      %iota3A_347 = tpu.iota {dimensions = array<i32: 0>} : vector<16xi32>
      %add3A_348 = arith.constant 96 : i32
      %add3A_349 = vector.broadcast %add3A_348 : i32 to vector<16xi32>
      %add3A_350 = arith.addi %iota3A_347, %add3A_349 : vector<16xi32>
      %get3A_351 = arith.constant 96 : index
      %get3A_352 = tpu.vector_load %arg14[%get3A_351] {strides = array<i32>} : memref<128xi32, #tpu.memory_space<vmem>>, vector<16xi32>,
      %broadcast_in_dim3A_353 = arith.constant 64 : i32
      %broadcast_in_dim3A_354 = vector.broadcast %broadcast_in_dim3A_353 : i32 to vector<16xi32>
      %mul3A_355 = arith.constant 2 : i32
      %mul3A_356 = vector.broadcast %mul3A_355 : i32 to vector<16xi32>
      %mul3A_357 = arith.muli %get3A_352, %mul3A_356 : vector<16xi32>
      %add3A_358 = arith.constant 0 : i32
      %add3A_359 = vector.broadcast %add3A_358 : i32 to vector<16xi32>
      %add3A_360 = arith.addi %mul3A_357, %add3A_359 : vector<16xi32>
      %gather3A_361 = tpu.vector_load_idx %arg10[%add3A_360] : memref<20000xf32, #tpu.memory_space<vmem>>[vector<16xi32>], vector<16xf32>,
      %gather3A_362 = tpu.vector_load_idx %arg11[%add3A_350, %broadcast_in_dim3A_354] : memref<128x80xf32, #tpu.memory_space<vmem>>[vector<16xi32>, vector<16xi32>], vector<16xf32>,
      %add3A_363 = arith.addf %gather3A_361, %gather3A_362 : vector<16xf32>
      %ge3A_364 = arith.constant 0.000000e+00 : f32
      %ge3A_365 = vector.broadcast %ge3A_364 : f32 to vector<16xf32>
      %ge3A_366 = arith.cmpf oge, %add3A_363, %ge3A_365 : vector<16xf32>
      %mul3A_367 = arith.constant 2.000000e-01 : f32
      %mul3A_368 = vector.broadcast %mul3A_367 : f32 to vector<16xf32>
      %mul3A_369 = arith.mulf %mul3A_368, %add3A_363 : vector<16xf32>
      %select_n3A_370 = arith.select %ge3A_366, %add3A_363, %mul3A_369 : vector<16xi1>, vector<16xf32>
      %exp3A_371 = math.exp %select_n3A_370 : vector<16xf32>
      tpu.vector_store_idx %arg13[%add3A_350, %broadcast_in_dim3A_354], %exp3A_371 : memref<128x80xf32, #tpu.memory_space<vmem>>[vector<16xi32>, vector<16xi32>], vector<16xf32>,
      %broadcast_in_dim3A_372 = arith.constant 65 : i32
      %broadcast_in_dim3A_373 = vector.broadcast %broadcast_in_dim3A_372 : i32 to vector<16xi32>
      %mul3A_374 = arith.constant 2 : i32
      %mul3A_375 = vector.broadcast %mul3A_374 : i32 to vector<16xi32>
      %mul3A_376 = arith.muli %get3A_352, %mul3A_375 : vector<16xi32>
      %add3A_377 = arith.constant 1 : i32
      %add3A_378 = vector.broadcast %add3A_377 : i32 to vector<16xi32>
      %add3A_379 = arith.addi %mul3A_376, %add3A_378 : vector<16xi32>
      %gather3A_380 = tpu.vector_load_idx %arg10[%add3A_379] : memref<20000xf32, #tpu.memory_space<vmem>>[vector<16xi32>], vector<16xf32>,
      %gather3A_381 = tpu.vector_load_idx %arg11[%add3A_350, %broadcast_in_dim3A_373] : memref<128x80xf32, #tpu.memory_space<vmem>>[vector<16xi32>, vector<16xi32>], vector<16xf32>,
      %add3A_382 = arith.addf %gather3A_380, %gather3A_381 : vector<16xf32>
      %ge3A_383 = arith.constant 0.000000e+00 : f32
      %ge3A_384 = vector.broadcast %ge3A_383 : f32 to vector<16xf32>
      %ge3A_385 = arith.cmpf oge, %add3A_382, %ge3A_384 : vector<16xf32>
      %mul3A_386 = arith.constant 2.000000e-01 : f32
      %mul3A_387 = vector.broadcast %mul3A_386 : f32 to vector<16xf32>
      %mul3A_388 = arith.mulf %mul3A_387, %add3A_382 : vector<16xf32>
      %select_n3A_389 = arith.select %ge3A_385, %add3A_382, %mul3A_388 : vector<16xi1>, vector<16xf32>
      %exp3A_390 = math.exp %select_n3A_389 : vector<16xf32>
      tpu.vector_store_idx %arg13[%add3A_350, %broadcast_in_dim3A_373], %exp3A_390 : memref<128x80xf32, #tpu.memory_space<vmem>>[vector<16xi32>, vector<16xi32>], vector<16xf32>,
      %scan3A_391 = arith.constant 0 : i32
      %scan3A_392 = arith.constant 32 : i32
      %scan3A_393 = arith.addi %scan3A_391, %scan3A_392 : i32
      %scan3A_394 = arith.constant 4 : i32
      scf.for %scan3A_455 = %scan3A_391 to %scan3A_393 step %scan3A_394  : i32 {
        %broadcast_in_dim3A_456 = arith.constant 1 : i32
        %broadcast_in_dim3A_457 = vector.broadcast %broadcast_in_dim3A_456 : i32 to vector<16xi32>
        %add3A_458 = arith.constant 0 : i32
        %add3A_459 = arith.addi %add3A_458, %scan3A_455 : i32
        %mul3A_460 = vector.broadcast %add3A_459 : i32 to vector<16xi32>
        %mul3A_461 = arith.muli %broadcast_in_dim3A_457, %mul3A_460 : vector<16xi32>
        %gather3A_462 = tpu.vector_load_idx %arg12[%add3A_350, %mul3A_461] : memref<128x64xf32, #tpu.memory_space<vmem>>[vector<16xi32>, vector<16xi32>], vector<16xf32>,
        %gather3A_463 = tpu.vector_load_idx %arg11[%add3A_350, %mul3A_461] : memref<128x80xf32, #tpu.memory_space<vmem>>[vector<16xi32>, vector<16xi32>], vector<16xf32>,
        %add3A_464 = arith.addf %gather3A_462, %gather3A_463 : vector<16xf32>
        %mul3A_465 = arith.mulf %add3A_464, %exp3A_371 : vector<16xf32>
        tpu.vector_store_idx %arg13[%add3A_350, %mul3A_461], %mul3A_465 : memref<128x80xf32, #tpu.memory_space<vmem>>[vector<16xi32>, vector<16xi32>], vector<16xf32>,
        %scan3A_466 = arith.constant 1 : i32
        %scan3A_467 = arith.addi %scan3A_455, %scan3A_466 : i32
        %broadcast_in_dim3A_468 = arith.constant 1 : i32
        %broadcast_in_dim3A_469 = vector.broadcast %broadcast_in_dim3A_468 : i32 to vector<16xi32>
        %add3A_470 = arith.constant 0 : i32
        %add3A_471 = arith.addi %add3A_470, %scan3A_467 : i32
        %mul3A_472 = vector.broadcast %add3A_471 : i32 to vector<16xi32>
        %mul3A_473 = arith.muli %broadcast_in_dim3A_469, %mul3A_472 : vector<16xi32>
        %gather3A_474 = tpu.vector_load_idx %arg12[%add3A_350, %mul3A_473] : memref<128x64xf32, #tpu.memory_space<vmem>>[vector<16xi32>, vector<16xi32>], vector<16xf32>,
        %gather3A_475 = tpu.vector_load_idx %arg11[%add3A_350, %mul3A_473] : memref<128x80xf32, #tpu.memory_space<vmem>>[vector<16xi32>, vector<16xi32>], vector<16xf32>,
        %add3A_476 = arith.addf %gather3A_474, %gather3A_475 : vector<16xf32>
        %mul3A_477 = arith.mulf %add3A_476, %exp3A_371 : vector<16xf32>
        tpu.vector_store_idx %arg13[%add3A_350, %mul3A_473], %mul3A_477 : memref<128x80xf32, #tpu.memory_space<vmem>>[vector<16xi32>, vector<16xi32>], vector<16xf32>,
        %scan3A_478 = arith.constant 2 : i32
        %scan3A_479 = arith.addi %scan3A_455, %scan3A_478 : i32
        %broadcast_in_dim3A_480 = arith.constant 1 : i32
        %broadcast_in_dim3A_481 = vector.broadcast %broadcast_in_dim3A_480 : i32 to vector<16xi32>
        %add3A_482 = arith.constant 0 : i32
        %add3A_483 = arith.addi %add3A_482, %scan3A_479 : i32
        %mul3A_484 = vector.broadcast %add3A_483 : i32 to vector<16xi32>
        %mul3A_485 = arith.muli %broadcast_in_dim3A_481, %mul3A_484 : vector<16xi32>
        %gather3A_486 = tpu.vector_load_idx %arg12[%add3A_350, %mul3A_485] : memref<128x64xf32, #tpu.memory_space<vmem>>[vector<16xi32>, vector<16xi32>], vector<16xf32>,
        %gather3A_487 = tpu.vector_load_idx %arg11[%add3A_350, %mul3A_485] : memref<128x80xf32, #tpu.memory_space<vmem>>[vector<16xi32>, vector<16xi32>], vector<16xf32>,
        %add3A_488 = arith.addf %gather3A_486, %gather3A_487 : vector<16xf32>
        %mul3A_489 = arith.mulf %add3A_488, %exp3A_371 : vector<16xf32>
        tpu.vector_store_idx %arg13[%add3A_350, %mul3A_485], %mul3A_489 : memref<128x80xf32, #tpu.memory_space<vmem>>[vector<16xi32>, vector<16xi32>], vector<16xf32>,
        %scan3A_490 = arith.constant 3 : i32
        %scan3A_491 = arith.addi %scan3A_455, %scan3A_490 : i32
        %broadcast_in_dim3A_492 = arith.constant 1 : i32
        %broadcast_in_dim3A_493 = vector.broadcast %broadcast_in_dim3A_492 : i32 to vector<16xi32>
        %add3A_494 = arith.constant 0 : i32
        %add3A_495 = arith.addi %add3A_494, %scan3A_491 : i32
        %mul3A_496 = vector.broadcast %add3A_495 : i32 to vector<16xi32>
        %mul3A_497 = arith.muli %broadcast_in_dim3A_493, %mul3A_496 : vector<16xi32>
        %gather3A_498 = tpu.vector_load_idx %arg12[%add3A_350, %mul3A_497] : memref<128x64xf32, #tpu.memory_space<vmem>>[vector<16xi32>, vector<16xi32>], vector<16xf32>,
        %gather3A_499 = tpu.vector_load_idx %arg11[%add3A_350, %mul3A_497] : memref<128x80xf32, #tpu.memory_space<vmem>>[vector<16xi32>, vector<16xi32>], vector<16xf32>,
        %add3A_500 = arith.addf %gather3A_498, %gather3A_499 : vector<16xf32>
        %mul3A_501 = arith.mulf %add3A_500, %exp3A_371 : vector<16xf32>
        tpu.vector_store_idx %arg13[%add3A_350, %mul3A_497], %mul3A_501 : memref<128x80xf32, #tpu.memory_space<vmem>>[vector<16xi32>, vector<16xi32>], vector<16xf32>,
      }
      %scan3A_395 = arith.constant 32 : i32
      %scan3A_396 = arith.constant 0 : i32
      %scan3A_397 = arith.constant 32 : i32
      %scan3A_398 = arith.addi %scan3A_396, %scan3A_397 : i32
      %scan3A_399 = arith.constant 4 : i32
      scf.for %scan3A_455 = %scan3A_396 to %scan3A_398 step %scan3A_399  : i32 {
        %broadcast_in_dim3A_456 = arith.constant 1 : i32
        %broadcast_in_dim3A_457 = vector.broadcast %broadcast_in_dim3A_456 : i32 to vector<16xi32>
        %add3A_458 = arith.constant 32 : i32
        %add3A_459 = arith.addi %add3A_458, %scan3A_455 : i32
        %mul3A_460 = vector.broadcast %add3A_459 : i32 to vector<16xi32>
        %mul3A_461 = arith.muli %broadcast_in_dim3A_457, %mul3A_460 : vector<16xi32>
        %gather3A_462 = tpu.vector_load_idx %arg12[%add3A_350, %mul3A_461] : memref<128x64xf32, #tpu.memory_space<vmem>>[vector<16xi32>, vector<16xi32>], vector<16xf32>,
        %gather3A_463 = tpu.vector_load_idx %arg11[%add3A_350, %mul3A_461] : memref<128x80xf32, #tpu.memory_space<vmem>>[vector<16xi32>, vector<16xi32>], vector<16xf32>,
        %add3A_464 = arith.addf %gather3A_462, %gather3A_463 : vector<16xf32>
        %mul3A_465 = arith.mulf %add3A_464, %exp3A_390 : vector<16xf32>
        tpu.vector_store_idx %arg13[%add3A_350, %mul3A_461], %mul3A_465 : memref<128x80xf32, #tpu.memory_space<vmem>>[vector<16xi32>, vector<16xi32>], vector<16xf32>,
        %scan3A_466 = arith.constant 1 : i32
        %scan3A_467 = arith.addi %scan3A_455, %scan3A_466 : i32
        %broadcast_in_dim3A_468 = arith.constant 1 : i32
        %broadcast_in_dim3A_469 = vector.broadcast %broadcast_in_dim3A_468 : i32 to vector<16xi32>
        %add3A_470 = arith.constant 32 : i32
        %add3A_471 = arith.addi %add3A_470, %scan3A_467 : i32
        %mul3A_472 = vector.broadcast %add3A_471 : i32 to vector<16xi32>
        %mul3A_473 = arith.muli %broadcast_in_dim3A_469, %mul3A_472 : vector<16xi32>
        %gather3A_474 = tpu.vector_load_idx %arg12[%add3A_350, %mul3A_473] : memref<128x64xf32, #tpu.memory_space<vmem>>[vector<16xi32>, vector<16xi32>], vector<16xf32>,
        %gather3A_475 = tpu.vector_load_idx %arg11[%add3A_350, %mul3A_473] : memref<128x80xf32, #tpu.memory_space<vmem>>[vector<16xi32>, vector<16xi32>], vector<16xf32>,
        %add3A_476 = arith.addf %gather3A_474, %gather3A_475 : vector<16xf32>
        %mul3A_477 = arith.mulf %add3A_476, %exp3A_390 : vector<16xf32>
        tpu.vector_store_idx %arg13[%add3A_350, %mul3A_473], %mul3A_477 : memref<128x80xf32, #tpu.memory_space<vmem>>[vector<16xi32>, vector<16xi32>], vector<16xf32>,
        %scan3A_478 = arith.constant 2 : i32
        %scan3A_479 = arith.addi %scan3A_455, %scan3A_478 : i32
        %broadcast_in_dim3A_480 = arith.constant 1 : i32
        %broadcast_in_dim3A_481 = vector.broadcast %broadcast_in_dim3A_480 : i32 to vector<16xi32>
        %add3A_482 = arith.constant 32 : i32
        %add3A_483 = arith.addi %add3A_482, %scan3A_479 : i32
        %mul3A_484 = vector.broadcast %add3A_483 : i32 to vector<16xi32>
        %mul3A_485 = arith.muli %broadcast_in_dim3A_481, %mul3A_484 : vector<16xi32>
        %gather3A_486 = tpu.vector_load_idx %arg12[%add3A_350, %mul3A_485] : memref<128x64xf32, #tpu.memory_space<vmem>>[vector<16xi32>, vector<16xi32>], vector<16xf32>,
        %gather3A_487 = tpu.vector_load_idx %arg11[%add3A_350, %mul3A_485] : memref<128x80xf32, #tpu.memory_space<vmem>>[vector<16xi32>, vector<16xi32>], vector<16xf32>,
        %add3A_488 = arith.addf %gather3A_486, %gather3A_487 : vector<16xf32>
        %mul3A_489 = arith.mulf %add3A_488, %exp3A_390 : vector<16xf32>
        tpu.vector_store_idx %arg13[%add3A_350, %mul3A_485], %mul3A_489 : memref<128x80xf32, #tpu.memory_space<vmem>>[vector<16xi32>, vector<16xi32>], vector<16xf32>,
        %scan3A_490 = arith.constant 3 : i32
        %scan3A_491 = arith.addi %scan3A_455, %scan3A_490 : i32
        %broadcast_in_dim3A_492 = arith.constant 1 : i32
        %broadcast_in_dim3A_493 = vector.broadcast %broadcast_in_dim3A_492 : i32 to vector<16xi32>
        %add3A_494 = arith.constant 32 : i32
        %add3A_495 = arith.addi %add3A_494, %scan3A_491 : i32
        %mul3A_496 = vector.broadcast %add3A_495 : i32 to vector<16xi32>
        %mul3A_497 = arith.muli %broadcast_in_dim3A_493, %mul3A_496 : vector<16xi32>
        %gather3A_498 = tpu.vector_load_idx %arg12[%add3A_350, %mul3A_497] : memref<128x64xf32, #tpu.memory_space<vmem>>[vector<16xi32>, vector<16xi32>], vector<16xf32>,
        %gather3A_499 = tpu.vector_load_idx %arg11[%add3A_350, %mul3A_497] : memref<128x80xf32, #tpu.memory_space<vmem>>[vector<16xi32>, vector<16xi32>], vector<16xf32>,
        %add3A_500 = arith.addf %gather3A_498, %gather3A_499 : vector<16xf32>
        %mul3A_501 = arith.mulf %add3A_500, %exp3A_390 : vector<16xf32>
        tpu.vector_store_idx %arg13[%add3A_350, %mul3A_497], %mul3A_501 : memref<128x80xf32, #tpu.memory_space<vmem>>[vector<16xi32>, vector<16xi32>], vector<16xf32>,
      }
      %scan3A_400 = arith.constant 32 : i32
      %iota3A_401 = tpu.iota {dimensions = array<i32: 0>} : vector<16xi32>
      %add3A_402 = arith.constant 112 : i32
      %add3A_403 = vector.broadcast %add3A_402 : i32 to vector<16xi32>
      %add3A_404 = arith.addi %iota3A_401, %add3A_403 : vector<16xi32>
      %get3A_405 = arith.constant 112 : index
      %get3A_406 = tpu.vector_load %arg14[%get3A_405] {strides = array<i32>} : memref<128xi32, #tpu.memory_space<vmem>>, vector<16xi32>,
      %broadcast_in_dim3A_407 = arith.constant 64 : i32
      %broadcast_in_dim3A_408 = vector.broadcast %broadcast_in_dim3A_407 : i32 to vector<16xi32>
      %mul3A_409 = arith.constant 2 : i32
      %mul3A_410 = vector.broadcast %mul3A_409 : i32 to vector<16xi32>
      %mul3A_411 = arith.muli %get3A_406, %mul3A_410 : vector<16xi32>
      %add3A_412 = arith.constant 0 : i32
      %add3A_413 = vector.broadcast %add3A_412 : i32 to vector<16xi32>
      %add3A_414 = arith.addi %mul3A_411, %add3A_413 : vector<16xi32>
      %gather3A_415 = tpu.vector_load_idx %arg10[%add3A_414] : memref<20000xf32, #tpu.memory_space<vmem>>[vector<16xi32>], vector<16xf32>,
      %gather3A_416 = tpu.vector_load_idx %arg11[%add3A_404, %broadcast_in_dim3A_408] : memref<128x80xf32, #tpu.memory_space<vmem>>[vector<16xi32>, vector<16xi32>], vector<16xf32>,
      %add3A_417 = arith.addf %gather3A_415, %gather3A_416 : vector<16xf32>
      %ge3A_418 = arith.constant 0.000000e+00 : f32
      %ge3A_419 = vector.broadcast %ge3A_418 : f32 to vector<16xf32>
      %ge3A_420 = arith.cmpf oge, %add3A_417, %ge3A_419 : vector<16xf32>
      %mul3A_421 = arith.constant 2.000000e-01 : f32
      %mul3A_422 = vector.broadcast %mul3A_421 : f32 to vector<16xf32>
      %mul3A_423 = arith.mulf %mul3A_422, %add3A_417 : vector<16xf32>
      %select_n3A_424 = arith.select %ge3A_420, %add3A_417, %mul3A_423 : vector<16xi1>, vector<16xf32>
      %exp3A_425 = math.exp %select_n3A_424 : vector<16xf32>
      tpu.vector_store_idx %arg13[%add3A_404, %broadcast_in_dim3A_408], %exp3A_425 : memref<128x80xf32, #tpu.memory_space<vmem>>[vector<16xi32>, vector<16xi32>], vector<16xf32>,
      %broadcast_in_dim3A_426 = arith.constant 65 : i32
      %broadcast_in_dim3A_427 = vector.broadcast %broadcast_in_dim3A_426 : i32 to vector<16xi32>
      %mul3A_428 = arith.constant 2 : i32
      %mul3A_429 = vector.broadcast %mul3A_428 : i32 to vector<16xi32>
      %mul3A_430 = arith.muli %get3A_406, %mul3A_429 : vector<16xi32>
      %add3A_431 = arith.constant 1 : i32
      %add3A_432 = vector.broadcast %add3A_431 : i32 to vector<16xi32>
      %add3A_433 = arith.addi %mul3A_430, %add3A_432 : vector<16xi32>
      %gather3A_434 = tpu.vector_load_idx %arg10[%add3A_433] : memref<20000xf32, #tpu.memory_space<vmem>>[vector<16xi32>], vector<16xf32>,
      %gather3A_435 = tpu.vector_load_idx %arg11[%add3A_404, %broadcast_in_dim3A_427] : memref<128x80xf32, #tpu.memory_space<vmem>>[vector<16xi32>, vector<16xi32>], vector<16xf32>,
      %add3A_436 = arith.addf %gather3A_434, %gather3A_435 : vector<16xf32>
      %ge3A_437 = arith.constant 0.000000e+00 : f32
      %ge3A_438 = vector.broadcast %ge3A_437 : f32 to vector<16xf32>
      %ge3A_439 = arith.cmpf oge, %add3A_436, %ge3A_438 : vector<16xf32>
      %mul3A_440 = arith.constant 2.000000e-01 : f32
      %mul3A_441 = vector.broadcast %mul3A_440 : f32 to vector<16xf32>
      %mul3A_442 = arith.mulf %mul3A_441, %add3A_436 : vector<16xf32>
      %select_n3A_443 = arith.select %ge3A_439, %add3A_436, %mul3A_442 : vector<16xi1>, vector<16xf32>
      %exp3A_444 = math.exp %select_n3A_443 : vector<16xf32>
      tpu.vector_store_idx %arg13[%add3A_404, %broadcast_in_dim3A_427], %exp3A_444 : memref<128x80xf32, #tpu.memory_space<vmem>>[vector<16xi32>, vector<16xi32>], vector<16xf32>,
      %scan3A_445 = arith.constant 0 : i32
      %scan3A_446 = arith.constant 32 : i32
      %scan3A_447 = arith.addi %scan3A_445, %scan3A_446 : i32
      %scan3A_448 = arith.constant 4 : i32
      scf.for %scan3A_455 = %scan3A_445 to %scan3A_447 step %scan3A_448  : i32 {
        %broadcast_in_dim3A_456 = arith.constant 1 : i32
        %broadcast_in_dim3A_457 = vector.broadcast %broadcast_in_dim3A_456 : i32 to vector<16xi32>
        %add3A_458 = arith.constant 0 : i32
        %add3A_459 = arith.addi %add3A_458, %scan3A_455 : i32
        %mul3A_460 = vector.broadcast %add3A_459 : i32 to vector<16xi32>
        %mul3A_461 = arith.muli %broadcast_in_dim3A_457, %mul3A_460 : vector<16xi32>
        %gather3A_462 = tpu.vector_load_idx %arg12[%add3A_404, %mul3A_461] : memref<128x64xf32, #tpu.memory_space<vmem>>[vector<16xi32>, vector<16xi32>], vector<16xf32>,
        %gather3A_463 = tpu.vector_load_idx %arg11[%add3A_404, %mul3A_461] : memref<128x80xf32, #tpu.memory_space<vmem>>[vector<16xi32>, vector<16xi32>], vector<16xf32>,
        %add3A_464 = arith.addf %gather3A_462, %gather3A_463 : vector<16xf32>
        %mul3A_465 = arith.mulf %add3A_464, %exp3A_425 : vector<16xf32>
        tpu.vector_store_idx %arg13[%add3A_404, %mul3A_461], %mul3A_465 : memref<128x80xf32, #tpu.memory_space<vmem>>[vector<16xi32>, vector<16xi32>], vector<16xf32>,
        %scan3A_466 = arith.constant 1 : i32
        %scan3A_467 = arith.addi %scan3A_455, %scan3A_466 : i32
        %broadcast_in_dim3A_468 = arith.constant 1 : i32
        %broadcast_in_dim3A_469 = vector.broadcast %broadcast_in_dim3A_468 : i32 to vector<16xi32>
        %add3A_470 = arith.constant 0 : i32
        %add3A_471 = arith.addi %add3A_470, %scan3A_467 : i32
        %mul3A_472 = vector.broadcast %add3A_471 : i32 to vector<16xi32>
        %mul3A_473 = arith.muli %broadcast_in_dim3A_469, %mul3A_472 : vector<16xi32>
        %gather3A_474 = tpu.vector_load_idx %arg12[%add3A_404, %mul3A_473] : memref<128x64xf32, #tpu.memory_space<vmem>>[vector<16xi32>, vector<16xi32>], vector<16xf32>,
        %gather3A_475 = tpu.vector_load_idx %arg11[%add3A_404, %mul3A_473] : memref<128x80xf32, #tpu.memory_space<vmem>>[vector<16xi32>, vector<16xi32>], vector<16xf32>,
        %add3A_476 = arith.addf %gather3A_474, %gather3A_475 : vector<16xf32>
        %mul3A_477 = arith.mulf %add3A_476, %exp3A_425 : vector<16xf32>
        tpu.vector_store_idx %arg13[%add3A_404, %mul3A_473], %mul3A_477 : memref<128x80xf32, #tpu.memory_space<vmem>>[vector<16xi32>, vector<16xi32>], vector<16xf32>,
        %scan3A_478 = arith.constant 2 : i32
        %scan3A_479 = arith.addi %scan3A_455, %scan3A_478 : i32
        %broadcast_in_dim3A_480 = arith.constant 1 : i32
        %broadcast_in_dim3A_481 = vector.broadcast %broadcast_in_dim3A_480 : i32 to vector<16xi32>
        %add3A_482 = arith.constant 0 : i32
        %add3A_483 = arith.addi %add3A_482, %scan3A_479 : i32
        %mul3A_484 = vector.broadcast %add3A_483 : i32 to vector<16xi32>
        %mul3A_485 = arith.muli %broadcast_in_dim3A_481, %mul3A_484 : vector<16xi32>
        %gather3A_486 = tpu.vector_load_idx %arg12[%add3A_404, %mul3A_485] : memref<128x64xf32, #tpu.memory_space<vmem>>[vector<16xi32>, vector<16xi32>], vector<16xf32>,
        %gather3A_487 = tpu.vector_load_idx %arg11[%add3A_404, %mul3A_485] : memref<128x80xf32, #tpu.memory_space<vmem>>[vector<16xi32>, vector<16xi32>], vector<16xf32>,
        %add3A_488 = arith.addf %gather3A_486, %gather3A_487 : vector<16xf32>
        %mul3A_489 = arith.mulf %add3A_488, %exp3A_425 : vector<16xf32>
        tpu.vector_store_idx %arg13[%add3A_404, %mul3A_485], %mul3A_489 : memref<128x80xf32, #tpu.memory_space<vmem>>[vector<16xi32>, vector<16xi32>], vector<16xf32>,
        %scan3A_490 = arith.constant 3 : i32
        %scan3A_491 = arith.addi %scan3A_455, %scan3A_490 : i32
        %broadcast_in_dim3A_492 = arith.constant 1 : i32
        %broadcast_in_dim3A_493 = vector.broadcast %broadcast_in_dim3A_492 : i32 to vector<16xi32>
        %add3A_494 = arith.constant 0 : i32
        %add3A_495 = arith.addi %add3A_494, %scan3A_491 : i32
        %mul3A_496 = vector.broadcast %add3A_495 : i32 to vector<16xi32>
        %mul3A_497 = arith.muli %broadcast_in_dim3A_493, %mul3A_496 : vector<16xi32>
        %gather3A_498 = tpu.vector_load_idx %arg12[%add3A_404, %mul3A_497] : memref<128x64xf32, #tpu.memory_space<vmem>>[vector<16xi32>, vector<16xi32>], vector<16xf32>,
        %gather3A_499 = tpu.vector_load_idx %arg11[%add3A_404, %mul3A_497] : memref<128x80xf32, #tpu.memory_space<vmem>>[vector<16xi32>, vector<16xi32>], vector<16xf32>,
        %add3A_500 = arith.addf %gather3A_498, %gather3A_499 : vector<16xf32>
        %mul3A_501 = arith.mulf %add3A_500, %exp3A_425 : vector<16xf32>
        tpu.vector_store_idx %arg13[%add3A_404, %mul3A_497], %mul3A_501 : memref<128x80xf32, #tpu.memory_space<vmem>>[vector<16xi32>, vector<16xi32>], vector<16xf32>,
      }
      %scan3A_449 = arith.constant 32 : i32
      %scan3A_450 = arith.constant 0 : i32
      %scan3A_451 = arith.constant 32 : i32
      %scan3A_452 = arith.addi %scan3A_450, %scan3A_451 : i32
      %scan3A_453 = arith.constant 4 : i32
      scf.for %scan3A_455 = %scan3A_450 to %scan3A_452 step %scan3A_453  : i32 {
        %broadcast_in_dim3A_456 = arith.constant 1 : i32
        %broadcast_in_dim3A_457 = vector.broadcast %broadcast_in_dim3A_456 : i32 to vector<16xi32>
        %add3A_458 = arith.constant 32 : i32
        %add3A_459 = arith.addi %add3A_458, %scan3A_455 : i32
        %mul3A_460 = vector.broadcast %add3A_459 : i32 to vector<16xi32>
        %mul3A_461 = arith.muli %broadcast_in_dim3A_457, %mul3A_460 : vector<16xi32>
        %gather3A_462 = tpu.vector_load_idx %arg12[%add3A_404, %mul3A_461] : memref<128x64xf32, #tpu.memory_space<vmem>>[vector<16xi32>, vector<16xi32>], vector<16xf32>,
        %gather3A_463 = tpu.vector_load_idx %arg11[%add3A_404, %mul3A_461] : memref<128x80xf32, #tpu.memory_space<vmem>>[vector<16xi32>, vector<16xi32>], vector<16xf32>,
        %add3A_464 = arith.addf %gather3A_462, %gather3A_463 : vector<16xf32>
        %mul3A_465 = arith.mulf %add3A_464, %exp3A_444 : vector<16xf32>
        tpu.vector_store_idx %arg13[%add3A_404, %mul3A_461], %mul3A_465 : memref<128x80xf32, #tpu.memory_space<vmem>>[vector<16xi32>, vector<16xi32>], vector<16xf32>,
        %scan3A_466 = arith.constant 1 : i32
        %scan3A_467 = arith.addi %scan3A_455, %scan3A_466 : i32
        %broadcast_in_dim3A_468 = arith.constant 1 : i32
        %broadcast_in_dim3A_469 = vector.broadcast %broadcast_in_dim3A_468 : i32 to vector<16xi32>
        %add3A_470 = arith.constant 32 : i32
        %add3A_471 = arith.addi %add3A_470, %scan3A_467 : i32
        %mul3A_472 = vector.broadcast %add3A_471 : i32 to vector<16xi32>
        %mul3A_473 = arith.muli %broadcast_in_dim3A_469, %mul3A_472 : vector<16xi32>
        %gather3A_474 = tpu.vector_load_idx %arg12[%add3A_404, %mul3A_473] : memref<128x64xf32, #tpu.memory_space<vmem>>[vector<16xi32>, vector<16xi32>], vector<16xf32>,
        %gather3A_475 = tpu.vector_load_idx %arg11[%add3A_404, %mul3A_473] : memref<128x80xf32, #tpu.memory_space<vmem>>[vector<16xi32>, vector<16xi32>], vector<16xf32>,
        %add3A_476 = arith.addf %gather3A_474, %gather3A_475 : vector<16xf32>
        %mul3A_477 = arith.mulf %add3A_476, %exp3A_444 : vector<16xf32>
        tpu.vector_store_idx %arg13[%add3A_404, %mul3A_473], %mul3A_477 : memref<128x80xf32, #tpu.memory_space<vmem>>[vector<16xi32>, vector<16xi32>], vector<16xf32>,
        %scan3A_478 = arith.constant 2 : i32
        %scan3A_479 = arith.addi %scan3A_455, %scan3A_478 : i32
        %broadcast_in_dim3A_480 = arith.constant 1 : i32
        %broadcast_in_dim3A_481 = vector.broadcast %broadcast_in_dim3A_480 : i32 to vector<16xi32>
        %add3A_482 = arith.constant 32 : i32
        %add3A_483 = arith.addi %add3A_482, %scan3A_479 : i32
        %mul3A_484 = vector.broadcast %add3A_483 : i32 to vector<16xi32>
        %mul3A_485 = arith.muli %broadcast_in_dim3A_481, %mul3A_484 : vector<16xi32>
        %gather3A_486 = tpu.vector_load_idx %arg12[%add3A_404, %mul3A_485] : memref<128x64xf32, #tpu.memory_space<vmem>>[vector<16xi32>, vector<16xi32>], vector<16xf32>,
        %gather3A_487 = tpu.vector_load_idx %arg11[%add3A_404, %mul3A_485] : memref<128x80xf32, #tpu.memory_space<vmem>>[vector<16xi32>, vector<16xi32>], vector<16xf32>,
        %add3A_488 = arith.addf %gather3A_486, %gather3A_487 : vector<16xf32>
        %mul3A_489 = arith.mulf %add3A_488, %exp3A_444 : vector<16xf32>
        tpu.vector_store_idx %arg13[%add3A_404, %mul3A_485], %mul3A_489 : memref<128x80xf32, #tpu.memory_space<vmem>>[vector<16xi32>, vector<16xi32>], vector<16xf32>,
        %scan3A_490 = arith.constant 3 : i32
        %scan3A_491 = arith.addi %scan3A_455, %scan3A_490 : i32
        %broadcast_in_dim3A_492 = arith.constant 1 : i32
        %broadcast_in_dim3A_493 = vector.broadcast %broadcast_in_dim3A_492 : i32 to vector<16xi32>
        %add3A_494 = arith.constant 32 : i32
        %add3A_495 = arith.addi %add3A_494, %scan3A_491 : i32
        %mul3A_496 = vector.broadcast %add3A_495 : i32 to vector<16xi32>
        %mul3A_497 = arith.muli %broadcast_in_dim3A_493, %mul3A_496 : vector<16xi32>
        %gather3A_498 = tpu.vector_load_idx %arg12[%add3A_404, %mul3A_497] : memref<128x64xf32, #tpu.memory_space<vmem>>[vector<16xi32>, vector<16xi32>], vector<16xf32>,
        %gather3A_499 = tpu.vector_load_idx %arg11[%add3A_404, %mul3A_497] : memref<128x80xf32, #tpu.memory_space<vmem>>[vector<16xi32>, vector<16xi32>], vector<16xf32>,
        %add3A_500 = arith.addf %gather3A_498, %gather3A_499 : vector<16xf32>
        %mul3A_501 = arith.mulf %add3A_500, %exp3A_444 : vector<16xf32>
        tpu.vector_store_idx %arg13[%add3A_404, %mul3A_497], %mul3A_501 : memref<128x80xf32, #tpu.memory_space<vmem>>[vector<16xi32>, vector<16xi32>], vector<16xf32>,
      }
      %scan3A_454 = arith.constant 32 : i32
      "tpu.region"() ({
        %run_scoped3A = tpu.sem_alloc : memref<!tpu.dma_semaphore, #tpu.memory_space<semaphore_mem>>
        %dma_start3A = arith.constant 0 : i32
        %dma_start3A_455 = arith.constant 0 : i32
        %dma_start3A_456 = tpu.memref_slice %arg16[%dma_start3A, %dma_start3A_455] : memref<10240x80xf32, #tpu.memory_space<vmem_shared>> -> memref<10240x80xf32, #tpu.memory_space<vmem_shared>>
        tpu.enqueue_indirect_dma source(%arg13 : memref<128x80xf32, #tpu.memory_space<vmem>>) target(%dma_start3A_456 : memref<10240x80xf32, #tpu.memory_space<vmem_shared>>) offsets(%arg15 : memref<128xi32, #tpu.memory_space<vmem>>) semaphore(%run_scoped3A : memref<!tpu.dma_semaphore, #tpu.memory_space<semaphore_mem>>) {add = true}
        %dma_wait3A = arith.constant 0 : i32
        %dma_wait3A_457 = arith.constant 0 : i32
        %dma_wait3A_458 = tpu.memref_slice %arg16[%dma_wait3A, %dma_wait3A_457] : memref<10240x80xf32, #tpu.memory_space<vmem_shared>> -> memref<10240x80xf32, #tpu.memory_space<vmem_shared>>
        tpu.wait_indirect_dma semaphore(%run_scoped3A : memref<!tpu.dma_semaphore, #tpu.memory_space<semaphore_mem>>) src(%arg13 : memref<128x80xf32, #tpu.memory_space<vmem>>) dst(%dma_wait3A_458 : memref<10240x80xf32, #tpu.memory_space<vmem_shared>>)
        tpu.yield
      }) : () -> ()
    }
    %barrier3A_12 = arith.constant 0 : index
    tpu.barrier barrier_id(%barrier3A_12)
    %mul3A_13 = arith.constant 640 : i32
    %mul3A_14 = arith.muli %arg1, %mul3A_13 : i32
    %mul3A_15 = arith.constant 640 : i32
    %mul3A_16 = arith.muli %arg1, %mul3A_15 : i32
    "tpu.region"() ({
      %run_scoped3A = tpu.sem_alloc : memref<!tpu.dma_semaphore, #tpu.memory_space<semaphore_mem>>
      %dma_start3A = arith.constant 0 : i32
      %dma_start3A_17 = tpu.memref_slice %arg9[%arg0, %mul3A_16, %dma_start3A] : memref<2x10240x80xf32, #tpu.memory_space<hbm>> -> memref<1x640x80xf32, #tpu.memory_space<hbm>>
      %dma_start3A_18 = tpu.memref_squeeze %dma_start3A_17 : memref<1x640x80xf32, #tpu.memory_space<hbm>> -> memref<640x80xf32, #tpu.memory_space<hbm>>
      %dma_start3A_19 = arith.constant 0 : i32
      %dma_start3A_20 = tpu.memref_slice %arg16[%mul3A_14, %dma_start3A_19] : memref<10240x80xf32, #tpu.memory_space<vmem_shared>> -> memref<640x80xf32, #tpu.memory_space<vmem_shared>>
      tpu.enqueue_dma source(%dma_start3A_20 : memref<640x80xf32, #tpu.memory_space<vmem_shared>>) target(%dma_start3A_18 : memref<640x80xf32, #tpu.memory_space<hbm>>) target_semaphore(%run_scoped3A : memref<!tpu.dma_semaphore, #tpu.memory_space<semaphore_mem>>)
      %dma_wait3A = arith.constant 0 : i32
      %dma_wait3A_21 = tpu.memref_slice %arg9[%arg0, %mul3A_16, %dma_wait3A] : memref<2x10240x80xf32, #tpu.memory_space<hbm>> -> memref<1x640x80xf32, #tpu.memory_space<hbm>>
      %dma_wait3A_22 = tpu.memref_squeeze %dma_wait3A_21 : memref<1x640x80xf32, #tpu.memory_space<hbm>> -> memref<640x80xf32, #tpu.memory_space<hbm>>
      %dma_wait3A_23 = arith.constant 0 : i32
      %dma_wait3A_24 = tpu.memref_slice %arg16[%mul3A_14, %dma_wait3A_23] : memref<10240x80xf32, #tpu.memory_space<vmem_shared>> -> memref<640x80xf32, #tpu.memory_space<vmem_shared>>
      tpu.wait_dma2 semaphore(%run_scoped3A : memref<!tpu.dma_semaphore, #tpu.memory_space<semaphore_mem>>) src(%dma_wait3A_24 : memref<640x80xf32, #tpu.memory_space<vmem_shared>>) dst(%dma_wait3A_22 : memref<640x80xf32, #tpu.memory_space<hbm>>)
      tpu.yield
    }) : () -> ()
    return
  }
}

module attributes {stable_mosaic.version = 14 : i64} {
  func.func @_node_body(%arg0: i32, %arg1: memref<1000x128xf32, #tpu.memory_space<vmem>>, %arg2: memref<128x128xf32, #tpu.memory_space<vmem>>, %arg3: memref<128x4xf32, #tpu.memory_space<vmem>>, %arg4: memref<1000x128xf32, #tpu.memory_space<vmem>>, %arg5: memref<1000x4xf32, #tpu.memory_space<vmem>>) attributes {dimension_semantics = [#tpu.dimension_semantics<arbitrary>], iteration_bounds = array<i64: 10>, scalar_prefetch = 0 : i64, scratch_operands = 0 : i64, tpu.core_type = #tpu.core_type<tc>, window_params = [{transform_indices = @transform_0, window_bounds = array<i64: 1000, 128>}, {pipeline_mode = #tpu.pipeline_mode<synchronous>, transform_indices = @transform_1, window_bounds = array<i64: 128, 128>}, {pipeline_mode = #tpu.pipeline_mode<synchronous>, transform_indices = @transform_2, window_bounds = array<i64: 128, 4>}, {transform_indices = @transform_3, window_bounds = array<i64: 1000, 128>}, {transform_indices = @transform_4, window_bounds = array<i64: 1000, 4>}]} {
    %get3A = arith.constant 0 : index
    %get3A_0 = arith.constant 0 : index
    %get3A_1 = vector.load %arg1[%get3A, %get3A_0] : memref<1000x128xf32, #tpu.memory_space<vmem>>, vector<1000x128xf32>
    %get3A_2 = arith.constant 0 : index
    %get3A_3 = arith.constant 0 : index
    %get3A_4 = vector.load %arg2[%get3A_2, %get3A_3] : memref<128x128xf32, #tpu.memory_space<vmem>>, vector<128x128xf32>
    %dot_general3A = arith.constant dense<0.000000e+00> : vector<1000x128xf32>
    %dot_general3A_5 = tpu.matmul %get3A_1, %get3A_4, %dot_general3A {dimension_numbers = #tpu.dot_dimension_numbers<[1], [0], [0], [1], [0, 0, 1, 1], [], []>, transpose_lhs_hint = false} : vector<1000x128xf32>, vector<128x128xf32>, vector<1000x128xf32> -> vector<1000x128xf32>
    %swap3A = arith.constant 0 : index
    %swap3A_6 = arith.constant 0 : index
    %swap3A_7 = vector.load %arg4[%swap3A, %swap3A_6] : memref<1000x128xf32, #tpu.memory_space<vmem>>, vector<1000x128xf32>
    tpu.vector_store %arg4[%swap3A, %swap3A_6], %dot_general3A_5 {strides = array<i32>} : memref<1000x128xf32, #tpu.memory_space<vmem>>, vector<1000x128xf32>,
    %get3A_8 = arith.constant 0 : index
    %get3A_9 = arith.constant 0 : index
    %get3A_10 = vector.load %arg3[%get3A_8, %get3A_9] : memref<128x4xf32, #tpu.memory_space<vmem>>, vector<128x4xf32>
    %dot_general3A_11 = arith.constant dense<0.000000e+00> : vector<1000x4xf32>
    %dot_general3A_12 = tpu.matmul %dot_general3A_5, %get3A_10, %dot_general3A_11 {dimension_numbers = #tpu.dot_dimension_numbers<[1], [0], [0], [1], [0, 0, 1, 1], [], []>, transpose_lhs_hint = false} : vector<1000x128xf32>, vector<128x4xf32>, vector<1000x4xf32> -> vector<1000x4xf32>
    %swap3A_13 = arith.constant 0 : index
    %swap3A_14 = arith.constant 0 : index
    %swap3A_15 = vector.load %arg5[%swap3A_13, %swap3A_14] : memref<1000x4xf32, #tpu.memory_space<vmem>>, vector<1000x4xf32>
    tpu.vector_store %arg5[%swap3A_13, %swap3A_14], %dot_general3A_12 {strides = array<i32>} : memref<1000x4xf32, #tpu.memory_space<vmem>>, vector<1000x4xf32>,
    return
  }
  func.func @transform_0(%arg0: i32) -> (i32, i32) {
    %c0_i32 = arith.constant 0 : i32
    %c0_i32_0 = arith.constant 0 : i32
    return %arg0, %c0_i32 : i32, i32
  }
  func.func @transform_1(%arg0: i32) -> (i32, i32) {
    %c0_i32 = arith.constant 0 : i32
    %c0_i32_0 = arith.constant 0 : i32
    %c0_i32_1 = arith.constant 0 : i32
    return %c0_i32, %c0_i32_0 : i32, i32
  }
  func.func @transform_2(%arg0: i32) -> (i32, i32) {
    %c0_i32 = arith.constant 0 : i32
    %c0_i32_0 = arith.constant 0 : i32
    %c0_i32_1 = arith.constant 0 : i32
    return %c0_i32, %c0_i32_0 : i32, i32
  }
  func.func @transform_3(%arg0: i32) -> (i32, i32) {
    %c0_i32 = arith.constant 0 : i32
    %c0_i32_0 = arith.constant 0 : i32
    return %arg0, %c0_i32 : i32, i32
  }
  func.func @transform_4(%arg0: i32) -> (i32, i32) {
    %c0_i32 = arith.constant 0 : i32
    %c0_i32_0 = arith.constant 0 : i32
    return %arg0, %c0_i32 : i32, i32
  }
}

module attributes {stable_mosaic.version = 14 : i64} {
  func.func @_edge_body(%arg0: i32, %arg1: i32, %arg2: memref<8000x16xf32, #tpu.memory_space<vmem>>, %arg3: memref<1x16x80xf32, #tpu.memory_space<vmem>>, %arg4: memref<1x8000x80xf32, #tpu.memory_space<vmem>>) attributes {dimension_semantics = [#tpu.dimension_semantics<arbitrary>, #tpu.dimension_semantics<arbitrary>], iteration_bounds = array<i64: 2, 40>, scalar_prefetch = 0 : i64, scratch_operands = 0 : i64, tpu.core_type = #tpu.core_type<tc>, window_params = [{transform_indices = @transform_0, window_bounds = array<i64: 8000, 16>}, {transform_indices = @transform_1, window_bounds = array<i64: 1, 16, 80>}, {transform_indices = @transform_2, window_bounds = array<i64: 1, 8000, 80>}]} {
    %get3A = arith.constant 0 : index
    %get3A_0 = arith.constant 0 : index
    %get3A_1 = vector.load %arg2[%get3A, %get3A_0] : memref<8000x16xf32, #tpu.memory_space<vmem>>, vector<8000x16xf32>
    %get3A_2 = arith.constant 0 : index
    %get3A_3 = arith.constant 0 : index
    %get3A_4 = arith.constant 0 : index
    %get3A_5 = vector.load %arg3[%get3A_2, %get3A_3, %get3A_4] : memref<1x16x80xf32, #tpu.memory_space<vmem>>, vector<1x16x80xf32>
    %get3A_6 = vector.shape_cast %get3A_5 : vector<1x16x80xf32> to vector<16x80xf32>
    %dot_general3A = arith.constant dense<0.000000e+00> : vector<8000x80xf32>
    %dot_general3A_7 = tpu.matmul %get3A_1, %get3A_6, %dot_general3A {dimension_numbers = #tpu.dot_dimension_numbers<[1], [0], [0], [1], [0, 0, 1, 1], [], []>, transpose_lhs_hint = false} : vector<8000x16xf32>, vector<16x80xf32>, vector<8000x80xf32> -> vector<8000x80xf32>
    %broadcast_in_dim3A = vector.shape_cast %dot_general3A_7 : vector<8000x80xf32> to vector<1x8000x80xf32>
    %swap3A = arith.constant 0 : index
    %swap3A_8 = arith.constant 0 : index
    %swap3A_9 = arith.constant 0 : index
    %swap3A_10 = vector.load %arg4[%swap3A, %swap3A_8, %swap3A_9] : memref<1x8000x80xf32, #tpu.memory_space<vmem>>, vector<1x8000x80xf32>
    tpu.vector_store %arg4[%swap3A, %swap3A_8, %swap3A_9], %broadcast_in_dim3A {strides = array<i32>} : memref<1x8000x80xf32, #tpu.memory_space<vmem>>, vector<1x8000x80xf32>,
    return
  }
  func.func @transform_0(%arg0: i32, %arg1: i32) -> (i32, i32) {
    %c0_i32 = arith.constant 0 : i32
    %c0_i32_0 = arith.constant 0 : i32
    return %arg1, %c0_i32 : i32, i32
  }
  func.func @transform_1(%arg0: i32, %arg1: i32) -> (i32, i32, i32) {
    %c0_i32 = arith.constant 0 : i32
    %c0_i32_0 = arith.constant 0 : i32
    %c0_i32_1 = arith.constant 0 : i32
    return %arg0, %c0_i32, %c0_i32_0 : i32, i32, i32
  }
  func.func @transform_2(%arg0: i32, %arg1: i32) -> (i32, i32, i32) {
    %c0_i32 = arith.constant 0 : i32
    %c0_i32_0 = arith.constant 0 : i32
    return %arg0, %arg1, %c0_i32 : i32, i32, i32
  }
}

module attributes {stable_mosaic.version = 14 : i64} {
  func.func @_final_body(%arg0: i32, %arg1: memref<2x1000x80xf32, #tpu.memory_space<vmem>>, %arg2: memref<4x128xf32, #tpu.memory_space<vmem>>, %arg3: memref<1000x128xf32, #tpu.memory_space<vmem>>) attributes {dimension_semantics = [#tpu.dimension_semantics<arbitrary>], iteration_bounds = array<i64: 10>, scalar_prefetch = 0 : i64, scratch_operands = 0 : i64, tpu.core_type = #tpu.core_type<tc>, window_params = [{transform_indices = @transform_0, window_bounds = array<i64: 2, 1000, 80>}, {pipeline_mode = #tpu.pipeline_mode<synchronous>, transform_indices = @transform_1, window_bounds = array<i64: 4, 128>}, {transform_indices = @transform_2, window_bounds = array<i64: 1000, 128>}]} {
    %get3A = arith.constant 0 : index
    %get3A_0 = arith.constant 0 : index
    %get3A_1 = arith.constant 0 : index
    %get3A_2 = vector.load %arg1[%get3A, %get3A_0, %get3A_1] : memref<2x1000x80xf32, #tpu.memory_space<vmem>>, vector<1x1000x64xf32>
    %get3A_3 = vector.shape_cast %get3A_2 : vector<1x1000x64xf32> to vector<1000x64xf32>
    %get3A_4 = arith.constant 1 : index
    %get3A_5 = arith.constant 0 : index
    %get3A_6 = arith.constant 0 : index
    %get3A_7 = vector.load %arg1[%get3A_4, %get3A_5, %get3A_6] : memref<2x1000x80xf32, #tpu.memory_space<vmem>>, vector<1x1000x64xf32>
    %get3A_8 = vector.shape_cast %get3A_7 : vector<1x1000x64xf32> to vector<1000x64xf32>
    %concatenate3A = tpu.concatenate %get3A_3, %get3A_8 in 1 : vector<1000x64xf32>, vector<1000x64xf32> -> vector<1000x128xf32>
    %get3A_9 = arith.constant 0 : index
    %get3A_10 = arith.constant 0 : index
    %get3A_11 = arith.constant 64 : index
    %get3A_12 = vector.load %arg1[%get3A_9, %get3A_10, %get3A_11] : memref<2x1000x80xf32, #tpu.memory_space<vmem>>, vector<1x1000x2xf32>
    %get3A_13 = vector.shape_cast %get3A_12 : vector<1x1000x2xf32> to vector<1000x2xf32>
    %get3A_14 = arith.constant 1 : index
    %get3A_15 = arith.constant 0 : index
    %get3A_16 = arith.constant 64 : index
    %get3A_17 = vector.load %arg1[%get3A_14, %get3A_15, %get3A_16] : memref<2x1000x80xf32, #tpu.memory_space<vmem>>, vector<1x1000x2xf32>
    %get3A_18 = vector.shape_cast %get3A_17 : vector<1x1000x2xf32> to vector<1000x2xf32>
    %concatenate3A_19 = tpu.concatenate %get3A_13, %get3A_18 in 1 : vector<1000x2xf32>, vector<1000x2xf32> -> vector<1000x4xf32>
    %get3A_20 = arith.constant 0 : index
    %get3A_21 = arith.constant 0 : index
    %get3A_22 = vector.load %arg2[%get3A_20, %get3A_21] : memref<4x128xf32, #tpu.memory_space<vmem>>, vector<4x128xf32>
    %dot_general3A = arith.constant dense<0.000000e+00> : vector<1000x128xf32>
    %dot_general3A_23 = tpu.matmul %concatenate3A_19, %get3A_22, %dot_general3A {dimension_numbers = #tpu.dot_dimension_numbers<[1], [0], [0], [1], [0, 0, 1, 1], [], []>, transpose_lhs_hint = false} : vector<1000x4xf32>, vector<4x128xf32>, vector<1000x128xf32> -> vector<1000x128xf32>
    %add3A = arith.constant 1.000000e-16 : f32
    %add3A_24 = vector.broadcast %add3A : f32 to vector<1000x128xf32>
    %add3A_25 = arith.addf %dot_general3A_23, %add3A_24 : vector<1000x128xf32>
    %div3A = arith.divf %concatenate3A, %add3A_25 : vector<1000x128xf32>
    %swap3A = arith.constant 0 : index
    %swap3A_26 = arith.constant 0 : index
    %swap3A_27 = vector.load %arg3[%swap3A, %swap3A_26] : memref<1000x128xf32, #tpu.memory_space<vmem>>, vector<1000x128xf32>
    tpu.vector_store %arg3[%swap3A, %swap3A_26], %div3A {strides = array<i32>} : memref<1000x128xf32, #tpu.memory_space<vmem>>, vector<1000x128xf32>,
    return
  }
  func.func @transform_0(%arg0: i32) -> (i32, i32, i32) {
    %c0_i32 = arith.constant 0 : i32
    %c0_i32_0 = arith.constant 0 : i32
    %c0_i32_1 = arith.constant 0 : i32
    return %c0_i32, %arg0, %c0_i32_0 : i32, i32, i32
  }
  func.func @transform_1(%arg0: i32) -> (i32, i32) {
    %c0_i32 = arith.constant 0 : i32
    %c0_i32_0 = arith.constant 0 : i32
    %c0_i32_1 = arith.constant 0 : i32
    return %c0_i32, %c0_i32_0 : i32, i32
  }
  func.func @transform_2(%arg0: i32) -> (i32, i32) {
    %c0_i32 = arith.constant 0 : i32
    %c0_i32_0 = arith.constant 0 : i32
    return %arg0, %c0_i32 : i32, i32
  }
}

</mosaic_0001>

<sc_bundles>
// kernel: kernel.6.cloned.1.call-start
scs
__scs_entry_jumppad:
0x0: {  	(pc) =	sbr.rel $0x88, $3  }
0x1: {  	(tag) =	ssettag $0x0;
	lr =	simm.s32 $0x1  }
0x2: {  	[smem:$0x3F9C] =	sst lr;
	_ =	strace $0xD0000000  }
0x3: {  	_ = 	snop  }
0x4: {  	_ = 	snop  }
0x5: {  	_ = 	snop  }
0x6: {  	_ = 	snop  }
0x7: {  	_ = 	snop  }
__scs_overlays_trampoline_lowered:
0x8: {  	[smem:$0x3FAB] =	sst s0  }
0x9: {  	[smem:$0x3FAC] =	sst s1  }
0xa: {  	[smem:$0x3FAD] =	sst s2  }
0xb: {  	[smem:$0x3FAE] =	sst s3  }
0xc: {  	[smem:$0x3FAF] =	sst s4  }
0xd: {  	[smem:$0x3FB0] =	sst s5  }
0xe: {  	[smem:$0x3FB1] =	sst s6  }
0xf: {  	[smem:$0x3FB2] =	sst s7  }
0x10: {  	[smem:$0x3FB3] =	sst s8  }
0x11: {  	[smem:$0x3FB4] =	sst s9;
	s0 =	simm.s32 @!p0 $0x0  }
0x12: {  	s1 =	sld [smem:$0x3F9A];
	s0 =	simm.s32 @p0 $0x1  }
0x13: {  	[smem:$0x3FB5] =	sst s0;
	s0 =	simm.s32 @!p1 $0x0  }
0x14: {  	s2 =	sld [smem:$0x3F99];
	s0 =	simm.s32 @p1 $0x1  }
0x15: {  	[smem:$0x3FB6] =	sst s0;
	s0 =	simm.s32 @!p2 $0x0  }
0x16: {  	s3 =	sld [smem:$0x3FDB];
	s0 =	simm.s32 @p2 $0x1  }
0x17: {  	s4 =	simm.s32 $0x1BF5;
	[smem:$0x3FB8] =	sst s0  }
0x18: {  	s0 =	sld [smem:$0x3F9B];
	_ =	swait.ge [sflag:s4], $0x0  }
0x19: {  	s7 =	sld [smem:$0x3F9C]  }
0x1a: {  	s8 =	sadd.s32 $0xFFFFE003, lr  }
0x1b: {  	s9 =	sadd.s32 $0xFFFFFEF7, lr;
	s5 =	simm.s32 $0xFFFFFFFF;
	p2 =	slt.u32 s8, $0xFFFFF086  }
0x1c: {  	p1 =	slt.u32 s9, $0xF7A;
	s5 =	simm.s32 @!p2 $0x0  }
0x1d: {  	s5 =	simm.s32 @p1 $0x1;
	p0 =	seq.s32 s7, s2  }
0x1e: {  	s7 =	smul.u32 @!p0 $0xF7A, s2;
	p2 =	seq.s32 @!p0 s5, $0x0  }
0x1f: {  	s9 =	smul.u32 $0xF7A, s1;
	s8 =	simm.s32 @!p0 $0x1BF5;
	p2 =	por !p2, p0  }
0x20: {  	[sflag:s8] =	ssyncset.s32 @!p0 $0xFFFFF086;
	s6 =	sadd.s32 @!p0 s3, s7;
	s7 =	simm.s32 @!p0 $0x108  }
0x21: {  	s3 =	sadd.s32 s3, s9;
	s6 =	sadd.s32 @!p0 $0x88, s6;
	s7 =	simm.s32 @p2 $0x1082  }
0x22: {  	[simem:s7], [sflag:s8] =	dma.local @!p0 [hbm:s6], $0xF7A  }
0x23: {  	s9 =	sor.u32 $0xD0000000, s2;
	s6 =	simm.s32 $0x108;
	_ =	swait.ge @!p0 [sflag:s8], $0x0  }
0x24: {  	s3 =	sadd.s32 $0x88, s3;
	s6 =	simm.s32 @!p1 $0x1082;
	[sflag:s4] =	ssyncset.s32 $0xFFFFF086  }
0x25: {  	[simem:s6], [sflag:s4] =	dma.local [hbm:s3], $0xF7A  }
0x26: {  	[smem:$0x3F9C] =	sst s1;
	(tag) =	ssettag s2;
	_ =	strace s9  }
0x27: {  	s1 =	sld [smem:$0x3FAC]  }
0x28: {  	s2 =	sld [smem:$0x3FAD]  }
0x29: {  	s4 =	sld [smem:$0x3FAF]  }
0x2a: {  	p0 =	seq.s32 s5, $0x0;
	s5 =	sld [smem:$0x3FB0]  }
0x2b: {  	s6 =	sld [smem:$0x3FB1]  }
0x2c: {  	s7 =	sld [smem:$0x3FB2]  }
0x2d: {  	s3 =	simm.s32 $0x108;
	s8 =	sld [smem:$0x3FB3]  }
0x2e: {  	s3 =	simm.s32 @!p0 $0x1082;
	s9 =	sld [smem:$0x3FB4]  }
0x2f: {  	lr =	sadd.s32 s0, s3;
	s0 =	sld [smem:$0x3FAB]  }
0x30: {  	s3 =	sld [smem:$0x3FAE]  }
0x31: {  	[smem:$0x3FB7] =	sst s10  }
0x32: {  	s10 =	sld [smem:$0x3FB5];
	_ =	sdelay $0x3  }
0x33: {  	p0 =	seq.s32 s10, $0x1;
	s10 =	sld [smem:$0x3FB7];
	_ =	sdelay $0x3  }
0x34: {  	[smem:$0x3FB7] =	sst s10  }
0x35: {  	s10 =	sld [smem:$0x3FB6];
	_ =	sdelay $0x3  }
0x36: {  	p1 =	seq.s32 s10, $0x1;
	s10 =	sld [smem:$0x3FB7];
	_ =	sdelay $0x3  }
0x37: {  	[smem:$0x3FB7] =	sst s10  }
0x38: {  	s10 =	sld [smem:$0x3FB8]  }
0x39: {  	_ = 	snop;
	(pc) =	sbr.ind lr, $3  }
0x3a: {  	_ = 	snop  }
0x3b: {  	_ = 	snop  }
0x3c: {  	p2 =	seq.s32 s10, $0x1;
	s10 =	sld [smem:$0x3FB7]  }
0x3d: {  	_ =	shalt  }
0x3e: {  	_ =	shalt  }
0x3f: {  	_ =	shalt  }
0x40: {  	_ =	shalt  }
0x41: {  	_ =	shalt  }
0x42: {  	_ =	shalt  }
0x43: {  	_ =	shalt  }
0x44: {  	_ =	shalt  }
0x45: {  	_ =	shalt  }
0x46: {  	_ =	shalt  }
0x47: {  	_ =	shalt  }
0x48: {  	_ =	shalt  }
0x49: {  	_ =	shalt  }
0x4a: {  	_ =	shalt  }
0x4b: {  	_ =	shalt  }
0x4c: {  	_ =	shalt  }
0x4d: {  	_ =	shalt  }
0x4e: {  	_ =	shalt  }
0x4f: {  	_ =	shalt  }
0x50: {  	_ =	shalt  }
0x51: {  	_ =	shalt  }
0x52: {  	_ =	shalt  }
0x53: {  	_ =	shalt  }
0x54: {  	_ =	shalt  }
0x55: {  	_ =	shalt  }
0x56: {  	_ =	shalt  }
0x57: {  	_ =	shalt  }
0x58: {  	_ =	shalt  }
0x59: {  	_ =	shalt  }
0x5a: {  	_ =	shalt  }
0x5b: {  	_ =	shalt  }
0x5c: {  	_ =	shalt  }
0x5d: {  	_ =	shalt  }
0x5e: {  	_ =	shalt  }
0x5f: {  	_ =	shalt  }
0x60: {  	_ =	shalt  }
0x61: {  	_ =	shalt  }
0x62: {  	_ =	shalt  }
0x63: {  	_ =	shalt  }
0x64: {  	_ =	shalt  }
0x65: {  	_ =	shalt  }
0x66: {  	_ =	shalt  }
0x67: {  	_ =	shalt  }
0x68: {  	_ =	shalt  }
0x69: {  	_ =	shalt  }
0x6a: {  	_ =	shalt  }
0x6b: {  	_ =	shalt  }
0x6c: {  	_ =	shalt  }
0x6d: {  	_ =	shalt  }
0x6e: {  	_ =	shalt  }
0x6f: {  	_ =	shalt  }
0x70: {  	_ =	shalt  }
0x71: {  	_ =	shalt  }
0x72: {  	_ =	shalt  }
0x73: {  	_ =	shalt  }
0x74: {  	_ =	shalt  }
0x75: {  	_ =	shalt  }
0x76: {  	_ =	shalt  }
0x77: {  	_ =	shalt  }
0x78: {  	_ =	shalt  }
0x79: {  	_ =	shalt  }
0x7a: {  	_ =	shalt  }
0x7b: {  	_ =	shalt  }
0x7c: {  	_ =	shalt  }
0x7d: {  	_ =	shalt  }
0x7e: {  	_ =	shalt  }
0x7f: {  	_ =	shalt  }
0x80: {  	_ =	shalt  }
0x81: {  	_ =	shalt  }
0x82: {  	_ =	shalt  }
0x83: {  	_ =	shalt  }
0x84: {  	_ =	shalt  }
0x85: {  	_ =	shalt  }
0x86: {  	_ =	shalt  }
0x87: {  	_ =	shalt  }
.Lfunc_end0:
.L_simem_size_0:
called_computation_lowered:
.L_overlay_start_0:
0x88: {  	s2 =	sld [smem:$0x3FD9]  }
0x89: {  	s3 =	sld [smem:$0x3FFE];
	_ =	sdelay $0x1  }
0x8a: {  	s1 =	srdreg.scid  }
0x8b: {  	s0 =	sand.u32 $0x1, s1  }
0x8c: {  	s17 =	sshll.u32 s0, $0xA;
	s2 =	sadd.s32 s3, s2  }
0x8d: {  	s2 =	sadd.s32 s2, s17  }
0x8e: {  	[smem:$0x3FC3] =	sst s2  }
0x8f: {  	_ = 	snop  }
0x90: {  	s2 =	sld [smem:$0x3FD0];
	(tm) =	ssettm $0x1  }
0x91: {  	s18 =	sld [smem:$0x3FFB];
	_ =	sdelay $0x3  }
0x92: {  	_ =	strace s18  }
0x93: {  	s3 =	sld [smem:$0x3FFC];
	_ =	sdelay $0x3  }
0x94: {  	_ =	strace s3  }
0x95: {  	s3 =	sld [smem:$0x3FFD];
	_ =	sdelay $0x3  }
0x96: {  	_ =	strace s3  }
0x97: {  	_ =	strace $0x8FFFFFFF  }
0x98: {  	s19 =	sld [smem:$0x3FDB];
	_ =	sdelay $0x1  }
0x99: {  	s4 =	simm.s32 $_scs_section_size  }
0x9a: {  	s5 =	simm.s32 $_size__tile_overlayer_lowered;
	s6 =	simm.s32 $_tile_overlayer_lowered  }
0x9b: {  	s22 =	simm.s32 $0x1BFF;
	s21 =	sshll.u32 s6, $0x1;
	s3 =	sadd.s32 s4, s19  }
0x9c: {  	s7 =	simm.s32 $0x0;
	s20 =	sshll.u32 s5, $0x1;
	s5 =	sadd.s32 s21, s3  }
0x9d: {  	[timem:s7], [sflag:s22] =	dma.local [hbm:s5], s20  }
0x9e: {  	_ =	swait.ge [sflag:s22], s20  }
0x9f: {  	s4 =	ssub.s32 $0x0, s20;
	[sflag:s22] =	ssyncset.done $0x0  }
0xa0: {  	[sflag:s22] =	ssyncadd.s32 s4;
	_ =	sdelay $0x1  }
0xa1: {  	s23 =	simm.s32 $0x1B8B  }
0xa2: {  	_ =	swait.ge [sflag:s23], $0x1  }
0xa3: {  	[sflag:s23] =	ssyncset.done $0x0  }
0xa4: {  	s25 =	simm.s32 $0x1B8E;
	s24 =	sld [smem:$0x3FFE];
	[sflag:s23] =	ssyncadd.s32 $0xFFFFFFFF  }
0xa5: {  	s26 =	simm.s32 $execute0_lowered;
	[smem:$0x3FD2] =	sst s25  }
0xa6: {  	s5 =	sshll.u32 s26, $0x1;
	_ =	strace $0x80000046;
	[dreg:$0x1] =	wrdreg $0xFFFFFFFF  }
0xa7: {  	s28 =	simm.s32 $_size_execute0_lowered;
	s3 =	sadd.s32 s3, s5;
	[dreg:$0x0] =	wrdreg $0x0  }
0xa8: {  	s5 =	sshll.u32 s28, $0x1;
	[dreg:$0x2] =	wrdreg s3  }
0xa9: {  	[dreg:$0x3] =	wrdreg s5  }
0xaa: {  	[dreg:$0x4] =	wrdreg $0xC0  }
0xab: {  	_ =	task [dreg:s7], $0x5FFFF  }
0xac: {  	[dreg:$0x1] =	wrdreg $0xFFFFFFFF  }
0xad: {  	[dreg:$0x0] =	wrdreg $0x60  }
0xae: {  	[dreg:$0x2] =	wrdreg s24  }
0xaf: {  	[dreg:$0x3] =	wrdreg s2  }
0xb0: {  	[dreg:$0x4] =	wrdreg $0xBF200  }
0xb1: {  	[dreg:$0x5] =	wrdreg $0x9  }
0xb2: {  	_ =	task.clear_ibuf [dreg:s7], $0x6FFFF;
	_ =	strace $0x90000046  }
0xb3: {  	s29 =	simm.s32 $0x9;
	_ =	strace $0x80000048  }
0xb4: {  	_ =	swait.ge [sflag:s29], $0x1  }
0xb5: {  	[sflag:s29] =	ssyncadd.s32 $0xFFFFFFFF  }
0xb6: {  	_ =	strace $0x90000048  }
0xb7: {  	_ =	sfence  }
0xb8: {  	s30 =	sld [smem:$0x0];
	_ =	sdelay $0x2  }
0xb9: {  	s31 =	sshll.u32 s1, $0xD;
	s1 =	sshrl.u32 s1, $0x2  }
0xba: {  	s3 =	sand.u32 $0x4000, s31;
	s1 =	sadd.s32 s1, s30  }
0xbb: {  	s0 =	sor.u32 s3, s0;
	s1 =	sshll.u32 s1, $0x11  }
0xbc: {  	s0 =	sor.u32 s1, s0  }
0xbd: {  	s0 =	sadd.s32 $0x8F2B, s0  }
0xbe: {  	[sflag:s0] =	ssyncadd.remote.s32 $0x1  }
0xbf: {  	_ =	sfence.sel $0xFFFF  }
0xc0: {  	[dreg:$0x0] =	wrdreg $0xFFFFFFFF;
	(pc) =	sbr.abs _section_cstart, $3  }
0xc1: {  	[dreg:$0x1] =	wrdreg $0xFFFFFFFF  }
0xc2: {  	_ =	task.clear_ibuf [dreg:s7], $0x2FFFF;
	_ =	strace $0x9FFFFFFF  }
0xc3: {  	(tm) =	ssettm $0x7FFFFFFF  }
tec
execute0_lowered:
.L_overlay_start_1:
0x0: {  	(tag) =	ssettag $0x1  }
0x1: {  	s9 =	rddreg [dreg:$0x0]  }
0x2: {  	s1 =	rddreg [dreg:$0x1]  }
0x3: {  	s3 =	rddreg [dreg:$0x2]  }
0x4: {  	s0 =	rddreg [dreg:$0x3];
	s4 =	simm.s32 $0x0;
	s5 =	srdreg.scid  }
0x5: {  	s2 =	stileid.u32;
	s19 =	simm.s32 $0xBE20;
	s20 =	simm.s32 $0xBEA0  }
0x6: {  	s21 =	simm.s32 $0x4E20;
	s22 =	simm.s32 $0x80;
	s23 =	simm.s32 $0x7620  }
0x7: {  	s24 =	simm.s32 $0x1;
	s25 =	simm.s32 $0x0;
	[smem:$0x7FF] =	sst s4  }
0x8: {  	s14 =	sand.u32 $0x1, s5;
	s10 =	smul.u32 $0xC800, s2;
	s5 =	sadd.s32 $0x20000, s9  }
0x9: {  	s6 =	sadd.s32 $0x16200, s9;
	s7 =	sadd.s32 $0xEA7C00, s9;
	s16 =	sadd.s32 $0x1400, s9  }
0xa: {  	s31 =	sshll.u32 s2, $0x6;
	p0 =	slt.u32 s2, $0x4;
	s8 =	smul.u32 $0xC8000, s14  }
0xb: {  	_ =	strace $0x80000047;
	s11 =	smul.u32 $0x9C4, s14;
	s13 =	ssub.s32 $0x2, s14  }
0xc: {  	v2 =	vlaneseq.u32;
	s30 =	sshrl.u32 s13, $0x1;
	s18 =	sadd.s32 s10, s3;
	s8 =	sadd.s32 s10, s8  }
0xd: {  	v0 =	vmul.u32 $0x50, v2;
	s11 =	sadd.s32 s11, s9;
	s17 =	ssub.s32 s13, s30;
	s10 =	simm.s32 $0x9D  }
0xe: {  	s13 =	smul.u32 $0x186A000, s14;
	s12 =	sshrl.u32 s8, $0x3;
	s8 =	sadd.s32 $0x29E00, s9  }
0xf: {  	v2 =	vmul.u32 $0x40, v2;
	v1 =	vadd.s32 $0x40, v0;
	s11 =	sadd.s32 $0x14E00, s11;
	s10 =	simm.s32 @!p0 $0x9C;
	p0 =	seq.s32 s14, $0x1  }
0x10: {  	v3 =	vadd.s32 $0x41, v0;
	v4 =	vadd.s32 $0x540, v0;
	v5 =	vadd.s32 $0x541, v0;
	s15 =	sadd.s32 s12, s9;
	s9 =	sor.u32 $0x1C02, s31;
	s12 =	sshll.u32 s2, $0x7  }
0x11: {  	v6 =	vor.u32 $0x400, v2;
	v7 =	vadd.s32 $0x500, v0;
	v8 =	vadd.s32 $0xA40, v0;
	s1 =	smov.u32 @p0 s16;
	s16 =	sshrl.u32 s18, $0x3;
	s18 =	simm.s32 $0x9620  }
0x12: {  	v9 =	vadd.s32 $0xA41, v0;
	v10 =	vor.u32 $0x800, v2;
	v11 =	vadd.s32 $0xA00, v0;
	s14 =	sadd.s32 $0x2B800, s15;
	s15 =	smax.u32 s17, $0x1;
	s17 =	simm.s32 $0x2  }
.LBB2_1:
0x13: {  	[spmem:s16], [sflag:s9] =	dma.local [hbm:s8], $0x1900  }
0x14: {  	_ =	swait.ge [sflag:s17], $0x1900  }
0x15: {  	[sflag:s17] =	ssyncset.done $0x0  }
0x16: {  	[sflag:s17] =	ssyncadd.s32 $0xFFFFE700  }
0x17: {  	[tilespmem:s18], [sflag:$0x2] =	stream.linear.gather [hbm4b:s8+s4], $0x2800, $0x38;
	[tilespmem:$0x18720] =	vst v63  }
0x18: {  	_ =	swait.ge [sflag:s17], $0x2800  }
0x19: {  	[sflag:s17] =	ssyncset.done $0x0  }
0x1a: {  	[sflag:s17] =	ssyncadd.s32 $0xFFFFD800  }
0x1b: {  	[tilespmem:s4], [sflag:$0x2] =	stream.linear.gather [hbm4b:s11+s4], $0x4E20, $0x38;
	[tilespmem:$0x18720] =	vst v63  }
0x1c: {  	_ =	swait.ge [sflag:s17], $0x4E20  }
0x1d: {  	[sflag:s17] =	ssyncset.done $0x0  }
0x1e: {  	[sflag:s17] =	ssyncadd.s32 $0xFFFFB1E0  }
0x1f: {  	s26 =	simm.s32 $0x0;
	[bflag:$0x0] =	sbarrier.arrive $0xFFFF  }
.LBB2_2:
0x20: {  	s28 =	sshll.u32 s26, $0xB  }
0x21: {  	s28 =	sor.u32 s12, s28  }
0x22: {  	s29 =	sshrl.u32 s28, $0x3  }
0x23: {  	s31 =	simm.s32 $0x0;
	s30 =	sadd.s32 s5, s29  }
0x24: {  	[tilespmem:s19], [sflag:$0x2] =	stream.linear.gather [hbm4b:s30+s31], $0x80, $0x38;
	[tilespmem:$0x18720] =	vst v63  }
0x25: {  	_ =	swait.ge [sflag:s17], $0x80  }
0x26: {  	[sflag:s17] =	ssyncset.done $0x0  }
0x27: {  	s28 =	smul.u32 $0x50, s28;
	s29 =	sadd.s32 s6, s29;
	[sflag:s17] =	ssyncadd.s32 $0xFFFFFF80  }
0x28: {  	[tilespmem:s20], [sflag:$0x2] =	stream.linear.gather [hbm4b:s29+s31], $0x80, $0x38;
	[tilespmem:$0x18720] =	vst v63  }
0x29: {  	s28 =	sadd.s32 s13, s28;
	_ =	swait.ge [sflag:s17], $0x80  }
0x2a: {  	s28 =	sshrl.u32 s28, $0x3;
	[sflag:s17] =	ssyncset.done $0x0  }
0x2b: {  	s28 =	sadd.s32 s7, s28;
	[sflag:s17] =	ssyncadd.s32 $0xFFFFFF80  }
0x2c: {  	[tilespmem:s21], [sflag:$0x2] =	stream.linear.gather [hbm4b:s28+s31], $0x2800, $0x38;
	[tilespmem:$0x18720] =	vst v63  }
0x2d: {  	_ =	swait.ge [sflag:s17], $0x2800  }
0x2e: {  	[sflag:s17] =	ssyncset.done $0x0  }
0x2f: {  	[sflag:s17] =	ssyncadd.s32 $0xFFFFD800  }
0x30: {  	[tilespmem:s23], [sflag:$0x1] =	stream.indirect.gather [hbm4b:s1+s22], $0x40, s19, s22, $0xb8;
	[tilespmem:$0x18720] =	vst v63  }
0x31: {  	_ =	swait.ge [sflag:s24], $0x2000  }
0x32: {  	[sflag:s24] =	ssyncset.done $0x0  }
0x33: {  	[sflag:s24] =	ssyncadd.s32 $0xFFFFE000  }
0x34: {  	v12 =	vld [tilespmem:$0xBE20];
	_ =	sdelay $0x4  }
0x35: {  	v12 =	vshll.u32 v12, $0x1;
	_ =	sdelay $0x3  }
0x36: {  	v14 =	vld.idx.msk [tilespmem:v1+s21+$0x0], $0xffff  }
0x37: {  	v13 =	vld.idx.msk [tilespmem:v12+s31+$0x0], $0xffff;
	_ =	sdelay $0x4  }
0x38: {  	v13 =	vadd.f32 v14, v13;
	_ =	sdelay $0x1  }
0x39: {  	v14 =	vmul.f32 $2.000000030e-01, v13  }
0x3a: {  	vm0 =	vge.f32 v13, $0.0e+00  }
0x3b: {  	v13 =	vsel vm0, v13, v14  }
0x3c: {  	v13 =	vmul.f32 $1.442695020e+00, v13;
	_ =	sdelay $0x1  }
0x3d: {  	(erf) = vpow2.f32 v13;
	_ =	sdelay $0x5  }
0x3e: {  	v12 =	vor.u32 $0x1, v12;
	_ =	sdelay $0x2  }
0x3f: {  	v13 =	vpop (erf)  }
0x40: {  	[tilespmem:v1+s18+$0x0] =	vst.idx.msk $0xffff, v13  }
0x41: {  	v12 =	vld.idx.msk [tilespmem:v12+s31+$0x0], $0xffff  }
0x42: {  	v14 =	vld.idx.msk [tilespmem:v3+s21+$0x0], $0xffff;
	_ =	sdelay $0x4  }
0x43: {  	v12 =	vadd.f32 v14, v12;
	_ =	sdelay $0x1  }
0x44: {  	v14 =	vmul.f32 $2.000000030e-01, v12  }
0x45: {  	vm15 =	vge.f32 v12, $0.0e+00  }
0x46: {  	v12 =	vsel vm15, v12, v14  }
0x47: {  	v12 =	vmul.f32 $1.442695020e+00, v12;
	_ =	sdelay $0x1  }
0x48: {  	(erf) = vpow2.f32 v12;
	_ =	sdelay $0x3  }
0x49: {  	v12 =	vmov s31  }
0x4a: {  	v12 =	vand.u32 $0x1C, v12  }
0x4b: {  	v14 =	vor.u32 v2, v12  }
0x4c: {  	v15 =	vadd.s32 v0, v12;
	_ =	sdelay $0x1  }
0x4d: {  	v12 =	vpop (erf)  }
0x4e: {  	[tilespmem:v3+s18+$0x0] =	vst.idx.msk $0xffff, v12  }
0x4f: {  	v14 =	vld.idx.msk [tilespmem:v14+s23+$0x0], $0xffff  }
0x50: {  	v16 =	vld.idx.msk [tilespmem:v15+s21+$0x0], $0xffff;
	_ =	sdelay $0x1  }
0x51: {  	s28 =	simm.s32 $0x1  }
0x52: {  	v17 =	vmov s28  }
0x53: {  	v17 =	vand.u32 $0x1D, v17  }
0x54: {  	v14 =	vadd.f32 v16, v14;
	v16 =	vor.u32 v2, v17  }
0x55: {  	v17 =	vadd.s32 v0, v17  }
0x56: {  	v14 =	vmul.f32 v14, v13;
	_ =	sdelay $0x1  }
0x57: {  	[tilespmem:v15+s18+$0x0] =	vst.idx.msk $0xffff, v14  }
0x58: {  	v14 =	vld.idx.msk [tilespmem:v16+s23+$0x0], $0xffff  }
0x59: {  	v15 =	vld.idx.msk [tilespmem:v17+s21+$0x0], $0xffff;
	_ =	sdelay $0x1  }
0x5a: {  	s28 =	simm.s32 $0x2  }
0x5b: {  	v16 =	vmov s28  }
0x5c: {  	v16 =	vand.u32 $0x1E, v16  }
0x5d: {  	v14 =	vadd.f32 v15, v14;
	v15 =	vor.u32 v2, v16  }
0x5e: {  	v16 =	vadd.s32 v0, v16  }
0x5f: {  	v14 =	vmul.f32 v14, v13;
	_ =	sdelay $0x1  }
0x60: {  	[tilespmem:v17+s18+$0x0] =	vst.idx.msk $0xffff, v14  }
0x61: {  	v14 =	vld.idx.msk [tilespmem:v15+s23+$0x0], $0xffff  }
0x62: {  	v15 =	vld.idx.msk [tilespmem:v16+s21+$0x0], $0xffff;
	_ =	sdelay $0x1  }
0x63: {  	s28 =	simm.s32 $0x3  }
0x64: {  	v17 =	vmov s28  }
0x65: {  	v17 =	vand.u32 $0x1F, v17  }
0x66: {  	v18 =	vor.u32 v2, v17;
	v15 =	vadd.f32 v15, v14  }
0x67: {  	v14 =	vadd.s32 v0, v17  }
0x68: {  	v15 =	vmul.f32 v15, v13;
	_ =	sdelay $0x1  }
0x69: {  	[tilespmem:v16+s18+$0x0] =	vst.idx.msk $0xffff, v15  }
0x6a: {  	v15 =	vld.idx.msk [tilespmem:v18+s23+$0x0], $0xffff  }
0x6b: {  	v16 =	vld.idx.msk [tilespmem:v14+s21+$0x0], $0xffff;
	_ =	sdelay $0x1  }
0x6c: {  	s28 =	simm.s32 $0x4  }
0x6d: {  	v17 =	vmov s28  }
0x6e: {  	s29 =	simm.s32 $0x8;
	v17 =	vand.u32 $0x1C, v17  }
.LBB2_3:
0x6f: {  	p0 =	slt.u32 s29, $0x1C;
	v18 =	vor.u32 v2, v17;
	v17 =	vadd.s32 v0, v17;
	v15 =	vadd.f32 v16, v15;
	s30 =	smov.u32 s29;
	s29 =	sadd.s32 $0x4, s29  }
0x70: {  	_ = 	snop  }
0x71: {  	v15 =	vmul.f32 v15, v13;
	_ =	sdelay $0x1  }
0x72: {  	[tilespmem:v14+s18+$0x0] =	vst.idx.msk $0xffff, v15  }
0x73: {  	v14 =	vld.idx.msk [tilespmem:v18+s23+$0x0], $0xffff  }
0x74: {  	v15 =	vld.idx.msk [tilespmem:v17+s21+$0x0], $0xffff;
	_ =	sdelay $0x2  }
0x75: {  	s31 =	sadd.s32 $0x1, s28  }
0x76: {  	v16 =	vmov s31  }
0x77: {  	v16 =	vand.u32 $0x1D, v16  }
0x78: {  	v14 =	vadd.f32 v15, v14;
	v15 =	vor.u32 v2, v16;
	v16 =	vadd.s32 v0, v16;
	_ =	sdelay $0x1  }
0x79: {  	v14 =	vmul.f32 v14, v13;
	_ =	sdelay $0x1  }
0x7a: {  	[tilespmem:v17+s18+$0x0] =	vst.idx.msk $0xffff, v14  }
0x7b: {  	v14 =	vld.idx.msk [tilespmem:v15+s23+$0x0], $0xffff  }
0x7c: {  	v15 =	vld.idx.msk [tilespmem:v16+s21+$0x0], $0xffff;
	_ =	sdelay $0x2  }
0x7d: {  	s31 =	sadd.s32 $0x2, s28  }
0x7e: {  	v17 =	vmov s31  }
0x7f: {  	v17 =	vand.u32 $0x1E, v17  }
0x80: {  	v14 =	vadd.f32 v15, v14;
	v15 =	vor.u32 v2, v17;
	v17 =	vadd.s32 v0, v17;
	_ =	sdelay $0x1  }
0x81: {  	v14 =	vmul.f32 v14, v13;
	_ =	sdelay $0x1  }
0x82: {  	[tilespmem:v16+s18+$0x0] =	vst.idx.msk $0xffff, v14  }
0x83: {  	v14 =	vld.idx.msk [tilespmem:v15+s23+$0x0], $0xffff  }
0x84: {  	v15 =	vld.idx.msk [tilespmem:v17+s21+$0x0], $0xffff;
	_ =	sdelay $0x2  }
0x85: {  	s31 =	sadd.s32 $0x3, s28;
	s28 =	smov.u32 s30  }
0x86: {  	v16 =	vmov s31  }
0x87: {  	v16 =	vand.u32 $0x1F, v16  }
0x88: {  	v18 =	vor.u32 v2, v16;
	v15 =	vadd.f32 v15, v14;
	v14 =	vadd.s32 v0, v16;
	_ =	sdelay $0x1  }
0x89: {  	v15 =	vmul.f32 v15, v13;
	_ =	sdelay $0x1  }
0x8a: {  	[tilespmem:v17+s18+$0x0] =	vst.idx.msk $0xffff, v15  }
0x8b: {  	v15 =	vld.idx.msk [tilespmem:v18+s23+$0x0], $0xffff  }
0x8c: {  	v16 =	vld.idx.msk [tilespmem:v14+s21+$0x0], $0xffff  }
.Ltmp0:
0x8d: {  	(pc) =	sbr.rel @p0 .LBB2_3-.Ltmp0, $3  }
0x8e: {  	_ =	sdelay $0x1  }
0x8f: {  	v17 =	vmov s28  }
0x90: {  	v17 =	vand.u32 $0x1C, v17  }
0x91: {  	v18 =	vor.u32 v2, v17;
	v15 =	vadd.f32 v16, v15  }
0x92: {  	v16 =	vadd.s32 v0, v17  }
0x93: {  	v15 =	vmul.f32 v15, v13;
	_ =	sdelay $0x1  }
0x94: {  	[tilespmem:v14+s18+$0x0] =	vst.idx.msk $0xffff, v15  }
0x95: {  	v14 =	vld.idx.msk [tilespmem:v18+s23+$0x0], $0xffff  }
0x96: {  	v15 =	vld.idx.msk [tilespmem:v16+s21+$0x0], $0xffff;
	_ =	sdelay $0x1  }
0x97: {  	s29 =	sadd.s32 $0x1, s28  }
0x98: {  	v17 =	vmov s29  }
0x99: {  	v17 =	vand.u32 $0x1D, v17  }
0x9a: {  	v14 =	vadd.f32 v15, v14;
	v15 =	vor.u32 v2, v17  }
0x9b: {  	v17 =	vadd.s32 v0, v17  }
0x9c: {  	v14 =	vmul.f32 v14, v13;
	_ =	sdelay $0x1  }
0x9d: {  	[tilespmem:v16+s18+$0x0] =	vst.idx.msk $0xffff, v14  }
0x9e: {  	v14 =	vld.idx.msk [tilespmem:v15+s23+$0x0], $0xffff  }
0x9f: {  	v15 =	vld.idx.msk [tilespmem:v17+s21+$0x0], $0xffff;
	_ =	sdelay $0x1  }
0xa0: {  	s29 =	sadd.s32 $0x2, s28  }
0xa1: {  	v16 =	vmov s29  }
0xa2: {  	v16 =	vand.u32 $0x1E, v16  }
0xa3: {  	v14 =	vadd.f32 v15, v14;
	v15 =	vor.u32 v2, v16  }
0xa4: {  	v16 =	vadd.s32 v0, v16  }
0xa5: {  	v14 =	vmul.f32 v14, v13;
	_ =	sdelay $0x1  }
0xa6: {  	[tilespmem:v17+s18+$0x0] =	vst.idx.msk $0xffff, v14  }
0xa7: {  	v14 =	vld.idx.msk [tilespmem:v15+s23+$0x0], $0xffff  }
0xa8: {  	v15 =	vld.idx.msk [tilespmem:v16+s21+$0x0], $0xffff;
	_ =	sdelay $0x1  }
0xa9: {  	s28 =	sadd.s32 $0x3, s28  }
0xaa: {  	v17 =	vmov s28  }
0xab: {  	v17 =	vand.u32 $0x1F, v17  }
0xac: {  	v14 =	vadd.f32 v15, v14;
	v15 =	vor.u32 v2, v17  }
0xad: {  	v17 =	vadd.s32 v0, v17  }
0xae: {  	v14 =	vmul.f32 v14, v13;
	_ =	sdelay $0x1  }
0xaf: {  	[tilespmem:v16+s18+$0x0] =	vst.idx.msk $0xffff, v14  }
0xb0: {  	v14 =	vld.idx.msk [tilespmem:v15+s23+$0x0], $0xffff  }
0xb1: {  	v15 =	vld.idx.msk [tilespmem:v17+s21+$0x0], $0xffff;
	_ =	sdelay $0x1  }
0xb2: {  	s28 =	simm.s32 $0x20  }
0xb3: {  	v16 =	vmov s28  }
0xb4: {  	v16 =	vand.u32 $0x3C, v16  }
0xb5: {  	v14 =	vadd.f32 v15, v14;
	v15 =	vor.u32 v2, v16  }
0xb6: {  	v16 =	vadd.s32 v0, v16  }
0xb7: {  	v13 =	vmul.f32 v14, v13;
	_ =	sdelay $0x1  }
0xb8: {  	[tilespmem:v17+s18+$0x0] =	vst.idx.msk $0xffff, v13  }
0xb9: {  	v13 =	vld.idx.msk [tilespmem:v15+s23+$0x0], $0xffff  }
0xba: {  	v14 =	vld.idx.msk [tilespmem:v16+s21+$0x0], $0xffff;
	_ =	sdelay $0x1  }
0xbb: {  	s28 =	simm.s32 $0x21  }
0xbc: {  	v15 =	vmov s28  }
0xbd: {  	v15 =	vand.u32 $0x3D, v15  }
0xbe: {  	v13 =	vadd.f32 v14, v13;
	v14 =	vor.u32 v2, v15  }
0xbf: {  	v15 =	vadd.s32 v0, v15  }
0xc0: {  	v13 =	vmul.f32 v13, v12;
	_ =	sdelay $0x1  }
0xc1: {  	[tilespmem:v16+s18+$0x0] =	vst.idx.msk $0xffff, v13  }
0xc2: {  	v13 =	vld.idx.msk [tilespmem:v14+s23+$0x0], $0xffff  }
0xc3: {  	v14 =	vld.idx.msk [tilespmem:v15+s21+$0x0], $0xffff;
	_ =	sdelay $0x1  }
0xc4: {  	s28 =	simm.s32 $0x22  }
0xc5: {  	v16 =	vmov s28  }
0xc6: {  	v16 =	vand.u32 $0x3E, v16  }
0xc7: {  	v13 =	vadd.f32 v14, v13;
	v14 =	vor.u32 v2, v16  }
0xc8: {  	v16 =	vadd.s32 v0, v16  }
0xc9: {  	v13 =	vmul.f32 v13, v12;
	_ =	sdelay $0x1  }
0xca: {  	[tilespmem:v15+s18+$0x0] =	vst.idx.msk $0xffff, v13  }
0xcb: {  	v13 =	vld.idx.msk [tilespmem:v14+s23+$0x0], $0xffff  }
0xcc: {  	v14 =	vld.idx.msk [tilespmem:v16+s21+$0x0], $0xffff;
	_ =	sdelay $0x1  }
0xcd: {  	s28 =	simm.s32 $0x23  }
0xce: {  	v15 =	vmov s28  }
0xcf: {  	v15 =	vand.u32 $0x3F, v15  }
0xd0: {  	v17 =	vor.u32 v2, v15;
	v14 =	vadd.f32 v14, v13  }
0xd1: {  	v13 =	vadd.s32 v0, v15  }
0xd2: {  	v14 =	vmul.f32 v14, v12;
	_ =	sdelay $0x1  }
0xd3: {  	[tilespmem:v16+s18+$0x0] =	vst.idx.msk $0xffff, v14  }
0xd4: {  	v14 =	vld.idx.msk [tilespmem:v17+s23+$0x0], $0xffff  }
0xd5: {  	v15 =	vld.idx.msk [tilespmem:v13+s21+$0x0], $0xffff;
	_ =	sdelay $0x1  }
0xd6: {  	s28 =	simm.s32 $0x24  }
0xd7: {  	v16 =	vmov s28  }
0xd8: {  	s29 =	simm.s32 $0x4;
	s28 =	simm.s32 $0x0;
	v16 =	vand.u32 $0x3C, v16  }
.LBB2_5:
0xd9: {  	v17 =	vor.u32 v2, v16;
	v16 =	vadd.s32 v0, v16;
	v14 =	vadd.f32 v15, v14;
	s30 =	smov.u32 s29;
	s29 =	sadd.s32 $0x4, s29  }
0xda: {  	p0 =	slt.u32 s29, $0x1C  }
0xdb: {  	v14 =	vmul.f32 v14, v12;
	_ =	sdelay $0x1  }
0xdc: {  	[tilespmem:v13+s18+$0x0] =	vst.idx.msk $0xffff, v14  }
0xdd: {  	v13 =	vld.idx.msk [tilespmem:v17+s23+$0x0], $0xffff  }
0xde: {  	v14 =	vld.idx.msk [tilespmem:v16+s21+$0x0], $0xffff;
	_ =	sdelay $0x2  }
0xdf: {  	s31 =	sadd.s32 $0x25, s28  }
0xe0: {  	v15 =	vmov s31  }
0xe1: {  	v15 =	vand.u32 $0x3D, v15  }
0xe2: {  	v13 =	vadd.f32 v14, v13;
	v14 =	vor.u32 v2, v15;
	v15 =	vadd.s32 v0, v15;
	_ =	sdelay $0x1  }
0xe3: {  	v13 =	vmul.f32 v13, v12;
	_ =	sdelay $0x1  }
0xe4: {  	[tilespmem:v16+s18+$0x0] =	vst.idx.msk $0xffff, v13  }
0xe5: {  	v13 =	vld.idx.msk [tilespmem:v14+s23+$0x0], $0xffff  }
0xe6: {  	v14 =	vld.idx.msk [tilespmem:v15+s21+$0x0], $0xffff;
	_ =	sdelay $0x2  }
0xe7: {  	s31 =	sadd.s32 $0x26, s28  }
0xe8: {  	v16 =	vmov s31  }
0xe9: {  	v16 =	vand.u32 $0x3E, v16  }
0xea: {  	v13 =	vadd.f32 v14, v13;
	v14 =	vor.u32 v2, v16;
	v16 =	vadd.s32 v0, v16;
	_ =	sdelay $0x1  }
0xeb: {  	v13 =	vmul.f32 v13, v12;
	_ =	sdelay $0x1  }
0xec: {  	[tilespmem:v15+s18+$0x0] =	vst.idx.msk $0xffff, v13  }
0xed: {  	v13 =	vld.idx.msk [tilespmem:v14+s23+$0x0], $0xffff  }
0xee: {  	v14 =	vld.idx.msk [tilespmem:v16+s21+$0x0], $0xffff;
	_ =	sdelay $0x2  }
0xef: {  	s31 =	sadd.s32 $0x27, s28;
	s28 =	smov.u32 s30  }
0xf0: {  	v15 =	vmov s31  }
0xf1: {  	v15 =	vand.u32 $0x3F, v15  }
0xf2: {  	v17 =	vor.u32 v2, v15;
	v14 =	vadd.f32 v14, v13;
	v13 =	vadd.s32 v0, v15;
	_ =	sdelay $0x1  }
0xf3: {  	v14 =	vmul.f32 v14, v12;
	_ =	sdelay $0x1  }
0xf4: {  	[tilespmem:v16+s18+$0x0] =	vst.idx.msk $0xffff, v14  }
0xf5: {  	v14 =	vld.idx.msk [tilespmem:v17+s23+$0x0], $0xffff  }
0xf6: {  	v15 =	vld.idx.msk [tilespmem:v13+s21+$0x0], $0xffff  }
.Ltmp1:
0xf7: {  	(pc) =	sbr.rel @p0 .LBB2_5-.Ltmp1, $4  }
0xf8: {  	_ = 	snop  }
0xf9: {  	s30 =	sadd.s32 $0x24, s28  }
0xfa: {  	v16 =	vmov s30  }
0xfb: {  	v16 =	vand.u32 $0x3C, v16  }
0xfc: {  	v17 =	vor.u32 v2, v16;
	v14 =	vadd.f32 v15, v14  }
0xfd: {  	v15 =	vadd.s32 v0, v16  }
0xfe: {  	v14 =	vmul.f32 v14, v12;
	_ =	sdelay $0x1  }
0xff: {  	[tilespmem:v13+s18+$0x0] =	vst.idx.msk $0xffff, v14  }
0x100: {  	v13 =	vld.idx.msk [tilespmem:v17+s23+$0x0], $0xffff  }
0x101: {  	v14 =	vld.idx.msk [tilespmem:v15+s21+$0x0], $0xffff;
	_ =	sdelay $0x1  }
0x102: {  	s29 =	sadd.s32 $0x25, s28  }
0x103: {  	v16 =	vmov s29  }
0x104: {  	v16 =	vand.u32 $0x3D, v16  }
0x105: {  	v13 =	vadd.f32 v14, v13;
	v14 =	vor.u32 v2, v16  }
0x106: {  	v16 =	vadd.s32 v0, v16  }
0x107: {  	v13 =	vmul.f32 v13, v12;
	_ =	sdelay $0x1  }
0x108: {  	[tilespmem:v15+s18+$0x0] =	vst.idx.msk $0xffff, v13  }
0x109: {  	v13 =	vld.idx.msk [tilespmem:v14+s23+$0x0], $0xffff  }
0x10a: {  	v14 =	vld.idx.msk [tilespmem:v16+s21+$0x0], $0xffff;
	_ =	sdelay $0x1  }
0x10b: {  	s29 =	sadd.s32 $0x26, s28  }
0x10c: {  	v15 =	vmov s29  }
0x10d: {  	v15 =	vand.u32 $0x3E, v15  }
0x10e: {  	v13 =	vadd.f32 v14, v13;
	v14 =	vor.u32 v2, v15  }
0x10f: {  	v15 =	vadd.s32 v0, v15  }
0x110: {  	v13 =	vmul.f32 v13, v12;
	_ =	sdelay $0x1  }
0x111: {  	[tilespmem:v16+s18+$0x0] =	vst.idx.msk $0xffff, v13  }
0x112: {  	v13 =	vld.idx.msk [tilespmem:v14+s23+$0x0], $0xffff  }
0x113: {  	v14 =	vld.idx.msk [tilespmem:v15+s21+$0x0], $0xffff;
	_ =	sdelay $0x1  }
0x114: {  	s28 =	sadd.s32 $0x27, s28  }
0x115: {  	v16 =	vmov s28  }
0x116: {  	v16 =	vand.u32 $0x3F, v16  }
0x117: {  	v13 =	vadd.f32 v14, v13;
	v14 =	vor.u32 v2, v16  }
0x118: {  	v16 =	vadd.s32 v0, v16  }
0x119: {  	v13 =	vmul.f32 v13, v12;
	_ =	sdelay $0x1  }
0x11a: {  	[tilespmem:v15+s18+$0x0] =	vst.idx.msk $0xffff, v13  }
0x11b: {  	v13 =	vld.idx.msk [tilespmem:v14+s23+$0x0], $0xffff  }
0x11c: {  	v14 =	vld.idx.msk [tilespmem:v16+s21+$0x0], $0xffff;
	_ =	sdelay $0x4  }
0x11d: {  	v13 =	vadd.f32 v14, v13;
	_ =	sdelay $0x1  }
0x11e: {  	v12 =	vmul.f32 v13, v12;
	_ =	sdelay $0x1  }
0x11f: {  	[tilespmem:v16+s18+$0x0] =	vst.idx.msk $0xffff, v12  }
0x120: {  	v12 =	vld [tilespmem:$0xBE30];
	_ =	sdelay $0x4  }
0x121: {  	v12 =	vshll.u32 v12, $0x1;
	_ =	sdelay $0x3  }
0x122: {  	s28 =	simm.s32 $0x0;
	v14 =	vld.idx.msk [tilespmem:v4+s21+$0x0], $0xffff  }
0x123: {  	v13 =	vld.idx.msk [tilespmem:v12+s28+$0x0], $0xffff;
	_ =	sdelay $0x4  }
0x124: {  	v13 =	vadd.f32 v14, v13;
	_ =	sdelay $0x1  }
0x125: {  	v14 =	vmul.f32 $2.000000030e-01, v13  }
0x126: {  	vm0 =	vge.f32 v13, $0.0e+00  }
0x127: {  	v13 =	vsel vm0, v13, v14  }
0x128: {  	v13 =	vmul.f32 $1.442695020e+00, v13;
	_ =	sdelay $0x1  }
0x129: {  	(erf) = vpow2.f32 v13;
	_ =	sdelay $0x5  }
0x12a: {  	v12 =	vor.u32 $0x1, v12;
	_ =	sdelay $0x2  }
0x12b: {  	v13 =	vpop (erf)  }
0x12c: {  	[tilespmem:v4+s18+$0x0] =	vst.idx.msk $0xffff, v13  }
0x12d: {  	v12 =	vld.idx.msk [tilespmem:v12+s28+$0x0], $0xffff  }
0x12e: {  	v14 =	vld.idx.msk [tilespmem:v5+s21+$0x0], $0xffff;
	_ =	sdelay $0x4  }
0x12f: {  	v12 =	vadd.f32 v14, v12;
	_ =	sdelay $0x1  }
0x130: {  	v14 =	vmul.f32 $2.000000030e-01, v12  }
0x131: {  	vm15 =	vge.f32 v12, $0.0e+00  }
0x132: {  	v12 =	vsel vm15, v12, v14  }
0x133: {  	v12 =	vmul.f32 $1.442695020e+00, v12;
	_ =	sdelay $0x1  }
0x134: {  	(erf) = vpow2.f32 v12;
	_ =	sdelay $0x3  }
0x135: {  	v12 =	vmov s28  }
0x136: {  	v12 =	vand.u32 $0x1C, v12  }
0x137: {  	v14 =	vor.u32 v6, v12  }
0x138: {  	v15 =	vadd.s32 v7, v12;
	_ =	sdelay $0x1  }
0x139: {  	v12 =	vpop (erf)  }
0x13a: {  	[tilespmem:v5+s18+$0x0] =	vst.idx.msk $0xffff, v12  }
0x13b: {  	v14 =	vld.idx.msk [tilespmem:v14+s23+$0x0], $0xffff  }
0x13c: {  	v16 =	vld.idx.msk [tilespmem:v15+s21+$0x0], $0xffff;
	_ =	sdelay $0x1  }
0x13d: {  	s28 =	simm.s32 $0x1  }
0x13e: {  	v17 =	vmov s28  }
0x13f: {  	v17 =	vand.u32 $0x1D, v17  }
0x140: {  	v14 =	vadd.f32 v16, v14;
	v16 =	vor.u32 v6, v17  }
0x141: {  	v17 =	vadd.s32 v7, v17  }
0x142: {  	v14 =	vmul.f32 v14, v13;
	_ =	sdelay $0x1  }
0x143: {  	[tilespmem:v15+s18+$0x0] =	vst.idx.msk $0xffff, v14  }
0x144: {  	v14 =	vld.idx.msk [tilespmem:v16+s23+$0x0], $0xffff  }
0x145: {  	v15 =	vld.idx.msk [tilespmem:v17+s21+$0x0], $0xffff;
	_ =	sdelay $0x1  }
0x146: {  	s28 =	simm.s32 $0x2  }
0x147: {  	v16 =	vmov s28  }
0x148: {  	v16 =	vand.u32 $0x1E, v16  }
0x149: {  	v14 =	vadd.f32 v15, v14;
	v15 =	vor.u32 v6, v16  }
0x14a: {  	v16 =	vadd.s32 v7, v16  }
0x14b: {  	v14 =	vmul.f32 v14, v13;
	_ =	sdelay $0x1  }
0x14c: {  	[tilespmem:v17+s18+$0x0] =	vst.idx.msk $0xffff, v14  }
0x14d: {  	v14 =	vld.idx.msk [tilespmem:v15+s23+$0x0], $0xffff  }
0x14e: {  	v15 =	vld.idx.msk [tilespmem:v16+s21+$0x0], $0xffff;
	_ =	sdelay $0x1  }
0x14f: {  	s28 =	simm.s32 $0x3  }
0x150: {  	v17 =	vmov s28  }
0x151: {  	v17 =	vand.u32 $0x1F, v17  }
0x152: {  	v18 =	vor.u32 v6, v17;
	v15 =	vadd.f32 v15, v14  }
0x153: {  	v14 =	vadd.s32 v7, v17  }
0x154: {  	v15 =	vmul.f32 v15, v13;
	_ =	sdelay $0x1  }
0x155: {  	[tilespmem:v16+s18+$0x0] =	vst.idx.msk $0xffff, v15  }
0x156: {  	v15 =	vld.idx.msk [tilespmem:v18+s23+$0x0], $0xffff  }
0x157: {  	v16 =	vld.idx.msk [tilespmem:v14+s21+$0x0], $0xffff;
	_ =	sdelay $0x1  }
0x158: {  	s28 =	simm.s32 $0x4  }
0x159: {  	v17 =	vmov s28  }
0x15a: {  	s29 =	simm.s32 $0x8;
	v17 =	vand.u32 $0x1C, v17  }
.LBB2_7:
0x15b: {  	p0 =	slt.u32 s29, $0x1C;
	v18 =	vor.u32 v6, v17;
	v17 =	vadd.s32 v7, v17;
	v15 =	vadd.f32 v16, v15;
	s30 =	smov.u32 s29;
	s29 =	sadd.s32 $0x4, s29  }
0x15c: {  	_ = 	snop  }
0x15d: {  	v15 =	vmul.f32 v15, v13;
	_ =	sdelay $0x1  }
0x15e: {  	[tilespmem:v14+s18+$0x0] =	vst.idx.msk $0xffff, v15  }
0x15f: {  	v14 =	vld.idx.msk [tilespmem:v18+s23+$0x0], $0xffff  }
0x160: {  	v15 =	vld.idx.msk [tilespmem:v17+s21+$0x0], $0xffff;
	_ =	sdelay $0x2  }
0x161: {  	s31 =	sadd.s32 $0x1, s28  }
0x162: {  	v16 =	vmov s31  }
0x163: {  	v16 =	vand.u32 $0x1D, v16  }
0x164: {  	v14 =	vadd.f32 v15, v14;
	v15 =	vor.u32 v6, v16;
	v16 =	vadd.s32 v7, v16;
	_ =	sdelay $0x1  }
0x165: {  	v14 =	vmul.f32 v14, v13;
	_ =	sdelay $0x1  }
0x166: {  	[tilespmem:v17+s18+$0x0] =	vst.idx.msk $0xffff, v14  }
0x167: {  	v14 =	vld.idx.msk [tilespmem:v15+s23+$0x0], $0xffff  }
0x168: {  	v15 =	vld.idx.msk [tilespmem:v16+s21+$0x0], $0xffff;
	_ =	sdelay $0x2  }
0x169: {  	s31 =	sadd.s32 $0x2, s28  }
0x16a: {  	v17 =	vmov s31  }
0x16b: {  	v17 =	vand.u32 $0x1E, v17  }
0x16c: {  	v14 =	vadd.f32 v15, v14;
	v15 =	vor.u32 v6, v17;
	v17 =	vadd.s32 v7, v17;
	_ =	sdelay $0x1  }
0x16d: {  	v14 =	vmul.f32 v14, v13;
	_ =	sdelay $0x1  }
0x16e: {  	[tilespmem:v16+s18+$0x0] =	vst.idx.msk $0xffff, v14  }
0x16f: {  	v14 =	vld.idx.msk [tilespmem:v15+s23+$0x0], $0xffff  }
0x170: {  	v15 =	vld.idx.msk [tilespmem:v17+s21+$0x0], $0xffff;
	_ =	sdelay $0x2  }
0x171: {  	s31 =	sadd.s32 $0x3, s28;
	s28 =	smov.u32 s30  }
0x172: {  	v16 =	vmov s31  }
0x173: {  	v16 =	vand.u32 $0x1F, v16  }
0x174: {  	v18 =	vor.u32 v6, v16;
	v15 =	vadd.f32 v15, v14;
	v14 =	vadd.s32 v7, v16;
	_ =	sdelay $0x1  }
0x175: {  	v15 =	vmul.f32 v15, v13;
	_ =	sdelay $0x1  }
0x176: {  	[tilespmem:v17+s18+$0x0] =	vst.idx.msk $0xffff, v15  }
0x177: {  	v15 =	vld.idx.msk [tilespmem:v18+s23+$0x0], $0xffff  }
0x178: {  	v16 =	vld.idx.msk [tilespmem:v14+s21+$0x0], $0xffff  }
.Ltmp2:
0x179: {  	(pc) =	sbr.rel @p0 .LBB2_7-.Ltmp2, $3  }
0x17a: {  	_ =	sdelay $0x1  }
0x17b: {  	v17 =	vmov s28  }
0x17c: {  	v17 =	vand.u32 $0x1C, v17  }
0x17d: {  	v18 =	vor.u32 v6, v17;
	v15 =	vadd.f32 v16, v15  }
0x17e: {  	v16 =	vadd.s32 v7, v17  }
0x17f: {  	v15 =	vmul.f32 v15, v13;
	_ =	sdelay $0x1  }
0x180: {  	[tilespmem:v14+s18+$0x0] =	vst.idx.msk $0xffff, v15  }
0x181: {  	v14 =	vld.idx.msk [tilespmem:v18+s23+$0x0], $0xffff  }
0x182: {  	v15 =	vld.idx.msk [tilespmem:v16+s21+$0x0], $0xffff;
	_ =	sdelay $0x1  }
0x183: {  	s29 =	sadd.s32 $0x1, s28  }
0x184: {  	v17 =	vmov s29  }
0x185: {  	v17 =	vand.u32 $0x1D, v17  }
0x186: {  	v14 =	vadd.f32 v15, v14;
	v15 =	vor.u32 v6, v17  }
0x187: {  	v17 =	vadd.s32 v7, v17  }
0x188: {  	v14 =	vmul.f32 v14, v13;
	_ =	sdelay $0x1  }
0x189: {  	[tilespmem:v16+s18+$0x0] =	vst.idx.msk $0xffff, v14  }
0x18a: {  	v14 =	vld.idx.msk [tilespmem:v15+s23+$0x0], $0xffff  }
0x18b: {  	v15 =	vld.idx.msk [tilespmem:v17+s21+$0x0], $0xffff;
	_ =	sdelay $0x1  }
0x18c: {  	s29 =	sadd.s32 $0x2, s28  }
0x18d: {  	v16 =	vmov s29  }
0x18e: {  	v16 =	vand.u32 $0x1E, v16  }
0x18f: {  	v14 =	vadd.f32 v15, v14;
	v15 =	vor.u32 v6, v16  }
0x190: {  	v16 =	vadd.s32 v7, v16  }
0x191: {  	v14 =	vmul.f32 v14, v13;
	_ =	sdelay $0x1  }
0x192: {  	[tilespmem:v17+s18+$0x0] =	vst.idx.msk $0xffff, v14  }
0x193: {  	v14 =	vld.idx.msk [tilespmem:v15+s23+$0x0], $0xffff  }
0x194: {  	v15 =	vld.idx.msk [tilespmem:v16+s21+$0x0], $0xffff;
	_ =	sdelay $0x1  }
0x195: {  	s28 =	sadd.s32 $0x3, s28  }
0x196: {  	v17 =	vmov s28  }
0x197: {  	v17 =	vand.u32 $0x1F, v17  }
0x198: {  	v14 =	vadd.f32 v15, v14;
	v15 =	vor.u32 v6, v17  }
0x199: {  	v17 =	vadd.s32 v7, v17  }
0x19a: {  	v14 =	vmul.f32 v14, v13;
	_ =	sdelay $0x1  }
0x19b: {  	[tilespmem:v16+s18+$0x0] =	vst.idx.msk $0xffff, v14  }
0x19c: {  	v14 =	vld.idx.msk [tilespmem:v15+s23+$0x0], $0xffff  }
0x19d: {  	v15 =	vld.idx.msk [tilespmem:v17+s21+$0x0], $0xffff;
	_ =	sdelay $0x1  }
0x19e: {  	s28 =	simm.s32 $0x20  }
0x19f: {  	v16 =	vmov s28  }
0x1a0: {  	v16 =	vand.u32 $0x3C, v16  }
0x1a1: {  	v14 =	vadd.f32 v15, v14;
	v15 =	vor.u32 v6, v16  }
0x1a2: {  	v16 =	vadd.s32 v7, v16  }
0x1a3: {  	v13 =	vmul.f32 v14, v13;
	_ =	sdelay $0x1  }
0x1a4: {  	[tilespmem:v17+s18+$0x0] =	vst.idx.msk $0xffff, v13  }
0x1a5: {  	v13 =	vld.idx.msk [tilespmem:v15+s23+$0x0], $0xffff  }
0x1a6: {  	v14 =	vld.idx.msk [tilespmem:v16+s21+$0x0], $0xffff;
	_ =	sdelay $0x1  }
0x1a7: {  	s28 =	simm.s32 $0x21  }
0x1a8: {  	v15 =	vmov s28  }
0x1a9: {  	v15 =	vand.u32 $0x3D, v15  }
0x1aa: {  	v13 =	vadd.f32 v14, v13;
	v14 =	vor.u32 v6, v15  }
0x1ab: {  	v15 =	vadd.s32 v7, v15  }
0x1ac: {  	v13 =	vmul.f32 v13, v12;
	_ =	sdelay $0x1  }
0x1ad: {  	[tilespmem:v16+s18+$0x0] =	vst.idx.msk $0xffff, v13  }
0x1ae: {  	v13 =	vld.idx.msk [tilespmem:v14+s23+$0x0], $0xffff  }
0x1af: {  	v14 =	vld.idx.msk [tilespmem:v15+s21+$0x0], $0xffff;
	_ =	sdelay $0x1  }
0x1b0: {  	s28 =	simm.s32 $0x22  }
0x1b1: {  	v16 =	vmov s28  }
0x1b2: {  	v16 =	vand.u32 $0x3E, v16  }
0x1b3: {  	v13 =	vadd.f32 v14, v13;
	v14 =	vor.u32 v6, v16  }
0x1b4: {  	v16 =	vadd.s32 v7, v16  }
0x1b5: {  	v13 =	vmul.f32 v13, v12;
	_ =	sdelay $0x1  }
0x1b6: {  	[tilespmem:v15+s18+$0x0] =	vst.idx.msk $0xffff, v13  }
0x1b7: {  	v13 =	vld.idx.msk [tilespmem:v14+s23+$0x0], $0xffff  }
0x1b8: {  	v14 =	vld.idx.msk [tilespmem:v16+s21+$0x0], $0xffff;
	_ =	sdelay $0x1  }
0x1b9: {  	s28 =	simm.s32 $0x23  }
0x1ba: {  	v15 =	vmov s28  }
0x1bb: {  	v15 =	vand.u32 $0x3F, v15  }
0x1bc: {  	v17 =	vor.u32 v6, v15;
	v14 =	vadd.f32 v14, v13  }
0x1bd: {  	v13 =	vadd.s32 v7, v15  }
0x1be: {  	v14 =	vmul.f32 v14, v12;
	_ =	sdelay $0x1  }
0x1bf: {  	[tilespmem:v16+s18+$0x0] =	vst.idx.msk $0xffff, v14  }
0x1c0: {  	v14 =	vld.idx.msk [tilespmem:v17+s23+$0x0], $0xffff  }
0x1c1: {  	v15 =	vld.idx.msk [tilespmem:v13+s21+$0x0], $0xffff;
	_ =	sdelay $0x1  }
0x1c2: {  	s28 =	simm.s32 $0x24  }
0x1c3: {  	v16 =	vmov s28  }
0x1c4: {  	s29 =	simm.s32 $0x4;
	s28 =	simm.s32 $0x0;
	v16 =	vand.u32 $0x3C, v16  }
.LBB2_9:
0x1c5: {  	v17 =	vor.u32 v6, v16;
	v16 =	vadd.s32 v7, v16;
	v14 =	vadd.f32 v15, v14;
	s30 =	smov.u32 s29;
	s29 =	sadd.s32 $0x4, s29  }
0x1c6: {  	p0 =	slt.u32 s29, $0x1C  }
0x1c7: {  	v14 =	vmul.f32 v14, v12;
	_ =	sdelay $0x1  }
0x1c8: {  	[tilespmem:v13+s18+$0x0] =	vst.idx.msk $0xffff, v14  }
0x1c9: {  	v13 =	vld.idx.msk [tilespmem:v17+s23+$0x0], $0xffff  }
0x1ca: {  	v14 =	vld.idx.msk [tilespmem:v16+s21+$0x0], $0xffff;
	_ =	sdelay $0x2  }
0x1cb: {  	s31 =	sadd.s32 $0x25, s28  }
0x1cc: {  	v15 =	vmov s31  }
0x1cd: {  	v15 =	vand.u32 $0x3D, v15  }
0x1ce: {  	v13 =	vadd.f32 v14, v13;
	v14 =	vor.u32 v6, v15;
	v15 =	vadd.s32 v7, v15;
	_ =	sdelay $0x1  }
0x1cf: {  	v13 =	vmul.f32 v13, v12;
	_ =	sdelay $0x1  }
0x1d0: {  	[tilespmem:v16+s18+$0x0] =	vst.idx.msk $0xffff, v13  }
0x1d1: {  	v13 =	vld.idx.msk [tilespmem:v14+s23+$0x0], $0xffff  }
0x1d2: {  	v14 =	vld.idx.msk [tilespmem:v15+s21+$0x0], $0xffff;
	_ =	sdelay $0x2  }
0x1d3: {  	s31 =	sadd.s32 $0x26, s28  }
0x1d4: {  	v16 =	vmov s31  }
0x1d5: {  	v16 =	vand.u32 $0x3E, v16  }
0x1d6: {  	v13 =	vadd.f32 v14, v13;
	v14 =	vor.u32 v6, v16;
	v16 =	vadd.s32 v7, v16;
	_ =	sdelay $0x1  }
0x1d7: {  	v13 =	vmul.f32 v13, v12;
	_ =	sdelay $0x1  }
0x1d8: {  	[tilespmem:v15+s18+$0x0] =	vst.idx.msk $0xffff, v13  }
0x1d9: {  	v13 =	vld.idx.msk [tilespmem:v14+s23+$0x0], $0xffff  }
0x1da: {  	v14 =	vld.idx.msk [tilespmem:v16+s21+$0x0], $0xffff;
	_ =	sdelay $0x2  }
0x1db: {  	s31 =	sadd.s32 $0x27, s28;
	s28 =	smov.u32 s30  }
0x1dc: {  	v15 =	vmov s31  }
0x1dd: {  	v15 =	vand.u32 $0x3F, v15  }
0x1de: {  	v17 =	vor.u32 v6, v15;
	v14 =	vadd.f32 v14, v13;
	v13 =	vadd.s32 v7, v15;
	_ =	sdelay $0x1  }
0x1df: {  	v14 =	vmul.f32 v14, v12;
	_ =	sdelay $0x1  }
0x1e0: {  	[tilespmem:v16+s18+$0x0] =	vst.idx.msk $0xffff, v14  }
0x1e1: {  	v14 =	vld.idx.msk [tilespmem:v17+s23+$0x0], $0xffff  }
0x1e2: {  	v15 =	vld.idx.msk [tilespmem:v13+s21+$0x0], $0xffff  }
.Ltmp3:
0x1e3: {  	(pc) =	sbr.rel @p0 .LBB2_9-.Ltmp3, $4  }
0x1e4: {  	_ = 	snop  }
0x1e5: {  	s30 =	sadd.s32 $0x24, s28  }
0x1e6: {  	v16 =	vmov s30  }
0x1e7: {  	v16 =	vand.u32 $0x3C, v16  }
0x1e8: {  	v17 =	vor.u32 v6, v16;
	v14 =	vadd.f32 v15, v14  }
0x1e9: {  	v15 =	vadd.s32 v7, v16  }
0x1ea: {  	v14 =	vmul.f32 v14, v12;
	_ =	sdelay $0x1  }
0x1eb: {  	[tilespmem:v13+s18+$0x0] =	vst.idx.msk $0xffff, v14  }
0x1ec: {  	v13 =	vld.idx.msk [tilespmem:v17+s23+$0x0], $0xffff  }
0x1ed: {  	v14 =	vld.idx.msk [tilespmem:v15+s21+$0x0], $0xffff;
	_ =	sdelay $0x1  }
0x1ee: {  	s29 =	sadd.s32 $0x25, s28  }
0x1ef: {  	v16 =	vmov s29  }
0x1f0: {  	v16 =	vand.u32 $0x3D, v16  }
0x1f1: {  	v13 =	vadd.f32 v14, v13;
	v14 =	vor.u32 v6, v16  }
0x1f2: {  	v16 =	vadd.s32 v7, v16  }
0x1f3: {  	v13 =	vmul.f32 v13, v12;
	_ =	sdelay $0x1  }
0x1f4: {  	[tilespmem:v15+s18+$0x0] =	vst.idx.msk $0xffff, v13  }
0x1f5: {  	v13 =	vld.idx.msk [tilespmem:v14+s23+$0x0], $0xffff  }
0x1f6: {  	v14 =	vld.idx.msk [tilespmem:v16+s21+$0x0], $0xffff;
	_ =	sdelay $0x1  }
0x1f7: {  	s29 =	sadd.s32 $0x26, s28  }
0x1f8: {  	v15 =	vmov s29  }
0x1f9: {  	v15 =	vand.u32 $0x3E, v15  }
0x1fa: {  	v13 =	vadd.f32 v14, v13;
	v14 =	vor.u32 v6, v15  }
0x1fb: {  	v15 =	vadd.s32 v7, v15  }
0x1fc: {  	v13 =	vmul.f32 v13, v12;
	_ =	sdelay $0x1  }
0x1fd: {  	[tilespmem:v16+s18+$0x0] =	vst.idx.msk $0xffff, v13  }
0x1fe: {  	v13 =	vld.idx.msk [tilespmem:v14+s23+$0x0], $0xffff  }
0x1ff: {  	v14 =	vld.idx.msk [tilespmem:v15+s21+$0x0], $0xffff;
	_ =	sdelay $0x1  }
0x200: {  	s28 =	sadd.s32 $0x27, s28  }
0x201: {  	v16 =	vmov s28  }
0x202: {  	v16 =	vand.u32 $0x3F, v16  }
0x203: {  	v13 =	vadd.f32 v14, v13;
	v14 =	vor.u32 v6, v16  }
0x204: {  	v16 =	vadd.s32 v7, v16  }
0x205: {  	v13 =	vmul.f32 v13, v12;
	_ =	sdelay $0x1  }
0x206: {  	[tilespmem:v15+s18+$0x0] =	vst.idx.msk $0xffff, v13  }
0x207: {  	v13 =	vld.idx.msk [tilespmem:v14+s23+$0x0], $0xffff  }
0x208: {  	v14 =	vld.idx.msk [tilespmem:v16+s21+$0x0], $0xffff;
	_ =	sdelay $0x4  }
0x209: {  	v13 =	vadd.f32 v14, v13;
	_ =	sdelay $0x1  }
0x20a: {  	v12 =	vmul.f32 v13, v12;
	_ =	sdelay $0x1  }
0x20b: {  	[tilespmem:v16+s18+$0x0] =	vst.idx.msk $0xffff, v12  }
0x20c: {  	v12 =	vld [tilespmem:$0xBE40];
	_ =	sdelay $0x4  }
0x20d: {  	v12 =	vshll.u32 v12, $0x1;
	_ =	sdelay $0x3  }
0x20e: {  	s28 =	simm.s32 $0x0;
	v14 =	vld.idx.msk [tilespmem:v8+s21+$0x0], $0xffff  }
0x20f: {  	v13 =	vld.idx.msk [tilespmem:v12+s28+$0x0], $0xffff;
	_ =	sdelay $0x4  }
0x210: {  	v13 =	vadd.f32 v14, v13;
	_ =	sdelay $0x1  }
0x211: {  	v14 =	vmul.f32 $2.000000030e-01, v13  }
0x212: {  	vm0 =	vge.f32 v13, $0.0e+00  }
0x213: {  	v13 =	vsel vm0, v13, v14  }
0x214: {  	v13 =	vmul.f32 $1.442695020e+00, v13;
	_ =	sdelay $0x1  }
0x215: {  	(erf) = vpow2.f32 v13;
	_ =	sdelay $0x5  }
0x216: {  	v12 =	vor.u32 $0x1, v12;
	_ =	sdelay $0x2  }
0x217: {  	v13 =	vpop (erf)  }
0x218: {  	[tilespmem:v8+s18+$0x0] =	vst.idx.msk $0xffff, v13  }
0x219: {  	v12 =	vld.idx.msk [tilespmem:v12+s28+$0x0], $0xffff  }
0x21a: {  	v14 =	vld.idx.msk [tilespmem:v9+s21+$0x0], $0xffff;
	_ =	sdelay $0x4  }
0x21b: {  	v12 =	vadd.f32 v14, v12;
	_ =	sdelay $0x1  }
0x21c: {  	v14 =	vmul.f32 $2.000000030e-01, v12  }
0x21d: {  	vm15 =	vge.f32 v12, $0.0e+00  }
0x21e: {  	v12 =	vsel vm15, v12, v14  }
0x21f: {  	v12 =	vmul.f32 $1.442695020e+00, v12;
	_ =	sdelay $0x1  }
0x220: {  	(erf) = vpow2.f32 v12;
	_ =	sdelay $0x3  }
0x221: {  	v12 =	vmov s28  }
0x222: {  	v12 =	vand.u32 $0x1C, v12  }
0x223: {  	v14 =	vor.u32 v10, v12  }
0x224: {  	v15 =	vadd.s32 v11, v12;
	_ =	sdelay $0x1  }
0x225: {  	v12 =	vpop (erf)  }
0x226: {  	[tilespmem:v9+s18+$0x0] =	vst.idx.msk $0xffff, v12  }
0x227: {  	v14 =	vld.idx.msk [tilespmem:v14+s23+$0x0], $0xffff  }
0x228: {  	v16 =	vld.idx.msk [tilespmem:v15+s21+$0x0], $0xffff;
	_ =	sdelay $0x1  }
0x229: {  	s28 =	simm.s32 $0x1  }
0x22a: {  	v17 =	vmov s28  }
0x22b: {  	v17 =	vand.u32 $0x1D, v17  }
0x22c: {  	v14 =	vadd.f32 v16, v14;
	v16 =	vor.u32 v10, v17  }
0x22d: {  	v17 =	vadd.s32 v11, v17  }
0x22e: {  	v14 =	vmul.f32 v14, v13;
	_ =	sdelay $0x1  }
0x22f: {  	[tilespmem:v15+s18+$0x0] =	vst.idx.msk $0xffff, v14  }
0x230: {  	v14 =	vld.idx.msk [tilespmem:v16+s23+$0x0], $0xffff  }
0x231: {  	v15 =	vld.idx.msk [tilespmem:v17+s21+$0x0], $0xffff;
	_ =	sdelay $0x1  }
0x232: {  	s28 =	simm.s32 $0x2  }
0x233: {  	v16 =	vmov s28  }
0x234: {  	v16 =	vand.u32 $0x1E, v16  }
0x235: {  	v14 =	vadd.f32 v15, v14;
	v15 =	vor.u32 v10, v16  }
0x236: {  	v16 =	vadd.s32 v11, v16  }
0x237: {  	v14 =	vmul.f32 v14, v13;
	_ =	sdelay $0x1  }
0x238: {  	[tilespmem:v17+s18+$0x0] =	vst.idx.msk $0xffff, v14  }
0x239: {  	v14 =	vld.idx.msk [tilespmem:v15+s23+$0x0], $0xffff  }
0x23a: {  	v15 =	vld.idx.msk [tilespmem:v16+s21+$0x0], $0xffff;
	_ =	sdelay $0x1  }
0x23b: {  	s28 =	simm.s32 $0x3  }
0x23c: {  	v17 =	vmov s28  }
0x23d: {  	v17 =	vand.u32 $0x1F, v17  }
0x23e: {  	v18 =	vor.u32 v10, v17;
	v15 =	vadd.f32 v15, v14  }
0x23f: {  	v14 =	vadd.s32 v11, v17  }
0x240: {  	v15 =	vmul.f32 v15, v13;
	_ =	sdelay $0x1  }
0x241: {  	[tilespmem:v16+s18+$0x0] =	vst.idx.msk $0xffff, v15  }
0x242: {  	v15 =	vld.idx.msk [tilespmem:v18+s23+$0x0], $0xffff  }
0x243: {  	v16 =	vld.idx.msk [tilespmem:v14+s21+$0x0], $0xffff;
	_ =	sdelay $0x1  }
0x244: {  	s28 =	simm.s32 $0x4  }
0x245: {  	v17 =	vmov s28  }
0x246: {  	s29 =	simm.s32 $0x8;
	v17 =	vand.u32 $0x1C, v17  }
.LBB2_11:
0x247: {  	p0 =	slt.u32 s29, $0x1C;
	v18 =	vor.u32 v10, v17;
	v17 =	vadd.s32 v11, v17;
	v15 =	vadd.f32 v16, v15;
	s30 =	smov.u32 s29;
	s29 =	sadd.s32 $0x4, s29  }
0x248: {  	_ = 	snop  }
0x249: {  	v15 =	vmul.f32 v15, v13;
	_ =	sdelay $0x1  }
0x24a: {  	[tilespmem:v14+s18+$0x0] =	vst.idx.msk $0xffff, v15  }
0x24b: {  	v14 =	vld.idx.msk [tilespmem:v18+s23+$0x0], $0xffff  }
0x24c: {  	v15 =	vld.idx.msk [tilespmem:v17+s21+$0x0], $0xffff;
	_ =	sdelay $0x2  }
0x24d: {  	s31 =	sadd.s32 $0x1, s28  }
0x24e: {  	v16 =	vmov s31  }
0x24f: {  	v16 =	vand.u32 $0x1D, v16  }
0x250: {  	v14 =	vadd.f32 v15, v14;
	v15 =	vor.u32 v10, v16;
	v16 =	vadd.s32 v11, v16;
	_ =	sdelay $0x1  }
0x251: {  	v14 =	vmul.f32 v14, v13;
	_ =	sdelay $0x1  }
0x252: {  	[tilespmem:v17+s18+$0x0] =	vst.idx.msk $0xffff, v14  }
0x253: {  	v14 =	vld.idx.msk [tilespmem:v15+s23+$0x0], $0xffff  }
0x254: {  	v15 =	vld.idx.msk [tilespmem:v16+s21+$0x0], $0xffff;
	_ =	sdelay $0x2  }
0x255: {  	s31 =	sadd.s32 $0x2, s28  }
0x256: {  	v17 =	vmov s31  }
0x257: {  	v17 =	vand.u32 $0x1E, v17  }
0x258: {  	v14 =	vadd.f32 v15, v14;
	v15 =	vor.u32 v10, v17;
	v17 =	vadd.s32 v11, v17;
	_ =	sdelay $0x1  }
0x259: {  	v14 =	vmul.f32 v14, v13;
	_ =	sdelay $0x1  }
0x25a: {  	[tilespmem:v16+s18+$0x0] =	vst.idx.msk $0xffff, v14  }
0x25b: {  	v14 =	vld.idx.msk [tilespmem:v15+s23+$0x0], $0xffff  }
0x25c: {  	v15 =	vld.idx.msk [tilespmem:v17+s21+$0x0], $0xffff;
	_ =	sdelay $0x2  }
0x25d: {  	s31 =	sadd.s32 $0x3, s28;
	s28 =	smov.u32 s30  }
0x25e: {  	v16 =	vmov s31  }
0x25f: {  	v16 =	vand.u32 $0x1F, v16  }
0x260: {  	v18 =	vor.u32 v10, v16;
	v15 =	vadd.f32 v15, v14;
	v14 =	vadd.s32 v11, v16;
	_ =	sdelay $0x1  }
0x261: {  	v15 =	vmul.f32 v15, v13;
	_ =	sdelay $0x1  }
0x262: {  	[tilespmem:v17+s18+$0x0] =	vst.idx.msk $0xffff, v15  }
0x263: {  	v15 =	vld.idx.msk [tilespmem:v18+s23+$0x0], $0xffff  }
0x264: {  	v16 =	vld.idx.msk [tilespmem:v14+s21+$0x0], $0xffff  }
.Ltmp4:
0x265: {  	(pc) =	sbr.rel @p0 .LBB2_11-.Ltmp4, $3  }
0x266: {  	_ =	sdelay $0x1  }
0x267: {  	v17 =	vmov s28  }
0x268: {  	v17 =	vand.u32 $0x1C, v17  }
0x269: {  	v18 =	vor.u32 v10, v17;
	v15 =	vadd.f32 v16, v15  }
0x26a: {  	v16 =	vadd.s32 v11, v17  }
0x26b: {  	v15 =	vmul.f32 v15, v13;
	_ =	sdelay $0x1  }
0x26c: {  	[tilespmem:v14+s18+$0x0] =	vst.idx.msk $0xffff, v15  }
0x26d: {  	v14 =	vld.idx.msk [tilespmem:v18+s23+$0x0], $0xffff  }
0x26e: {  	v15 =	vld.idx.msk [tilespmem:v16+s21+$0x0], $0xffff;
	_ =	sdelay $0x1  }
0x26f: {  	s29 =	sadd.s32 $0x1, s28  }
0x270: {  	v17 =	vmov s29  }
0x271: {  	v17 =	vand.u32 $0x1D, v17  }
0x272: {  	v14 =	vadd.f32 v15, v14;
	v15 =	vor.u32 v10, v17  }
0x273: {  	v17 =	vadd.s32 v11, v17  }
0x274: {  	v14 =	vmul.f32 v14, v13;
	_ =	sdelay $0x1  }
0x275: {  	[tilespmem:v16+s18+$0x0] =	vst.idx.msk $0xffff, v14  }
0x276: {  	v14 =	vld.idx.msk [tilespmem:v15+s23+$0x0], $0xffff  }
0x277: {  	v15 =	vld.idx.msk [tilespmem:v17+s21+$0x0], $0xffff;
	_ =	sdelay $0x1  }
0x278: {  	s29 =	sadd.s32 $0x2, s28  }
0x279: {  	v16 =	vmov s29  }
0x27a: {  	v16 =	vand.u32 $0x1E, v16  }
0x27b: {  	v14 =	vadd.f32 v15, v14;
	v15 =	vor.u32 v10, v16  }
0x27c: {  	v16 =	vadd.s32 v11, v16  }
0x27d: {  	v14 =	vmul.f32 v14, v13;
	_ =	sdelay $0x1  }
0x27e: {  	[tilespmem:v17+s18+$0x0] =	vst.idx.msk $0xffff, v14  }
0x27f: {  	v14 =	vld.idx.msk [tilespmem:v15+s23+$0x0], $0xffff  }
0x280: {  	v15 =	vld.idx.msk [tilespmem:v16+s21+$0x0], $0xffff;
	_ =	sdelay $0x1  }
0x281: {  	s28 =	sadd.s32 $0x3, s28  }
0x282: {  	v17 =	vmov s28  }
0x283: {  	v17 =	vand.u32 $0x1F, v17  }
0x284: {  	v14 =	vadd.f32 v15, v14;
	v15 =	vor.u32 v10, v17  }
0x285: {  	v17 =	vadd.s32 v11, v17  }
0x286: {  	v14 =	vmul.f32 v14, v13;
	_ =	sdelay $0x1  }
0x287: {  	[tilespmem:v16+s18+$0x0] =	vst.idx.msk $0xffff, v14  }
0x288: {  	v14 =	vld.idx.msk [tilespmem:v15+s23+$0x0], $0xffff  }
0x289: {  	v15 =	vld.idx.msk [tilespmem:v17+s21+$0x0], $0xffff;
	_ =	sdelay $0x1  }
0x28a: {  	s28 =	simm.s32 $0x20  }
0x28b: {  	v16 =	vmov s28  }
0x28c: {  	v16 =	vand.u32 $0x3C, v16  }
0x28d: {  	v14 =	vadd.f32 v15, v14;
	v15 =	vor.u32 v10, v16  }
0x28e: {  	v16 =	vadd.s32 v11, v16  }
0x28f: {  	v13 =	vmul.f32 v14, v13;
	_ =	sdelay $0x1  }
0x290: {  	[tilespmem:v17+s18+$0x0] =	vst.idx.msk $0xffff, v13  }
0x291: {  	v13 =	vld.idx.msk [tilespmem:v15+s23+$0x0], $0xffff  }
0x292: {  	v14 =	vld.idx.msk [tilespmem:v16+s21+$0x0], $0xffff;
	_ =	sdelay $0x1  }
0x293: {  	s28 =	simm.s32 $0x21  }
0x294: {  	v15 =	vmov s28  }
0x295: {  	v15 =	vand.u32 $0x3D, v15  }
0x296: {  	v13 =	vadd.f32 v14, v13;
	v14 =	vor.u32 v10, v15  }
0x297: {  	v15 =	vadd.s32 v11, v15  }
0x298: {  	v13 =	vmul.f32 v13, v12;
	_ =	sdelay $0x1  }
0x299: {  	[tilespmem:v16+s18+$0x0] =	vst.idx.msk $0xffff, v13  }
0x29a: {  	v13 =	vld.idx.msk [tilespmem:v14+s23+$0x0], $0xffff  }
0x29b: {  	v14 =	vld.idx.msk [tilespmem:v15+s21+$0x0], $0xffff;
	_ =	sdelay $0x1  }
0x29c: {  	s28 =	simm.s32 $0x22  }
0x29d: {  	v16 =	vmov s28  }
0x29e: {  	v16 =	vand.u32 $0x3E, v16  }
0x29f: {  	v13 =	vadd.f32 v14, v13;
	v14 =	vor.u32 v10, v16  }
0x2a0: {  	v16 =	vadd.s32 v11, v16  }
0x2a1: {  	v13 =	vmul.f32 v13, v12;
	_ =	sdelay $0x1  }
0x2a2: {  	[tilespmem:v15+s18+$0x0] =	vst.idx.msk $0xffff, v13  }
0x2a3: {  	v13 =	vld.idx.msk [tilespmem:v14+s23+$0x0], $0xffff  }
0x2a4: {  	v14 =	vld.idx.msk [tilespmem:v16+s21+$0x0], $0xffff;
	_ =	sdelay $0x1  }
0x2a5: {  	s28 =	simm.s32 $0x23  }
0x2a6: {  	v15 =	vmov s28  }
0x2a7: {  	v15 =	vand.u32 $0x3F, v15  }
0x2a8: {  	v17 =	vor.u32 v10, v15;
	v14 =	vadd.f32 v14, v13  }
0x2a9: {  	v13 =	vadd.s32 v11, v15  }
0x2aa: {  	v14 =	vmul.f32 v14, v12;
	_ =	sdelay $0x1  }
0x2ab: {  	[tilespmem:v16+s18+$0x0] =	vst.idx.msk $0xffff, v14  }
0x2ac: {  	v14 =	vld.idx.msk [tilespmem:v17+s23+$0x0], $0xffff  }
0x2ad: {  	v15 =	vld.idx.msk [tilespmem:v13+s21+$0x0], $0xffff;
	_ =	sdelay $0x1  }
0x2ae: {  	s28 =	simm.s32 $0x24  }
0x2af: {  	v16 =	vmov s28  }
0x2b0: {  	s29 =	simm.s32 $0x4;
	s28 =	simm.s32 $0x0;
	v16 =	vand.u32 $0x3C, v16  }
.LBB2_13:
0x2b1: {  	v17 =	vor.u32 v10, v16;
	v16 =	vadd.s32 v11, v16;
	v14 =	vadd.f32 v15, v14;
	s30 =	smov.u32 s29;
	s29 =	sadd.s32 $0x4, s29  }
0x2b2: {  	p0 =	slt.u32 s29, $0x1C  }
0x2b3: {  	v14 =	vmul.f32 v14, v12;
	_ =	sdelay $0x1  }
0x2b4: {  	[tilespmem:v13+s18+$0x0] =	vst.idx.msk $0xffff, v14  }
0x2b5: {  	v13 =	vld.idx.msk [tilespmem:v17+s23+$0x0], $0xffff  }
0x2b6: {  	v14 =	vld.idx.msk [tilespmem:v16+s21+$0x0], $0xffff;
	_ =	sdelay $0x2  }
0x2b7: {  	s31 =	sadd.s32 $0x25, s28  }
0x2b8: {  	v15 =	vmov s31  }
0x2b9: {  	v15 =	vand.u32 $0x3D, v15  }
0x2ba: {  	v13 =	vadd.f32 v14, v13;
	v14 =	vor.u32 v10, v15;
	v15 =	vadd.s32 v11, v15;
	_ =	sdelay $0x1  }
0x2bb: {  	v13 =	vmul.f32 v13, v12;
	_ =	sdelay $0x1  }
0x2bc: {  	[tilespmem:v16+s18+$0x0] =	vst.idx.msk $0xffff, v13  }
0x2bd: {  	v13 =	vld.idx.msk [tilespmem:v14+s23+$0x0], $0xffff  }
0x2be: {  	v14 =	vld.idx.msk [tilespmem:v15+s21+$0x0], $0xffff;
	_ =	sdelay $0x2  }
0x2bf: {  	s31 =	sadd.s32 $0x26, s28  }
0x2c0: {  	v16 =	vmov s31  }
0x2c1: {  	v16 =	vand.u32 $0x3E, v16  }
0x2c2: {  	v13 =	vadd.f32 v14, v13;
	v14 =	vor.u32 v10, v16;
	v16 =	vadd.s32 v11, v16;
	_ =	sdelay $0x1  }
0x2c3: {  	v13 =	vmul.f32 v13, v12;
	_ =	sdelay $0x1  }
0x2c4: {  	[tilespmem:v15+s18+$0x0] =	vst.idx.msk $0xffff, v13  }
0x2c5: {  	v13 =	vld.idx.msk [tilespmem:v14+s23+$0x0], $0xffff  }
0x2c6: {  	v14 =	vld.idx.msk [tilespmem:v16+s21+$0x0], $0xffff;
	_ =	sdelay $0x2  }
0x2c7: {  	s31 =	sadd.s32 $0x27, s28;
	s28 =	smov.u32 s30  }
0x2c8: {  	v15 =	vmov s31  }
0x2c9: {  	v15 =	vand.u32 $0x3F, v15  }
0x2ca: {  	v17 =	vor.u32 v10, v15;
	v14 =	vadd.f32 v14, v13;
	v13 =	vadd.s32 v11, v15;
	_ =	sdelay $0x1  }
0x2cb: {  	v14 =	vmul.f32 v14, v12;
	_ =	sdelay $0x1  }
0x2cc: {  	[tilespmem:v16+s18+$0x0] =	vst.idx.msk $0xffff, v14  }
0x2cd: {  	v14 =	vld.idx.msk [tilespmem:v17+s23+$0x0], $0xffff  }
0x2ce: {  	v15 =	vld.idx.msk [tilespmem:v13+s21+$0x0], $0xffff  }
.Ltmp5:
0x2cf: {  	(pc) =	sbr.rel @p0 .LBB2_13-.Ltmp5, $4  }
0x2d0: {  	_ = 	snop  }
0x2d1: {  	s30 =	sadd.s32 $0x24, s28  }
0x2d2: {  	v16 =	vmov s30  }
0x2d3: {  	v16 =	vand.u32 $0x3C, v16  }
0x2d4: {  	v17 =	vor.u32 v10, v16;
	v14 =	vadd.f32 v15, v14  }
0x2d5: {  	v15 =	vadd.s32 v11, v16  }
0x2d6: {  	v14 =	vmul.f32 v14, v12;
	_ =	sdelay $0x1  }
0x2d7: {  	[tilespmem:v13+s18+$0x0] =	vst.idx.msk $0xffff, v14  }
0x2d8: {  	v13 =	vld.idx.msk [tilespmem:v17+s23+$0x0], $0xffff  }
0x2d9: {  	v14 =	vld.idx.msk [tilespmem:v15+s21+$0x0], $0xffff;
	_ =	sdelay $0x1  }
0x2da: {  	s29 =	sadd.s32 $0x25, s28  }
0x2db: {  	v16 =	vmov s29  }
0x2dc: {  	v16 =	vand.u32 $0x3D, v16  }
0x2dd: {  	v13 =	vadd.f32 v14, v13;
	v14 =	vor.u32 v10, v16  }
0x2de: {  	v16 =	vadd.s32 v11, v16  }
0x2df: {  	v13 =	vmul.f32 v13, v12;
	_ =	sdelay $0x1  }
0x2e0: {  	[tilespmem:v15+s18+$0x0] =	vst.idx.msk $0xffff, v13  }
0x2e1: {  	v13 =	vld.idx.msk [tilespmem:v14+s23+$0x0], $0xffff  }
0x2e2: {  	v14 =	vld.idx.msk [tilespmem:v16+s21+$0x0], $0xffff;
	_ =	sdelay $0x1  }
0x2e3: {  	s29 =	sadd.s32 $0x26, s28  }
0x2e4: {  	v15 =	vmov s29  }
0x2e5: {  	v15 =	vand.u32 $0x3E, v15  }
0x2e6: {  	v13 =	vadd.f32 v14, v13;
	v14 =	vor.u32 v10, v15  }
0x2e7: {  	v15 =	vadd.s32 v11, v15  }
0x2e8: {  	v13 =	vmul.f32 v13, v12;
	_ =	sdelay $0x1  }
0x2e9: {  	[tilespmem:v16+s18+$0x0] =	vst.idx.msk $0xffff, v13  }
0x2ea: {  	v13 =	vld.idx.msk [tilespmem:v14+s23+$0x0], $0xffff  }
0x2eb: {  	v14 =	vld.idx.msk [tilespmem:v15+s21+$0x0], $0xffff;
	_ =	sdelay $0x1  }
0x2ec: {  	s28 =	sadd.s32 $0x27, s28  }
0x2ed: {  	v16 =	vmov s28  }
0x2ee: {  	v16 =	vand.u32 $0x3F, v16  }
0x2ef: {  	v13 =	vadd.f32 v14, v13;
	v14 =	vor.u32 v10, v16  }
0x2f0: {  	v16 =	vadd.s32 v11, v16  }
0x2f1: {  	v13 =	vmul.f32 v13, v12;
	_ =	sdelay $0x1  }
0x2f2: {  	[tilespmem:v15+s18+$0x0] =	vst.idx.msk $0xffff, v13  }
0x2f3: {  	v13 =	vld.idx.msk [tilespmem:v14+s23+$0x0], $0xffff  }
0x2f4: {  	v14 =	vld.idx.msk [tilespmem:v16+s21+$0x0], $0xffff;
	_ =	sdelay $0x4  }
0x2f5: {  	v13 =	vadd.f32 v14, v13;
	_ =	sdelay $0x1  }
0x2f6: {  	v12 =	vmul.f32 v13, v12;
	_ =	sdelay $0x1  }
0x2f7: {  	[tilespmem:v16+s18+$0x0] =	vst.idx.msk $0xffff, v12  }
0x2f8: {  	v12 =	vld [tilespmem:$0xBE50];
	_ =	sdelay $0x3  }
0x2f9: {  	v13 =	vadd.s32 $0xF40, v0  }
0x2fa: {  	v12 =	vshll.u32 v12, $0x1;
	_ =	sdelay $0x3  }
0x2fb: {  	s28 =	simm.s32 $0x0;
	v15 =	vld.idx.msk [tilespmem:v13+s21+$0x0], $0xffff  }
0x2fc: {  	v14 =	vld.idx.msk [tilespmem:v12+s28+$0x0], $0xffff;
	_ =	sdelay $0x4  }
0x2fd: {  	v14 =	vadd.f32 v15, v14;
	_ =	sdelay $0x1  }
0x2fe: {  	v15 =	vmul.f32 $2.000000030e-01, v14  }
0x2ff: {  	vm0 =	vge.f32 v14, $0.0e+00  }
0x300: {  	v14 =	vsel vm0, v14, v15  }
0x301: {  	v14 =	vmul.f32 $1.442695020e+00, v14;
	_ =	sdelay $0x1  }
0x302: {  	(erf) = vpow2.f32 v14;
	_ =	sdelay $0x5  }
0x303: {  	v12 =	vor.u32 $0x1, v12  }
0x304: {  	v16 =	vadd.s32 $0xF41, v0;
	_ =	sdelay $0x1  }
0x305: {  	v15 =	vpop (erf)  }
0x306: {  	[tilespmem:v13+s18+$0x0] =	vst.idx.msk $0xffff, v15  }
0x307: {  	v12 =	vld.idx.msk [tilespmem:v12+s28+$0x0], $0xffff  }
0x308: {  	v13 =	vld.idx.msk [tilespmem:v16+s21+$0x0], $0xffff;
	_ =	sdelay $0x4  }
0x309: {  	v12 =	vadd.f32 v13, v12;
	_ =	sdelay $0x1  }
0x30a: {  	v13 =	vmul.f32 $2.000000030e-01, v12  }
0x30b: {  	vm15 =	vge.f32 v12, $0.0e+00  }
0x30c: {  	v12 =	vsel vm15, v12, v13  }
0x30d: {  	v12 =	vmul.f32 $1.442695020e+00, v12;
	_ =	sdelay $0x1  }
0x30e: {  	(erf) = vpow2.f32 v12;
	_ =	sdelay $0x3  }
0x30f: {  	v12 =	vmov s28  }
0x310: {  	v13 =	vor.u32 $0xC00, v2;
	v12 =	vand.u32 $0x1C, v12  }
0x311: {  	v14 =	vadd.s32 $0xF00, v0;
	v17 =	vor.u32 v13, v12  }
0x312: {  	v18 =	vadd.s32 v14, v12;
	_ =	sdelay $0x1  }
0x313: {  	v12 =	vpop (erf)  }
0x314: {  	[tilespmem:v16+s18+$0x0] =	vst.idx.msk $0xffff, v12  }
0x315: {  	v16 =	vld.idx.msk [tilespmem:v17+s23+$0x0], $0xffff  }
0x316: {  	v17 =	vld.idx.msk [tilespmem:v18+s21+$0x0], $0xffff;
	_ =	sdelay $0x1  }
0x317: {  	s28 =	simm.s32 $0x1  }
0x318: {  	v19 =	vmov s28  }
0x319: {  	v19 =	vand.u32 $0x1D, v19  }
0x31a: {  	v16 =	vadd.f32 v17, v16;
	v17 =	vor.u32 v13, v19  }
0x31b: {  	v19 =	vadd.s32 v14, v19  }
0x31c: {  	v16 =	vmul.f32 v16, v15;
	_ =	sdelay $0x1  }
0x31d: {  	[tilespmem:v18+s18+$0x0] =	vst.idx.msk $0xffff, v16  }
0x31e: {  	v16 =	vld.idx.msk [tilespmem:v17+s23+$0x0], $0xffff  }
0x31f: {  	v17 =	vld.idx.msk [tilespmem:v19+s21+$0x0], $0xffff;
	_ =	sdelay $0x1  }
0x320: {  	s28 =	simm.s32 $0x2  }
0x321: {  	v18 =	vmov s28  }
0x322: {  	v18 =	vand.u32 $0x1E, v18  }
0x323: {  	v16 =	vadd.f32 v17, v16;
	v17 =	vor.u32 v13, v18  }
0x324: {  	v18 =	vadd.s32 v14, v18  }
0x325: {  	v16 =	vmul.f32 v16, v15;
	_ =	sdelay $0x1  }
0x326: {  	[tilespmem:v19+s18+$0x0] =	vst.idx.msk $0xffff, v16  }
0x327: {  	v16 =	vld.idx.msk [tilespmem:v17+s23+$0x0], $0xffff  }
0x328: {  	v17 =	vld.idx.msk [tilespmem:v18+s21+$0x0], $0xffff;
	_ =	sdelay $0x1  }
0x329: {  	s28 =	simm.s32 $0x3  }
0x32a: {  	v19 =	vmov s28  }
0x32b: {  	v19 =	vand.u32 $0x1F, v19  }
0x32c: {  	v20 =	vor.u32 v13, v19;
	v17 =	vadd.f32 v17, v16  }
0x32d: {  	v16 =	vadd.s32 v14, v19  }
0x32e: {  	v17 =	vmul.f32 v17, v15;
	_ =	sdelay $0x1  }
0x32f: {  	[tilespmem:v18+s18+$0x0] =	vst.idx.msk $0xffff, v17  }
0x330: {  	v17 =	vld.idx.msk [tilespmem:v20+s23+$0x0], $0xffff  }
0x331: {  	v18 =	vld.idx.msk [tilespmem:v16+s21+$0x0], $0xffff;
	_ =	sdelay $0x1  }
0x332: {  	s28 =	simm.s32 $0x4  }
0x333: {  	v19 =	vmov s28  }
0x334: {  	s29 =	simm.s32 $0x8;
	v19 =	vand.u32 $0x1C, v19  }
.LBB2_15:
0x335: {  	p0 =	slt.u32 s29, $0x1C;
	v20 =	vor.u32 v13, v19;
	v19 =	vadd.s32 v14, v19;
	v17 =	vadd.f32 v18, v17;
	s30 =	smov.u32 s29;
	s29 =	sadd.s32 $0x4, s29  }
0x336: {  	_ = 	snop  }
0x337: {  	v17 =	vmul.f32 v17, v15;
	_ =	sdelay $0x1  }
0x338: {  	[tilespmem:v16+s18+$0x0] =	vst.idx.msk $0xffff, v17  }
0x339: {  	v16 =	vld.idx.msk [tilespmem:v20+s23+$0x0], $0xffff  }
0x33a: {  	v17 =	vld.idx.msk [tilespmem:v19+s21+$0x0], $0xffff;
	_ =	sdelay $0x2  }
0x33b: {  	s31 =	sadd.s32 $0x1, s28  }
0x33c: {  	v18 =	vmov s31  }
0x33d: {  	v18 =	vand.u32 $0x1D, v18  }
0x33e: {  	v16 =	vadd.f32 v17, v16;
	v17 =	vor.u32 v13, v18;
	v18 =	vadd.s32 v14, v18;
	_ =	sdelay $0x1  }
0x33f: {  	v16 =	vmul.f32 v16, v15;
	_ =	sdelay $0x1  }
0x340: {  	[tilespmem:v19+s18+$0x0] =	vst.idx.msk $0xffff, v16  }
0x341: {  	v16 =	vld.idx.msk [tilespmem:v17+s23+$0x0], $0xffff  }
0x342: {  	v17 =	vld.idx.msk [tilespmem:v18+s21+$0x0], $0xffff;
	_ =	sdelay $0x2  }
0x343: {  	s31 =	sadd.s32 $0x2, s28  }
0x344: {  	v19 =	vmov s31  }
0x345: {  	v19 =	vand.u32 $0x1E, v19  }
0x346: {  	v16 =	vadd.f32 v17, v16;
	v17 =	vor.u32 v13, v19;
	v19 =	vadd.s32 v14, v19;
	_ =	sdelay $0x1  }
0x347: {  	v16 =	vmul.f32 v16, v15;
	_ =	sdelay $0x1  }
0x348: {  	[tilespmem:v18+s18+$0x0] =	vst.idx.msk $0xffff, v16  }
0x349: {  	v16 =	vld.idx.msk [tilespmem:v17+s23+$0x0], $0xffff  }
0x34a: {  	v17 =	vld.idx.msk [tilespmem:v19+s21+$0x0], $0xffff;
	_ =	sdelay $0x2  }
0x34b: {  	s31 =	sadd.s32 $0x3, s28;
	s28 =	smov.u32 s30  }
0x34c: {  	v18 =	vmov s31  }
0x34d: {  	v18 =	vand.u32 $0x1F, v18  }
0x34e: {  	v20 =	vor.u32 v13, v18;
	v17 =	vadd.f32 v17, v16;
	v16 =	vadd.s32 v14, v18;
	_ =	sdelay $0x1  }
0x34f: {  	v17 =	vmul.f32 v17, v15;
	_ =	sdelay $0x1  }
0x350: {  	[tilespmem:v19+s18+$0x0] =	vst.idx.msk $0xffff, v17  }
0x351: {  	v17 =	vld.idx.msk [tilespmem:v20+s23+$0x0], $0xffff  }
0x352: {  	v18 =	vld.idx.msk [tilespmem:v16+s21+$0x0], $0xffff  }
.Ltmp6:
0x353: {  	(pc) =	sbr.rel @p0 .LBB2_15-.Ltmp6, $3  }
0x354: {  	_ =	sdelay $0x1  }
0x355: {  	v19 =	vmov s28  }
0x356: {  	v19 =	vand.u32 $0x1C, v19  }
0x357: {  	v20 =	vor.u32 v13, v19;
	v17 =	vadd.f32 v18, v17  }
0x358: {  	v18 =	vadd.s32 v14, v19  }
0x359: {  	v17 =	vmul.f32 v17, v15;
	_ =	sdelay $0x1  }
0x35a: {  	[tilespmem:v16+s18+$0x0] =	vst.idx.msk $0xffff, v17  }
0x35b: {  	v16 =	vld.idx.msk [tilespmem:v20+s23+$0x0], $0xffff  }
0x35c: {  	v17 =	vld.idx.msk [tilespmem:v18+s21+$0x0], $0xffff;
	_ =	sdelay $0x1  }
0x35d: {  	s29 =	sadd.s32 $0x1, s28  }
0x35e: {  	v19 =	vmov s29  }
0x35f: {  	v19 =	vand.u32 $0x1D, v19  }
0x360: {  	v16 =	vadd.f32 v17, v16;
	v17 =	vor.u32 v13, v19  }
0x361: {  	v19 =	vadd.s32 v14, v19  }
0x362: {  	v16 =	vmul.f32 v16, v15;
	_ =	sdelay $0x1  }
0x363: {  	[tilespmem:v18+s18+$0x0] =	vst.idx.msk $0xffff, v16  }
0x364: {  	v16 =	vld.idx.msk [tilespmem:v17+s23+$0x0], $0xffff  }
0x365: {  	v17 =	vld.idx.msk [tilespmem:v19+s21+$0x0], $0xffff;
	_ =	sdelay $0x1  }
0x366: {  	s29 =	sadd.s32 $0x2, s28  }
0x367: {  	v18 =	vmov s29  }
0x368: {  	v18 =	vand.u32 $0x1E, v18  }
0x369: {  	v16 =	vadd.f32 v17, v16;
	v17 =	vor.u32 v13, v18  }
0x36a: {  	v18 =	vadd.s32 v14, v18  }
0x36b: {  	v16 =	vmul.f32 v16, v15;
	_ =	sdelay $0x1  }
0x36c: {  	[tilespmem:v19+s18+$0x0] =	vst.idx.msk $0xffff, v16  }
0x36d: {  	v16 =	vld.idx.msk [tilespmem:v17+s23+$0x0], $0xffff  }
0x36e: {  	v17 =	vld.idx.msk [tilespmem:v18+s21+$0x0], $0xffff;
	_ =	sdelay $0x1  }
0x36f: {  	s28 =	sadd.s32 $0x3, s28  }
0x370: {  	v19 =	vmov s28  }
0x371: {  	v19 =	vand.u32 $0x1F, v19  }
0x372: {  	v16 =	vadd.f32 v17, v16;
	v17 =	vor.u32 v13, v19  }
0x373: {  	v19 =	vadd.s32 v14, v19  }
0x374: {  	v16 =	vmul.f32 v16, v15;
	_ =	sdelay $0x1  }
0x375: {  	[tilespmem:v18+s18+$0x0] =	vst.idx.msk $0xffff, v16  }
0x376: {  	v16 =	vld.idx.msk [tilespmem:v17+s23+$0x0], $0xffff  }
0x377: {  	v17 =	vld.idx.msk [tilespmem:v19+s21+$0x0], $0xffff;
	_ =	sdelay $0x1  }
0x378: {  	s28 =	simm.s32 $0x20  }
0x379: {  	v18 =	vmov s28  }
0x37a: {  	v18 =	vand.u32 $0x3C, v18  }
0x37b: {  	v16 =	vadd.f32 v17, v16;
	v17 =	vor.u32 v13, v18  }
0x37c: {  	v18 =	vadd.s32 v14, v18  }
0x37d: {  	v15 =	vmul.f32 v16, v15;
	_ =	sdelay $0x1  }
0x37e: {  	[tilespmem:v19+s18+$0x0] =	vst.idx.msk $0xffff, v15  }
0x37f: {  	v15 =	vld.idx.msk [tilespmem:v17+s23+$0x0], $0xffff  }
0x380: {  	v16 =	vld.idx.msk [tilespmem:v18+s21+$0x0], $0xffff;
	_ =	sdelay $0x1  }
0x381: {  	s28 =	simm.s32 $0x21  }
0x382: {  	v17 =	vmov s28  }
0x383: {  	v17 =	vand.u32 $0x3D, v17  }
0x384: {  	v15 =	vadd.f32 v16, v15;
	v16 =	vor.u32 v13, v17  }
0x385: {  	v17 =	vadd.s32 v14, v17  }
0x386: {  	v15 =	vmul.f32 v15, v12;
	_ =	sdelay $0x1  }
0x387: {  	[tilespmem:v18+s18+$0x0] =	vst.idx.msk $0xffff, v15  }
0x388: {  	v15 =	vld.idx.msk [tilespmem:v16+s23+$0x0], $0xffff  }
0x389: {  	v16 =	vld.idx.msk [tilespmem:v17+s21+$0x0], $0xffff;
	_ =	sdelay $0x1  }
0x38a: {  	s28 =	simm.s32 $0x22  }
0x38b: {  	v18 =	vmov s28  }
0x38c: {  	v18 =	vand.u32 $0x3E, v18  }
0x38d: {  	v15 =	vadd.f32 v16, v15;
	v16 =	vor.u32 v13, v18  }
0x38e: {  	v18 =	vadd.s32 v14, v18  }
0x38f: {  	v15 =	vmul.f32 v15, v12;
	_ =	sdelay $0x1  }
0x390: {  	[tilespmem:v17+s18+$0x0] =	vst.idx.msk $0xffff, v15  }
0x391: {  	v15 =	vld.idx.msk [tilespmem:v16+s23+$0x0], $0xffff  }
0x392: {  	v16 =	vld.idx.msk [tilespmem:v18+s21+$0x0], $0xffff;
	_ =	sdelay $0x1  }
0x393: {  	s28 =	simm.s32 $0x23  }
0x394: {  	v17 =	vmov s28  }
0x395: {  	v17 =	vand.u32 $0x3F, v17  }
0x396: {  	v19 =	vor.u32 v13, v17;
	v16 =	vadd.f32 v16, v15  }
0x397: {  	v15 =	vadd.s32 v14, v17  }
0x398: {  	v16 =	vmul.f32 v16, v12;
	_ =	sdelay $0x1  }
0x399: {  	[tilespmem:v18+s18+$0x0] =	vst.idx.msk $0xffff, v16  }
0x39a: {  	v16 =	vld.idx.msk [tilespmem:v19+s23+$0x0], $0xffff  }
0x39b: {  	v17 =	vld.idx.msk [tilespmem:v15+s21+$0x0], $0xffff;
	_ =	sdelay $0x1  }
0x39c: {  	s28 =	simm.s32 $0x24  }
0x39d: {  	v18 =	vmov s28  }
0x39e: {  	s29 =	simm.s32 $0x4;
	s28 =	simm.s32 $0x0;
	v18 =	vand.u32 $0x3C, v18  }
.LBB2_17:
0x39f: {  	v19 =	vor.u32 v13, v18;
	v18 =	vadd.s32 v14, v18;
	v16 =	vadd.f32 v17, v16;
	s30 =	smov.u32 s29;
	s29 =	sadd.s32 $0x4, s29  }
0x3a0: {  	p0 =	slt.u32 s29, $0x1C  }
0x3a1: {  	v16 =	vmul.f32 v16, v12;
	_ =	sdelay $0x1  }
0x3a2: {  	[tilespmem:v15+s18+$0x0] =	vst.idx.msk $0xffff, v16  }
0x3a3: {  	v15 =	vld.idx.msk [tilespmem:v19+s23+$0x0], $0xffff  }
0x3a4: {  	v16 =	vld.idx.msk [tilespmem:v18+s21+$0x0], $0xffff;
	_ =	sdelay $0x2  }
0x3a5: {  	s31 =	sadd.s32 $0x25, s28  }
0x3a6: {  	v17 =	vmov s31  }
0x3a7: {  	v17 =	vand.u32 $0x3D, v17  }
0x3a8: {  	v15 =	vadd.f32 v16, v15;
	v16 =	vor.u32 v13, v17;
	v17 =	vadd.s32 v14, v17;
	_ =	sdelay $0x1  }
0x3a9: {  	v15 =	vmul.f32 v15, v12;
	_ =	sdelay $0x1  }
0x3aa: {  	[tilespmem:v18+s18+$0x0] =	vst.idx.msk $0xffff, v15  }
0x3ab: {  	v15 =	vld.idx.msk [tilespmem:v16+s23+$0x0], $0xffff  }
0x3ac: {  	v16 =	vld.idx.msk [tilespmem:v17+s21+$0x0], $0xffff;
	_ =	sdelay $0x2  }
0x3ad: {  	s31 =	sadd.s32 $0x26, s28  }
0x3ae: {  	v18 =	vmov s31  }
0x3af: {  	v18 =	vand.u32 $0x3E, v18  }
0x3b0: {  	v15 =	vadd.f32 v16, v15;
	v16 =	vor.u32 v13, v18;
	v18 =	vadd.s32 v14, v18;
	_ =	sdelay $0x1  }
0x3b1: {  	v15 =	vmul.f32 v15, v12;
	_ =	sdelay $0x1  }
0x3b2: {  	[tilespmem:v17+s18+$0x0] =	vst.idx.msk $0xffff, v15  }
0x3b3: {  	v15 =	vld.idx.msk [tilespmem:v16+s23+$0x0], $0xffff  }
0x3b4: {  	v16 =	vld.idx.msk [tilespmem:v18+s21+$0x0], $0xffff;
	_ =	sdelay $0x2  }
0x3b5: {  	s31 =	sadd.s32 $0x27, s28;
	s28 =	smov.u32 s30  }
0x3b6: {  	v17 =	vmov s31  }
0x3b7: {  	v17 =	vand.u32 $0x3F, v17  }
0x3b8: {  	v19 =	vor.u32 v13, v17;
	v16 =	vadd.f32 v16, v15;
	v15 =	vadd.s32 v14, v17;
	_ =	sdelay $0x1  }
0x3b9: {  	v16 =	vmul.f32 v16, v12;
	_ =	sdelay $0x1  }
0x3ba: {  	[tilespmem:v18+s18+$0x0] =	vst.idx.msk $0xffff, v16  }
0x3bb: {  	v16 =	vld.idx.msk [tilespmem:v19+s23+$0x0], $0xffff  }
0x3bc: {  	v17 =	vld.idx.msk [tilespmem:v15+s21+$0x0], $0xffff  }
.Ltmp7:
0x3bd: {  	(pc) =	sbr.rel @p0 .LBB2_17-.Ltmp7, $4  }
0x3be: {  	_ = 	snop  }
0x3bf: {  	s30 =	sadd.s32 $0x24, s28  }
0x3c0: {  	v18 =	vmov s30  }
0x3c1: {  	v18 =	vand.u32 $0x3C, v18  }
0x3c2: {  	v19 =	vor.u32 v13, v18;
	v16 =	vadd.f32 v17, v16  }
0x3c3: {  	v17 =	vadd.s32 v14, v18  }
0x3c4: {  	v16 =	vmul.f32 v16, v12;
	_ =	sdelay $0x1  }
0x3c5: {  	[tilespmem:v15+s18+$0x0] =	vst.idx.msk $0xffff, v16  }
0x3c6: {  	v15 =	vld.idx.msk [tilespmem:v19+s23+$0x0], $0xffff  }
0x3c7: {  	v16 =	vld.idx.msk [tilespmem:v17+s21+$0x0], $0xffff;
	_ =	sdelay $0x1  }
0x3c8: {  	s29 =	sadd.s32 $0x25, s28  }
0x3c9: {  	v18 =	vmov s29  }
0x3ca: {  	v18 =	vand.u32 $0x3D, v18  }
0x3cb: {  	v15 =	vadd.f32 v16, v15;
	v16 =	vor.u32 v13, v18  }
0x3cc: {  	v18 =	vadd.s32 v14, v18  }
0x3cd: {  	v15 =	vmul.f32 v15, v12;
	_ =	sdelay $0x1  }
0x3ce: {  	[tilespmem:v17+s18+$0x0] =	vst.idx.msk $0xffff, v15  }
0x3cf: {  	v15 =	vld.idx.msk [tilespmem:v16+s23+$0x0], $0xffff  }
0x3d0: {  	v16 =	vld.idx.msk [tilespmem:v18+s21+$0x0], $0xffff;
	_ =	sdelay $0x1  }
0x3d1: {  	s29 =	sadd.s32 $0x26, s28  }
0x3d2: {  	v17 =	vmov s29  }
0x3d3: {  	v17 =	vand.u32 $0x3E, v17  }
0x3d4: {  	v15 =	vadd.f32 v16, v15;
	v16 =	vor.u32 v13, v17  }
0x3d5: {  	v17 =	vadd.s32 v14, v17  }
0x3d6: {  	v15 =	vmul.f32 v15, v12;
	_ =	sdelay $0x1  }
0x3d7: {  	[tilespmem:v18+s18+$0x0] =	vst.idx.msk $0xffff, v15  }
0x3d8: {  	v15 =	vld.idx.msk [tilespmem:v16+s23+$0x0], $0xffff  }
0x3d9: {  	v16 =	vld.idx.msk [tilespmem:v17+s21+$0x0], $0xffff;
	_ =	sdelay $0x1  }
0x3da: {  	s28 =	sadd.s32 $0x27, s28  }
0x3db: {  	v18 =	vmov s28  }
0x3dc: {  	v18 =	vand.u32 $0x3F, v18  }
0x3dd: {  	v13 =	vor.u32 v13, v18;
	v15 =	vadd.f32 v16, v15  }
0x3de: {  	v14 =	vadd.s32 v14, v18  }
0x3df: {  	v15 =	vmul.f32 v15, v12;
	_ =	sdelay $0x1  }
0x3e0: {  	[tilespmem:v17+s18+$0x0] =	vst.idx.msk $0xffff, v15  }
0x3e1: {  	v13 =	vld.idx.msk [tilespmem:v13+s23+$0x0], $0xffff  }
0x3e2: {  	v15 =	vld.idx.msk [tilespmem:v14+s21+$0x0], $0xffff;
	_ =	sdelay $0x4  }
0x3e3: {  	v13 =	vadd.f32 v15, v13;
	_ =	sdelay $0x1  }
0x3e4: {  	v12 =	vmul.f32 v13, v12;
	_ =	sdelay $0x1  }
0x3e5: {  	[tilespmem:v14+s18+$0x0] =	vst.idx.msk $0xffff, v12  }
0x3e6: {  	v12 =	vld [tilespmem:$0xBE60];
	_ =	sdelay $0x3  }
0x3e7: {  	v13 =	vadd.s32 $0x1440, v0  }
0x3e8: {  	v12 =	vshll.u32 v12, $0x1;
	_ =	sdelay $0x3  }
0x3e9: {  	s28 =	simm.s32 $0x0;
	v15 =	vld.idx.msk [tilespmem:v13+s21+$0x0], $0xffff  }
0x3ea: {  	v14 =	vld.idx.msk [tilespmem:v12+s28+$0x0], $0xffff;
	_ =	sdelay $0x4  }
0x3eb: {  	v14 =	vadd.f32 v15, v14;
	_ =	sdelay $0x1  }
0x3ec: {  	v15 =	vmul.f32 $2.000000030e-01, v14  }
0x3ed: {  	vm0 =	vge.f32 v14, $0.0e+00  }
0x3ee: {  	v14 =	vsel vm0, v14, v15  }
0x3ef: {  	v14 =	vmul.f32 $1.442695020e+00, v14;
	_ =	sdelay $0x1  }
0x3f0: {  	(erf) = vpow2.f32 v14;
	_ =	sdelay $0x5  }
0x3f1: {  	v12 =	vor.u32 $0x1, v12  }
0x3f2: {  	v16 =	vadd.s32 $0x1441, v0;
	_ =	sdelay $0x1  }
0x3f3: {  	v15 =	vpop (erf)  }
0x3f4: {  	[tilespmem:v13+s18+$0x0] =	vst.idx.msk $0xffff, v15  }
0x3f5: {  	v12 =	vld.idx.msk [tilespmem:v12+s28+$0x0], $0xffff  }
0x3f6: {  	v13 =	vld.idx.msk [tilespmem:v16+s21+$0x0], $0xffff;
	_ =	sdelay $0x4  }
0x3f7: {  	v12 =	vadd.f32 v13, v12;
	_ =	sdelay $0x1  }
0x3f8: {  	v13 =	vmul.f32 $2.000000030e-01, v12  }
0x3f9: {  	vm15 =	vge.f32 v12, $0.0e+00  }
0x3fa: {  	v12 =	vsel vm15, v12, v13  }
0x3fb: {  	v12 =	vmul.f32 $1.442695020e+00, v12;
	_ =	sdelay $0x1  }
0x3fc: {  	(erf) = vpow2.f32 v12;
	_ =	sdelay $0x3  }
0x3fd: {  	v12 =	vmov s28  }
0x3fe: {  	v13 =	vor.u32 $0x1000, v2;
	v12 =	vand.u32 $0x1C, v12  }
0x3ff: {  	v14 =	vadd.s32 $0x1400, v0;
	v17 =	vor.u32 v13, v12  }
0x400: {  	v18 =	vadd.s32 v14, v12;
	_ =	sdelay $0x1  }
0x401: {  	v12 =	vpop (erf)  }
0x402: {  	[tilespmem:v16+s18+$0x0] =	vst.idx.msk $0xffff, v12  }
0x403: {  	v16 =	vld.idx.msk [tilespmem:v17+s23+$0x0], $0xffff  }
0x404: {  	v17 =	vld.idx.msk [tilespmem:v18+s21+$0x0], $0xffff;
	_ =	sdelay $0x1  }
0x405: {  	s28 =	simm.s32 $0x1  }
0x406: {  	v19 =	vmov s28  }
0x407: {  	v19 =	vand.u32 $0x1D, v19  }
0x408: {  	v16 =	vadd.f32 v17, v16;
	v17 =	vor.u32 v13, v19  }
0x409: {  	v19 =	vadd.s32 v14, v19  }
0x40a: {  	v16 =	vmul.f32 v16, v15;
	_ =	sdelay $0x1  }
0x40b: {  	[tilespmem:v18+s18+$0x0] =	vst.idx.msk $0xffff, v16  }
0x40c: {  	v16 =	vld.idx.msk [tilespmem:v17+s23+$0x0], $0xffff  }
0x40d: {  	v17 =	vld.idx.msk [tilespmem:v19+s21+$0x0], $0xffff;
	_ =	sdelay $0x1  }
0x40e: {  	s28 =	simm.s32 $0x2  }
0x40f: {  	v18 =	vmov s28  }
0x410: {  	v18 =	vand.u32 $0x1E, v18  }
0x411: {  	v16 =	vadd.f32 v17, v16;
	v17 =	vor.u32 v13, v18  }
0x412: {  	v18 =	vadd.s32 v14, v18  }
0x413: {  	v16 =	vmul.f32 v16, v15;
	_ =	sdelay $0x1  }
0x414: {  	[tilespmem:v19+s18+$0x0] =	vst.idx.msk $0xffff, v16  }
0x415: {  	v16 =	vld.idx.msk [tilespmem:v17+s23+$0x0], $0xffff  }
0x416: {  	v17 =	vld.idx.msk [tilespmem:v18+s21+$0x0], $0xffff;
	_ =	sdelay $0x1  }
0x417: {  	s28 =	simm.s32 $0x3  }
0x418: {  	v19 =	vmov s28  }
0x419: {  	v19 =	vand.u32 $0x1F, v19  }
0x41a: {  	v20 =	vor.u32 v13, v19;
	v17 =	vadd.f32 v17, v16  }
0x41b: {  	v16 =	vadd.s32 v14, v19  }
0x41c: {  	v17 =	vmul.f32 v17, v15;
	_ =	sdelay $0x1  }
0x41d: {  	[tilespmem:v18+s18+$0x0] =	vst.idx.msk $0xffff, v17  }
0x41e: {  	v17 =	vld.idx.msk [tilespmem:v20+s23+$0x0], $0xffff  }
0x41f: {  	v18 =	vld.idx.msk [tilespmem:v16+s21+$0x0], $0xffff;
	_ =	sdelay $0x1  }
0x420: {  	s28 =	simm.s32 $0x4  }
0x421: {  	v19 =	vmov s28  }
0x422: {  	s29 =	simm.s32 $0x8;
	v19 =	vand.u32 $0x1C, v19  }
.LBB2_19:
0x423: {  	p0 =	slt.u32 s29, $0x1C;
	v20 =	vor.u32 v13, v19;
	v19 =	vadd.s32 v14, v19;
	v17 =	vadd.f32 v18, v17;
	s30 =	smov.u32 s29;
	s29 =	sadd.s32 $0x4, s29  }
0x424: {  	_ = 	snop  }
0x425: {  	v17 =	vmul.f32 v17, v15;
	_ =	sdelay $0x1  }
0x426: {  	[tilespmem:v16+s18+$0x0] =	vst.idx.msk $0xffff, v17  }
0x427: {  	v16 =	vld.idx.msk [tilespmem:v20+s23+$0x0], $0xffff  }
0x428: {  	v17 =	vld.idx.msk [tilespmem:v19+s21+$0x0], $0xffff;
	_ =	sdelay $0x2  }
0x429: {  	s31 =	sadd.s32 $0x1, s28  }
0x42a: {  	v18 =	vmov s31  }
0x42b: {  	v18 =	vand.u32 $0x1D, v18  }
0x42c: {  	v16 =	vadd.f32 v17, v16;
	v17 =	vor.u32 v13, v18;
	v18 =	vadd.s32 v14, v18;
	_ =	sdelay $0x1  }
0x42d: {  	v16 =	vmul.f32 v16, v15;
	_ =	sdelay $0x1  }
0x42e: {  	[tilespmem:v19+s18+$0x0] =	vst.idx.msk $0xffff, v16  }
0x42f: {  	v16 =	vld.idx.msk [tilespmem:v17+s23+$0x0], $0xffff  }
0x430: {  	v17 =	vld.idx.msk [tilespmem:v18+s21+$0x0], $0xffff;
	_ =	sdelay $0x2  }
0x431: {  	s31 =	sadd.s32 $0x2, s28  }
0x432: {  	v19 =	vmov s31  }
0x433: {  	v19 =	vand.u32 $0x1E, v19  }
0x434: {  	v16 =	vadd.f32 v17, v16;
	v17 =	vor.u32 v13, v19;
	v19 =	vadd.s32 v14, v19;
	_ =	sdelay $0x1  }
0x435: {  	v16 =	vmul.f32 v16, v15;
	_ =	sdelay $0x1  }
0x436: {  	[tilespmem:v18+s18+$0x0] =	vst.idx.msk $0xffff, v16  }
0x437: {  	v16 =	vld.idx.msk [tilespmem:v17+s23+$0x0], $0xffff  }
0x438: {  	v17 =	vld.idx.msk [tilespmem:v19+s21+$0x0], $0xffff;
	_ =	sdelay $0x2  }
0x439: {  	s31 =	sadd.s32 $0x3, s28;
	s28 =	smov.u32 s30  }
0x43a: {  	v18 =	vmov s31  }
0x43b: {  	v18 =	vand.u32 $0x1F, v18  }
0x43c: {  	v20 =	vor.u32 v13, v18;
	v17 =	vadd.f32 v17, v16;
	v16 =	vadd.s32 v14, v18;
	_ =	sdelay $0x1  }
0x43d: {  	v17 =	vmul.f32 v17, v15;
	_ =	sdelay $0x1  }
0x43e: {  	[tilespmem:v19+s18+$0x0] =	vst.idx.msk $0xffff, v17  }
0x43f: {  	v17 =	vld.idx.msk [tilespmem:v20+s23+$0x0], $0xffff  }
0x440: {  	v18 =	vld.idx.msk [tilespmem:v16+s21+$0x0], $0xffff  }
.Ltmp8:
0x441: {  	(pc) =	sbr.rel @p0 .LBB2_19-.Ltmp8, $3  }
0x442: {  	_ =	sdelay $0x1  }
0x443: {  	v19 =	vmov s28  }
0x444: {  	v19 =	vand.u32 $0x1C, v19  }
0x445: {  	v20 =	vor.u32 v13, v19;
	v17 =	vadd.f32 v18, v17  }
0x446: {  	v18 =	vadd.s32 v14, v19  }
0x447: {  	v17 =	vmul.f32 v17, v15;
	_ =	sdelay $0x1  }
0x448: {  	[tilespmem:v16+s18+$0x0] =	vst.idx.msk $0xffff, v17  }
0x449: {  	v16 =	vld.idx.msk [tilespmem:v20+s23+$0x0], $0xffff  }
0x44a: {  	v17 =	vld.idx.msk [tilespmem:v18+s21+$0x0], $0xffff;
	_ =	sdelay $0x1  }
0x44b: {  	s29 =	sadd.s32 $0x1, s28  }
0x44c: {  	v19 =	vmov s29  }
0x44d: {  	v19 =	vand.u32 $0x1D, v19  }
0x44e: {  	v16 =	vadd.f32 v17, v16;
	v17 =	vor.u32 v13, v19  }
0x44f: {  	v19 =	vadd.s32 v14, v19  }
0x450: {  	v16 =	vmul.f32 v16, v15;
	_ =	sdelay $0x1  }
0x451: {  	[tilespmem:v18+s18+$0x0] =	vst.idx.msk $0xffff, v16  }
0x452: {  	v16 =	vld.idx.msk [tilespmem:v17+s23+$0x0], $0xffff  }
0x453: {  	v17 =	vld.idx.msk [tilespmem:v19+s21+$0x0], $0xffff;
	_ =	sdelay $0x1  }
0x454: {  	s29 =	sadd.s32 $0x2, s28  }
0x455: {  	v18 =	vmov s29  }
0x456: {  	v18 =	vand.u32 $0x1E, v18  }
0x457: {  	v16 =	vadd.f32 v17, v16;
	v17 =	vor.u32 v13, v18  }
0x458: {  	v18 =	vadd.s32 v14, v18  }
0x459: {  	v16 =	vmul.f32 v16, v15;
	_ =	sdelay $0x1  }
0x45a: {  	[tilespmem:v19+s18+$0x0] =	vst.idx.msk $0xffff, v16  }
0x45b: {  	v16 =	vld.idx.msk [tilespmem:v17+s23+$0x0], $0xffff  }
0x45c: {  	v17 =	vld.idx.msk [tilespmem:v18+s21+$0x0], $0xffff;
	_ =	sdelay $0x1  }
0x45d: {  	s28 =	sadd.s32 $0x3, s28  }
0x45e: {  	v19 =	vmov s28  }
0x45f: {  	v19 =	vand.u32 $0x1F, v19  }
0x460: {  	v16 =	vadd.f32 v17, v16;
	v17 =	vor.u32 v13, v19  }
0x461: {  	v19 =	vadd.s32 v14, v19  }
0x462: {  	v16 =	vmul.f32 v16, v15;
	_ =	sdelay $0x1  }
0x463: {  	[tilespmem:v18+s18+$0x0] =	vst.idx.msk $0xffff, v16  }
0x464: {  	v16 =	vld.idx.msk [tilespmem:v17+s23+$0x0], $0xffff  }
0x465: {  	v17 =	vld.idx.msk [tilespmem:v19+s21+$0x0], $0xffff;
	_ =	sdelay $0x1  }
0x466: {  	s28 =	simm.s32 $0x20  }
0x467: {  	v18 =	vmov s28  }
0x468: {  	v18 =	vand.u32 $0x3C, v18  }
0x469: {  	v16 =	vadd.f32 v17, v16;
	v17 =	vor.u32 v13, v18  }
0x46a: {  	v18 =	vadd.s32 v14, v18  }
0x46b: {  	v15 =	vmul.f32 v16, v15;
	_ =	sdelay $0x1  }
0x46c: {  	[tilespmem:v19+s18+$0x0] =	vst.idx.msk $0xffff, v15  }
0x46d: {  	v15 =	vld.idx.msk [tilespmem:v17+s23+$0x0], $0xffff  }
0x46e: {  	v16 =	vld.idx.msk [tilespmem:v18+s21+$0x0], $0xffff;
	_ =	sdelay $0x1  }
0x46f: {  	s28 =	simm.s32 $0x21  }
0x470: {  	v17 =	vmov s28  }
0x471: {  	v17 =	vand.u32 $0x3D, v17  }
0x472: {  	v15 =	vadd.f32 v16, v15;
	v16 =	vor.u32 v13, v17  }
0x473: {  	v17 =	vadd.s32 v14, v17  }
0x474: {  	v15 =	vmul.f32 v15, v12;
	_ =	sdelay $0x1  }
0x475: {  	[tilespmem:v18+s18+$0x0] =	vst.idx.msk $0xffff, v15  }
0x476: {  	v15 =	vld.idx.msk [tilespmem:v16+s23+$0x0], $0xffff  }
0x477: {  	v16 =	vld.idx.msk [tilespmem:v17+s21+$0x0], $0xffff;
	_ =	sdelay $0x1  }
0x478: {  	s28 =	simm.s32 $0x22  }
0x479: {  	v18 =	vmov s28  }
0x47a: {  	v18 =	vand.u32 $0x3E, v18  }
0x47b: {  	v15 =	vadd.f32 v16, v15;
	v16 =	vor.u32 v13, v18  }
0x47c: {  	v18 =	vadd.s32 v14, v18  }
0x47d: {  	v15 =	vmul.f32 v15, v12;
	_ =	sdelay $0x1  }
0x47e: {  	[tilespmem:v17+s18+$0x0] =	vst.idx.msk $0xffff, v15  }
0x47f: {  	v15 =	vld.idx.msk [tilespmem:v16+s23+$0x0], $0xffff  }
0x480: {  	v16 =	vld.idx.msk [tilespmem:v18+s21+$0x0], $0xffff;
	_ =	sdelay $0x1  }
0x481: {  	s28 =	simm.s32 $0x23  }
0x482: {  	v17 =	vmov s28  }
0x483: {  	v17 =	vand.u32 $0x3F, v17  }
0x484: {  	v19 =	vor.u32 v13, v17;
	v16 =	vadd.f32 v16, v15  }
0x485: {  	v15 =	vadd.s32 v14, v17  }
0x486: {  	v16 =	vmul.f32 v16, v12;
	_ =	sdelay $0x1  }
0x487: {  	[tilespmem:v18+s18+$0x0] =	vst.idx.msk $0xffff, v16  }
0x488: {  	v16 =	vld.idx.msk [tilespmem:v19+s23+$0x0], $0xffff  }
0x489: {  	v17 =	vld.idx.msk [tilespmem:v15+s21+$0x0], $0xffff;
	_ =	sdelay $0x1  }
0x48a: {  	s28 =	simm.s32 $0x24  }
0x48b: {  	v18 =	vmov s28  }
0x48c: {  	s29 =	simm.s32 $0x4;
	s28 =	simm.s32 $0x0;
	v18 =	vand.u32 $0x3C, v18  }
.LBB2_21:
0x48d: {  	v19 =	vor.u32 v13, v18;
	v18 =	vadd.s32 v14, v18;
	v16 =	vadd.f32 v17, v16;
	s30 =	smov.u32 s29;
	s29 =	sadd.s32 $0x4, s29  }
0x48e: {  	p0 =	slt.u32 s29, $0x1C  }
0x48f: {  	v16 =	vmul.f32 v16, v12;
	_ =	sdelay $0x1  }
0x490: {  	[tilespmem:v15+s18+$0x0] =	vst.idx.msk $0xffff, v16  }
0x491: {  	v15 =	vld.idx.msk [tilespmem:v19+s23+$0x0], $0xffff  }
0x492: {  	v16 =	vld.idx.msk [tilespmem:v18+s21+$0x0], $0xffff;
	_ =	sdelay $0x2  }
0x493: {  	s31 =	sadd.s32 $0x25, s28  }
0x494: {  	v17 =	vmov s31  }
0x495: {  	v17 =	vand.u32 $0x3D, v17  }
0x496: {  	v15 =	vadd.f32 v16, v15;
	v16 =	vor.u32 v13, v17;
	v17 =	vadd.s32 v14, v17;
	_ =	sdelay $0x1  }
0x497: {  	v15 =	vmul.f32 v15, v12;
	_ =	sdelay $0x1  }
0x498: {  	[tilespmem:v18+s18+$0x0] =	vst.idx.msk $0xffff, v15  }
0x499: {  	v15 =	vld.idx.msk [tilespmem:v16+s23+$0x0], $0xffff  }
0x49a: {  	v16 =	vld.idx.msk [tilespmem:v17+s21+$0x0], $0xffff;
	_ =	sdelay $0x2  }
0x49b: {  	s31 =	sadd.s32 $0x26, s28  }
0x49c: {  	v18 =	vmov s31  }
0x49d: {  	v18 =	vand.u32 $0x3E, v18  }
0x49e: {  	v15 =	vadd.f32 v16, v15;
	v16 =	vor.u32 v13, v18;
	v18 =	vadd.s32 v14, v18;
	_ =	sdelay $0x1  }
0x49f: {  	v15 =	vmul.f32 v15, v12;
	_ =	sdelay $0x1  }
0x4a0: {  	[tilespmem:v17+s18+$0x0] =	vst.idx.msk $0xffff, v15  }
0x4a1: {  	v15 =	vld.idx.msk [tilespmem:v16+s23+$0x0], $0xffff  }
0x4a2: {  	v16 =	vld.idx.msk [tilespmem:v18+s21+$0x0], $0xffff;
	_ =	sdelay $0x2  }
0x4a3: {  	s31 =	sadd.s32 $0x27, s28;
	s28 =	smov.u32 s30  }
0x4a4: {  	v17 =	vmov s31  }
0x4a5: {  	v17 =	vand.u32 $0x3F, v17  }
0x4a6: {  	v19 =	vor.u32 v13, v17;
	v16 =	vadd.f32 v16, v15;
	v15 =	vadd.s32 v14, v17;
	_ =	sdelay $0x1  }
0x4a7: {  	v16 =	vmul.f32 v16, v12;
	_ =	sdelay $0x1  }
0x4a8: {  	[tilespmem:v18+s18+$0x0] =	vst.idx.msk $0xffff, v16  }
0x4a9: {  	v16 =	vld.idx.msk [tilespmem:v19+s23+$0x0], $0xffff  }
0x4aa: {  	v17 =	vld.idx.msk [tilespmem:v15+s21+$0x0], $0xffff  }
.Ltmp9:
0x4ab: {  	(pc) =	sbr.rel @p0 .LBB2_21-.Ltmp9, $4  }
0x4ac: {  	_ = 	snop  }
0x4ad: {  	s30 =	sadd.s32 $0x24, s28  }
0x4ae: {  	v18 =	vmov s30  }
0x4af: {  	v18 =	vand.u32 $0x3C, v18  }
0x4b0: {  	v19 =	vor.u32 v13, v18;
	v16 =	vadd.f32 v17, v16  }
0x4b1: {  	v17 =	vadd.s32 v14, v18  }
0x4b2: {  	v16 =	vmul.f32 v16, v12;
	_ =	sdelay $0x1  }
0x4b3: {  	[tilespmem:v15+s18+$0x0] =	vst.idx.msk $0xffff, v16  }
0x4b4: {  	v15 =	vld.idx.msk [tilespmem:v19+s23+$0x0], $0xffff  }
0x4b5: {  	v16 =	vld.idx.msk [tilespmem:v17+s21+$0x0], $0xffff;
	_ =	sdelay $0x1  }
0x4b6: {  	s29 =	sadd.s32 $0x25, s28  }
0x4b7: {  	v18 =	vmov s29  }
0x4b8: {  	v18 =	vand.u32 $0x3D, v18  }
0x4b9: {  	v15 =	vadd.f32 v16, v15;
	v16 =	vor.u32 v13, v18  }
0x4ba: {  	v18 =	vadd.s32 v14, v18  }
0x4bb: {  	v15 =	vmul.f32 v15, v12;
	_ =	sdelay $0x1  }
0x4bc: {  	[tilespmem:v17+s18+$0x0] =	vst.idx.msk $0xffff, v15  }
0x4bd: {  	v15 =	vld.idx.msk [tilespmem:v16+s23+$0x0], $0xffff  }
0x4be: {  	v16 =	vld.idx.msk [tilespmem:v18+s21+$0x0], $0xffff;
	_ =	sdelay $0x1  }
0x4bf: {  	s29 =	sadd.s32 $0x26, s28  }
0x4c0: {  	v17 =	vmov s29  }
0x4c1: {  	v17 =	vand.u32 $0x3E, v17  }
0x4c2: {  	v15 =	vadd.f32 v16, v15;
	v16 =	vor.u32 v13, v17  }
0x4c3: {  	v17 =	vadd.s32 v14, v17  }
0x4c4: {  	v15 =	vmul.f32 v15, v12;
	_ =	sdelay $0x1  }
0x4c5: {  	[tilespmem:v18+s18+$0x0] =	vst.idx.msk $0xffff, v15  }
0x4c6: {  	v15 =	vld.idx.msk [tilespmem:v16+s23+$0x0], $0xffff  }
0x4c7: {  	v16 =	vld.idx.msk [tilespmem:v17+s21+$0x0], $0xffff;
	_ =	sdelay $0x1  }
0x4c8: {  	s28 =	sadd.s32 $0x27, s28  }
0x4c9: {  	v18 =	vmov s28  }
0x4ca: {  	v18 =	vand.u32 $0x3F, v18  }
0x4cb: {  	v13 =	vor.u32 v13, v18;
	v15 =	vadd.f32 v16, v15  }
0x4cc: {  	v14 =	vadd.s32 v14, v18  }
0x4cd: {  	v15 =	vmul.f32 v15, v12;
	_ =	sdelay $0x1  }
0x4ce: {  	[tilespmem:v17+s18+$0x0] =	vst.idx.msk $0xffff, v15  }
0x4cf: {  	v13 =	vld.idx.msk [tilespmem:v13+s23+$0x0], $0xffff  }
0x4d0: {  	v15 =	vld.idx.msk [tilespmem:v14+s21+$0x0], $0xffff;
	_ =	sdelay $0x4  }
0x4d1: {  	v13 =	vadd.f32 v15, v13;
	_ =	sdelay $0x1  }
0x4d2: {  	v12 =	vmul.f32 v13, v12;
	_ =	sdelay $0x1  }
0x4d3: {  	[tilespmem:v14+s18+$0x0] =	vst.idx.msk $0xffff, v12  }
0x4d4: {  	v12 =	vld [tilespmem:$0xBE70];
	_ =	sdelay $0x3  }
0x4d5: {  	v13 =	vadd.s32 $0x1940, v0  }
0x4d6: {  	v12 =	vshll.u32 v12, $0x1;
	_ =	sdelay $0x3  }
0x4d7: {  	s28 =	simm.s32 $0x0;
	v15 =	vld.idx.msk [tilespmem:v13+s21+$0x0], $0xffff  }
0x4d8: {  	v14 =	vld.idx.msk [tilespmem:v12+s28+$0x0], $0xffff;
	_ =	sdelay $0x4  }
0x4d9: {  	v14 =	vadd.f32 v15, v14;
	_ =	sdelay $0x1  }
0x4da: {  	v15 =	vmul.f32 $2.000000030e-01, v14  }
0x4db: {  	vm0 =	vge.f32 v14, $0.0e+00  }
0x4dc: {  	v14 =	vsel vm0, v14, v15  }
0x4dd: {  	v14 =	vmul.f32 $1.442695020e+00, v14;
	_ =	sdelay $0x1  }
0x4de: {  	(erf) = vpow2.f32 v14;
	_ =	sdelay $0x5  }
0x4df: {  	v12 =	vor.u32 $0x1, v12  }
0x4e0: {  	v16 =	vadd.s32 $0x1941, v0;
	_ =	sdelay $0x1  }
0x4e1: {  	v15 =	vpop (erf)  }
0x4e2: {  	[tilespmem:v13+s18+$0x0] =	vst.idx.msk $0xffff, v15  }
0x4e3: {  	v12 =	vld.idx.msk [tilespmem:v12+s28+$0x0], $0xffff  }
0x4e4: {  	v13 =	vld.idx.msk [tilespmem:v16+s21+$0x0], $0xffff;
	_ =	sdelay $0x4  }
0x4e5: {  	v12 =	vadd.f32 v13, v12;
	_ =	sdelay $0x1  }
0x4e6: {  	v13 =	vmul.f32 $2.000000030e-01, v12  }
0x4e7: {  	vm15 =	vge.f32 v12, $0.0e+00  }
0x4e8: {  	v12 =	vsel vm15, v12, v13  }
0x4e9: {  	v12 =	vmul.f32 $1.442695020e+00, v12;
	_ =	sdelay $0x1  }
0x4ea: {  	(erf) = vpow2.f32 v12;
	_ =	sdelay $0x3  }
0x4eb: {  	v12 =	vmov s28  }
0x4ec: {  	v13 =	vor.u32 $0x1400, v2;
	v12 =	vand.u32 $0x1C, v12  }
0x4ed: {  	v14 =	vadd.s32 $0x1900, v0;
	v17 =	vor.u32 v13, v12  }
0x4ee: {  	v18 =	vadd.s32 v14, v12;
	_ =	sdelay $0x1  }
0x4ef: {  	v12 =	vpop (erf)  }
0x4f0: {  	[tilespmem:v16+s18+$0x0] =	vst.idx.msk $0xffff, v12  }
0x4f1: {  	v16 =	vld.idx.msk [tilespmem:v17+s23+$0x0], $0xffff  }
0x4f2: {  	v17 =	vld.idx.msk [tilespmem:v18+s21+$0x0], $0xffff;
	_ =	sdelay $0x1  }
0x4f3: {  	s28 =	simm.s32 $0x1  }
0x4f4: {  	v19 =	vmov s28  }
0x4f5: {  	v19 =	vand.u32 $0x1D, v19  }
0x4f6: {  	v16 =	vadd.f32 v17, v16;
	v17 =	vor.u32 v13, v19  }
0x4f7: {  	v19 =	vadd.s32 v14, v19  }
0x4f8: {  	v16 =	vmul.f32 v16, v15;
	_ =	sdelay $0x1  }
0x4f9: {  	[tilespmem:v18+s18+$0x0] =	vst.idx.msk $0xffff, v16  }
0x4fa: {  	v16 =	vld.idx.msk [tilespmem:v17+s23+$0x0], $0xffff  }
0x4fb: {  	v17 =	vld.idx.msk [tilespmem:v19+s21+$0x0], $0xffff;
	_ =	sdelay $0x1  }
0x4fc: {  	s28 =	simm.s32 $0x2  }
0x4fd: {  	v18 =	vmov s28  }
0x4fe: {  	v18 =	vand.u32 $0x1E, v18  }
0x4ff: {  	v16 =	vadd.f32 v17, v16;
	v17 =	vor.u32 v13, v18  }
0x500: {  	v18 =	vadd.s32 v14, v18  }
0x501: {  	v16 =	vmul.f32 v16, v15;
	_ =	sdelay $0x1  }
0x502: {  	[tilespmem:v19+s18+$0x0] =	vst.idx.msk $0xffff, v16  }
0x503: {  	v16 =	vld.idx.msk [tilespmem:v17+s23+$0x0], $0xffff  }
0x504: {  	v17 =	vld.idx.msk [tilespmem:v18+s21+$0x0], $0xffff;
	_ =	sdelay $0x1  }
0x505: {  	s28 =	simm.s32 $0x3  }
0x506: {  	v19 =	vmov s28  }
0x507: {  	v19 =	vand.u32 $0x1F, v19  }
0x508: {  	v20 =	vor.u32 v13, v19;
	v17 =	vadd.f32 v17, v16  }
0x509: {  	v16 =	vadd.s32 v14, v19  }
0x50a: {  	v17 =	vmul.f32 v17, v15;
	_ =	sdelay $0x1  }
0x50b: {  	[tilespmem:v18+s18+$0x0] =	vst.idx.msk $0xffff, v17  }
0x50c: {  	v17 =	vld.idx.msk [tilespmem:v20+s23+$0x0], $0xffff  }
0x50d: {  	v18 =	vld.idx.msk [tilespmem:v16+s21+$0x0], $0xffff;
	_ =	sdelay $0x1  }
0x50e: {  	s28 =	simm.s32 $0x4  }
0x50f: {  	v19 =	vmov s28  }
0x510: {  	s29 =	simm.s32 $0x8;
	v19 =	vand.u32 $0x1C, v19  }
.LBB2_23:
0x511: {  	p0 =	slt.u32 s29, $0x1C;
	v20 =	vor.u32 v13, v19;
	v19 =	vadd.s32 v14, v19;
	v17 =	vadd.f32 v18, v17;
	s30 =	smov.u32 s29;
	s29 =	sadd.s32 $0x4, s29  }
0x512: {  	_ = 	snop  }
0x513: {  	v17 =	vmul.f32 v17, v15;
	_ =	sdelay $0x1  }
0x514: {  	[tilespmem:v16+s18+$0x0] =	vst.idx.msk $0xffff, v17  }
0x515: {  	v16 =	vld.idx.msk [tilespmem:v20+s23+$0x0], $0xffff  }
0x516: {  	v17 =	vld.idx.msk [tilespmem:v19+s21+$0x0], $0xffff;
	_ =	sdelay $0x2  }
0x517: {  	s31 =	sadd.s32 $0x1, s28  }
0x518: {  	v18 =	vmov s31  }
0x519: {  	v18 =	vand.u32 $0x1D, v18  }
0x51a: {  	v16 =	vadd.f32 v17, v16;
	v17 =	vor.u32 v13, v18;
	v18 =	vadd.s32 v14, v18;
	_ =	sdelay $0x1  }
0x51b: {  	v16 =	vmul.f32 v16, v15;
	_ =	sdelay $0x1  }
0x51c: {  	[tilespmem:v19+s18+$0x0] =	vst.idx.msk $0xffff, v16  }
0x51d: {  	v16 =	vld.idx.msk [tilespmem:v17+s23+$0x0], $0xffff  }
0x51e: {  	v17 =	vld.idx.msk [tilespmem:v18+s21+$0x0], $0xffff;
	_ =	sdelay $0x2  }
0x51f: {  	s31 =	sadd.s32 $0x2, s28  }
0x520: {  	v19 =	vmov s31  }
0x521: {  	v19 =	vand.u32 $0x1E, v19  }
0x522: {  	v16 =	vadd.f32 v17, v16;
	v17 =	vor.u32 v13, v19;
	v19 =	vadd.s32 v14, v19;
	_ =	sdelay $0x1  }
0x523: {  	v16 =	vmul.f32 v16, v15;
	_ =	sdelay $0x1  }
0x524: {  	[tilespmem:v18+s18+$0x0] =	vst.idx.msk $0xffff, v16  }
0x525: {  	v16 =	vld.idx.msk [tilespmem:v17+s23+$0x0], $0xffff  }
0x526: {  	v17 =	vld.idx.msk [tilespmem:v19+s21+$0x0], $0xffff;
	_ =	sdelay $0x2  }
0x527: {  	s31 =	sadd.s32 $0x3, s28;
	s28 =	smov.u32 s30  }
0x528: {  	v18 =	vmov s31  }
0x529: {  	v18 =	vand.u32 $0x1F, v18  }
0x52a: {  	v20 =	vor.u32 v13, v18;
	v17 =	vadd.f32 v17, v16;
	v16 =	vadd.s32 v14, v18;
	_ =	sdelay $0x1  }
0x52b: {  	v17 =	vmul.f32 v17, v15;
	_ =	sdelay $0x1  }
0x52c: {  	[tilespmem:v19+s18+$0x0] =	vst.idx.msk $0xffff, v17  }
0x52d: {  	v17 =	vld.idx.msk [tilespmem:v20+s23+$0x0], $0xffff  }
0x52e: {  	v18 =	vld.idx.msk [tilespmem:v16+s21+$0x0], $0xffff  }
.Ltmp10:
0x52f: {  	(pc) =	sbr.rel @p0 .LBB2_23-.Ltmp10, $3  }
0x530: {  	_ =	sdelay $0x1  }
0x531: {  	v19 =	vmov s28  }
0x532: {  	v19 =	vand.u32 $0x1C, v19  }
0x533: {  	v20 =	vor.u32 v13, v19;
	v17 =	vadd.f32 v18, v17  }
0x534: {  	v18 =	vadd.s32 v14, v19  }
0x535: {  	v17 =	vmul.f32 v17, v15;
	_ =	sdelay $0x1  }
0x536: {  	[tilespmem:v16+s18+$0x0] =	vst.idx.msk $0xffff, v17  }
0x537: {  	v16 =	vld.idx.msk [tilespmem:v20+s23+$0x0], $0xffff  }
0x538: {  	v17 =	vld.idx.msk [tilespmem:v18+s21+$0x0], $0xffff;
	_ =	sdelay $0x1  }
0x539: {  	s29 =	sadd.s32 $0x1, s28  }
0x53a: {  	v19 =	vmov s29  }
0x53b: {  	v19 =	vand.u32 $0x1D, v19  }
0x53c: {  	v16 =	vadd.f32 v17, v16;
	v17 =	vor.u32 v13, v19  }
0x53d: {  	v19 =	vadd.s32 v14, v19  }
0x53e: {  	v16 =	vmul.f32 v16, v15;
	_ =	sdelay $0x1  }
0x53f: {  	[tilespmem:v18+s18+$0x0] =	vst.idx.msk $0xffff, v16  }
0x540: {  	v16 =	vld.idx.msk [tilespmem:v17+s23+$0x0], $0xffff  }
0x541: {  	v17 =	vld.idx.msk [tilespmem:v19+s21+$0x0], $0xffff;
	_ =	sdelay $0x1  }
0x542: {  	s29 =	sadd.s32 $0x2, s28  }
0x543: {  	v18 =	vmov s29  }
0x544: {  	v18 =	vand.u32 $0x1E, v18  }
0x545: {  	v16 =	vadd.f32 v17, v16;
	v17 =	vor.u32 v13, v18  }
0x546: {  	v18 =	vadd.s32 v14, v18  }
0x547: {  	v16 =	vmul.f32 v16, v15;
	_ =	sdelay $0x1  }
0x548: {  	[tilespmem:v19+s18+$0x0] =	vst.idx.msk $0xffff, v16  }
0x549: {  	v16 =	vld.idx.msk [tilespmem:v17+s23+$0x0], $0xffff  }
0x54a: {  	v17 =	vld.idx.msk [tilespmem:v18+s21+$0x0], $0xffff;
	_ =	sdelay $0x1  }
0x54b: {  	s28 =	sadd.s32 $0x3, s28  }
0x54c: {  	v19 =	vmov s28  }
0x54d: {  	v19 =	vand.u32 $0x1F, v19  }
0x54e: {  	v16 =	vadd.f32 v17, v16;
	v17 =	vor.u32 v13, v19  }
0x54f: {  	v19 =	vadd.s32 v14, v19  }
0x550: {  	v16 =	vmul.f32 v16, v15;
	_ =	sdelay $0x1  }
0x551: {  	[tilespmem:v18+s18+$0x0] =	vst.idx.msk $0xffff, v16  }
0x552: {  	v16 =	vld.idx.msk [tilespmem:v17+s23+$0x0], $0xffff  }
0x553: {  	v17 =	vld.idx.msk [tilespmem:v19+s21+$0x0], $0xffff;
	_ =	sdelay $0x1  }
0x554: {  	s28 =	simm.s32 $0x20  }
0x555: {  	v18 =	vmov s28  }
0x556: {  	v18 =	vand.u32 $0x3C, v18  }
0x557: {  	v16 =	vadd.f32 v17, v16;
	v17 =	vor.u32 v13, v18  }
0x558: {  	v18 =	vadd.s32 v14, v18  }
0x559: {  	v15 =	vmul.f32 v16, v15;
	_ =	sdelay $0x1  }
0x55a: {  	[tilespmem:v19+s18+$0x0] =	vst.idx.msk $0xffff, v15  }
0x55b: {  	v15 =	vld.idx.msk [tilespmem:v17+s23+$0x0], $0xffff  }
0x55c: {  	v16 =	vld.idx.msk [tilespmem:v18+s21+$0x0], $0xffff;
	_ =	sdelay $0x1  }
0x55d: {  	s28 =	simm.s32 $0x21  }
0x55e: {  	v17 =	vmov s28  }
0x55f: {  	v17 =	vand.u32 $0x3D, v17  }
0x560: {  	v15 =	vadd.f32 v16, v15;
	v16 =	vor.u32 v13, v17  }
0x561: {  	v17 =	vadd.s32 v14, v17  }
0x562: {  	v15 =	vmul.f32 v15, v12;
	_ =	sdelay $0x1  }
0x563: {  	[tilespmem:v18+s18+$0x0] =	vst.idx.msk $0xffff, v15  }
0x564: {  	v15 =	vld.idx.msk [tilespmem:v16+s23+$0x0], $0xffff  }
0x565: {  	v16 =	vld.idx.msk [tilespmem:v17+s21+$0x0], $0xffff;
	_ =	sdelay $0x1  }
0x566: {  	s28 =	simm.s32 $0x22  }
0x567: {  	v18 =	vmov s28  }
0x568: {  	v18 =	vand.u32 $0x3E, v18  }
0x569: {  	v15 =	vadd.f32 v16, v15;
	v16 =	vor.u32 v13, v18  }
0x56a: {  	v18 =	vadd.s32 v14, v18  }
0x56b: {  	v15 =	vmul.f32 v15, v12;
	_ =	sdelay $0x1  }
0x56c: {  	[tilespmem:v17+s18+$0x0] =	vst.idx.msk $0xffff, v15  }
0x56d: {  	v15 =	vld.idx.msk [tilespmem:v16+s23+$0x0], $0xffff  }
0x56e: {  	v16 =	vld.idx.msk [tilespmem:v18+s21+$0x0], $0xffff;
	_ =	sdelay $0x1  }
0x56f: {  	s28 =	simm.s32 $0x23  }
0x570: {  	v17 =	vmov s28  }
0x571: {  	v17 =	vand.u32 $0x3F, v17  }
0x572: {  	v19 =	vor.u32 v13, v17;
	v16 =	vadd.f32 v16, v15  }
0x573: {  	v15 =	vadd.s32 v14, v17  }
0x574: {  	v16 =	vmul.f32 v16, v12;
	_ =	sdelay $0x1  }
0x575: {  	[tilespmem:v18+s18+$0x0] =	vst.idx.msk $0xffff, v16  }
0x576: {  	v16 =	vld.idx.msk [tilespmem:v19+s23+$0x0], $0xffff  }
0x577: {  	v17 =	vld.idx.msk [tilespmem:v15+s21+$0x0], $0xffff;
	_ =	sdelay $0x1  }
0x578: {  	s28 =	simm.s32 $0x24  }
0x579: {  	v18 =	vmov s28  }
0x57a: {  	s29 =	simm.s32 $0x4;
	s28 =	simm.s32 $0x0;
	v18 =	vand.u32 $0x3C, v18  }
.LBB2_25:
0x57b: {  	v19 =	vor.u32 v13, v18;
	v18 =	vadd.s32 v14, v18;
	v16 =	vadd.f32 v17, v16;
	s30 =	smov.u32 s29;
	s29 =	sadd.s32 $0x4, s29  }
0x57c: {  	p0 =	slt.u32 s29, $0x1C  }
0x57d: {  	v16 =	vmul.f32 v16, v12;
	_ =	sdelay $0x1  }
0x57e: {  	[tilespmem:v15+s18+$0x0] =	vst.idx.msk $0xffff, v16  }
0x57f: {  	v15 =	vld.idx.msk [tilespmem:v19+s23+$0x0], $0xffff  }
0x580: {  	v16 =	vld.idx.msk [tilespmem:v18+s21+$0x0], $0xffff;
	_ =	sdelay $0x2  }
0x581: {  	s31 =	sadd.s32 $0x25, s28  }
0x582: {  	v17 =	vmov s31  }
0x583: {  	v17 =	vand.u32 $0x3D, v17  }
0x584: {  	v15 =	vadd.f32 v16, v15;
	v16 =	vor.u32 v13, v17;
	v17 =	vadd.s32 v14, v17;
	_ =	sdelay $0x1  }
0x585: {  	v15 =	vmul.f32 v15, v12;
	_ =	sdelay $0x1  }
0x586: {  	[tilespmem:v18+s18+$0x0] =	vst.idx.msk $0xffff, v15  }
0x587: {  	v15 =	vld.idx.msk [tilespmem:v16+s23+$0x0], $0xffff  }
0x588: {  	v16 =	vld.idx.msk [tilespmem:v17+s21+$0x0], $0xffff;
	_ =	sdelay $0x2  }
0x589: {  	s31 =	sadd.s32 $0x26, s28  }
0x58a: {  	v18 =	vmov s31  }
0x58b: {  	v18 =	vand.u32 $0x3E, v18  }
0x58c: {  	v15 =	vadd.f32 v16, v15;
	v16 =	vor.u32 v13, v18;
	v18 =	vadd.s32 v14, v18;
	_ =	sdelay $0x1  }
0x58d: {  	v15 =	vmul.f32 v15, v12;
	_ =	sdelay $0x1  }
0x58e: {  	[tilespmem:v17+s18+$0x0] =	vst.idx.msk $0xffff, v15  }
0x58f: {  	v15 =	vld.idx.msk [tilespmem:v16+s23+$0x0], $0xffff  }
0x590: {  	v16 =	vld.idx.msk [tilespmem:v18+s21+$0x0], $0xffff;
	_ =	sdelay $0x2  }
0x591: {  	s31 =	sadd.s32 $0x27, s28;
	s28 =	smov.u32 s30  }
0x592: {  	v17 =	vmov s31  }
0x593: {  	v17 =	vand.u32 $0x3F, v17  }
0x594: {  	v19 =	vor.u32 v13, v17;
	v16 =	vadd.f32 v16, v15;
	v15 =	vadd.s32 v14, v17;
	_ =	sdelay $0x1  }
0x595: {  	v16 =	vmul.f32 v16, v12;
	_ =	sdelay $0x1  }
0x596: {  	[tilespmem:v18+s18+$0x0] =	vst.idx.msk $0xffff, v16  }
0x597: {  	v16 =	vld.idx.msk [tilespmem:v19+s23+$0x0], $0xffff  }
0x598: {  	v17 =	vld.idx.msk [tilespmem:v15+s21+$0x0], $0xffff  }
.Ltmp11:
0x599: {  	(pc) =	sbr.rel @p0 .LBB2_25-.Ltmp11, $4  }
0x59a: {  	_ = 	snop  }
0x59b: {  	s30 =	sadd.s32 $0x24, s28  }
0x59c: {  	v18 =	vmov s30  }
0x59d: {  	v18 =	vand.u32 $0x3C, v18  }
0x59e: {  	v19 =	vor.u32 v13, v18;
	v16 =	vadd.f32 v17, v16  }
0x59f: {  	v17 =	vadd.s32 v14, v18  }
0x5a0: {  	v16 =	vmul.f32 v16, v12;
	_ =	sdelay $0x1  }
0x5a1: {  	[tilespmem:v15+s18+$0x0] =	vst.idx.msk $0xffff, v16  }
0x5a2: {  	v15 =	vld.idx.msk [tilespmem:v19+s23+$0x0], $0xffff  }
0x5a3: {  	v16 =	vld.idx.msk [tilespmem:v17+s21+$0x0], $0xffff;
	_ =	sdelay $0x1  }
0x5a4: {  	s29 =	sadd.s32 $0x25, s28  }
0x5a5: {  	v18 =	vmov s29  }
0x5a6: {  	v18 =	vand.u32 $0x3D, v18  }
0x5a7: {  	v15 =	vadd.f32 v16, v15;
	v16 =	vor.u32 v13, v18  }
0x5a8: {  	v18 =	vadd.s32 v14, v18  }
0x5a9: {  	v15 =	vmul.f32 v15, v12;
	_ =	sdelay $0x1  }
0x5aa: {  	[tilespmem:v17+s18+$0x0] =	vst.idx.msk $0xffff, v15  }
0x5ab: {  	v15 =	vld.idx.msk [tilespmem:v16+s23+$0x0], $0xffff  }
0x5ac: {  	v16 =	vld.idx.msk [tilespmem:v18+s21+$0x0], $0xffff;
	_ =	sdelay $0x1  }
0x5ad: {  	s29 =	sadd.s32 $0x26, s28  }
0x5ae: {  	v17 =	vmov s29  }
0x5af: {  	v17 =	vand.u32 $0x3E, v17  }
0x5b0: {  	v15 =	vadd.f32 v16, v15;
	v16 =	vor.u32 v13, v17  }
0x5b1: {  	v17 =	vadd.s32 v14, v17  }
0x5b2: {  	v15 =	vmul.f32 v15, v12;
	_ =	sdelay $0x1  }
0x5b3: {  	[tilespmem:v18+s18+$0x0] =	vst.idx.msk $0xffff, v15  }
0x5b4: {  	v15 =	vld.idx.msk [tilespmem:v16+s23+$0x0], $0xffff  }
0x5b5: {  	v16 =	vld.idx.msk [tilespmem:v17+s21+$0x0], $0xffff;
	_ =	sdelay $0x1  }
0x5b6: {  	s28 =	sadd.s32 $0x27, s28  }
0x5b7: {  	v18 =	vmov s28  }
0x5b8: {  	v18 =	vand.u32 $0x3F, v18  }
0x5b9: {  	v13 =	vor.u32 v13, v18;
	v15 =	vadd.f32 v16, v15  }
0x5ba: {  	v14 =	vadd.s32 v14, v18  }
0x5bb: {  	v15 =	vmul.f32 v15, v12;
	_ =	sdelay $0x1  }
0x5bc: {  	[tilespmem:v17+s18+$0x0] =	vst.idx.msk $0xffff, v15  }
0x5bd: {  	v13 =	vld.idx.msk [tilespmem:v13+s23+$0x0], $0xffff  }
0x5be: {  	v15 =	vld.idx.msk [tilespmem:v14+s21+$0x0], $0xffff;
	_ =	sdelay $0x4  }
0x5bf: {  	v13 =	vadd.f32 v15, v13;
	_ =	sdelay $0x1  }
0x5c0: {  	v12 =	vmul.f32 v13, v12;
	_ =	sdelay $0x1  }
0x5c1: {  	[tilespmem:v14+s18+$0x0] =	vst.idx.msk $0xffff, v12  }
0x5c2: {  	v12 =	vld [tilespmem:$0xBE80];
	_ =	sdelay $0x3  }
0x5c3: {  	v13 =	vadd.s32 $0x1E40, v0  }
0x5c4: {  	v12 =	vshll.u32 v12, $0x1;
	_ =	sdelay $0x3  }
0x5c5: {  	s28 =	simm.s32 $0x0;
	v15 =	vld.idx.msk [tilespmem:v13+s21+$0x0], $0xffff  }
0x5c6: {  	v14 =	vld.idx.msk [tilespmem:v12+s28+$0x0], $0xffff;
	_ =	sdelay $0x4  }
0x5c7: {  	v14 =	vadd.f32 v15, v14;
	_ =	sdelay $0x1  }
0x5c8: {  	v15 =	vmul.f32 $2.000000030e-01, v14  }
0x5c9: {  	vm0 =	vge.f32 v14, $0.0e+00  }
0x5ca: {  	v14 =	vsel vm0, v14, v15  }
0x5cb: {  	v14 =	vmul.f32 $1.442695020e+00, v14;
	_ =	sdelay $0x1  }
0x5cc: {  	(erf) = vpow2.f32 v14;
	_ =	sdelay $0x5  }
0x5cd: {  	v12 =	vor.u32 $0x1, v12  }
0x5ce: {  	v16 =	vadd.s32 $0x1E41, v0;
	_ =	sdelay $0x1  }
0x5cf: {  	v15 =	vpop (erf)  }
0x5d0: {  	[tilespmem:v13+s18+$0x0] =	vst.idx.msk $0xffff, v15  }
0x5d1: {  	v12 =	vld.idx.msk [tilespmem:v12+s28+$0x0], $0xffff  }
0x5d2: {  	v13 =	vld.idx.msk [tilespmem:v16+s21+$0x0], $0xffff;
	_ =	sdelay $0x4  }
0x5d3: {  	v12 =	vadd.f32 v13, v12;
	_ =	sdelay $0x1  }
0x5d4: {  	v13 =	vmul.f32 $2.000000030e-01, v12  }
0x5d5: {  	vm15 =	vge.f32 v12, $0.0e+00  }
0x5d6: {  	v12 =	vsel vm15, v12, v13  }
0x5d7: {  	v12 =	vmul.f32 $1.442695020e+00, v12;
	_ =	sdelay $0x1  }
0x5d8: {  	(erf) = vpow2.f32 v12;
	_ =	sdelay $0x3  }
0x5d9: {  	v12 =	vmov s28  }
0x5da: {  	v13 =	vor.u32 $0x1800, v2;
	v12 =	vand.u32 $0x1C, v12  }
0x5db: {  	v14 =	vadd.s32 $0x1E00, v0;
	v17 =	vor.u32 v13, v12  }
0x5dc: {  	v18 =	vadd.s32 v14, v12;
	_ =	sdelay $0x1  }
0x5dd: {  	v12 =	vpop (erf)  }
0x5de: {  	[tilespmem:v16+s18+$0x0] =	vst.idx.msk $0xffff, v12  }
0x5df: {  	v16 =	vld.idx.msk [tilespmem:v17+s23+$0x0], $0xffff  }
0x5e0: {  	v17 =	vld.idx.msk [tilespmem:v18+s21+$0x0], $0xffff;
	_ =	sdelay $0x1  }
0x5e1: {  	s28 =	simm.s32 $0x1  }
0x5e2: {  	v19 =	vmov s28  }
0x5e3: {  	v19 =	vand.u32 $0x1D, v19  }
0x5e4: {  	v16 =	vadd.f32 v17, v16;
	v17 =	vor.u32 v13, v19  }
0x5e5: {  	v19 =	vadd.s32 v14, v19  }
0x5e6: {  	v16 =	vmul.f32 v16, v15;
	_ =	sdelay $0x1  }
0x5e7: {  	[tilespmem:v18+s18+$0x0] =	vst.idx.msk $0xffff, v16  }
0x5e8: {  	v16 =	vld.idx.msk [tilespmem:v17+s23+$0x0], $0xffff  }
0x5e9: {  	v17 =	vld.idx.msk [tilespmem:v19+s21+$0x0], $0xffff;
	_ =	sdelay $0x1  }
0x5ea: {  	s28 =	simm.s32 $0x2  }
0x5eb: {  	v18 =	vmov s28  }
0x5ec: {  	v18 =	vand.u32 $0x1E, v18  }
0x5ed: {  	v16 =	vadd.f32 v17, v16;
	v17 =	vor.u32 v13, v18  }
0x5ee: {  	v18 =	vadd.s32 v14, v18  }
0x5ef: {  	v16 =	vmul.f32 v16, v15;
	_ =	sdelay $0x1  }
0x5f0: {  	[tilespmem:v19+s18+$0x0] =	vst.idx.msk $0xffff, v16  }
0x5f1: {  	v16 =	vld.idx.msk [tilespmem:v17+s23+$0x0], $0xffff  }
0x5f2: {  	v17 =	vld.idx.msk [tilespmem:v18+s21+$0x0], $0xffff;
	_ =	sdelay $0x1  }
0x5f3: {  	s28 =	simm.s32 $0x3  }
0x5f4: {  	v19 =	vmov s28  }
0x5f5: {  	v19 =	vand.u32 $0x1F, v19  }
0x5f6: {  	v20 =	vor.u32 v13, v19;
	v17 =	vadd.f32 v17, v16  }
0x5f7: {  	v16 =	vadd.s32 v14, v19  }
0x5f8: {  	v17 =	vmul.f32 v17, v15;
	_ =	sdelay $0x1  }
0x5f9: {  	[tilespmem:v18+s18+$0x0] =	vst.idx.msk $0xffff, v17  }
0x5fa: {  	v17 =	vld.idx.msk [tilespmem:v20+s23+$0x0], $0xffff  }
0x5fb: {  	v18 =	vld.idx.msk [tilespmem:v16+s21+$0x0], $0xffff;
	_ =	sdelay $0x1  }
0x5fc: {  	s28 =	simm.s32 $0x4  }
0x5fd: {  	v19 =	vmov s28  }
0x5fe: {  	s29 =	simm.s32 $0x8;
	v19 =	vand.u32 $0x1C, v19  }
.LBB2_27:
0x5ff: {  	p0 =	slt.u32 s29, $0x1C;
	v20 =	vor.u32 v13, v19;
	v19 =	vadd.s32 v14, v19;
	v17 =	vadd.f32 v18, v17;
	s30 =	smov.u32 s29;
	s29 =	sadd.s32 $0x4, s29  }
0x600: {  	_ = 	snop  }
0x601: {  	v17 =	vmul.f32 v17, v15;
	_ =	sdelay $0x1  }
0x602: {  	[tilespmem:v16+s18+$0x0] =	vst.idx.msk $0xffff, v17  }
0x603: {  	v16 =	vld.idx.msk [tilespmem:v20+s23+$0x0], $0xffff  }
0x604: {  	v17 =	vld.idx.msk [tilespmem:v19+s21+$0x0], $0xffff;
	_ =	sdelay $0x2  }
0x605: {  	s31 =	sadd.s32 $0x1, s28  }
0x606: {  	v18 =	vmov s31  }
0x607: {  	v18 =	vand.u32 $0x1D, v18  }
0x608: {  	v16 =	vadd.f32 v17, v16;
	v17 =	vor.u32 v13, v18;
	v18 =	vadd.s32 v14, v18;
	_ =	sdelay $0x1  }
0x609: {  	v16 =	vmul.f32 v16, v15;
	_ =	sdelay $0x1  }
0x60a: {  	[tilespmem:v19+s18+$0x0] =	vst.idx.msk $0xffff, v16  }
0x60b: {  	v16 =	vld.idx.msk [tilespmem:v17+s23+$0x0], $0xffff  }
0x60c: {  	v17 =	vld.idx.msk [tilespmem:v18+s21+$0x0], $0xffff;
	_ =	sdelay $0x2  }
0x60d: {  	s31 =	sadd.s32 $0x2, s28  }
0x60e: {  	v19 =	vmov s31  }
0x60f: {  	v19 =	vand.u32 $0x1E, v19  }
0x610: {  	v16 =	vadd.f32 v17, v16;
	v17 =	vor.u32 v13, v19;
	v19 =	vadd.s32 v14, v19;
	_ =	sdelay $0x1  }
0x611: {  	v16 =	vmul.f32 v16, v15;
	_ =	sdelay $0x1  }
0x612: {  	[tilespmem:v18+s18+$0x0] =	vst.idx.msk $0xffff, v16  }
0x613: {  	v16 =	vld.idx.msk [tilespmem:v17+s23+$0x0], $0xffff  }
0x614: {  	v17 =	vld.idx.msk [tilespmem:v19+s21+$0x0], $0xffff;
	_ =	sdelay $0x2  }
0x615: {  	s31 =	sadd.s32 $0x3, s28;
	s28 =	smov.u32 s30  }
0x616: {  	v18 =	vmov s31  }
0x617: {  	v18 =	vand.u32 $0x1F, v18  }
0x618: {  	v20 =	vor.u32 v13, v18;
	v17 =	vadd.f32 v17, v16;
	v16 =	vadd.s32 v14, v18;
	_ =	sdelay $0x1  }
0x619: {  	v17 =	vmul.f32 v17, v15;
	_ =	sdelay $0x1  }
0x61a: {  	[tilespmem:v19+s18+$0x0] =	vst.idx.msk $0xffff, v17  }
0x61b: {  	v17 =	vld.idx.msk [tilespmem:v20+s23+$0x0], $0xffff  }
0x61c: {  	v18 =	vld.idx.msk [tilespmem:v16+s21+$0x0], $0xffff  }
.Ltmp12:
0x61d: {  	(pc) =	sbr.rel @p0 .LBB2_27-.Ltmp12, $3  }
0x61e: {  	_ =	sdelay $0x1  }
0x61f: {  	v19 =	vmov s28  }
0x620: {  	v19 =	vand.u32 $0x1C, v19  }
0x621: {  	v20 =	vor.u32 v13, v19;
	v17 =	vadd.f32 v18, v17  }
0x622: {  	v18 =	vadd.s32 v14, v19  }
0x623: {  	v17 =	vmul.f32 v17, v15;
	_ =	sdelay $0x1  }
0x624: {  	[tilespmem:v16+s18+$0x0] =	vst.idx.msk $0xffff, v17  }
0x625: {  	v16 =	vld.idx.msk [tilespmem:v20+s23+$0x0], $0xffff  }
0x626: {  	v17 =	vld.idx.msk [tilespmem:v18+s21+$0x0], $0xffff;
	_ =	sdelay $0x1  }
0x627: {  	s29 =	sadd.s32 $0x1, s28  }
0x628: {  	v19 =	vmov s29  }
0x629: {  	v19 =	vand.u32 $0x1D, v19  }
0x62a: {  	v16 =	vadd.f32 v17, v16;
	v17 =	vor.u32 v13, v19  }
0x62b: {  	v19 =	vadd.s32 v14, v19  }
0x62c: {  	v16 =	vmul.f32 v16, v15;
	_ =	sdelay $0x1  }
0x62d: {  	[tilespmem:v18+s18+$0x0] =	vst.idx.msk $0xffff, v16  }
0x62e: {  	v16 =	vld.idx.msk [tilespmem:v17+s23+$0x0], $0xffff  }
0x62f: {  	v17 =	vld.idx.msk [tilespmem:v19+s21+$0x0], $0xffff;
	_ =	sdelay $0x1  }
0x630: {  	s29 =	sadd.s32 $0x2, s28  }
0x631: {  	v18 =	vmov s29  }
0x632: {  	v18 =	vand.u32 $0x1E, v18  }
0x633: {  	v16 =	vadd.f32 v17, v16;
	v17 =	vor.u32 v13, v18  }
0x634: {  	v18 =	vadd.s32 v14, v18  }
0x635: {  	v16 =	vmul.f32 v16, v15;
	_ =	sdelay $0x1  }
0x636: {  	[tilespmem:v19+s18+$0x0] =	vst.idx.msk $0xffff, v16  }
0x637: {  	v16 =	vld.idx.msk [tilespmem:v17+s23+$0x0], $0xffff  }
0x638: {  	v17 =	vld.idx.msk [tilespmem:v18+s21+$0x0], $0xffff;
	_ =	sdelay $0x1  }
0x639: {  	s28 =	sadd.s32 $0x3, s28  }
0x63a: {  	v19 =	vmov s28  }
0x63b: {  	v19 =	vand.u32 $0x1F, v19  }
0x63c: {  	v16 =	vadd.f32 v17, v16;
	v17 =	vor.u32 v13, v19  }
0x63d: {  	v19 =	vadd.s32 v14, v19  }
0x63e: {  	v16 =	vmul.f32 v16, v15;
	_ =	sdelay $0x1  }
0x63f: {  	[tilespmem:v18+s18+$0x0] =	vst.idx.msk $0xffff, v16  }
0x640: {  	v16 =	vld.idx.msk [tilespmem:v17+s23+$0x0], $0xffff  }
0x641: {  	v17 =	vld.idx.msk [tilespmem:v19+s21+$0x0], $0xffff;
	_ =	sdelay $0x1  }
0x642: {  	s28 =	simm.s32 $0x20  }
0x643: {  	v18 =	vmov s28  }
0x644: {  	v18 =	vand.u32 $0x3C, v18  }
0x645: {  	v16 =	vadd.f32 v17, v16;
	v17 =	vor.u32 v13, v18  }
0x646: {  	v18 =	vadd.s32 v14, v18  }
0x647: {  	v15 =	vmul.f32 v16, v15;
	_ =	sdelay $0x1  }
0x648: {  	[tilespmem:v19+s18+$0x0] =	vst.idx.msk $0xffff, v15  }
0x649: {  	v15 =	vld.idx.msk [tilespmem:v17+s23+$0x0], $0xffff  }
0x64a: {  	v16 =	vld.idx.msk [tilespmem:v18+s21+$0x0], $0xffff;
	_ =	sdelay $0x1  }
0x64b: {  	s28 =	simm.s32 $0x21  }
0x64c: {  	v17 =	vmov s28  }
0x64d: {  	v17 =	vand.u32 $0x3D, v17  }
0x64e: {  	v15 =	vadd.f32 v16, v15;
	v16 =	vor.u32 v13, v17  }
0x64f: {  	v17 =	vadd.s32 v14, v17  }
0x650: {  	v15 =	vmul.f32 v15, v12;
	_ =	sdelay $0x1  }
0x651: {  	[tilespmem:v18+s18+$0x0] =	vst.idx.msk $0xffff, v15  }
0x652: {  	v15 =	vld.idx.msk [tilespmem:v16+s23+$0x0], $0xffff  }
0x653: {  	v16 =	vld.idx.msk [tilespmem:v17+s21+$0x0], $0xffff;
	_ =	sdelay $0x1  }
0x654: {  	s28 =	simm.s32 $0x22  }
0x655: {  	v18 =	vmov s28  }
0x656: {  	v18 =	vand.u32 $0x3E, v18  }
0x657: {  	v15 =	vadd.f32 v16, v15;
	v16 =	vor.u32 v13, v18  }
0x658: {  	v18 =	vadd.s32 v14, v18  }
0x659: {  	v15 =	vmul.f32 v15, v12;
	_ =	sdelay $0x1  }
0x65a: {  	[tilespmem:v17+s18+$0x0] =	vst.idx.msk $0xffff, v15  }
0x65b: {  	v15 =	vld.idx.msk [tilespmem:v16+s23+$0x0], $0xffff  }
0x65c: {  	v16 =	vld.idx.msk [tilespmem:v18+s21+$0x0], $0xffff;
	_ =	sdelay $0x1  }
0x65d: {  	s28 =	simm.s32 $0x23  }
0x65e: {  	v17 =	vmov s28  }
0x65f: {  	v17 =	vand.u32 $0x3F, v17  }
0x660: {  	v19 =	vor.u32 v13, v17;
	v16 =	vadd.f32 v16, v15  }
0x661: {  	v15 =	vadd.s32 v14, v17  }
0x662: {  	v16 =	vmul.f32 v16, v12;
	_ =	sdelay $0x1  }
0x663: {  	[tilespmem:v18+s18+$0x0] =	vst.idx.msk $0xffff, v16  }
0x664: {  	v16 =	vld.idx.msk [tilespmem:v19+s23+$0x0], $0xffff  }
0x665: {  	v17 =	vld.idx.msk [tilespmem:v15+s21+$0x0], $0xffff;
	_ =	sdelay $0x1  }
0x666: {  	s28 =	simm.s32 $0x24  }
0x667: {  	v18 =	vmov s28  }
0x668: {  	s29 =	simm.s32 $0x4;
	s28 =	simm.s32 $0x0;
	v18 =	vand.u32 $0x3C, v18  }
.LBB2_29:
0x669: {  	v19 =	vor.u32 v13, v18;
	v18 =	vadd.s32 v14, v18;
	v16 =	vadd.f32 v17, v16;
	s30 =	smov.u32 s29;
	s29 =	sadd.s32 $0x4, s29  }
0x66a: {  	p0 =	slt.u32 s29, $0x1C  }
0x66b: {  	v16 =	vmul.f32 v16, v12;
	_ =	sdelay $0x1  }
0x66c: {  	[tilespmem:v15+s18+$0x0] =	vst.idx.msk $0xffff, v16  }
0x66d: {  	v15 =	vld.idx.msk [tilespmem:v19+s23+$0x0], $0xffff  }
0x66e: {  	v16 =	vld.idx.msk [tilespmem:v18+s21+$0x0], $0xffff;
	_ =	sdelay $0x2  }
0x66f: {  	s31 =	sadd.s32 $0x25, s28  }
0x670: {  	v17 =	vmov s31  }
0x671: {  	v17 =	vand.u32 $0x3D, v17  }
0x672: {  	v15 =	vadd.f32 v16, v15;
	v16 =	vor.u32 v13, v17;
	v17 =	vadd.s32 v14, v17;
	_ =	sdelay $0x1  }
0x673: {  	v15 =	vmul.f32 v15, v12;
	_ =	sdelay $0x1  }
0x674: {  	[tilespmem:v18+s18+$0x0] =	vst.idx.msk $0xffff, v15  }
0x675: {  	v15 =	vld.idx.msk [tilespmem:v16+s23+$0x0], $0xffff  }
0x676: {  	v16 =	vld.idx.msk [tilespmem:v17+s21+$0x0], $0xffff;
	_ =	sdelay $0x2  }
0x677: {  	s31 =	sadd.s32 $0x26, s28  }
0x678: {  	v18 =	vmov s31  }
0x679: {  	v18 =	vand.u32 $0x3E, v18  }
0x67a: {  	v15 =	vadd.f32 v16, v15;
	v16 =	vor.u32 v13, v18;
	v18 =	vadd.s32 v14, v18;
	_ =	sdelay $0x1  }
0x67b: {  	v15 =	vmul.f32 v15, v12;
	_ =	sdelay $0x1  }
0x67c: {  	[tilespmem:v17+s18+$0x0] =	vst.idx.msk $0xffff, v15  }
0x67d: {  	v15 =	vld.idx.msk [tilespmem:v16+s23+$0x0], $0xffff  }
0x67e: {  	v16 =	vld.idx.msk [tilespmem:v18+s21+$0x0], $0xffff;
	_ =	sdelay $0x2  }
0x67f: {  	s31 =	sadd.s32 $0x27, s28;
	s28 =	smov.u32 s30  }
0x680: {  	v17 =	vmov s31  }
0x681: {  	v17 =	vand.u32 $0x3F, v17  }
0x682: {  	v19 =	vor.u32 v13, v17;
	v16 =	vadd.f32 v16, v15;
	v15 =	vadd.s32 v14, v17;
	_ =	sdelay $0x1  }
0x683: {  	v16 =	vmul.f32 v16, v12;
	_ =	sdelay $0x1  }
0x684: {  	[tilespmem:v18+s18+$0x0] =	vst.idx.msk $0xffff, v16  }
0x685: {  	v16 =	vld.idx.msk [tilespmem:v19+s23+$0x0], $0xffff  }
0x686: {  	v17 =	vld.idx.msk [tilespmem:v15+s21+$0x0], $0xffff  }
.Ltmp13:
0x687: {  	(pc) =	sbr.rel @p0 .LBB2_29-.Ltmp13, $4  }
0x688: {  	_ = 	snop  }
0x689: {  	s30 =	sadd.s32 $0x24, s28  }
0x68a: {  	v18 =	vmov s30  }
0x68b: {  	v18 =	vand.u32 $0x3C, v18  }
0x68c: {  	v19 =	vor.u32 v13, v18;
	v16 =	vadd.f32 v17, v16  }
0x68d: {  	v17 =	vadd.s32 v14, v18  }
0x68e: {  	v16 =	vmul.f32 v16, v12;
	_ =	sdelay $0x1  }
0x68f: {  	[tilespmem:v15+s18+$0x0] =	vst.idx.msk $0xffff, v16  }
0x690: {  	v15 =	vld.idx.msk [tilespmem:v19+s23+$0x0], $0xffff  }
0x691: {  	v16 =	vld.idx.msk [tilespmem:v17+s21+$0x0], $0xffff;
	_ =	sdelay $0x1  }
0x692: {  	s29 =	sadd.s32 $0x25, s28  }
0x693: {  	v18 =	vmov s29  }
0x694: {  	v18 =	vand.u32 $0x3D, v18  }
0x695: {  	v15 =	vadd.f32 v16, v15;
	v16 =	vor.u32 v13, v18  }
0x696: {  	v18 =	vadd.s32 v14, v18  }
0x697: {  	v15 =	vmul.f32 v15, v12;
	_ =	sdelay $0x1  }
0x698: {  	[tilespmem:v17+s18+$0x0] =	vst.idx.msk $0xffff, v15  }
0x699: {  	v15 =	vld.idx.msk [tilespmem:v16+s23+$0x0], $0xffff  }
0x69a: {  	v16 =	vld.idx.msk [tilespmem:v18+s21+$0x0], $0xffff;
	_ =	sdelay $0x1  }
0x69b: {  	s29 =	sadd.s32 $0x26, s28  }
0x69c: {  	v17 =	vmov s29  }
0x69d: {  	v17 =	vand.u32 $0x3E, v17  }
0x69e: {  	v15 =	vadd.f32 v16, v15;
	v16 =	vor.u32 v13, v17  }
0x69f: {  	v17 =	vadd.s32 v14, v17  }
0x6a0: {  	v15 =	vmul.f32 v15, v12;
	_ =	sdelay $0x1  }
0x6a1: {  	[tilespmem:v18+s18+$0x0] =	vst.idx.msk $0xffff, v15  }
0x6a2: {  	v15 =	vld.idx.msk [tilespmem:v16+s23+$0x0], $0xffff  }
0x6a3: {  	v16 =	vld.idx.msk [tilespmem:v17+s21+$0x0], $0xffff;
	_ =	sdelay $0x1  }
0x6a4: {  	s28 =	sadd.s32 $0x27, s28  }
0x6a5: {  	v18 =	vmov s28  }
0x6a6: {  	v18 =	vand.u32 $0x3F, v18  }
0x6a7: {  	v13 =	vor.u32 v13, v18;
	v15 =	vadd.f32 v16, v15  }
0x6a8: {  	v14 =	vadd.s32 v14, v18  }
0x6a9: {  	v15 =	vmul.f32 v15, v12;
	_ =	sdelay $0x1  }
0x6aa: {  	[tilespmem:v17+s18+$0x0] =	vst.idx.msk $0xffff, v15  }
0x6ab: {  	v13 =	vld.idx.msk [tilespmem:v13+s23+$0x0], $0xffff  }
0x6ac: {  	v15 =	vld.idx.msk [tilespmem:v14+s21+$0x0], $0xffff;
	_ =	sdelay $0x4  }
0x6ad: {  	v13 =	vadd.f32 v15, v13;
	_ =	sdelay $0x1  }
0x6ae: {  	v12 =	vmul.f32 v13, v12;
	_ =	sdelay $0x1  }
0x6af: {  	[tilespmem:v14+s18+$0x0] =	vst.idx.msk $0xffff, v12  }
0x6b0: {  	v12 =	vld [tilespmem:$0xBE90];
	_ =	sdelay $0x3  }
0x6b1: {  	v13 =	vadd.s32 $0x2340, v0  }
0x6b2: {  	v12 =	vshll.u32 v12, $0x1;
	_ =	sdelay $0x3  }
0x6b3: {  	s28 =	simm.s32 $0x0;
	v15 =	vld.idx.msk [tilespmem:v13+s21+$0x0], $0xffff  }
0x6b4: {  	v14 =	vld.idx.msk [tilespmem:v12+s28+$0x0], $0xffff;
	_ =	sdelay $0x4  }
0x6b5: {  	v14 =	vadd.f32 v15, v14;
	_ =	sdelay $0x1  }
0x6b6: {  	v15 =	vmul.f32 $2.000000030e-01, v14  }
0x6b7: {  	vm0 =	vge.f32 v14, $0.0e+00  }
0x6b8: {  	v14 =	vsel vm0, v14, v15  }
0x6b9: {  	v14 =	vmul.f32 $1.442695020e+00, v14;
	_ =	sdelay $0x1  }
0x6ba: {  	(erf) = vpow2.f32 v14;
	_ =	sdelay $0x5  }
0x6bb: {  	v12 =	vor.u32 $0x1, v12  }
0x6bc: {  	v16 =	vadd.s32 $0x2341, v0;
	_ =	sdelay $0x1  }
0x6bd: {  	v15 =	vpop (erf)  }
0x6be: {  	[tilespmem:v13+s18+$0x0] =	vst.idx.msk $0xffff, v15  }
0x6bf: {  	v12 =	vld.idx.msk [tilespmem:v12+s28+$0x0], $0xffff  }
0x6c0: {  	v13 =	vld.idx.msk [tilespmem:v16+s21+$0x0], $0xffff;
	_ =	sdelay $0x4  }
0x6c1: {  	v12 =	vadd.f32 v13, v12;
	_ =	sdelay $0x1  }
0x6c2: {  	v13 =	vmul.f32 $2.000000030e-01, v12  }
0x6c3: {  	vm15 =	vge.f32 v12, $0.0e+00  }
0x6c4: {  	v12 =	vsel vm15, v12, v13  }
0x6c5: {  	v12 =	vmul.f32 $1.442695020e+00, v12;
	_ =	sdelay $0x1  }
0x6c6: {  	(erf) = vpow2.f32 v12;
	_ =	sdelay $0x3  }
0x6c7: {  	v12 =	vmov s28  }
0x6c8: {  	v13 =	vor.u32 $0x1C00, v2;
	v12 =	vand.u32 $0x1C, v12  }
0x6c9: {  	v14 =	vadd.s32 $0x2300, v0;
	v17 =	vor.u32 v13, v12  }
0x6ca: {  	v18 =	vadd.s32 v14, v12;
	_ =	sdelay $0x1  }
0x6cb: {  	v12 =	vpop (erf)  }
0x6cc: {  	[tilespmem:v16+s18+$0x0] =	vst.idx.msk $0xffff, v12  }
0x6cd: {  	v16 =	vld.idx.msk [tilespmem:v17+s23+$0x0], $0xffff  }
0x6ce: {  	v17 =	vld.idx.msk [tilespmem:v18+s21+$0x0], $0xffff;
	_ =	sdelay $0x1  }
0x6cf: {  	s28 =	simm.s32 $0x1  }
0x6d0: {  	v19 =	vmov s28  }
0x6d1: {  	v19 =	vand.u32 $0x1D, v19  }
0x6d2: {  	v16 =	vadd.f32 v17, v16;
	v17 =	vor.u32 v13, v19  }
0x6d3: {  	v19 =	vadd.s32 v14, v19  }
0x6d4: {  	v16 =	vmul.f32 v16, v15;
	_ =	sdelay $0x1  }
0x6d5: {  	[tilespmem:v18+s18+$0x0] =	vst.idx.msk $0xffff, v16  }
0x6d6: {  	v16 =	vld.idx.msk [tilespmem:v17+s23+$0x0], $0xffff  }
0x6d7: {  	v17 =	vld.idx.msk [tilespmem:v19+s21+$0x0], $0xffff;
	_ =	sdelay $0x1  }
0x6d8: {  	s28 =	simm.s32 $0x2  }
0x6d9: {  	v18 =	vmov s28  }
0x6da: {  	v18 =	vand.u32 $0x1E, v18  }
0x6db: {  	v16 =	vadd.f32 v17, v16;
	v17 =	vor.u32 v13, v18  }
0x6dc: {  	v18 =	vadd.s32 v14, v18  }
0x6dd: {  	v16 =	vmul.f32 v16, v15;
	_ =	sdelay $0x1  }
0x6de: {  	[tilespmem:v19+s18+$0x0] =	vst.idx.msk $0xffff, v16  }
0x6df: {  	v16 =	vld.idx.msk [tilespmem:v17+s23+$0x0], $0xffff  }
0x6e0: {  	v17 =	vld.idx.msk [tilespmem:v18+s21+$0x0], $0xffff;
	_ =	sdelay $0x1  }
0x6e1: {  	s28 =	simm.s32 $0x3  }
0x6e2: {  	v19 =	vmov s28  }
0x6e3: {  	v19 =	vand.u32 $0x1F, v19  }
0x6e4: {  	v20 =	vor.u32 v13, v19;
	v17 =	vadd.f32 v17, v16  }
0x6e5: {  	v16 =	vadd.s32 v14, v19  }
0x6e6: {  	v17 =	vmul.f32 v17, v15;
	_ =	sdelay $0x1  }
0x6e7: {  	[tilespmem:v18+s18+$0x0] =	vst.idx.msk $0xffff, v17  }
0x6e8: {  	v17 =	vld.idx.msk [tilespmem:v20+s23+$0x0], $0xffff  }
0x6e9: {  	v18 =	vld.idx.msk [tilespmem:v16+s21+$0x0], $0xffff;
	_ =	sdelay $0x1  }
0x6ea: {  	s28 =	simm.s32 $0x4  }
0x6eb: {  	v19 =	vmov s28  }
0x6ec: {  	s29 =	simm.s32 $0x8;
	v19 =	vand.u32 $0x1C, v19  }
.LBB2_31:
0x6ed: {  	p0 =	slt.u32 s29, $0x1C;
	v20 =	vor.u32 v13, v19;
	v19 =	vadd.s32 v14, v19;
	v17 =	vadd.f32 v18, v17;
	s30 =	smov.u32 s29;
	s29 =	sadd.s32 $0x4, s29  }
0x6ee: {  	_ = 	snop  }
0x6ef: {  	v17 =	vmul.f32 v17, v15;
	_ =	sdelay $0x1  }
0x6f0: {  	[tilespmem:v16+s18+$0x0] =	vst.idx.msk $0xffff, v17  }
0x6f1: {  	v16 =	vld.idx.msk [tilespmem:v20+s23+$0x0], $0xffff  }
0x6f2: {  	v17 =	vld.idx.msk [tilespmem:v19+s21+$0x0], $0xffff;
	_ =	sdelay $0x2  }
0x6f3: {  	s31 =	sadd.s32 $0x1, s28  }
0x6f4: {  	v18 =	vmov s31  }
0x6f5: {  	v18 =	vand.u32 $0x1D, v18  }
0x6f6: {  	v16 =	vadd.f32 v17, v16;
	v17 =	vor.u32 v13, v18;
	v18 =	vadd.s32 v14, v18;
	_ =	sdelay $0x1  }
0x6f7: {  	v16 =	vmul.f32 v16, v15;
	_ =	sdelay $0x1  }
0x6f8: {  	[tilespmem:v19+s18+$0x0] =	vst.idx.msk $0xffff, v16  }
0x6f9: {  	v16 =	vld.idx.msk [tilespmem:v17+s23+$0x0], $0xffff  }
0x6fa: {  	v17 =	vld.idx.msk [tilespmem:v18+s21+$0x0], $0xffff;
	_ =	sdelay $0x2  }
0x6fb: {  	s31 =	sadd.s32 $0x2, s28  }
0x6fc: {  	v19 =	vmov s31  }
0x6fd: {  	v19 =	vand.u32 $0x1E, v19  }
0x6fe: {  	v16 =	vadd.f32 v17, v16;
	v17 =	vor.u32 v13, v19;
	v19 =	vadd.s32 v14, v19;
	_ =	sdelay $0x1  }
0x6ff: {  	v16 =	vmul.f32 v16, v15;
	_ =	sdelay $0x1  }
0x700: {  	[tilespmem:v18+s18+$0x0] =	vst.idx.msk $0xffff, v16  }
0x701: {  	v16 =	vld.idx.msk [tilespmem:v17+s23+$0x0], $0xffff  }
0x702: {  	v17 =	vld.idx.msk [tilespmem:v19+s21+$0x0], $0xffff;
	_ =	sdelay $0x2  }
0x703: {  	s31 =	sadd.s32 $0x3, s28;
	s28 =	smov.u32 s30  }
0x704: {  	v18 =	vmov s31  }
0x705: {  	v18 =	vand.u32 $0x1F, v18  }
0x706: {  	v20 =	vor.u32 v13, v18;
	v17 =	vadd.f32 v17, v16;
	v16 =	vadd.s32 v14, v18;
	_ =	sdelay $0x1  }
0x707: {  	v17 =	vmul.f32 v17, v15;
	_ =	sdelay $0x1  }
0x708: {  	[tilespmem:v19+s18+$0x0] =	vst.idx.msk $0xffff, v17  }
0x709: {  	v17 =	vld.idx.msk [tilespmem:v20+s23+$0x0], $0xffff  }
0x70a: {  	v18 =	vld.idx.msk [tilespmem:v16+s21+$0x0], $0xffff  }
.Ltmp14:
0x70b: {  	(pc) =	sbr.rel @p0 .LBB2_31-.Ltmp14, $3  }
0x70c: {  	_ =	sdelay $0x1  }
0x70d: {  	v19 =	vmov s28  }
0x70e: {  	v19 =	vand.u32 $0x1C, v19  }
0x70f: {  	v20 =	vor.u32 v13, v19;
	v17 =	vadd.f32 v18, v17  }
0x710: {  	v18 =	vadd.s32 v14, v19  }
0x711: {  	v17 =	vmul.f32 v17, v15;
	_ =	sdelay $0x1  }
0x712: {  	[tilespmem:v16+s18+$0x0] =	vst.idx.msk $0xffff, v17  }
0x713: {  	v16 =	vld.idx.msk [tilespmem:v20+s23+$0x0], $0xffff  }
0x714: {  	v17 =	vld.idx.msk [tilespmem:v18+s21+$0x0], $0xffff;
	_ =	sdelay $0x1  }
0x715: {  	s29 =	sadd.s32 $0x1, s28  }
0x716: {  	v19 =	vmov s29  }
0x717: {  	v19 =	vand.u32 $0x1D, v19  }
0x718: {  	v16 =	vadd.f32 v17, v16;
	v17 =	vor.u32 v13, v19  }
0x719: {  	v19 =	vadd.s32 v14, v19  }
0x71a: {  	v16 =	vmul.f32 v16, v15;
	_ =	sdelay $0x1  }
0x71b: {  	[tilespmem:v18+s18+$0x0] =	vst.idx.msk $0xffff, v16  }
0x71c: {  	v16 =	vld.idx.msk [tilespmem:v17+s23+$0x0], $0xffff  }
0x71d: {  	v17 =	vld.idx.msk [tilespmem:v19+s21+$0x0], $0xffff;
	_ =	sdelay $0x1  }
0x71e: {  	s29 =	sadd.s32 $0x2, s28  }
0x71f: {  	v18 =	vmov s29  }
0x720: {  	v18 =	vand.u32 $0x1E, v18  }
0x721: {  	v16 =	vadd.f32 v17, v16;
	v17 =	vor.u32 v13, v18  }
0x722: {  	v18 =	vadd.s32 v14, v18  }
0x723: {  	v16 =	vmul.f32 v16, v15;
	_ =	sdelay $0x1  }
0x724: {  	[tilespmem:v19+s18+$0x0] =	vst.idx.msk $0xffff, v16  }
0x725: {  	v16 =	vld.idx.msk [tilespmem:v17+s23+$0x0], $0xffff  }
0x726: {  	v17 =	vld.idx.msk [tilespmem:v18+s21+$0x0], $0xffff;
	_ =	sdelay $0x1  }
0x727: {  	s28 =	sadd.s32 $0x3, s28  }
0x728: {  	v19 =	vmov s28  }
0x729: {  	v19 =	vand.u32 $0x1F, v19  }
0x72a: {  	v16 =	vadd.f32 v17, v16;
	v17 =	vor.u32 v13, v19  }
0x72b: {  	v19 =	vadd.s32 v14, v19  }
0x72c: {  	v16 =	vmul.f32 v16, v15;
	_ =	sdelay $0x1  }
0x72d: {  	[tilespmem:v18+s18+$0x0] =	vst.idx.msk $0xffff, v16  }
0x72e: {  	v16 =	vld.idx.msk [tilespmem:v17+s23+$0x0], $0xffff  }
0x72f: {  	v17 =	vld.idx.msk [tilespmem:v19+s21+$0x0], $0xffff;
	_ =	sdelay $0x1  }
0x730: {  	s28 =	simm.s32 $0x20  }
0x731: {  	v18 =	vmov s28  }
0x732: {  	v18 =	vand.u32 $0x3C, v18  }
0x733: {  	v16 =	vadd.f32 v17, v16;
	v17 =	vor.u32 v13, v18  }
0x734: {  	v18 =	vadd.s32 v14, v18  }
0x735: {  	v15 =	vmul.f32 v16, v15;
	_ =	sdelay $0x1  }
0x736: {  	[tilespmem:v19+s18+$0x0] =	vst.idx.msk $0xffff, v15  }
0x737: {  	v15 =	vld.idx.msk [tilespmem:v17+s23+$0x0], $0xffff  }
0x738: {  	v16 =	vld.idx.msk [tilespmem:v18+s21+$0x0], $0xffff;
	_ =	sdelay $0x1  }
0x739: {  	s28 =	simm.s32 $0x21  }
0x73a: {  	v17 =	vmov s28  }
0x73b: {  	v17 =	vand.u32 $0x3D, v17  }
0x73c: {  	v15 =	vadd.f32 v16, v15;
	v16 =	vor.u32 v13, v17  }
0x73d: {  	v17 =	vadd.s32 v14, v17  }
0x73e: {  	v15 =	vmul.f32 v15, v12;
	_ =	sdelay $0x1  }
0x73f: {  	[tilespmem:v18+s18+$0x0] =	vst.idx.msk $0xffff, v15  }
0x740: {  	v15 =	vld.idx.msk [tilespmem:v16+s23+$0x0], $0xffff  }
0x741: {  	v16 =	vld.idx.msk [tilespmem:v17+s21+$0x0], $0xffff;
	_ =	sdelay $0x1  }
0x742: {  	s28 =	simm.s32 $0x22  }
0x743: {  	v18 =	vmov s28  }
0x744: {  	v18 =	vand.u32 $0x3E, v18  }
0x745: {  	v15 =	vadd.f32 v16, v15;
	v16 =	vor.u32 v13, v18  }
0x746: {  	v18 =	vadd.s32 v14, v18  }
0x747: {  	v15 =	vmul.f32 v15, v12;
	_ =	sdelay $0x1  }
0x748: {  	[tilespmem:v17+s18+$0x0] =	vst.idx.msk $0xffff, v15  }
0x749: {  	v15 =	vld.idx.msk [tilespmem:v16+s23+$0x0], $0xffff  }
0x74a: {  	v16 =	vld.idx.msk [tilespmem:v18+s21+$0x0], $0xffff;
	_ =	sdelay $0x1  }
0x74b: {  	s28 =	simm.s32 $0x23  }
0x74c: {  	v17 =	vmov s28  }
0x74d: {  	v17 =	vand.u32 $0x3F, v17  }
0x74e: {  	v19 =	vor.u32 v13, v17;
	v16 =	vadd.f32 v16, v15  }
0x74f: {  	v15 =	vadd.s32 v14, v17  }
0x750: {  	v16 =	vmul.f32 v16, v12;
	_ =	sdelay $0x1  }
0x751: {  	[tilespmem:v18+s18+$0x0] =	vst.idx.msk $0xffff, v16  }
0x752: {  	v16 =	vld.idx.msk [tilespmem:v19+s23+$0x0], $0xffff  }
0x753: {  	v17 =	vld.idx.msk [tilespmem:v15+s21+$0x0], $0xffff;
	_ =	sdelay $0x1  }
0x754: {  	s28 =	simm.s32 $0x24  }
0x755: {  	v18 =	vmov s28  }
0x756: {  	s29 =	simm.s32 $0x4;
	s28 =	simm.s32 $0x0;
	v18 =	vand.u32 $0x3C, v18  }
.LBB2_33:
0x757: {  	v19 =	vor.u32 v13, v18;
	v18 =	vadd.s32 v14, v18;
	v16 =	vadd.f32 v17, v16;
	s30 =	smov.u32 s29;
	s29 =	sadd.s32 $0x4, s29  }
0x758: {  	p0 =	slt.u32 s29, $0x1C  }
0x759: {  	v16 =	vmul.f32 v16, v12;
	_ =	sdelay $0x1  }
0x75a: {  	[tilespmem:v15+s18+$0x0] =	vst.idx.msk $0xffff, v16  }
0x75b: {  	v15 =	vld.idx.msk [tilespmem:v19+s23+$0x0], $0xffff  }
0x75c: {  	v16 =	vld.idx.msk [tilespmem:v18+s21+$0x0], $0xffff;
	_ =	sdelay $0x2  }
0x75d: {  	s31 =	sadd.s32 $0x25, s28  }
0x75e: {  	v17 =	vmov s31  }
0x75f: {  	v17 =	vand.u32 $0x3D, v17  }
0x760: {  	v15 =	vadd.f32 v16, v15;
	v16 =	vor.u32 v13, v17;
	v17 =	vadd.s32 v14, v17;
	_ =	sdelay $0x1  }
0x761: {  	v15 =	vmul.f32 v15, v12;
	_ =	sdelay $0x1  }
0x762: {  	[tilespmem:v18+s18+$0x0] =	vst.idx.msk $0xffff, v15  }
0x763: {  	v15 =	vld.idx.msk [tilespmem:v16+s23+$0x0], $0xffff  }
0x764: {  	v16 =	vld.idx.msk [tilespmem:v17+s21+$0x0], $0xffff;
	_ =	sdelay $0x2  }
0x765: {  	s31 =	sadd.s32 $0x26, s28  }
0x766: {  	v18 =	vmov s31  }
0x767: {  	v18 =	vand.u32 $0x3E, v18  }
0x768: {  	v15 =	vadd.f32 v16, v15;
	v16 =	vor.u32 v13, v18;
	v18 =	vadd.s32 v14, v18;
	_ =	sdelay $0x1  }
0x769: {  	v15 =	vmul.f32 v15, v12;
	_ =	sdelay $0x1  }
0x76a: {  	[tilespmem:v17+s18+$0x0] =	vst.idx.msk $0xffff, v15  }
0x76b: {  	v15 =	vld.idx.msk [tilespmem:v16+s23+$0x0], $0xffff  }
0x76c: {  	v16 =	vld.idx.msk [tilespmem:v18+s21+$0x0], $0xffff;
	_ =	sdelay $0x2  }
0x76d: {  	s31 =	sadd.s32 $0x27, s28;
	s28 =	smov.u32 s30  }
0x76e: {  	v17 =	vmov s31  }
0x76f: {  	v17 =	vand.u32 $0x3F, v17  }
0x770: {  	v19 =	vor.u32 v13, v17;
	v16 =	vadd.f32 v16, v15;
	v15 =	vadd.s32 v14, v17;
	_ =	sdelay $0x1  }
0x771: {  	v16 =	vmul.f32 v16, v12;
	_ =	sdelay $0x1  }
0x772: {  	[tilespmem:v18+s18+$0x0] =	vst.idx.msk $0xffff, v16  }
0x773: {  	v16 =	vld.idx.msk [tilespmem:v19+s23+$0x0], $0xffff  }
0x774: {  	v17 =	vld.idx.msk [tilespmem:v15+s21+$0x0], $0xffff  }
.Ltmp15:
0x775: {  	(pc) =	sbr.rel @p0 .LBB2_33-.Ltmp15, $4  }
0x776: {  	_ = 	snop  }
0x777: {  	s30 =	sadd.s32 $0x24, s28  }
0x778: {  	v18 =	vmov s30  }
0x779: {  	v18 =	vand.u32 $0x3C, v18  }
0x77a: {  	v19 =	vor.u32 v13, v18;
	v16 =	vadd.f32 v17, v16  }
0x77b: {  	v53 =	vadd.s32 v14, v18  }
0x77c: {  	v16 =	vmul.f32 v16, v12;
	_ =	sdelay $0x1  }
0x77d: {  	[tilespmem:v15+s18+$0x0] =	vst.idx.msk $0xffff, v16  }
0x77e: {  	v15 =	vld.idx.msk [tilespmem:v19+s23+$0x0], $0xffff  }
0x77f: {  	v16 =	vld.idx.msk [tilespmem:v53+s21+$0x0], $0xffff;
	_ =	sdelay $0x1  }
0x780: {  	s29 =	sadd.s32 $0x25, s28  }
0x781: {  	v54 =	vmov s29  }
0x782: {  	v18 =	vand.u32 $0x3D, v54  }
0x783: {  	v55 =	vor.u32 v13, v18;
	v15 =	vadd.f32 v16, v15  }
0x784: {  	v18 =	vadd.s32 v14, v18  }
0x785: {  	v15 =	vmul.f32 v15, v12;
	_ =	sdelay $0x1  }
0x786: {  	[tilespmem:v53+s18+$0x0] =	vst.idx.msk $0xffff, v15  }
0x787: {  	v15 =	vld.idx.msk [tilespmem:v55+s23+$0x0], $0xffff  }
0x788: {  	v56 =	vld.idx.msk [tilespmem:v18+s21+$0x0], $0xffff;
	_ =	sdelay $0x1  }
0x789: {  	s30 =	sadd.s32 $0x26, s28  }
0x78a: {  	v57 =	vmov s30  }
0x78b: {  	v17 =	vand.u32 $0x3E, v57  }
0x78c: {  	v58 =	vor.u32 v13, v17;
	v15 =	vadd.f32 v56, v15  }
0x78d: {  	v17 =	vadd.s32 v14, v17  }
0x78e: {  	v15 =	vmul.f32 v15, v12;
	_ =	sdelay $0x1  }
0x78f: {  	[tilespmem:v18+s18+$0x0] =	vst.idx.msk $0xffff, v15  }
0x790: {  	v15 =	vld.idx.msk [tilespmem:v58+s23+$0x0], $0xffff  }
0x791: {  	v59 =	vld.idx.msk [tilespmem:v17+s21+$0x0], $0xffff;
	_ =	sdelay $0x1  }
0x792: {  	s31 =	sadd.s32 $0x27, s28  }
0x793: {  	v60 =	vmov s31  }
0x794: {  	v18 =	vand.u32 $0x3F, v60  }
0x795: {  	v61 =	vor.u32 v13, v18;
	v15 =	vadd.f32 v59, v15  }
0x796: {  	v62 =	vadd.s32 v14, v18  }
0x797: {  	v15 =	vmul.f32 v15, v12;
	_ =	sdelay $0x1  }
0x798: {  	[tilespmem:v17+s18+$0x0] =	vst.idx.msk $0xffff, v15  }
0x799: {  	v13 =	vld.idx.msk [tilespmem:v61+s23+$0x0], $0xffff  }
0x79a: {  	v15 =	vld.idx.msk [tilespmem:v62+s21+$0x0], $0xffff;
	_ =	sdelay $0x4  }
0x79b: {  	v13 =	vadd.f32 v15, v13;
	_ =	sdelay $0x1  }
0x79c: {  	s26 =	sadd.s32 $0x1, s26;
	v63 =	vmul.f32 v13, v12  }
0x79d: {  	p0 =	sne.s32 s26, s10  }
.Ltmp16:
0x79e: {  	[tilespmem:v62+s18+$0x0] =	vst.idx.msk $0xffff, v63;
	(pc) =	sbr.rel @p0 .LBB2_2-.Ltmp16, $4  }
0x79f: {  	[spmem:s3] =	stream.indirect.scatter.add.f32 [tilespmem:s18], [sflag:$0x2], $0x50, s20, s22, $0xb8;
	[tilespmem:$0x18720] =	vst v63  }
0x7a0: {  	_ =	swait.ge [sflag:s17], $0x2800  }
0x7a1: {  	[sflag:s17] =	ssyncset.done $0x0  }
0x7a2: {  	[sflag:s17] =	ssyncadd.s32 $0xFFFFD800  }
0x7a3: {  	s25 =	sadd.s32 $0x1, s25  }
0x7a4: {  	p0 =	sne.s32 s25, s15  }
.Ltmp17:
0x7a5: {  	[bflag:$0x0] =	sbarrier.arrive $0xFFFF;
	(pc) =	sbr.rel @p0 .LBB2_1-.Ltmp17, $4  }
0x7a6: {  	[hbm:s14], [sflag:s9] =	dma.local [spmem:s16], $0x1900  }
0x7a7: {  	_ =	swait.ge [sflag:s17], $0x1900  }
0x7a8: {  	[sflag:s17] =	ssyncset.done $0x0  }
0x7a9: {  	[sflag:s17] =	ssyncadd.s32 $0xFFFFE700  }
0x7aa: {  	_ =	sfence.sel $0x180000  }
0x7ab: {  	[bflag:$0x0] =	sbarrier.arrive $0xFFFF  }
0x7ac: {  	p0 =	sne.s32 s2, $0x0;
	_ =	strace $0x90000047  }
0x7ad: {  	s0 =	sadd.s32 @!p0 $0x100000, s0;
	[bflag:$0x2] =	sbarrier.arrive $0xFFFF  }
0x7ae: {  	[sflag:s0] =	ssyncadd.tile.s32 @!p0 $0x1;
	_ =	shalt  }
.Lfunc_end2:
_tile_overlayer_lowered:
.L_overlay_start_2:
0x7af: {  	(tag) =	ssettag $0x2  }
0x7b0: {  	s0 =	rddreg [dreg:$0x0];
	s2 =	stileid.u32  }
0x7b1: {  	s1 =	rddreg [dreg:$0x1];
	p0 =	sne.s32 s2, $0x0  }
0x7b2: {  	s3 =	rddreg [dreg:$0x2];
	[bflag:$0x3] =	sbarrier.arrive $0xFFFF;
	s2 =	simm.s32 @!p0 $0x1C02  }
0x7b3: {  	[timem:s3], [sflag:s2] =	dma.local @!p0 [hbm:s0], s1  }
0x7b4: {  	s0 =	simm.s32 @!p0 $0x2  }
0x7b5: {  	_ =	swait.ge @!p0 [sflag:s0], s1  }
0x7b6: {  	s1 =	ssub.s32 @!p0 $0x0, s1;
	[sflag:s0] =	ssyncset.done @!p0 $0x0  }
0x7b7: {  	[sflag:s0] =	ssyncadd.s32 @!p0 s1  }
0x7b8: {  	[bflag:$0x3] =	sbarrier.arrive $0xFFFF  }
0x7b9: {  	_ =	shalt  }

</sc_bundles>
